<compile_context>
chip_gen: v7x
topology: tpu7x:2x2x1
jax: 0.10.2.dev20260603
libtpu: 0.0.44.dev20260713+nightly
codegen_flags: <defaults>
</compile_context>

<pallas_src>
import functools

import jax
import jax.numpy as jnp
from jax import lax
from jax.experimental import pallas as pl
from jax.experimental.pallas import tpu as pltpu
from jax.experimental.pallas import tpu_sc as plsc

N = 10000
E = 320000
D = 128

NC = 2
NS = 16
NW = NC * NS
CH = 128
NCH = (E + NW * CH - 1) // (NW * CH)
EPW = CH * NCH
EPAD = EPW * NW
ACC_R = 10240
RPT = ACC_R // NS
BR = 1000


def _mesh():
    return plsc.VectorSubcoreMesh(core_axis_name="c", subcore_axis_name="s")


def _zero_fill(buf, nrows, width):
    zv = jnp.zeros((16,), jnp.float32)

    def fill(i, carry):
        for t in range(width // 16):
            buf[i, pl.ds(t * 16, 16)] = zv
        return carry

    lax.fori_loop(0, nrows, fill, 0)


@functools.partial(
    pl.kernel,
    mesh=_mesh(),
    out_type=jax.ShapeDtypeStruct((NC, ACC_R, D), jnp.float32),
    scratch_types=[
        pltpu.VMEM((NCH, CH), jnp.int32),
        pltpu.VMEM((CH, D), jnp.float32),
        pltpu.VMEM((32, D), jnp.float32),
        pltpu.VMEM_SHARED((ACC_R, D), jnp.float32),
    ],
)
def _deg_sc(e_hbm, out_hbm, didx, ones, zbuf, acc):
    c = lax.axis_index("c")
    s = lax.axis_index("s")
    wid = s * NC + c
    base = wid * EPW

    def ld(j, carry):
        pltpu.sync_copy(e_hbm.at[1, pl.ds(base + j * CH, CH)], didx.at[j])
        return carry

    lax.fori_loop(0, NCH, ld, 0)

    ov = jnp.ones((16,), jnp.float32)

    def fill_ones(i, carry):
        for t in range(D // 16):
            ones[i, pl.ds(t * 16, 16)] = ov
        return carry

    lax.fori_loop(0, CH, fill_ones, 0)
    _zero_fill(zbuf, 32, D)

    for b in range(RPT // 32):
        pltpu.sync_copy(zbuf, acc.at[pl.ds(s * RPT + b * 32, 32)])
    plsc.subcore_barrier()

    def body(j, carry):
        pltpu.sync_copy(ones, acc.at[didx.at[j]], add=True)
        return carry

    lax.fori_loop(0, NCH, body, 0)
    plsc.subcore_barrier()

    pltpu.sync_copy(acc.at[pl.ds(s * RPT, RPT)], out_hbm.at[c, pl.ds(s * RPT, RPT)])


@functools.partial(
    pl.kernel,
    mesh=_mesh(),
    out_type=jax.ShapeDtypeStruct((NC, ACC_R, D), jnp.float32),
    scratch_types=[
        pltpu.VMEM((NCH, CH), jnp.int32),
        pltpu.VMEM((NCH, CH), jnp.int32),
        pltpu.VMEM((CH, D), jnp.float32),
        pltpu.VMEM((32, D), jnp.float32),
        pltpu.VMEM_SHARED((ACC_R, D), jnp.float32),
        pltpu.SemaphoreType.DMA,
    ],
)
def _prop_sc(hs_hbm, e_hbm, out_hbm, sidx, didx, rows, zbuf, acc, sem):
    c = lax.axis_index("c")
    s = lax.axis_index("s")
    wid = s * NC + c
    base = wid * EPW

    def ld(j, carry):
        pltpu.sync_copy(e_hbm.at[0, pl.ds(base + j * CH, CH)], sidx.at[j])
        pltpu.sync_copy(e_hbm.at[1, pl.ds(base + j * CH, CH)], didx.at[j])
        return carry

    lax.fori_loop(0, NCH, ld, 0)

    _zero_fill(zbuf, 32, D)
    for b in range(RPT // 32):
        pltpu.sync_copy(zbuf, acc.at[pl.ds(s * RPT + b * 32, 32)])
    plsc.subcore_barrier()

    def step(j, carry):
        pltpu.async_copy(hs_hbm.at[sidx.at[j]], rows, sem).wait()
        pltpu.sync_copy(rows, acc.at[didx.at[j]], add=True)
        return carry

    lax.fori_loop(0, NCH, step, 0)
    plsc.subcore_barrier()

    pltpu.sync_copy(acc.at[pl.ds(s * RPT, RPT)], out_hbm.at[c, pl.ds(s * RPT, RPT)])


def _scale0_tc(deg2, feat):

    def body(deg_ref, feat_ref, dis_ref, u_ref):
        d = deg_ref[0] + deg_ref[1]
        deg = d[:, :1]
        dis = lax.rsqrt(jnp.maximum(deg, 1.0))
        dis_ref[...] = dis
        u_ref[...] = feat_ref[...] * dis

    return pl.pallas_call(
        body,
        grid=(N // BR,),
        in_specs=[
            pl.BlockSpec((NC, BR, D), lambda i: (0, i, 0)),
            pl.BlockSpec((BR, D), lambda i: (i, 0)),
        ],
        out_specs=[
            pl.BlockSpec((BR, 1), lambda i: (i, 0)),
            pl.BlockSpec((BR, D), lambda i: (i, 0)),
        ],
        out_shape=[
            jax.ShapeDtypeStruct((N, 1), jnp.float32),
            jax.ShapeDtypeStruct((N, D), jnp.float32),
        ],
    )(deg2, feat)


def _advance_tc(f, s2, dis):

    def body(f_ref, s_ref, dis_ref, fn_ref, un_ref):
        ssum = s_ref[0] + s_ref[1]
        dis = dis_ref[...]
        fn = f_ref[...] + ssum * dis
        fn_ref[...] = fn
        un_ref[...] = fn * dis

    return pl.pallas_call(
        body,
        grid=(N // BR,),
        in_specs=[
            pl.BlockSpec((BR, D), lambda i: (i, 0)),
            pl.BlockSpec((NC, BR, D), lambda i: (0, i, 0)),
            pl.BlockSpec((BR, 1), lambda i: (i, 0)),
        ],
        out_specs=[
            pl.BlockSpec((BR, D), lambda i: (i, 0)),
            pl.BlockSpec((BR, D), lambda i: (i, 0)),
        ],
        out_shape=[
            jax.ShapeDtypeStruct((N, D), jnp.float32),
            jax.ShapeDtypeStruct((N, D), jnp.float32),
        ],
    )(f, s2, dis)


def _final_tc(f2, s2, dis, wpad):

    def body(f_ref, s_ref, dis_ref, w_ref, out_ref):
        ssum = s_ref[0] + s_ref[1]
        f2v = f_ref[...]
        g = f2v - ssum * dis_ref[...]
        a = jnp.maximum(w_ref[0:1, 0:1], 0.0) * 0.25
        b = (jnp.maximum(w_ref[0:1, 1:2], 0.0) * 0.5
             + jnp.maximum(w_ref[0:1, 2:3], 0.0) * 0.25)
        out_ref[...] = a * f2v + b * g

    return pl.pallas_call(
        body,
        grid=(N // BR,),
        in_specs=[
            pl.BlockSpec((BR, D), lambda i: (i, 0)),
            pl.BlockSpec((NC, BR, D), lambda i: (0, i, 0)),
            pl.BlockSpec((BR, 1), lambda i: (i, 0)),
            pl.BlockSpec((8, 4), lambda i: (0, 0)),
        ],
        out_specs=pl.BlockSpec((BR, D), lambda i: (i, 0)),
        out_shape=jax.ShapeDtypeStruct((N, D), jnp.float32),
    )(f2, s2, dis, wpad)


def kernel(feat, edge_index, weight):
    pad = EPAD - E
    src_p = jnp.concatenate([edge_index[0], jnp.zeros((pad,), jnp.int32)])
    dst_p = jnp.concatenate([edge_index[1], jnp.full((pad,), N, jnp.int32)])
    edges = jnp.stack([src_p, dst_p])
    wpad = jnp.pad(weight, (0, 29)).reshape(8, 4)

    deg2 = _deg_sc(edges)
    dis, u0 = _scale0_tc(deg2, feat)
    s0 = _prop_sc(u0, edges)
    f1, u1 = _advance_tc(feat, s0, dis)
    s1 = _prop_sc(u1, edges)
    f2, u2 = _advance_tc(f1, s1, dis)
    s2 = _prop_sc(u2, edges)
    return _final_tc(f2, s2, dis, wpad)

# --- scband reference (transcript-rebuilt; emitter-appended) ---
"""Pipeline reference for scband-bern-conv-6124623364542 (READ-ONLY COPY).

The authoritative reference and input builder live on the scoring server;
editing this copy changes nothing except your own understanding.
"""

import jax, jax.numpy as jnp
import numpy as np
from math import comb

N = 10000
E = 320000
D = 128
K = 2


def setup_inputs(seed: int = 0):
    key = jax.random.key(seed)
    k1, k2 = jax.random.split(key)
    feat = jax.random.normal(k1, (N, D), dtype=jnp.float32)
    edge_index = jax.random.randint(k2, (2, E), 0, N, dtype=jnp.int32)
    weight = jnp.ones((K + 1,), dtype=jnp.float32)  # nn.Parameter(torch.ones(orders+1))
    return {"feat": feat, "edge_index": edge_index, "weight": weight}


def reference(feat, edge_index, weight):
    src = edge_index[0]
    dst = edge_index[1]
    # in_degrees: number of incoming edges per node
    deg = jax.ops.segment_sum(jnp.ones((E,), dtype=jnp.float32), dst, num_segments=N)
    D_invsqrt = jnp.power(jnp.clip(deg, 1.0, None), -0.5)[:, None]
    w = jax.nn.relu(weight)

    def prop(h):
        # DGL update_all(copy_u, sum): gather from src, scatter-add at dst
        return jax.ops.segment_sum(h[src], dst, num_segments=N)

    def unnLaplacian1(f):
        # L_hat X = X - D^{-1/2} A D^{-1/2} X
        h = f * D_invsqrt
        return f - prop(h) * D_invsqrt

    def unnLaplacian2(f):
        # (2I - L_hat) X = X + D^{-1/2} A D^{-1/2} X
        h = f * D_invsqrt
        return f + prop(h) * D_invsqrt

    tmp = [feat]
    f = feat
    for i in range(K):
        f = unnLaplacian2(f)
        tmp.append(f)
    out_feat = comb(K, 0) / 2 ** K * w[0] * tmp[K]
    for i in range(K):
        x = tmp[K - i - 1]
        for j in range(i + 1):
            # faithful to the original code: unnLaplacian1 is applied to `feat`
            # (the final propagated feature `f`), not to `x`
            x = unnLaplacian1(f)
        out_feat = out_feat + comb(K, i + 1) / 2 ** K * w[i + 1] * x
    return out_feat

if __name__ == "__main__":
    import jax
    _d = setup_inputs()
    print(jax.jit(kernel)(*tuple(_d.values())))

</pallas_src>

<mosaic_0001>
#map = affine_map<(d0, d1) -> (0, 0)>
#map1 = affine_map<(d0, d1) -> (0, 0, 0)>
module attributes {stable_mosaic.version = 14 : i64} {
  func.func @_prop_sc(%arg0: i32, %arg1: i32, %arg2: memref<10000x128xf32, #tpu.memory_space<hbm>>, %arg3: memref<2x323584xi32, #tpu.memory_space<hbm>>, %arg4: memref<2x10240x128xf32, #tpu.memory_space<hbm>>, %arg5: memref<79x128xi32, #tpu.memory_space<vmem>>, %arg6: memref<79x128xi32, #tpu.memory_space<vmem>>, %arg7: memref<128x128xf32, #tpu.memory_space<vmem>>, %arg8: memref<32x128xf32, #tpu.memory_space<vmem>>, %arg9: memref<10240x128xf32, #tpu.memory_space<vmem_shared>>, %arg10: memref<!tpu.dma_semaphore, #tpu.memory_space<semaphore_mem>>) attributes {dimension_semantics = [#tpu.dimension_semantics<core_parallel>, #tpu.dimension_semantics<subcore_parallel>], iteration_bounds = array<i64: 2, 16>, scalar_prefetch = 0 : i64, scratch_operands = 6 : i64, tpu.core_type = #tpu.core_type<sc_vector_subcore>, window_params = [{transform_indices = #map}, {transform_indices = #map}, {transform_indices = #map1}]} {
    %mul3A = arith.constant 2 : i32
    %mul3A_0 = arith.muli %arg1, %mul3A : i32
    %add3A = arith.addi %mul3A_0, %arg0 : i32
    %mul3A_1 = arith.constant 10112 : i32
    %mul3A_2 = arith.muli %add3A, %mul3A_1 : i32
    %scan3A = arith.constant 0 : i32
    %scan3A_3 = arith.constant 0 : i32
    %scan3A_4 = arith.constant 79 : i32
    %scan3A_5 = arith.addi %scan3A_3, %scan3A_4 : i32
    %scan3A_6 = arith.constant 1 : i32
    scf.for %scan3A_106 = %scan3A_3 to %scan3A_5 step %scan3A_6  : i32 {
      %mul3A_107 = arith.constant 128 : i32
      %mul3A_108 = arith.muli %scan3A_106, %mul3A_107 : i32
      %add3A_109 = arith.addi %mul3A_2, %mul3A_108 : i32
      %run_scoped3A = arith.constant 0 : i32
      "tpu.region"() ({
        %run_scoped3A_114 = tpu.sem_alloc : memref<!tpu.dma_semaphore, #tpu.memory_space<semaphore_mem>>
        %dma_start3A = arith.constant 0 : i32
        %dma_start3A_115 = tpu.memref_slice %arg5[%scan3A_106, %dma_start3A] : memref<79x128xi32, #tpu.memory_space<vmem>> -> memref<1x128xi32, #tpu.memory_space<vmem>>
        %dma_start3A_116 = tpu.memref_squeeze %dma_start3A_115 : memref<1x128xi32, #tpu.memory_space<vmem>> -> memref<128xi32, #tpu.memory_space<vmem>>
        %dma_start3A_117 = tpu.memref_slice %arg3[%run_scoped3A, %add3A_109] : memref<2x323584xi32, #tpu.memory_space<hbm>> -> memref<1x128xi32, #tpu.memory_space<hbm>>
        %dma_start3A_118 = tpu.memref_squeeze %dma_start3A_117 : memref<1x128xi32, #tpu.memory_space<hbm>> -> memref<128xi32, #tpu.memory_space<hbm>>
        %dma_start3A_119 = arith.constant 0 : i32
        %dma_start3A_120 = tpu.memref_slice %arg5[%scan3A_106, %dma_start3A_119] : memref<79x128xi32, #tpu.memory_space<vmem>> -> memref<1x128xi32, #tpu.memory_space<vmem>>
        %dma_start3A_121 = tpu.memref_squeeze %dma_start3A_120 : memref<1x128xi32, #tpu.memory_space<vmem>> -> memref<128xi32, #tpu.memory_space<vmem>>
        %dma_start3A_122 = tpu.memref_slice %arg3[%run_scoped3A, %add3A_109] : memref<2x323584xi32, #tpu.memory_space<hbm>> -> memref<1x128xi32, #tpu.memory_space<hbm>>
        %dma_start3A_123 = tpu.memref_squeeze %dma_start3A_122 : memref<1x128xi32, #tpu.memory_space<hbm>> -> memref<128xi32, #tpu.memory_space<hbm>>
        tpu.enqueue_dma source(%dma_start3A_123 : memref<128xi32, #tpu.memory_space<hbm>>) target(%dma_start3A_121 : memref<128xi32, #tpu.memory_space<vmem>>) target_semaphore(%run_scoped3A_114 : memref<!tpu.dma_semaphore, #tpu.memory_space<semaphore_mem>>)
        %dma_wait3A = arith.constant 0 : i32
        %dma_wait3A_124 = tpu.memref_slice %arg5[%scan3A_106, %dma_wait3A] : memref<79x128xi32, #tpu.memory_space<vmem>> -> memref<1x128xi32, #tpu.memory_space<vmem>>
        %dma_wait3A_125 = tpu.memref_squeeze %dma_wait3A_124 : memref<1x128xi32, #tpu.memory_space<vmem>> -> memref<128xi32, #tpu.memory_space<vmem>>
        %dma_wait3A_126 = tpu.memref_slice %arg3[%run_scoped3A, %add3A_109] : memref<2x323584xi32, #tpu.memory_space<hbm>> -> memref<1x128xi32, #tpu.memory_space<hbm>>
        %dma_wait3A_127 = tpu.memref_squeeze %dma_wait3A_126 : memref<1x128xi32, #tpu.memory_space<hbm>> -> memref<128xi32, #tpu.memory_space<hbm>>
        %dma_wait3A_128 = arith.constant 0 : i32
        %dma_wait3A_129 = tpu.memref_slice %arg5[%scan3A_106, %dma_wait3A_128] : memref<79x128xi32, #tpu.memory_space<vmem>> -> memref<1x128xi32, #tpu.memory_space<vmem>>
        %dma_wait3A_130 = tpu.memref_squeeze %dma_wait3A_129 : memref<1x128xi32, #tpu.memory_space<vmem>> -> memref<128xi32, #tpu.memory_space<vmem>>
        %dma_wait3A_131 = tpu.memref_slice %arg3[%run_scoped3A, %add3A_109] : memref<2x323584xi32, #tpu.memory_space<hbm>> -> memref<1x128xi32, #tpu.memory_space<hbm>>
        %dma_wait3A_132 = tpu.memref_squeeze %dma_wait3A_131 : memref<1x128xi32, #tpu.memory_space<hbm>> -> memref<128xi32, #tpu.memory_space<hbm>>
        tpu.wait_dma2 semaphore(%run_scoped3A_114 : memref<!tpu.dma_semaphore, #tpu.memory_space<semaphore_mem>>) src(%dma_wait3A_132 : memref<128xi32, #tpu.memory_space<hbm>>) dst(%dma_wait3A_130 : memref<128xi32, #tpu.memory_space<vmem>>)
        tpu.yield
      }) : () -> ()
      %mul3A_110 = arith.constant 128 : i32
      %mul3A_111 = arith.muli %scan3A_106, %mul3A_110 : i32
      %add3A_112 = arith.addi %mul3A_2, %mul3A_111 : i32
      %run_scoped3A_113 = arith.constant 1 : i32
      "tpu.region"() ({
        %run_scoped3A_114 = tpu.sem_alloc : memref<!tpu.dma_semaphore, #tpu.memory_space<semaphore_mem>>
        %dma_start3A = arith.constant 0 : i32
        %dma_start3A_115 = tpu.memref_slice %arg6[%scan3A_106, %dma_start3A] : memref<79x128xi32, #tpu.memory_space<vmem>> -> memref<1x128xi32, #tpu.memory_space<vmem>>
        %dma_start3A_116 = tpu.memref_squeeze %dma_start3A_115 : memref<1x128xi32, #tpu.memory_space<vmem>> -> memref<128xi32, #tpu.memory_space<vmem>>
        %dma_start3A_117 = tpu.memref_slice %arg3[%run_scoped3A_113, %add3A_112] : memref<2x323584xi32, #tpu.memory_space<hbm>> -> memref<1x128xi32, #tpu.memory_space<hbm>>
        %dma_start3A_118 = tpu.memref_squeeze %dma_start3A_117 : memref<1x128xi32, #tpu.memory_space<hbm>> -> memref<128xi32, #tpu.memory_space<hbm>>
        %dma_start3A_119 = arith.constant 0 : i32
        %dma_start3A_120 = tpu.memref_slice %arg6[%scan3A_106, %dma_start3A_119] : memref<79x128xi32, #tpu.memory_space<vmem>> -> memref<1x128xi32, #tpu.memory_space<vmem>>
        %dma_start3A_121 = tpu.memref_squeeze %dma_start3A_120 : memref<1x128xi32, #tpu.memory_space<vmem>> -> memref<128xi32, #tpu.memory_space<vmem>>
        %dma_start3A_122 = tpu.memref_slice %arg3[%run_scoped3A_113, %add3A_112] : memref<2x323584xi32, #tpu.memory_space<hbm>> -> memref<1x128xi32, #tpu.memory_space<hbm>>
        %dma_start3A_123 = tpu.memref_squeeze %dma_start3A_122 : memref<1x128xi32, #tpu.memory_space<hbm>> -> memref<128xi32, #tpu.memory_space<hbm>>
        tpu.enqueue_dma source(%dma_start3A_123 : memref<128xi32, #tpu.memory_space<hbm>>) target(%dma_start3A_121 : memref<128xi32, #tpu.memory_space<vmem>>) target_semaphore(%run_scoped3A_114 : memref<!tpu.dma_semaphore, #tpu.memory_space<semaphore_mem>>)
        %dma_wait3A = arith.constant 0 : i32
        %dma_wait3A_124 = tpu.memref_slice %arg6[%scan3A_106, %dma_wait3A] : memref<79x128xi32, #tpu.memory_space<vmem>> -> memref<1x128xi32, #tpu.memory_space<vmem>>
        %dma_wait3A_125 = tpu.memref_squeeze %dma_wait3A_124 : memref<1x128xi32, #tpu.memory_space<vmem>> -> memref<128xi32, #tpu.memory_space<vmem>>
        %dma_wait3A_126 = tpu.memref_slice %arg3[%run_scoped3A_113, %add3A_112] : memref<2x323584xi32, #tpu.memory_space<hbm>> -> memref<1x128xi32, #tpu.memory_space<hbm>>
        %dma_wait3A_127 = tpu.memref_squeeze %dma_wait3A_126 : memref<1x128xi32, #tpu.memory_space<hbm>> -> memref<128xi32, #tpu.memory_space<hbm>>
        %dma_wait3A_128 = arith.constant 0 : i32
        %dma_wait3A_129 = tpu.memref_slice %arg6[%scan3A_106, %dma_wait3A_128] : memref<79x128xi32, #tpu.memory_space<vmem>> -> memref<1x128xi32, #tpu.memory_space<vmem>>
        %dma_wait3A_130 = tpu.memref_squeeze %dma_wait3A_129 : memref<1x128xi32, #tpu.memory_space<vmem>> -> memref<128xi32, #tpu.memory_space<vmem>>
        %dma_wait3A_131 = tpu.memref_slice %arg3[%run_scoped3A_113, %add3A_112] : memref<2x323584xi32, #tpu.memory_space<hbm>> -> memref<1x128xi32, #tpu.memory_space<hbm>>
        %dma_wait3A_132 = tpu.memref_squeeze %dma_wait3A_131 : memref<1x128xi32, #tpu.memory_space<hbm>> -> memref<128xi32, #tpu.memory_space<hbm>>
        tpu.wait_dma2 semaphore(%run_scoped3A_114 : memref<!tpu.dma_semaphore, #tpu.memory_space<semaphore_mem>>) src(%dma_wait3A_132 : memref<128xi32, #tpu.memory_space<hbm>>) dst(%dma_wait3A_130 : memref<128xi32, #tpu.memory_space<vmem>>)
        tpu.yield
      }) : () -> ()
    }
    %scan3A_7 = arith.constant 79 : i32
    %broadcast_in_dim3A = arith.constant 0.000000e+00 : f32
    %broadcast_in_dim3A_8 = vector.broadcast %broadcast_in_dim3A : f32 to vector<16xf32>
    %scan3A_9 = arith.constant 0 : i32
    %scan3A_10 = arith.constant 0 : i32
    %scan3A_11 = arith.constant 32 : i32
    %scan3A_12 = arith.addi %scan3A_10, %scan3A_11 : i32
    %scan3A_13 = arith.constant 1 : i32
    scf.for %scan3A_106 = %scan3A_10 to %scan3A_12 step %scan3A_13  : i32 {
      %swap3A = arith.index_cast %scan3A_106 : i32 to index
      %swap3A_107 = arith.constant 0 : index
      %swap3A_108 = tpu.vector_load %arg8[%swap3A, %swap3A_107] {strides = array<i32>} : memref<32x128xf32, #tpu.memory_space<vmem>>, vector<1x16xf32>,
      %swap3A_109 = vector.shape_cast %swap3A_108 : vector<1x16xf32> to vector<16xf32>
      %swap3A_110 = vector.shape_cast %broadcast_in_dim3A_8 : vector<16xf32> to vector<1x16xf32>
      tpu.vector_store %arg8[%swap3A, %swap3A_107], %swap3A_110 {strides = array<i32>} : memref<32x128xf32, #tpu.memory_space<vmem>>, vector<1x16xf32>,
      %swap3A_111 = arith.index_cast %scan3A_106 : i32 to index
      %swap3A_112 = arith.constant 16 : index
      %swap3A_113 = tpu.vector_load %arg8[%swap3A_111, %swap3A_112] {strides = array<i32>} : memref<32x128xf32, #tpu.memory_space<vmem>>, vector<1x16xf32>,
      %swap3A_114 = vector.shape_cast %swap3A_113 : vector<1x16xf32> to vector<16xf32>
      %swap3A_115 = vector.shape_cast %broadcast_in_dim3A_8 : vector<16xf32> to vector<1x16xf32>
      tpu.vector_store %arg8[%swap3A_111, %swap3A_112], %swap3A_115 {strides = array<i32>} : memref<32x128xf32, #tpu.memory_space<vmem>>, vector<1x16xf32>,
      %swap3A_116 = arith.index_cast %scan3A_106 : i32 to index
      %swap3A_117 = arith.constant 32 : index
      %swap3A_118 = tpu.vector_load %arg8[%swap3A_116, %swap3A_117] {strides = array<i32>} : memref<32x128xf32, #tpu.memory_space<vmem>>, vector<1x16xf32>,
      %swap3A_119 = vector.shape_cast %swap3A_118 : vector<1x16xf32> to vector<16xf32>
      %swap3A_120 = vector.shape_cast %broadcast_in_dim3A_8 : vector<16xf32> to vector<1x16xf32>
      tpu.vector_store %arg8[%swap3A_116, %swap3A_117], %swap3A_120 {strides = array<i32>} : memref<32x128xf32, #tpu.memory_space<vmem>>, vector<1x16xf32>,
      %swap3A_121 = arith.index_cast %scan3A_106 : i32 to index
      %swap3A_122 = arith.constant 48 : index
      %swap3A_123 = tpu.vector_load %arg8[%swap3A_121, %swap3A_122] {strides = array<i32>} : memref<32x128xf32, #tpu.memory_space<vmem>>, vector<1x16xf32>,
      %swap3A_124 = vector.shape_cast %swap3A_123 : vector<1x16xf32> to vector<16xf32>
      %swap3A_125 = vector.shape_cast %broadcast_in_dim3A_8 : vector<16xf32> to vector<1x16xf32>
      tpu.vector_store %arg8[%swap3A_121, %swap3A_122], %swap3A_125 {strides = array<i32>} : memref<32x128xf32, #tpu.memory_space<vmem>>, vector<1x16xf32>,
      %swap3A_126 = arith.index_cast %scan3A_106 : i32 to index
      %swap3A_127 = arith.constant 64 : index
      %swap3A_128 = tpu.vector_load %arg8[%swap3A_126, %swap3A_127] {strides = array<i32>} : memref<32x128xf32, #tpu.memory_space<vmem>>, vector<1x16xf32>,
      %swap3A_129 = vector.shape_cast %swap3A_128 : vector<1x16xf32> to vector<16xf32>
      %swap3A_130 = vector.shape_cast %broadcast_in_dim3A_8 : vector<16xf32> to vector<1x16xf32>
      tpu.vector_store %arg8[%swap3A_126, %swap3A_127], %swap3A_130 {strides = array<i32>} : memref<32x128xf32, #tpu.memory_space<vmem>>, vector<1x16xf32>,
      %swap3A_131 = arith.index_cast %scan3A_106 : i32 to index
      %swap3A_132 = arith.constant 80 : index
      %swap3A_133 = tpu.vector_load %arg8[%swap3A_131, %swap3A_132] {strides = array<i32>} : memref<32x128xf32, #tpu.memory_space<vmem>>, vector<1x16xf32>,
      %swap3A_134 = vector.shape_cast %swap3A_133 : vector<1x16xf32> to vector<16xf32>
      %swap3A_135 = vector.shape_cast %broadcast_in_dim3A_8 : vector<16xf32> to vector<1x16xf32>
      tpu.vector_store %arg8[%swap3A_131, %swap3A_132], %swap3A_135 {strides = array<i32>} : memref<32x128xf32, #tpu.memory_space<vmem>>, vector<1x16xf32>,
      %swap3A_136 = arith.index_cast %scan3A_106 : i32 to index
      %swap3A_137 = arith.constant 96 : index
      %swap3A_138 = tpu.vector_load %arg8[%swap3A_136, %swap3A_137] {strides = array<i32>} : memref<32x128xf32, #tpu.memory_space<vmem>>, vector<1x16xf32>,
      %swap3A_139 = vector.shape_cast %swap3A_138 : vector<1x16xf32> to vector<16xf32>
      %swap3A_140 = vector.shape_cast %broadcast_in_dim3A_8 : vector<16xf32> to vector<1x16xf32>
      tpu.vector_store %arg8[%swap3A_136, %swap3A_137], %swap3A_140 {strides = array<i32>} : memref<32x128xf32, #tpu.memory_space<vmem>>, vector<1x16xf32>,
      %swap3A_141 = arith.index_cast %scan3A_106 : i32 to index
      %swap3A_142 = arith.constant 112 : index
      %swap3A_143 = tpu.vector_load %arg8[%swap3A_141, %swap3A_142] {strides = array<i32>} : memref<32x128xf32, #tpu.memory_space<vmem>>, vector<1x16xf32>,
      %swap3A_144 = vector.shape_cast %swap3A_143 : vector<1x16xf32> to vector<16xf32>
      %swap3A_145 = vector.shape_cast %broadcast_in_dim3A_8 : vector<16xf32> to vector<1x16xf32>
      tpu.vector_store %arg8[%swap3A_141, %swap3A_142], %swap3A_145 {strides = array<i32>} : memref<32x128xf32, #tpu.memory_space<vmem>>, vector<1x16xf32>,
    }
    %scan3A_14 = arith.constant 32 : i32
    %mul3A_15 = arith.constant 640 : i32
    %mul3A_16 = arith.muli %arg1, %mul3A_15 : i32
    %add3A_17 = arith.constant 0 : i32
    %add3A_18 = arith.addi %mul3A_16, %add3A_17 : i32
    "tpu.region"() ({
      %run_scoped3A = tpu.sem_alloc : memref<!tpu.dma_semaphore, #tpu.memory_space<semaphore_mem>>
      %dma_start3A = arith.constant 0 : i32
      %dma_start3A_106 = tpu.memref_slice %arg9[%add3A_18, %dma_start3A] : memref<10240x128xf32, #tpu.memory_space<vmem_shared>> -> memref<32x128xf32, #tpu.memory_space<vmem_shared>>
      %dma_start3A_107 = arith.constant 0 : i32
      %dma_start3A_108 = tpu.memref_slice %arg9[%add3A_18, %dma_start3A_107] : memref<10240x128xf32, #tpu.memory_space<vmem_shared>> -> memref<32x128xf32, #tpu.memory_space<vmem_shared>>
      tpu.enqueue_dma source(%arg8 : memref<32x128xf32, #tpu.memory_space<vmem>>) target(%dma_start3A_108 : memref<32x128xf32, #tpu.memory_space<vmem_shared>>) target_semaphore(%run_scoped3A : memref<!tpu.dma_semaphore, #tpu.memory_space<semaphore_mem>>)
      %dma_wait3A = arith.constant 0 : i32
      %dma_wait3A_109 = tpu.memref_slice %arg9[%add3A_18, %dma_wait3A] : memref<10240x128xf32, #tpu.memory_space<vmem_shared>> -> memref<32x128xf32, #tpu.memory_space<vmem_shared>>
      %dma_wait3A_110 = arith.constant 0 : i32
      %dma_wait3A_111 = tpu.memref_slice %arg9[%add3A_18, %dma_wait3A_110] : memref<10240x128xf32, #tpu.memory_space<vmem_shared>> -> memref<32x128xf32, #tpu.memory_space<vmem_shared>>
      tpu.wait_dma2 semaphore(%run_scoped3A : memref<!tpu.dma_semaphore, #tpu.memory_space<semaphore_mem>>) src(%arg8 : memref<32x128xf32, #tpu.memory_space<vmem>>) dst(%dma_wait3A_111 : memref<32x128xf32, #tpu.memory_space<vmem_shared>>)
      tpu.yield
    }) : () -> ()
    %mul3A_19 = arith.constant 640 : i32
    %mul3A_20 = arith.muli %arg1, %mul3A_19 : i32
    %add3A_21 = arith.constant 32 : i32
    %add3A_22 = arith.addi %mul3A_20, %add3A_21 : i32
    "tpu.region"() ({
      %run_scoped3A = tpu.sem_alloc : memref<!tpu.dma_semaphore, #tpu.memory_space<semaphore_mem>>
      %dma_start3A = arith.constant 0 : i32
      %dma_start3A_106 = tpu.memref_slice %arg9[%add3A_22, %dma_start3A] : memref<10240x128xf32, #tpu.memory_space<vmem_shared>> -> memref<32x128xf32, #tpu.memory_space<vmem_shared>>
      %dma_start3A_107 = arith.constant 0 : i32
      %dma_start3A_108 = tpu.memref_slice %arg9[%add3A_22, %dma_start3A_107] : memref<10240x128xf32, #tpu.memory_space<vmem_shared>> -> memref<32x128xf32, #tpu.memory_space<vmem_shared>>
      tpu.enqueue_dma source(%arg8 : memref<32x128xf32, #tpu.memory_space<vmem>>) target(%dma_start3A_108 : memref<32x128xf32, #tpu.memory_space<vmem_shared>>) target_semaphore(%run_scoped3A : memref<!tpu.dma_semaphore, #tpu.memory_space<semaphore_mem>>)
      %dma_wait3A = arith.constant 0 : i32
      %dma_wait3A_109 = tpu.memref_slice %arg9[%add3A_22, %dma_wait3A] : memref<10240x128xf32, #tpu.memory_space<vmem_shared>> -> memref<32x128xf32, #tpu.memory_space<vmem_shared>>
      %dma_wait3A_110 = arith.constant 0 : i32
      %dma_wait3A_111 = tpu.memref_slice %arg9[%add3A_22, %dma_wait3A_110] : memref<10240x128xf32, #tpu.memory_space<vmem_shared>> -> memref<32x128xf32, #tpu.memory_space<vmem_shared>>
      tpu.wait_dma2 semaphore(%run_scoped3A : memref<!tpu.dma_semaphore, #tpu.memory_space<semaphore_mem>>) src(%arg8 : memref<32x128xf32, #tpu.memory_space<vmem>>) dst(%dma_wait3A_111 : memref<32x128xf32, #tpu.memory_space<vmem_shared>>)
      tpu.yield
    }) : () -> ()
    %mul3A_23 = arith.constant 640 : i32
    %mul3A_24 = arith.muli %arg1, %mul3A_23 : i32
    %add3A_25 = arith.constant 64 : i32
    %add3A_26 = arith.addi %mul3A_24, %add3A_25 : i32
    "tpu.region"() ({
      %run_scoped3A = tpu.sem_alloc : memref<!tpu.dma_semaphore, #tpu.memory_space<semaphore_mem>>
      %dma_start3A = arith.constant 0 : i32
      %dma_start3A_106 = tpu.memref_slice %arg9[%add3A_26, %dma_start3A] : memref<10240x128xf32, #tpu.memory_space<vmem_shared>> -> memref<32x128xf32, #tpu.memory_space<vmem_shared>>
      %dma_start3A_107 = arith.constant 0 : i32
      %dma_start3A_108 = tpu.memref_slice %arg9[%add3A_26, %dma_start3A_107] : memref<10240x128xf32, #tpu.memory_space<vmem_shared>> -> memref<32x128xf32, #tpu.memory_space<vmem_shared>>
      tpu.enqueue_dma source(%arg8 : memref<32x128xf32, #tpu.memory_space<vmem>>) target(%dma_start3A_108 : memref<32x128xf32, #tpu.memory_space<vmem_shared>>) target_semaphore(%run_scoped3A : memref<!tpu.dma_semaphore, #tpu.memory_space<semaphore_mem>>)
      %dma_wait3A = arith.constant 0 : i32
      %dma_wait3A_109 = tpu.memref_slice %arg9[%add3A_26, %dma_wait3A] : memref<10240x128xf32, #tpu.memory_space<vmem_shared>> -> memref<32x128xf32, #tpu.memory_space<vmem_shared>>
      %dma_wait3A_110 = arith.constant 0 : i32
      %dma_wait3A_111 = tpu.memref_slice %arg9[%add3A_26, %dma_wait3A_110] : memref<10240x128xf32, #tpu.memory_space<vmem_shared>> -> memref<32x128xf32, #tpu.memory_space<vmem_shared>>
      tpu.wait_dma2 semaphore(%run_scoped3A : memref<!tpu.dma_semaphore, #tpu.memory_space<semaphore_mem>>) src(%arg8 : memref<32x128xf32, #tpu.memory_space<vmem>>) dst(%dma_wait3A_111 : memref<32x128xf32, #tpu.memory_space<vmem_shared>>)
      tpu.yield
    }) : () -> ()
    %mul3A_27 = arith.constant 640 : i32
    %mul3A_28 = arith.muli %arg1, %mul3A_27 : i32
    %add3A_29 = arith.constant 96 : i32
    %add3A_30 = arith.addi %mul3A_28, %add3A_29 : i32
    "tpu.region"() ({
      %run_scoped3A = tpu.sem_alloc : memref<!tpu.dma_semaphore, #tpu.memory_space<semaphore_mem>>
      %dma_start3A = arith.constant 0 : i32
      %dma_start3A_106 = tpu.memref_slice %arg9[%add3A_30, %dma_start3A] : memref<10240x128xf32, #tpu.memory_space<vmem_shared>> -> memref<32x128xf32, #tpu.memory_space<vmem_shared>>
      %dma_start3A_107 = arith.constant 0 : i32
      %dma_start3A_108 = tpu.memref_slice %arg9[%add3A_30, %dma_start3A_107] : memref<10240x128xf32, #tpu.memory_space<vmem_shared>> -> memref<32x128xf32, #tpu.memory_space<vmem_shared>>
      tpu.enqueue_dma source(%arg8 : memref<32x128xf32, #tpu.memory_space<vmem>>) target(%dma_start3A_108 : memref<32x128xf32, #tpu.memory_space<vmem_shared>>) target_semaphore(%run_scoped3A : memref<!tpu.dma_semaphore, #tpu.memory_space<semaphore_mem>>)
      %dma_wait3A = arith.constant 0 : i32
      %dma_wait3A_109 = tpu.memref_slice %arg9[%add3A_30, %dma_wait3A] : memref<10240x128xf32, #tpu.memory_space<vmem_shared>> -> memref<32x128xf32, #tpu.memory_space<vmem_shared>>
      %dma_wait3A_110 = arith.constant 0 : i32
      %dma_wait3A_111 = tpu.memref_slice %arg9[%add3A_30, %dma_wait3A_110] : memref<10240x128xf32, #tpu.memory_space<vmem_shared>> -> memref<32x128xf32, #tpu.memory_space<vmem_shared>>
      tpu.wait_dma2 semaphore(%run_scoped3A : memref<!tpu.dma_semaphore, #tpu.memory_space<semaphore_mem>>) src(%arg8 : memref<32x128xf32, #tpu.memory_space<vmem>>) dst(%dma_wait3A_111 : memref<32x128xf32, #tpu.memory_space<vmem_shared>>)
      tpu.yield
    }) : () -> ()
    %mul3A_31 = arith.constant 640 : i32
    %mul3A_32 = arith.muli %arg1, %mul3A_31 : i32
    %add3A_33 = arith.constant 128 : i32
    %add3A_34 = arith.addi %mul3A_32, %add3A_33 : i32
    "tpu.region"() ({
      %run_scoped3A = tpu.sem_alloc : memref<!tpu.dma_semaphore, #tpu.memory_space<semaphore_mem>>
      %dma_start3A = arith.constant 0 : i32
      %dma_start3A_106 = tpu.memref_slice %arg9[%add3A_34, %dma_start3A] : memref<10240x128xf32, #tpu.memory_space<vmem_shared>> -> memref<32x128xf32, #tpu.memory_space<vmem_shared>>
      %dma_start3A_107 = arith.constant 0 : i32
      %dma_start3A_108 = tpu.memref_slice %arg9[%add3A_34, %dma_start3A_107] : memref<10240x128xf32, #tpu.memory_space<vmem_shared>> -> memref<32x128xf32, #tpu.memory_space<vmem_shared>>
      tpu.enqueue_dma source(%arg8 : memref<32x128xf32, #tpu.memory_space<vmem>>) target(%dma_start3A_108 : memref<32x128xf32, #tpu.memory_space<vmem_shared>>) target_semaphore(%run_scoped3A : memref<!tpu.dma_semaphore, #tpu.memory_space<semaphore_mem>>)
      %dma_wait3A = arith.constant 0 : i32
      %dma_wait3A_109 = tpu.memref_slice %arg9[%add3A_34, %dma_wait3A] : memref<10240x128xf32, #tpu.memory_space<vmem_shared>> -> memref<32x128xf32, #tpu.memory_space<vmem_shared>>
      %dma_wait3A_110 = arith.constant 0 : i32
      %dma_wait3A_111 = tpu.memref_slice %arg9[%add3A_34, %dma_wait3A_110] : memref<10240x128xf32, #tpu.memory_space<vmem_shared>> -> memref<32x128xf32, #tpu.memory_space<vmem_shared>>
      tpu.wait_dma2 semaphore(%run_scoped3A : memref<!tpu.dma_semaphore, #tpu.memory_space<semaphore_mem>>) src(%arg8 : memref<32x128xf32, #tpu.memory_space<vmem>>) dst(%dma_wait3A_111 : memref<32x128xf32, #tpu.memory_space<vmem_shared>>)
      tpu.yield
    }) : () -> ()
    %mul3A_35 = arith.constant 640 : i32
    %mul3A_36 = arith.muli %arg1, %mul3A_35 : i32
    %add3A_37 = arith.constant 160 : i32
    %add3A_38 = arith.addi %mul3A_36, %add3A_37 : i32
    "tpu.region"() ({
      %run_scoped3A = tpu.sem_alloc : memref<!tpu.dma_semaphore, #tpu.memory_space<semaphore_mem>>
      %dma_start3A = arith.constant 0 : i32
      %dma_start3A_106 = tpu.memref_slice %arg9[%add3A_38, %dma_start3A] : memref<10240x128xf32, #tpu.memory_space<vmem_shared>> -> memref<32x128xf32, #tpu.memory_space<vmem_shared>>
      %dma_start3A_107 = arith.constant 0 : i32
      %dma_start3A_108 = tpu.memref_slice %arg9[%add3A_38, %dma_start3A_107] : memref<10240x128xf32, #tpu.memory_space<vmem_shared>> -> memref<32x128xf32, #tpu.memory_space<vmem_shared>>
      tpu.enqueue_dma source(%arg8 : memref<32x128xf32, #tpu.memory_space<vmem>>) target(%dma_start3A_108 : memref<32x128xf32, #tpu.memory_space<vmem_shared>>) target_semaphore(%run_scoped3A : memref<!tpu.dma_semaphore, #tpu.memory_space<semaphore_mem>>)
      %dma_wait3A = arith.constant 0 : i32
      %dma_wait3A_109 = tpu.memref_slice %arg9[%add3A_38, %dma_wait3A] : memref<10240x128xf32, #tpu.memory_space<vmem_shared>> -> memref<32x128xf32, #tpu.memory_space<vmem_shared>>
      %dma_wait3A_110 = arith.constant 0 : i32
      %dma_wait3A_111 = tpu.memref_slice %arg9[%add3A_38, %dma_wait3A_110] : memref<10240x128xf32, #tpu.memory_space<vmem_shared>> -> memref<32x128xf32, #tpu.memory_space<vmem_shared>>
      tpu.wait_dma2 semaphore(%run_scoped3A : memref<!tpu.dma_semaphore, #tpu.memory_space<semaphore_mem>>) src(%arg8 : memref<32x128xf32, #tpu.memory_space<vmem>>) dst(%dma_wait3A_111 : memref<32x128xf32, #tpu.memory_space<vmem_shared>>)
      tpu.yield
    }) : () -> ()
    %mul3A_39 = arith.constant 640 : i32
    %mul3A_40 = arith.muli %arg1, %mul3A_39 : i32
    %add3A_41 = arith.constant 192 : i32
    %add3A_42 = arith.addi %mul3A_40, %add3A_41 : i32
    "tpu.region"() ({
      %run_scoped3A = tpu.sem_alloc : memref<!tpu.dma_semaphore, #tpu.memory_space<semaphore_mem>>
      %dma_start3A = arith.constant 0 : i32
      %dma_start3A_106 = tpu.memref_slice %arg9[%add3A_42, %dma_start3A] : memref<10240x128xf32, #tpu.memory_space<vmem_shared>> -> memref<32x128xf32, #tpu.memory_space<vmem_shared>>
      %dma_start3A_107 = arith.constant 0 : i32
      %dma_start3A_108 = tpu.memref_slice %arg9[%add3A_42, %dma_start3A_107] : memref<10240x128xf32, #tpu.memory_space<vmem_shared>> -> memref<32x128xf32, #tpu.memory_space<vmem_shared>>
      tpu.enqueue_dma source(%arg8 : memref<32x128xf32, #tpu.memory_space<vmem>>) target(%dma_start3A_108 : memref<32x128xf32, #tpu.memory_space<vmem_shared>>) target_semaphore(%run_scoped3A : memref<!tpu.dma_semaphore, #tpu.memory_space<semaphore_mem>>)
      %dma_wait3A = arith.constant 0 : i32
      %dma_wait3A_109 = tpu.memref_slice %arg9[%add3A_42, %dma_wait3A] : memref<10240x128xf32, #tpu.memory_space<vmem_shared>> -> memref<32x128xf32, #tpu.memory_space<vmem_shared>>
      %dma_wait3A_110 = arith.constant 0 : i32
      %dma_wait3A_111 = tpu.memref_slice %arg9[%add3A_42, %dma_wait3A_110] : memref<10240x128xf32, #tpu.memory_space<vmem_shared>> -> memref<32x128xf32, #tpu.memory_space<vmem_shared>>
      tpu.wait_dma2 semaphore(%run_scoped3A : memref<!tpu.dma_semaphore, #tpu.memory_space<semaphore_mem>>) src(%arg8 : memref<32x128xf32, #tpu.memory_space<vmem>>) dst(%dma_wait3A_111 : memref<32x128xf32, #tpu.memory_space<vmem_shared>>)
      tpu.yield
    }) : () -> ()
    %mul3A_43 = arith.constant 640 : i32
    %mul3A_44 = arith.muli %arg1, %mul3A_43 : i32
    %add3A_45 = arith.constant 224 : i32
    %add3A_46 = arith.addi %mul3A_44, %add3A_45 : i32
    "tpu.region"() ({
      %run_scoped3A = tpu.sem_alloc : memref<!tpu.dma_semaphore, #tpu.memory_space<semaphore_mem>>
      %dma_start3A = arith.constant 0 : i32
      %dma_start3A_106 = tpu.memref_slice %arg9[%add3A_46, %dma_start3A] : memref<10240x128xf32, #tpu.memory_space<vmem_shared>> -> memref<32x128xf32, #tpu.memory_space<vmem_shared>>
      %dma_start3A_107 = arith.constant 0 : i32
      %dma_start3A_108 = tpu.memref_slice %arg9[%add3A_46, %dma_start3A_107] : memref<10240x128xf32, #tpu.memory_space<vmem_shared>> -> memref<32x128xf32, #tpu.memory_space<vmem_shared>>
      tpu.enqueue_dma source(%arg8 : memref<32x128xf32, #tpu.memory_space<vmem>>) target(%dma_start3A_108 : memref<32x128xf32, #tpu.memory_space<vmem_shared>>) target_semaphore(%run_scoped3A : memref<!tpu.dma_semaphore, #tpu.memory_space<semaphore_mem>>)
      %dma_wait3A = arith.constant 0 : i32
      %dma_wait3A_109 = tpu.memref_slice %arg9[%add3A_46, %dma_wait3A] : memref<10240x128xf32, #tpu.memory_space<vmem_shared>> -> memref<32x128xf32, #tpu.memory_space<vmem_shared>>
      %dma_wait3A_110 = arith.constant 0 : i32
      %dma_wait3A_111 = tpu.memref_slice %arg9[%add3A_46, %dma_wait3A_110] : memref<10240x128xf32, #tpu.memory_space<vmem_shared>> -> memref<32x128xf32, #tpu.memory_space<vmem_shared>>
      tpu.wait_dma2 semaphore(%run_scoped3A : memref<!tpu.dma_semaphore, #tpu.memory_space<semaphore_mem>>) src(%arg8 : memref<32x128xf32, #tpu.memory_space<vmem>>) dst(%dma_wait3A_111 : memref<32x128xf32, #tpu.memory_space<vmem_shared>>)
      tpu.yield
    }) : () -> ()
    %mul3A_47 = arith.constant 640 : i32
    %mul3A_48 = arith.muli %arg1, %mul3A_47 : i32
    %add3A_49 = arith.constant 256 : i32
    %add3A_50 = arith.addi %mul3A_48, %add3A_49 : i32
    "tpu.region"() ({
      %run_scoped3A = tpu.sem_alloc : memref<!tpu.dma_semaphore, #tpu.memory_space<semaphore_mem>>
      %dma_start3A = arith.constant 0 : i32
      %dma_start3A_106 = tpu.memref_slice %arg9[%add3A_50, %dma_start3A] : memref<10240x128xf32, #tpu.memory_space<vmem_shared>> -> memref<32x128xf32, #tpu.memory_space<vmem_shared>>
      %dma_start3A_107 = arith.constant 0 : i32
      %dma_start3A_108 = tpu.memref_slice %arg9[%add3A_50, %dma_start3A_107] : memref<10240x128xf32, #tpu.memory_space<vmem_shared>> -> memref<32x128xf32, #tpu.memory_space<vmem_shared>>
      tpu.enqueue_dma source(%arg8 : memref<32x128xf32, #tpu.memory_space<vmem>>) target(%dma_start3A_108 : memref<32x128xf32, #tpu.memory_space<vmem_shared>>) target_semaphore(%run_scoped3A : memref<!tpu.dma_semaphore, #tpu.memory_space<semaphore_mem>>)
      %dma_wait3A = arith.constant 0 : i32
      %dma_wait3A_109 = tpu.memref_slice %arg9[%add3A_50, %dma_wait3A] : memref<10240x128xf32, #tpu.memory_space<vmem_shared>> -> memref<32x128xf32, #tpu.memory_space<vmem_shared>>
      %dma_wait3A_110 = arith.constant 0 : i32
      %dma_wait3A_111 = tpu.memref_slice %arg9[%add3A_50, %dma_wait3A_110] : memref<10240x128xf32, #tpu.memory_space<vmem_shared>> -> memref<32x128xf32, #tpu.memory_space<vmem_shared>>
      tpu.wait_dma2 semaphore(%run_scoped3A : memref<!tpu.dma_semaphore, #tpu.memory_space<semaphore_mem>>) src(%arg8 : memref<32x128xf32, #tpu.memory_space<vmem>>) dst(%dma_wait3A_111 : memref<32x128xf32, #tpu.memory_space<vmem_shared>>)
      tpu.yield
    }) : () -> ()
    %mul3A_51 = arith.constant 640 : i32
    %mul3A_52 = arith.muli %arg1, %mul3A_51 : i32
    %add3A_53 = arith.constant 288 : i32
    %add3A_54 = arith.addi %mul3A_52, %add3A_53 : i32
    "tpu.region"() ({
      %run_scoped3A = tpu.sem_alloc : memref<!tpu.dma_semaphore, #tpu.memory_space<semaphore_mem>>
      %dma_start3A = arith.constant 0 : i32
      %dma_start3A_106 = tpu.memref_slice %arg9[%add3A_54, %dma_start3A] : memref<10240x128xf32, #tpu.memory_space<vmem_shared>> -> memref<32x128xf32, #tpu.memory_space<vmem_shared>>
      %dma_start3A_107 = arith.constant 0 : i32
      %dma_start3A_108 = tpu.memref_slice %arg9[%add3A_54, %dma_start3A_107] : memref<10240x128xf32, #tpu.memory_space<vmem_shared>> -> memref<32x128xf32, #tpu.memory_space<vmem_shared>>
      tpu.enqueue_dma source(%arg8 : memref<32x128xf32, #tpu.memory_space<vmem>>) target(%dma_start3A_108 : memref<32x128xf32, #tpu.memory_space<vmem_shared>>) target_semaphore(%run_scoped3A : memref<!tpu.dma_semaphore, #tpu.memory_space<semaphore_mem>>)
      %dma_wait3A = arith.constant 0 : i32
      %dma_wait3A_109 = tpu.memref_slice %arg9[%add3A_54, %dma_wait3A] : memref<10240x128xf32, #tpu.memory_space<vmem_shared>> -> memref<32x128xf32, #tpu.memory_space<vmem_shared>>
      %dma_wait3A_110 = arith.constant 0 : i32
      %dma_wait3A_111 = tpu.memref_slice %arg9[%add3A_54, %dma_wait3A_110] : memref<10240x128xf32, #tpu.memory_space<vmem_shared>> -> memref<32x128xf32, #tpu.memory_space<vmem_shared>>
      tpu.wait_dma2 semaphore(%run_scoped3A : memref<!tpu.dma_semaphore, #tpu.memory_space<semaphore_mem>>) src(%arg8 : memref<32x128xf32, #tpu.memory_space<vmem>>) dst(%dma_wait3A_111 : memref<32x128xf32, #tpu.memory_space<vmem_shared>>)
      tpu.yield
    }) : () -> ()
    %mul3A_55 = arith.constant 640 : i32
    %mul3A_56 = arith.muli %arg1, %mul3A_55 : i32
    %add3A_57 = arith.constant 320 : i32
    %add3A_58 = arith.addi %mul3A_56, %add3A_57 : i32
    "tpu.region"() ({
      %run_scoped3A = tpu.sem_alloc : memref<!tpu.dma_semaphore, #tpu.memory_space<semaphore_mem>>
      %dma_start3A = arith.constant 0 : i32
      %dma_start3A_106 = tpu.memref_slice %arg9[%add3A_58, %dma_start3A] : memref<10240x128xf32, #tpu.memory_space<vmem_shared>> -> memref<32x128xf32, #tpu.memory_space<vmem_shared>>
      %dma_start3A_107 = arith.constant 0 : i32
      %dma_start3A_108 = tpu.memref_slice %arg9[%add3A_58, %dma_start3A_107] : memref<10240x128xf32, #tpu.memory_space<vmem_shared>> -> memref<32x128xf32, #tpu.memory_space<vmem_shared>>
      tpu.enqueue_dma source(%arg8 : memref<32x128xf32, #tpu.memory_space<vmem>>) target(%dma_start3A_108 : memref<32x128xf32, #tpu.memory_space<vmem_shared>>) target_semaphore(%run_scoped3A : memref<!tpu.dma_semaphore, #tpu.memory_space<semaphore_mem>>)
      %dma_wait3A = arith.constant 0 : i32
      %dma_wait3A_109 = tpu.memref_slice %arg9[%add3A_58, %dma_wait3A] : memref<10240x128xf32, #tpu.memory_space<vmem_shared>> -> memref<32x128xf32, #tpu.memory_space<vmem_shared>>
      %dma_wait3A_110 = arith.constant 0 : i32
      %dma_wait3A_111 = tpu.memref_slice %arg9[%add3A_58, %dma_wait3A_110] : memref<10240x128xf32, #tpu.memory_space<vmem_shared>> -> memref<32x128xf32, #tpu.memory_space<vmem_shared>>
      tpu.wait_dma2 semaphore(%run_scoped3A : memref<!tpu.dma_semaphore, #tpu.memory_space<semaphore_mem>>) src(%arg8 : memref<32x128xf32, #tpu.memory_space<vmem>>) dst(%dma_wait3A_111 : memref<32x128xf32, #tpu.memory_space<vmem_shared>>)
      tpu.yield
    }) : () -> ()
    %mul3A_59 = arith.constant 640 : i32
    %mul3A_60 = arith.muli %arg1, %mul3A_59 : i32
    %add3A_61 = arith.constant 352 : i32
    %add3A_62 = arith.addi %mul3A_60, %add3A_61 : i32
    "tpu.region"() ({
      %run_scoped3A = tpu.sem_alloc : memref<!tpu.dma_semaphore, #tpu.memory_space<semaphore_mem>>
      %dma_start3A = arith.constant 0 : i32
      %dma_start3A_106 = tpu.memref_slice %arg9[%add3A_62, %dma_start3A] : memref<10240x128xf32, #tpu.memory_space<vmem_shared>> -> memref<32x128xf32, #tpu.memory_space<vmem_shared>>
      %dma_start3A_107 = arith.constant 0 : i32
      %dma_start3A_108 = tpu.memref_slice %arg9[%add3A_62, %dma_start3A_107] : memref<10240x128xf32, #tpu.memory_space<vmem_shared>> -> memref<32x128xf32, #tpu.memory_space<vmem_shared>>
      tpu.enqueue_dma source(%arg8 : memref<32x128xf32, #tpu.memory_space<vmem>>) target(%dma_start3A_108 : memref<32x128xf32, #tpu.memory_space<vmem_shared>>) target_semaphore(%run_scoped3A : memref<!tpu.dma_semaphore, #tpu.memory_space<semaphore_mem>>)
      %dma_wait3A = arith.constant 0 : i32
      %dma_wait3A_109 = tpu.memref_slice %arg9[%add3A_62, %dma_wait3A] : memref<10240x128xf32, #tpu.memory_space<vmem_shared>> -> memref<32x128xf32, #tpu.memory_space<vmem_shared>>
      %dma_wait3A_110 = arith.constant 0 : i32
      %dma_wait3A_111 = tpu.memref_slice %arg9[%add3A_62, %dma_wait3A_110] : memref<10240x128xf32, #tpu.memory_space<vmem_shared>> -> memref<32x128xf32, #tpu.memory_space<vmem_shared>>
      tpu.wait_dma2 semaphore(%run_scoped3A : memref<!tpu.dma_semaphore, #tpu.memory_space<semaphore_mem>>) src(%arg8 : memref<32x128xf32, #tpu.memory_space<vmem>>) dst(%dma_wait3A_111 : memref<32x128xf32, #tpu.memory_space<vmem_shared>>)
      tpu.yield
    }) : () -> ()
    %mul3A_63 = arith.constant 640 : i32
    %mul3A_64 = arith.muli %arg1, %mul3A_63 : i32
    %add3A_65 = arith.constant 384 : i32
    %add3A_66 = arith.addi %mul3A_64, %add3A_65 : i32
    "tpu.region"() ({
      %run_scoped3A = tpu.sem_alloc : memref<!tpu.dma_semaphore, #tpu.memory_space<semaphore_mem>>
      %dma_start3A = arith.constant 0 : i32
      %dma_start3A_106 = tpu.memref_slice %arg9[%add3A_66, %dma_start3A] : memref<10240x128xf32, #tpu.memory_space<vmem_shared>> -> memref<32x128xf32, #tpu.memory_space<vmem_shared>>
      %dma_start3A_107 = arith.constant 0 : i32
      %dma_start3A_108 = tpu.memref_slice %arg9[%add3A_66, %dma_start3A_107] : memref<10240x128xf32, #tpu.memory_space<vmem_shared>> -> memref<32x128xf32, #tpu.memory_space<vmem_shared>>
      tpu.enqueue_dma source(%arg8 : memref<32x128xf32, #tpu.memory_space<vmem>>) target(%dma_start3A_108 : memref<32x128xf32, #tpu.memory_space<vmem_shared>>) target_semaphore(%run_scoped3A : memref<!tpu.dma_semaphore, #tpu.memory_space<semaphore_mem>>)
      %dma_wait3A = arith.constant 0 : i32
      %dma_wait3A_109 = tpu.memref_slice %arg9[%add3A_66, %dma_wait3A] : memref<10240x128xf32, #tpu.memory_space<vmem_shared>> -> memref<32x128xf32, #tpu.memory_space<vmem_shared>>
      %dma_wait3A_110 = arith.constant 0 : i32
      %dma_wait3A_111 = tpu.memref_slice %arg9[%add3A_66, %dma_wait3A_110] : memref<10240x128xf32, #tpu.memory_space<vmem_shared>> -> memref<32x128xf32, #tpu.memory_space<vmem_shared>>
      tpu.wait_dma2 semaphore(%run_scoped3A : memref<!tpu.dma_semaphore, #tpu.memory_space<semaphore_mem>>) src(%arg8 : memref<32x128xf32, #tpu.memory_space<vmem>>) dst(%dma_wait3A_111 : memref<32x128xf32, #tpu.memory_space<vmem_shared>>)
      tpu.yield
    }) : () -> ()
    %mul3A_67 = arith.constant 640 : i32
    %mul3A_68 = arith.muli %arg1, %mul3A_67 : i32
    %add3A_69 = arith.constant 416 : i32
    %add3A_70 = arith.addi %mul3A_68, %add3A_69 : i32
    "tpu.region"() ({
      %run_scoped3A = tpu.sem_alloc : memref<!tpu.dma_semaphore, #tpu.memory_space<semaphore_mem>>
      %dma_start3A = arith.constant 0 : i32
      %dma_start3A_106 = tpu.memref_slice %arg9[%add3A_70, %dma_start3A] : memref<10240x128xf32, #tpu.memory_space<vmem_shared>> -> memref<32x128xf32, #tpu.memory_space<vmem_shared>>
      %dma_start3A_107 = arith.constant 0 : i32
      %dma_start3A_108 = tpu.memref_slice %arg9[%add3A_70, %dma_start3A_107] : memref<10240x128xf32, #tpu.memory_space<vmem_shared>> -> memref<32x128xf32, #tpu.memory_space<vmem_shared>>
      tpu.enqueue_dma source(%arg8 : memref<32x128xf32, #tpu.memory_space<vmem>>) target(%dma_start3A_108 : memref<32x128xf32, #tpu.memory_space<vmem_shared>>) target_semaphore(%run_scoped3A : memref<!tpu.dma_semaphore, #tpu.memory_space<semaphore_mem>>)
      %dma_wait3A = arith.constant 0 : i32
      %dma_wait3A_109 = tpu.memref_slice %arg9[%add3A_70, %dma_wait3A] : memref<10240x128xf32, #tpu.memory_space<vmem_shared>> -> memref<32x128xf32, #tpu.memory_space<vmem_shared>>
      %dma_wait3A_110 = arith.constant 0 : i32
      %dma_wait3A_111 = tpu.memref_slice %arg9[%add3A_70, %dma_wait3A_110] : memref<10240x128xf32, #tpu.memory_space<vmem_shared>> -> memref<32x128xf32, #tpu.memory_space<vmem_shared>>
      tpu.wait_dma2 semaphore(%run_scoped3A : memref<!tpu.dma_semaphore, #tpu.memory_space<semaphore_mem>>) src(%arg8 : memref<32x128xf32, #tpu.memory_space<vmem>>) dst(%dma_wait3A_111 : memref<32x128xf32, #tpu.memory_space<vmem_shared>>)
      tpu.yield
    }) : () -> ()
    %mul3A_71 = arith.constant 640 : i32
    %mul3A_72 = arith.muli %arg1, %mul3A_71 : i32
    %add3A_73 = arith.constant 448 : i32
    %add3A_74 = arith.addi %mul3A_72, %add3A_73 : i32
    "tpu.region"() ({
      %run_scoped3A = tpu.sem_alloc : memref<!tpu.dma_semaphore, #tpu.memory_space<semaphore_mem>>
      %dma_start3A = arith.constant 0 : i32
      %dma_start3A_106 = tpu.memref_slice %arg9[%add3A_74, %dma_start3A] : memref<10240x128xf32, #tpu.memory_space<vmem_shared>> -> memref<32x128xf32, #tpu.memory_space<vmem_shared>>
      %dma_start3A_107 = arith.constant 0 : i32
      %dma_start3A_108 = tpu.memref_slice %arg9[%add3A_74, %dma_start3A_107] : memref<10240x128xf32, #tpu.memory_space<vmem_shared>> -> memref<32x128xf32, #tpu.memory_space<vmem_shared>>
      tpu.enqueue_dma source(%arg8 : memref<32x128xf32, #tpu.memory_space<vmem>>) target(%dma_start3A_108 : memref<32x128xf32, #tpu.memory_space<vmem_shared>>) target_semaphore(%run_scoped3A : memref<!tpu.dma_semaphore, #tpu.memory_space<semaphore_mem>>)
      %dma_wait3A = arith.constant 0 : i32
      %dma_wait3A_109 = tpu.memref_slice %arg9[%add3A_74, %dma_wait3A] : memref<10240x128xf32, #tpu.memory_space<vmem_shared>> -> memref<32x128xf32, #tpu.memory_space<vmem_shared>>
      %dma_wait3A_110 = arith.constant 0 : i32
      %dma_wait3A_111 = tpu.memref_slice %arg9[%add3A_74, %dma_wait3A_110] : memref<10240x128xf32, #tpu.memory_space<vmem_shared>> -> memref<32x128xf32, #tpu.memory_space<vmem_shared>>
      tpu.wait_dma2 semaphore(%run_scoped3A : memref<!tpu.dma_semaphore, #tpu.memory_space<semaphore_mem>>) src(%arg8 : memref<32x128xf32, #tpu.memory_space<vmem>>) dst(%dma_wait3A_111 : memref<32x128xf32, #tpu.memory_space<vmem_shared>>)
      tpu.yield
    }) : () -> ()
    %mul3A_75 = arith.constant 640 : i32
    %mul3A_76 = arith.muli %arg1, %mul3A_75 : i32
    %add3A_77 = arith.constant 480 : i32
    %add3A_78 = arith.addi %mul3A_76, %add3A_77 : i32
    "tpu.region"() ({
      %run_scoped3A = tpu.sem_alloc : memref<!tpu.dma_semaphore, #tpu.memory_space<semaphore_mem>>
      %dma_start3A = arith.constant 0 : i32
      %dma_start3A_106 = tpu.memref_slice %arg9[%add3A_78, %dma_start3A] : memref<10240x128xf32, #tpu.memory_space<vmem_shared>> -> memref<32x128xf32, #tpu.memory_space<vmem_shared>>
      %dma_start3A_107 = arith.constant 0 : i32
      %dma_start3A_108 = tpu.memref_slice %arg9[%add3A_78, %dma_start3A_107] : memref<10240x128xf32, #tpu.memory_space<vmem_shared>> -> memref<32x128xf32, #tpu.memory_space<vmem_shared>>
      tpu.enqueue_dma source(%arg8 : memref<32x128xf32, #tpu.memory_space<vmem>>) target(%dma_start3A_108 : memref<32x128xf32, #tpu.memory_space<vmem_shared>>) target_semaphore(%run_scoped3A : memref<!tpu.dma_semaphore, #tpu.memory_space<semaphore_mem>>)
      %dma_wait3A = arith.constant 0 : i32
      %dma_wait3A_109 = tpu.memref_slice %arg9[%add3A_78, %dma_wait3A] : memref<10240x128xf32, #tpu.memory_space<vmem_shared>> -> memref<32x128xf32, #tpu.memory_space<vmem_shared>>
      %dma_wait3A_110 = arith.constant 0 : i32
      %dma_wait3A_111 = tpu.memref_slice %arg9[%add3A_78, %dma_wait3A_110] : memref<10240x128xf32, #tpu.memory_space<vmem_shared>> -> memref<32x128xf32, #tpu.memory_space<vmem_shared>>
      tpu.wait_dma2 semaphore(%run_scoped3A : memref<!tpu.dma_semaphore, #tpu.memory_space<semaphore_mem>>) src(%arg8 : memref<32x128xf32, #tpu.memory_space<vmem>>) dst(%dma_wait3A_111 : memref<32x128xf32, #tpu.memory_space<vmem_shared>>)
      tpu.yield
    }) : () -> ()
    %mul3A_79 = arith.constant 640 : i32
    %mul3A_80 = arith.muli %arg1, %mul3A_79 : i32
    %add3A_81 = arith.constant 512 : i32
    %add3A_82 = arith.addi %mul3A_80, %add3A_81 : i32
    "tpu.region"() ({
      %run_scoped3A = tpu.sem_alloc : memref<!tpu.dma_semaphore, #tpu.memory_space<semaphore_mem>>
      %dma_start3A = arith.constant 0 : i32
      %dma_start3A_106 = tpu.memref_slice %arg9[%add3A_82, %dma_start3A] : memref<10240x128xf32, #tpu.memory_space<vmem_shared>> -> memref<32x128xf32, #tpu.memory_space<vmem_shared>>
      %dma_start3A_107 = arith.constant 0 : i32
      %dma_start3A_108 = tpu.memref_slice %arg9[%add3A_82, %dma_start3A_107] : memref<10240x128xf32, #tpu.memory_space<vmem_shared>> -> memref<32x128xf32, #tpu.memory_space<vmem_shared>>
      tpu.enqueue_dma source(%arg8 : memref<32x128xf32, #tpu.memory_space<vmem>>) target(%dma_start3A_108 : memref<32x128xf32, #tpu.memory_space<vmem_shared>>) target_semaphore(%run_scoped3A : memref<!tpu.dma_semaphore, #tpu.memory_space<semaphore_mem>>)
      %dma_wait3A = arith.constant 0 : i32
      %dma_wait3A_109 = tpu.memref_slice %arg9[%add3A_82, %dma_wait3A] : memref<10240x128xf32, #tpu.memory_space<vmem_shared>> -> memref<32x128xf32, #tpu.memory_space<vmem_shared>>
      %dma_wait3A_110 = arith.constant 0 : i32
      %dma_wait3A_111 = tpu.memref_slice %arg9[%add3A_82, %dma_wait3A_110] : memref<10240x128xf32, #tpu.memory_space<vmem_shared>> -> memref<32x128xf32, #tpu.memory_space<vmem_shared>>
      tpu.wait_dma2 semaphore(%run_scoped3A : memref<!tpu.dma_semaphore, #tpu.memory_space<semaphore_mem>>) src(%arg8 : memref<32x128xf32, #tpu.memory_space<vmem>>) dst(%dma_wait3A_111 : memref<32x128xf32, #tpu.memory_space<vmem_shared>>)
      tpu.yield
    }) : () -> ()
    %mul3A_83 = arith.constant 640 : i32
    %mul3A_84 = arith.muli %arg1, %mul3A_83 : i32
    %add3A_85 = arith.constant 544 : i32
    %add3A_86 = arith.addi %mul3A_84, %add3A_85 : i32
    "tpu.region"() ({
      %run_scoped3A = tpu.sem_alloc : memref<!tpu.dma_semaphore, #tpu.memory_space<semaphore_mem>>
      %dma_start3A = arith.constant 0 : i32
      %dma_start3A_106 = tpu.memref_slice %arg9[%add3A_86, %dma_start3A] : memref<10240x128xf32, #tpu.memory_space<vmem_shared>> -> memref<32x128xf32, #tpu.memory_space<vmem_shared>>
      %dma_start3A_107 = arith.constant 0 : i32
      %dma_start3A_108 = tpu.memref_slice %arg9[%add3A_86, %dma_start3A_107] : memref<10240x128xf32, #tpu.memory_space<vmem_shared>> -> memref<32x128xf32, #tpu.memory_space<vmem_shared>>
      tpu.enqueue_dma source(%arg8 : memref<32x128xf32, #tpu.memory_space<vmem>>) target(%dma_start3A_108 : memref<32x128xf32, #tpu.memory_space<vmem_shared>>) target_semaphore(%run_scoped3A : memref<!tpu.dma_semaphore, #tpu.memory_space<semaphore_mem>>)
      %dma_wait3A = arith.constant 0 : i32
      %dma_wait3A_109 = tpu.memref_slice %arg9[%add3A_86, %dma_wait3A] : memref<10240x128xf32, #tpu.memory_space<vmem_shared>> -> memref<32x128xf32, #tpu.memory_space<vmem_shared>>
      %dma_wait3A_110 = arith.constant 0 : i32
      %dma_wait3A_111 = tpu.memref_slice %arg9[%add3A_86, %dma_wait3A_110] : memref<10240x128xf32, #tpu.memory_space<vmem_shared>> -> memref<32x128xf32, #tpu.memory_space<vmem_shared>>
      tpu.wait_dma2 semaphore(%run_scoped3A : memref<!tpu.dma_semaphore, #tpu.memory_space<semaphore_mem>>) src(%arg8 : memref<32x128xf32, #tpu.memory_space<vmem>>) dst(%dma_wait3A_111 : memref<32x128xf32, #tpu.memory_space<vmem_shared>>)
      tpu.yield
    }) : () -> ()
    %mul3A_87 = arith.constant 640 : i32
    %mul3A_88 = arith.muli %arg1, %mul3A_87 : i32
    %add3A_89 = arith.constant 576 : i32
    %add3A_90 = arith.addi %mul3A_88, %add3A_89 : i32
    "tpu.region"() ({
      %run_scoped3A = tpu.sem_alloc : memref<!tpu.dma_semaphore, #tpu.memory_space<semaphore_mem>>
      %dma_start3A = arith.constant 0 : i32
      %dma_start3A_106 = tpu.memref_slice %arg9[%add3A_90, %dma_start3A] : memref<10240x128xf32, #tpu.memory_space<vmem_shared>> -> memref<32x128xf32, #tpu.memory_space<vmem_shared>>
      %dma_start3A_107 = arith.constant 0 : i32
      %dma_start3A_108 = tpu.memref_slice %arg9[%add3A_90, %dma_start3A_107] : memref<10240x128xf32, #tpu.memory_space<vmem_shared>> -> memref<32x128xf32, #tpu.memory_space<vmem_shared>>
      tpu.enqueue_dma source(%arg8 : memref<32x128xf32, #tpu.memory_space<vmem>>) target(%dma_start3A_108 : memref<32x128xf32, #tpu.memory_space<vmem_shared>>) target_semaphore(%run_scoped3A : memref<!tpu.dma_semaphore, #tpu.memory_space<semaphore_mem>>)
      %dma_wait3A = arith.constant 0 : i32
      %dma_wait3A_109 = tpu.memref_slice %arg9[%add3A_90, %dma_wait3A] : memref<10240x128xf32, #tpu.memory_space<vmem_shared>> -> memref<32x128xf32, #tpu.memory_space<vmem_shared>>
      %dma_wait3A_110 = arith.constant 0 : i32
      %dma_wait3A_111 = tpu.memref_slice %arg9[%add3A_90, %dma_wait3A_110] : memref<10240x128xf32, #tpu.memory_space<vmem_shared>> -> memref<32x128xf32, #tpu.memory_space<vmem_shared>>
      tpu.wait_dma2 semaphore(%run_scoped3A : memref<!tpu.dma_semaphore, #tpu.memory_space<semaphore_mem>>) src(%arg8 : memref<32x128xf32, #tpu.memory_space<vmem>>) dst(%dma_wait3A_111 : memref<32x128xf32, #tpu.memory_space<vmem_shared>>)
      tpu.yield
    }) : () -> ()
    %mul3A_91 = arith.constant 640 : i32
    %mul3A_92 = arith.muli %arg1, %mul3A_91 : i32
    %add3A_93 = arith.constant 608 : i32
    %add3A_94 = arith.addi %mul3A_92, %add3A_93 : i32
    "tpu.region"() ({
      %run_scoped3A = tpu.sem_alloc : memref<!tpu.dma_semaphore, #tpu.memory_space<semaphore_mem>>
      %dma_start3A = arith.constant 0 : i32
      %dma_start3A_106 = tpu.memref_slice %arg9[%add3A_94, %dma_start3A] : memref<10240x128xf32, #tpu.memory_space<vmem_shared>> -> memref<32x128xf32, #tpu.memory_space<vmem_shared>>
      %dma_start3A_107 = arith.constant 0 : i32
      %dma_start3A_108 = tpu.memref_slice %arg9[%add3A_94, %dma_start3A_107] : memref<10240x128xf32, #tpu.memory_space<vmem_shared>> -> memref<32x128xf32, #tpu.memory_space<vmem_shared>>
      tpu.enqueue_dma source(%arg8 : memref<32x128xf32, #tpu.memory_space<vmem>>) target(%dma_start3A_108 : memref<32x128xf32, #tpu.memory_space<vmem_shared>>) target_semaphore(%run_scoped3A : memref<!tpu.dma_semaphore, #tpu.memory_space<semaphore_mem>>)
      %dma_wait3A = arith.constant 0 : i32
      %dma_wait3A_109 = tpu.memref_slice %arg9[%add3A_94, %dma_wait3A] : memref<10240x128xf32, #tpu.memory_space<vmem_shared>> -> memref<32x128xf32, #tpu.memory_space<vmem_shared>>
      %dma_wait3A_110 = arith.constant 0 : i32
      %dma_wait3A_111 = tpu.memref_slice %arg9[%add3A_94, %dma_wait3A_110] : memref<10240x128xf32, #tpu.memory_space<vmem_shared>> -> memref<32x128xf32, #tpu.memory_space<vmem_shared>>
      tpu.wait_dma2 semaphore(%run_scoped3A : memref<!tpu.dma_semaphore, #tpu.memory_space<semaphore_mem>>) src(%arg8 : memref<32x128xf32, #tpu.memory_space<vmem>>) dst(%dma_wait3A_111 : memref<32x128xf32, #tpu.memory_space<vmem_shared>>)
      tpu.yield
    }) : () -> ()
    %barrier3A = arith.constant 0 : index
    tpu.barrier barrier_id(%barrier3A)
    %scan3A_95 = arith.constant 0 : i32
    %scan3A_96 = arith.constant 0 : i32
    %scan3A_97 = arith.constant 79 : i32
    %scan3A_98 = arith.addi %scan3A_96, %scan3A_97 : i32
    %scan3A_99 = arith.constant 1 : i32
    scf.for %scan3A_106 = %scan3A_96 to %scan3A_98 step %scan3A_99  : i32 {
      %dma_start3A = arith.constant 0 : i32
      %dma_start3A_107 = tpu.memref_slice %arg5[%scan3A_106, %dma_start3A] : memref<79x128xi32, #tpu.memory_space<vmem>> -> memref<1x128xi32, #tpu.memory_space<vmem>>
      %dma_start3A_108 = tpu.memref_squeeze %dma_start3A_107 : memref<1x128xi32, #tpu.memory_space<vmem>> -> memref<128xi32, #tpu.memory_space<vmem>>
      %dma_start3A_109 = arith.constant 0 : i32
      %dma_start3A_110 = arith.constant 0 : i32
      %dma_start3A_111 = tpu.memref_slice %arg2[%dma_start3A_109, %dma_start3A_110] : memref<10000x128xf32, #tpu.memory_space<hbm>> -> memref<10000x128xf32, #tpu.memory_space<hbm>>
      tpu.enqueue_indirect_dma source(%dma_start3A_111 : memref<10000x128xf32, #tpu.memory_space<hbm>>) target(%arg7 : memref<128x128xf32, #tpu.memory_space<vmem>>) offsets(%dma_start3A_108 : memref<128xi32, #tpu.memory_space<vmem>>) semaphore(%arg10 : memref<!tpu.dma_semaphore, #tpu.memory_space<semaphore_mem>>)
      %dma_wait3A = arith.constant 0 : i32
      %dma_wait3A_112 = tpu.memref_slice %arg5[%scan3A_106, %dma_wait3A] : memref<79x128xi32, #tpu.memory_space<vmem>> -> memref<1x128xi32, #tpu.memory_space<vmem>>
      %dma_wait3A_113 = tpu.memref_squeeze %dma_wait3A_112 : memref<1x128xi32, #tpu.memory_space<vmem>> -> memref<128xi32, #tpu.memory_space<vmem>>
      %dma_wait3A_114 = arith.constant 0 : i32
      %dma_wait3A_115 = arith.constant 0 : i32
      %dma_wait3A_116 = tpu.memref_slice %arg2[%dma_wait3A_114, %dma_wait3A_115] : memref<10000x128xf32, #tpu.memory_space<hbm>> -> memref<10000x128xf32, #tpu.memory_space<hbm>>
      tpu.wait_indirect_dma semaphore(%arg10 : memref<!tpu.dma_semaphore, #tpu.memory_space<semaphore_mem>>) src(%dma_wait3A_116 : memref<10000x128xf32, #tpu.memory_space<hbm>>) dst(%arg7 : memref<128x128xf32, #tpu.memory_space<vmem>>)
      "tpu.region"() ({
        %run_scoped3A = tpu.sem_alloc : memref<!tpu.dma_semaphore, #tpu.memory_space<semaphore_mem>>
        %dma_start3A_117 = arith.constant 0 : i32
        %dma_start3A_118 = tpu.memref_slice %arg6[%scan3A_106, %dma_start3A_117] : memref<79x128xi32, #tpu.memory_space<vmem>> -> memref<1x128xi32, #tpu.memory_space<vmem>>
        %dma_start3A_119 = tpu.memref_squeeze %dma_start3A_118 : memref<1x128xi32, #tpu.memory_space<vmem>> -> memref<128xi32, #tpu.memory_space<vmem>>
        %dma_start3A_120 = arith.constant 0 : i32
        %dma_start3A_121 = arith.constant 0 : i32
        %dma_start3A_122 = tpu.memref_slice %arg9[%dma_start3A_120, %dma_start3A_121] : memref<10240x128xf32, #tpu.memory_space<vmem_shared>> -> memref<10240x128xf32, #tpu.memory_space<vmem_shared>>
        tpu.enqueue_indirect_dma source(%arg7 : memref<128x128xf32, #tpu.memory_space<vmem>>) target(%dma_start3A_122 : memref<10240x128xf32, #tpu.memory_space<vmem_shared>>) offsets(%dma_start3A_119 : memref<128xi32, #tpu.memory_space<vmem>>) semaphore(%run_scoped3A : memref<!tpu.dma_semaphore, #tpu.memory_space<semaphore_mem>>) {add = true}
        %dma_wait3A_123 = arith.constant 0 : i32
        %dma_wait3A_124 = tpu.memref_slice %arg6[%scan3A_106, %dma_wait3A_123] : memref<79x128xi32, #tpu.memory_space<vmem>> -> memref<1x128xi32, #tpu.memory_space<vmem>>
        %dma_wait3A_125 = tpu.memref_squeeze %dma_wait3A_124 : memref<1x128xi32, #tpu.memory_space<vmem>> -> memref<128xi32, #tpu.memory_space<vmem>>
        %dma_wait3A_126 = arith.constant 0 : i32
        %dma_wait3A_127 = arith.constant 0 : i32
        %dma_wait3A_128 = tpu.memref_slice %arg9[%dma_wait3A_126, %dma_wait3A_127] : memref<10240x128xf32, #tpu.memory_space<vmem_shared>> -> memref<10240x128xf32, #tpu.memory_space<vmem_shared>>
        tpu.wait_indirect_dma semaphore(%run_scoped3A : memref<!tpu.dma_semaphore, #tpu.memory_space<semaphore_mem>>) src(%arg7 : memref<128x128xf32, #tpu.memory_space<vmem>>) dst(%dma_wait3A_128 : memref<10240x128xf32, #tpu.memory_space<vmem_shared>>)
        tpu.yield
      }) : () -> ()
    }
    %scan3A_100 = arith.constant 79 : i32
    %barrier3A_101 = arith.constant 0 : index
    tpu.barrier barrier_id(%barrier3A_101)
    %mul3A_102 = arith.constant 640 : i32
    %mul3A_103 = arith.muli %arg1, %mul3A_102 : i32
    %mul3A_104 = arith.constant 640 : i32
    %mul3A_105 = arith.muli %arg1, %mul3A_104 : i32
    "tpu.region"() ({
      %run_scoped3A = tpu.sem_alloc : memref<!tpu.dma_semaphore, #tpu.memory_space<semaphore_mem>>
      %dma_start3A = arith.constant 0 : i32
      %dma_start3A_106 = tpu.memref_slice %arg4[%arg0, %mul3A_105, %dma_start3A] : memref<2x10240x128xf32, #tpu.memory_space<hbm>> -> memref<1x640x128xf32, #tpu.memory_space<hbm>>
      %dma_start3A_107 = tpu.memref_squeeze %dma_start3A_106 : memref<1x640x128xf32, #tpu.memory_space<hbm>> -> memref<640x128xf32, #tpu.memory_space<hbm>>
      %dma_start3A_108 = arith.constant 0 : i32
      %dma_start3A_109 = tpu.memref_slice %arg9[%mul3A_103, %dma_start3A_108] : memref<10240x128xf32, #tpu.memory_space<vmem_shared>> -> memref<640x128xf32, #tpu.memory_space<vmem_shared>>
      tpu.enqueue_dma source(%dma_start3A_109 : memref<640x128xf32, #tpu.memory_space<vmem_shared>>) target(%dma_start3A_107 : memref<640x128xf32, #tpu.memory_space<hbm>>) target_semaphore(%run_scoped3A : memref<!tpu.dma_semaphore, #tpu.memory_space<semaphore_mem>>)
      %dma_wait3A = arith.constant 0 : i32
      %dma_wait3A_110 = tpu.memref_slice %arg4[%arg0, %mul3A_105, %dma_wait3A] : memref<2x10240x128xf32, #tpu.memory_space<hbm>> -> memref<1x640x128xf32, #tpu.memory_space<hbm>>
      %dma_wait3A_111 = tpu.memref_squeeze %dma_wait3A_110 : memref<1x640x128xf32, #tpu.memory_space<hbm>> -> memref<640x128xf32, #tpu.memory_space<hbm>>
      %dma_wait3A_112 = arith.constant 0 : i32
      %dma_wait3A_113 = tpu.memref_slice %arg9[%mul3A_103, %dma_wait3A_112] : memref<10240x128xf32, #tpu.memory_space<vmem_shared>> -> memref<640x128xf32, #tpu.memory_space<vmem_shared>>
      tpu.wait_dma2 semaphore(%run_scoped3A : memref<!tpu.dma_semaphore, #tpu.memory_space<semaphore_mem>>) src(%dma_wait3A_113 : memref<640x128xf32, #tpu.memory_space<vmem_shared>>) dst(%dma_wait3A_111 : memref<640x128xf32, #tpu.memory_space<hbm>>)
      tpu.yield
    }) : () -> ()
    return
  }
}

#map = affine_map<(d0, d1) -> (0, 0)>
#map1 = affine_map<(d0, d1) -> (0, 0, 0)>
module attributes {stable_mosaic.version = 14 : i64} {
  func.func @_prop_sc(%arg0: i32, %arg1: i32, %arg2: memref<10000x128xf32, #tpu.memory_space<hbm>>, %arg3: memref<2x323584xi32, #tpu.memory_space<hbm>>, %arg4: memref<2x10240x128xf32, #tpu.memory_space<hbm>>, %arg5: memref<79x128xi32, #tpu.memory_space<vmem>>, %arg6: memref<79x128xi32, #tpu.memory_space<vmem>>, %arg7: memref<128x128xf32, #tpu.memory_space<vmem>>, %arg8: memref<32x128xf32, #tpu.memory_space<vmem>>, %arg9: memref<10240x128xf32, #tpu.memory_space<vmem_shared>>, %arg10: memref<!tpu.dma_semaphore, #tpu.memory_space<semaphore_mem>>) attributes {dimension_semantics = [#tpu.dimension_semantics<core_parallel>, #tpu.dimension_semantics<subcore_parallel>], iteration_bounds = array<i64: 2, 16>, scalar_prefetch = 0 : i64, scratch_operands = 6 : i64, tpu.core_type = #tpu.core_type<sc_vector_subcore>, window_params = [{transform_indices = #map}, {transform_indices = #map}, {transform_indices = #map1}]} {
    %mul3A = arith.constant 2 : i32
    %mul3A_0 = arith.muli %arg1, %mul3A : i32
    %add3A = arith.addi %mul3A_0, %arg0 : i32
    %mul3A_1 = arith.constant 10112 : i32
    %mul3A_2 = arith.muli %add3A, %mul3A_1 : i32
    %scan3A = arith.constant 0 : i32
    %scan3A_3 = arith.constant 0 : i32
    %scan3A_4 = arith.constant 79 : i32
    %scan3A_5 = arith.addi %scan3A_3, %scan3A_4 : i32
    %scan3A_6 = arith.constant 1 : i32
    scf.for %scan3A_106 = %scan3A_3 to %scan3A_5 step %scan3A_6  : i32 {
      %mul3A_107 = arith.constant 128 : i32
      %mul3A_108 = arith.muli %scan3A_106, %mul3A_107 : i32
      %add3A_109 = arith.addi %mul3A_2, %mul3A_108 : i32
      %run_scoped3A = arith.constant 0 : i32
      "tpu.region"() ({
        %run_scoped3A_114 = tpu.sem_alloc : memref<!tpu.dma_semaphore, #tpu.memory_space<semaphore_mem>>
        %dma_start3A = arith.constant 0 : i32
        %dma_start3A_115 = tpu.memref_slice %arg5[%scan3A_106, %dma_start3A] : memref<79x128xi32, #tpu.memory_space<vmem>> -> memref<1x128xi32, #tpu.memory_space<vmem>>
        %dma_start3A_116 = tpu.memref_squeeze %dma_start3A_115 : memref<1x128xi32, #tpu.memory_space<vmem>> -> memref<128xi32, #tpu.memory_space<vmem>>
        %dma_start3A_117 = tpu.memref_slice %arg3[%run_scoped3A, %add3A_109] : memref<2x323584xi32, #tpu.memory_space<hbm>> -> memref<1x128xi32, #tpu.memory_space<hbm>>
        %dma_start3A_118 = tpu.memref_squeeze %dma_start3A_117 : memref<1x128xi32, #tpu.memory_space<hbm>> -> memref<128xi32, #tpu.memory_space<hbm>>
        %dma_start3A_119 = arith.constant 0 : i32
        %dma_start3A_120 = tpu.memref_slice %arg5[%scan3A_106, %dma_start3A_119] : memref<79x128xi32, #tpu.memory_space<vmem>> -> memref<1x128xi32, #tpu.memory_space<vmem>>
        %dma_start3A_121 = tpu.memref_squeeze %dma_start3A_120 : memref<1x128xi32, #tpu.memory_space<vmem>> -> memref<128xi32, #tpu.memory_space<vmem>>
        %dma_start3A_122 = tpu.memref_slice %arg3[%run_scoped3A, %add3A_109] : memref<2x323584xi32, #tpu.memory_space<hbm>> -> memref<1x128xi32, #tpu.memory_space<hbm>>
        %dma_start3A_123 = tpu.memref_squeeze %dma_start3A_122 : memref<1x128xi32, #tpu.memory_space<hbm>> -> memref<128xi32, #tpu.memory_space<hbm>>
        tpu.enqueue_dma source(%dma_start3A_123 : memref<128xi32, #tpu.memory_space<hbm>>) target(%dma_start3A_121 : memref<128xi32, #tpu.memory_space<vmem>>) target_semaphore(%run_scoped3A_114 : memref<!tpu.dma_semaphore, #tpu.memory_space<semaphore_mem>>)
        %dma_wait3A = arith.constant 0 : i32
        %dma_wait3A_124 = tpu.memref_slice %arg5[%scan3A_106, %dma_wait3A] : memref<79x128xi32, #tpu.memory_space<vmem>> -> memref<1x128xi32, #tpu.memory_space<vmem>>
        %dma_wait3A_125 = tpu.memref_squeeze %dma_wait3A_124 : memref<1x128xi32, #tpu.memory_space<vmem>> -> memref<128xi32, #tpu.memory_space<vmem>>
        %dma_wait3A_126 = tpu.memref_slice %arg3[%run_scoped3A, %add3A_109] : memref<2x323584xi32, #tpu.memory_space<hbm>> -> memref<1x128xi32, #tpu.memory_space<hbm>>
        %dma_wait3A_127 = tpu.memref_squeeze %dma_wait3A_126 : memref<1x128xi32, #tpu.memory_space<hbm>> -> memref<128xi32, #tpu.memory_space<hbm>>
        %dma_wait3A_128 = arith.constant 0 : i32
        %dma_wait3A_129 = tpu.memref_slice %arg5[%scan3A_106, %dma_wait3A_128] : memref<79x128xi32, #tpu.memory_space<vmem>> -> memref<1x128xi32, #tpu.memory_space<vmem>>
        %dma_wait3A_130 = tpu.memref_squeeze %dma_wait3A_129 : memref<1x128xi32, #tpu.memory_space<vmem>> -> memref<128xi32, #tpu.memory_space<vmem>>
        %dma_wait3A_131 = tpu.memref_slice %arg3[%run_scoped3A, %add3A_109] : memref<2x323584xi32, #tpu.memory_space<hbm>> -> memref<1x128xi32, #tpu.memory_space<hbm>>
        %dma_wait3A_132 = tpu.memref_squeeze %dma_wait3A_131 : memref<1x128xi32, #tpu.memory_space<hbm>> -> memref<128xi32, #tpu.memory_space<hbm>>
        tpu.wait_dma2 semaphore(%run_scoped3A_114 : memref<!tpu.dma_semaphore, #tpu.memory_space<semaphore_mem>>) src(%dma_wait3A_132 : memref<128xi32, #tpu.memory_space<hbm>>) dst(%dma_wait3A_130 : memref<128xi32, #tpu.memory_space<vmem>>)
        tpu.yield
      }) : () -> ()
      %mul3A_110 = arith.constant 128 : i32
      %mul3A_111 = arith.muli %scan3A_106, %mul3A_110 : i32
      %add3A_112 = arith.addi %mul3A_2, %mul3A_111 : i32
      %run_scoped3A_113 = arith.constant 1 : i32
      "tpu.region"() ({
        %run_scoped3A_114 = tpu.sem_alloc : memref<!tpu.dma_semaphore, #tpu.memory_space<semaphore_mem>>
        %dma_start3A = arith.constant 0 : i32
        %dma_start3A_115 = tpu.memref_slice %arg6[%scan3A_106, %dma_start3A] : memref<79x128xi32, #tpu.memory_space<vmem>> -> memref<1x128xi32, #tpu.memory_space<vmem>>
        %dma_start3A_116 = tpu.memref_squeeze %dma_start3A_115 : memref<1x128xi32, #tpu.memory_space<vmem>> -> memref<128xi32, #tpu.memory_space<vmem>>
        %dma_start3A_117 = tpu.memref_slice %arg3[%run_scoped3A_113, %add3A_112] : memref<2x323584xi32, #tpu.memory_space<hbm>> -> memref<1x128xi32, #tpu.memory_space<hbm>>
        %dma_start3A_118 = tpu.memref_squeeze %dma_start3A_117 : memref<1x128xi32, #tpu.memory_space<hbm>> -> memref<128xi32, #tpu.memory_space<hbm>>
        %dma_start3A_119 = arith.constant 0 : i32
        %dma_start3A_120 = tpu.memref_slice %arg6[%scan3A_106, %dma_start3A_119] : memref<79x128xi32, #tpu.memory_space<vmem>> -> memref<1x128xi32, #tpu.memory_space<vmem>>
        %dma_start3A_121 = tpu.memref_squeeze %dma_start3A_120 : memref<1x128xi32, #tpu.memory_space<vmem>> -> memref<128xi32, #tpu.memory_space<vmem>>
        %dma_start3A_122 = tpu.memref_slice %arg3[%run_scoped3A_113, %add3A_112] : memref<2x323584xi32, #tpu.memory_space<hbm>> -> memref<1x128xi32, #tpu.memory_space<hbm>>
        %dma_start3A_123 = tpu.memref_squeeze %dma_start3A_122 : memref<1x128xi32, #tpu.memory_space<hbm>> -> memref<128xi32, #tpu.memory_space<hbm>>
        tpu.enqueue_dma source(%dma_start3A_123 : memref<128xi32, #tpu.memory_space<hbm>>) target(%dma_start3A_121 : memref<128xi32, #tpu.memory_space<vmem>>) target_semaphore(%run_scoped3A_114 : memref<!tpu.dma_semaphore, #tpu.memory_space<semaphore_mem>>)
        %dma_wait3A = arith.constant 0 : i32
        %dma_wait3A_124 = tpu.memref_slice %arg6[%scan3A_106, %dma_wait3A] : memref<79x128xi32, #tpu.memory_space<vmem>> -> memref<1x128xi32, #tpu.memory_space<vmem>>
        %dma_wait3A_125 = tpu.memref_squeeze %dma_wait3A_124 : memref<1x128xi32, #tpu.memory_space<vmem>> -> memref<128xi32, #tpu.memory_space<vmem>>
        %dma_wait3A_126 = tpu.memref_slice %arg3[%run_scoped3A_113, %add3A_112] : memref<2x323584xi32, #tpu.memory_space<hbm>> -> memref<1x128xi32, #tpu.memory_space<hbm>>
        %dma_wait3A_127 = tpu.memref_squeeze %dma_wait3A_126 : memref<1x128xi32, #tpu.memory_space<hbm>> -> memref<128xi32, #tpu.memory_space<hbm>>
        %dma_wait3A_128 = arith.constant 0 : i32
        %dma_wait3A_129 = tpu.memref_slice %arg6[%scan3A_106, %dma_wait3A_128] : memref<79x128xi32, #tpu.memory_space<vmem>> -> memref<1x128xi32, #tpu.memory_space<vmem>>
        %dma_wait3A_130 = tpu.memref_squeeze %dma_wait3A_129 : memref<1x128xi32, #tpu.memory_space<vmem>> -> memref<128xi32, #tpu.memory_space<vmem>>
        %dma_wait3A_131 = tpu.memref_slice %arg3[%run_scoped3A_113, %add3A_112] : memref<2x323584xi32, #tpu.memory_space<hbm>> -> memref<1x128xi32, #tpu.memory_space<hbm>>
        %dma_wait3A_132 = tpu.memref_squeeze %dma_wait3A_131 : memref<1x128xi32, #tpu.memory_space<hbm>> -> memref<128xi32, #tpu.memory_space<hbm>>
        tpu.wait_dma2 semaphore(%run_scoped3A_114 : memref<!tpu.dma_semaphore, #tpu.memory_space<semaphore_mem>>) src(%dma_wait3A_132 : memref<128xi32, #tpu.memory_space<hbm>>) dst(%dma_wait3A_130 : memref<128xi32, #tpu.memory_space<vmem>>)
        tpu.yield
      }) : () -> ()
    }
    %scan3A_7 = arith.constant 79 : i32
    %broadcast_in_dim3A = arith.constant 0.000000e+00 : f32
    %broadcast_in_dim3A_8 = vector.broadcast %broadcast_in_dim3A : f32 to vector<16xf32>
    %scan3A_9 = arith.constant 0 : i32
    %scan3A_10 = arith.constant 0 : i32
    %scan3A_11 = arith.constant 32 : i32
    %scan3A_12 = arith.addi %scan3A_10, %scan3A_11 : i32
    %scan3A_13 = arith.constant 1 : i32
    scf.for %scan3A_106 = %scan3A_10 to %scan3A_12 step %scan3A_13  : i32 {
      %swap3A = arith.index_cast %scan3A_106 : i32 to index
      %swap3A_107 = arith.constant 0 : index
      %swap3A_108 = tpu.vector_load %arg8[%swap3A, %swap3A_107] {strides = array<i32>} : memref<32x128xf32, #tpu.memory_space<vmem>>, vector<1x16xf32>,
      %swap3A_109 = vector.shape_cast %swap3A_108 : vector<1x16xf32> to vector<16xf32>
      %swap3A_110 = vector.shape_cast %broadcast_in_dim3A_8 : vector<16xf32> to vector<1x16xf32>
      tpu.vector_store %arg8[%swap3A, %swap3A_107], %swap3A_110 {strides = array<i32>} : memref<32x128xf32, #tpu.memory_space<vmem>>, vector<1x16xf32>,
      %swap3A_111 = arith.index_cast %scan3A_106 : i32 to index
      %swap3A_112 = arith.constant 16 : index
      %swap3A_113 = tpu.vector_load %arg8[%swap3A_111, %swap3A_112] {strides = array<i32>} : memref<32x128xf32, #tpu.memory_space<vmem>>, vector<1x16xf32>,
      %swap3A_114 = vector.shape_cast %swap3A_113 : vector<1x16xf32> to vector<16xf32>
      %swap3A_115 = vector.shape_cast %broadcast_in_dim3A_8 : vector<16xf32> to vector<1x16xf32>
      tpu.vector_store %arg8[%swap3A_111, %swap3A_112], %swap3A_115 {strides = array<i32>} : memref<32x128xf32, #tpu.memory_space<vmem>>, vector<1x16xf32>,
      %swap3A_116 = arith.index_cast %scan3A_106 : i32 to index
      %swap3A_117 = arith.constant 32 : index
      %swap3A_118 = tpu.vector_load %arg8[%swap3A_116, %swap3A_117] {strides = array<i32>} : memref<32x128xf32, #tpu.memory_space<vmem>>, vector<1x16xf32>,
      %swap3A_119 = vector.shape_cast %swap3A_118 : vector<1x16xf32> to vector<16xf32>
      %swap3A_120 = vector.shape_cast %broadcast_in_dim3A_8 : vector<16xf32> to vector<1x16xf32>
      tpu.vector_store %arg8[%swap3A_116, %swap3A_117], %swap3A_120 {strides = array<i32>} : memref<32x128xf32, #tpu.memory_space<vmem>>, vector<1x16xf32>,
      %swap3A_121 = arith.index_cast %scan3A_106 : i32 to index
      %swap3A_122 = arith.constant 48 : index
      %swap3A_123 = tpu.vector_load %arg8[%swap3A_121, %swap3A_122] {strides = array<i32>} : memref<32x128xf32, #tpu.memory_space<vmem>>, vector<1x16xf32>,
      %swap3A_124 = vector.shape_cast %swap3A_123 : vector<1x16xf32> to vector<16xf32>
      %swap3A_125 = vector.shape_cast %broadcast_in_dim3A_8 : vector<16xf32> to vector<1x16xf32>
      tpu.vector_store %arg8[%swap3A_121, %swap3A_122], %swap3A_125 {strides = array<i32>} : memref<32x128xf32, #tpu.memory_space<vmem>>, vector<1x16xf32>,
      %swap3A_126 = arith.index_cast %scan3A_106 : i32 to index
      %swap3A_127 = arith.constant 64 : index
      %swap3A_128 = tpu.vector_load %arg8[%swap3A_126, %swap3A_127] {strides = array<i32>} : memref<32x128xf32, #tpu.memory_space<vmem>>, vector<1x16xf32>,
      %swap3A_129 = vector.shape_cast %swap3A_128 : vector<1x16xf32> to vector<16xf32>
      %swap3A_130 = vector.shape_cast %broadcast_in_dim3A_8 : vector<16xf32> to vector<1x16xf32>
      tpu.vector_store %arg8[%swap3A_126, %swap3A_127], %swap3A_130 {strides = array<i32>} : memref<32x128xf32, #tpu.memory_space<vmem>>, vector<1x16xf32>,
      %swap3A_131 = arith.index_cast %scan3A_106 : i32 to index
      %swap3A_132 = arith.constant 80 : index
      %swap3A_133 = tpu.vector_load %arg8[%swap3A_131, %swap3A_132] {strides = array<i32>} : memref<32x128xf32, #tpu.memory_space<vmem>>, vector<1x16xf32>,
      %swap3A_134 = vector.shape_cast %swap3A_133 : vector<1x16xf32> to vector<16xf32>
      %swap3A_135 = vector.shape_cast %broadcast_in_dim3A_8 : vector<16xf32> to vector<1x16xf32>
      tpu.vector_store %arg8[%swap3A_131, %swap3A_132], %swap3A_135 {strides = array<i32>} : memref<32x128xf32, #tpu.memory_space<vmem>>, vector<1x16xf32>,
      %swap3A_136 = arith.index_cast %scan3A_106 : i32 to index
      %swap3A_137 = arith.constant 96 : index
      %swap3A_138 = tpu.vector_load %arg8[%swap3A_136, %swap3A_137] {strides = array<i32>} : memref<32x128xf32, #tpu.memory_space<vmem>>, vector<1x16xf32>,
      %swap3A_139 = vector.shape_cast %swap3A_138 : vector<1x16xf32> to vector<16xf32>
      %swap3A_140 = vector.shape_cast %broadcast_in_dim3A_8 : vector<16xf32> to vector<1x16xf32>
      tpu.vector_store %arg8[%swap3A_136, %swap3A_137], %swap3A_140 {strides = array<i32>} : memref<32x128xf32, #tpu.memory_space<vmem>>, vector<1x16xf32>,
      %swap3A_141 = arith.index_cast %scan3A_106 : i32 to index
      %swap3A_142 = arith.constant 112 : index
      %swap3A_143 = tpu.vector_load %arg8[%swap3A_141, %swap3A_142] {strides = array<i32>} : memref<32x128xf32, #tpu.memory_space<vmem>>, vector<1x16xf32>,
      %swap3A_144 = vector.shape_cast %swap3A_143 : vector<1x16xf32> to vector<16xf32>
      %swap3A_145 = vector.shape_cast %broadcast_in_dim3A_8 : vector<16xf32> to vector<1x16xf32>
      tpu.vector_store %arg8[%swap3A_141, %swap3A_142], %swap3A_145 {strides = array<i32>} : memref<32x128xf32, #tpu.memory_space<vmem>>, vector<1x16xf32>,
    }
    %scan3A_14 = arith.constant 32 : i32
    %mul3A_15 = arith.constant 640 : i32
    %mul3A_16 = arith.muli %arg1, %mul3A_15 : i32
    %add3A_17 = arith.constant 0 : i32
    %add3A_18 = arith.addi %mul3A_16, %add3A_17 : i32
    "tpu.region"() ({
      %run_scoped3A = tpu.sem_alloc : memref<!tpu.dma_semaphore, #tpu.memory_space<semaphore_mem>>
      %dma_start3A = arith.constant 0 : i32
      %dma_start3A_106 = tpu.memref_slice %arg9[%add3A_18, %dma_start3A] : memref<10240x128xf32, #tpu.memory_space<vmem_shared>> -> memref<32x128xf32, #tpu.memory_space<vmem_shared>>
      %dma_start3A_107 = arith.constant 0 : i32
      %dma_start3A_108 = tpu.memref_slice %arg9[%add3A_18, %dma_start3A_107] : memref<10240x128xf32, #tpu.memory_space<vmem_shared>> -> memref<32x128xf32, #tpu.memory_space<vmem_shared>>
      tpu.enqueue_dma source(%arg8 : memref<32x128xf32, #tpu.memory_space<vmem>>) target(%dma_start3A_108 : memref<32x128xf32, #tpu.memory_space<vmem_shared>>) target_semaphore(%run_scoped3A : memref<!tpu.dma_semaphore, #tpu.memory_space<semaphore_mem>>)
      %dma_wait3A = arith.constant 0 : i32
      %dma_wait3A_109 = tpu.memref_slice %arg9[%add3A_18, %dma_wait3A] : memref<10240x128xf32, #tpu.memory_space<vmem_shared>> -> memref<32x128xf32, #tpu.memory_space<vmem_shared>>
      %dma_wait3A_110 = arith.constant 0 : i32
      %dma_wait3A_111 = tpu.memref_slice %arg9[%add3A_18, %dma_wait3A_110] : memref<10240x128xf32, #tpu.memory_space<vmem_shared>> -> memref<32x128xf32, #tpu.memory_space<vmem_shared>>
      tpu.wait_dma2 semaphore(%run_scoped3A : memref<!tpu.dma_semaphore, #tpu.memory_space<semaphore_mem>>) src(%arg8 : memref<32x128xf32, #tpu.memory_space<vmem>>) dst(%dma_wait3A_111 : memref<32x128xf32, #tpu.memory_space<vmem_shared>>)
      tpu.yield
    }) : () -> ()
    %mul3A_19 = arith.constant 640 : i32
    %mul3A_20 = arith.muli %arg1, %mul3A_19 : i32
    %add3A_21 = arith.constant 32 : i32
    %add3A_22 = arith.addi %mul3A_20, %add3A_21 : i32
    "tpu.region"() ({
      %run_scoped3A = tpu.sem_alloc : memref<!tpu.dma_semaphore, #tpu.memory_space<semaphore_mem>>
      %dma_start3A = arith.constant 0 : i32
      %dma_start3A_106 = tpu.memref_slice %arg9[%add3A_22, %dma_start3A] : memref<10240x128xf32, #tpu.memory_space<vmem_shared>> -> memref<32x128xf32, #tpu.memory_space<vmem_shared>>
      %dma_start3A_107 = arith.constant 0 : i32
      %dma_start3A_108 = tpu.memref_slice %arg9[%add3A_22, %dma_start3A_107] : memref<10240x128xf32, #tpu.memory_space<vmem_shared>> -> memref<32x128xf32, #tpu.memory_space<vmem_shared>>
      tpu.enqueue_dma source(%arg8 : memref<32x128xf32, #tpu.memory_space<vmem>>) target(%dma_start3A_108 : memref<32x128xf32, #tpu.memory_space<vmem_shared>>) target_semaphore(%run_scoped3A : memref<!tpu.dma_semaphore, #tpu.memory_space<semaphore_mem>>)
      %dma_wait3A = arith.constant 0 : i32
      %dma_wait3A_109 = tpu.memref_slice %arg9[%add3A_22, %dma_wait3A] : memref<10240x128xf32, #tpu.memory_space<vmem_shared>> -> memref<32x128xf32, #tpu.memory_space<vmem_shared>>
      %dma_wait3A_110 = arith.constant 0 : i32
      %dma_wait3A_111 = tpu.memref_slice %arg9[%add3A_22, %dma_wait3A_110] : memref<10240x128xf32, #tpu.memory_space<vmem_shared>> -> memref<32x128xf32, #tpu.memory_space<vmem_shared>>
      tpu.wait_dma2 semaphore(%run_scoped3A : memref<!tpu.dma_semaphore, #tpu.memory_space<semaphore_mem>>) src(%arg8 : memref<32x128xf32, #tpu.memory_space<vmem>>) dst(%dma_wait3A_111 : memref<32x128xf32, #tpu.memory_space<vmem_shared>>)
      tpu.yield
    }) : () -> ()
    %mul3A_23 = arith.constant 640 : i32
    %mul3A_24 = arith.muli %arg1, %mul3A_23 : i32
    %add3A_25 = arith.constant 64 : i32
    %add3A_26 = arith.addi %mul3A_24, %add3A_25 : i32
    "tpu.region"() ({
      %run_scoped3A = tpu.sem_alloc : memref<!tpu.dma_semaphore, #tpu.memory_space<semaphore_mem>>
      %dma_start3A = arith.constant 0 : i32
      %dma_start3A_106 = tpu.memref_slice %arg9[%add3A_26, %dma_start3A] : memref<10240x128xf32, #tpu.memory_space<vmem_shared>> -> memref<32x128xf32, #tpu.memory_space<vmem_shared>>
      %dma_start3A_107 = arith.constant 0 : i32
      %dma_start3A_108 = tpu.memref_slice %arg9[%add3A_26, %dma_start3A_107] : memref<10240x128xf32, #tpu.memory_space<vmem_shared>> -> memref<32x128xf32, #tpu.memory_space<vmem_shared>>
      tpu.enqueue_dma source(%arg8 : memref<32x128xf32, #tpu.memory_space<vmem>>) target(%dma_start3A_108 : memref<32x128xf32, #tpu.memory_space<vmem_shared>>) target_semaphore(%run_scoped3A : memref<!tpu.dma_semaphore, #tpu.memory_space<semaphore_mem>>)
      %dma_wait3A = arith.constant 0 : i32
      %dma_wait3A_109 = tpu.memref_slice %arg9[%add3A_26, %dma_wait3A] : memref<10240x128xf32, #tpu.memory_space<vmem_shared>> -> memref<32x128xf32, #tpu.memory_space<vmem_shared>>
      %dma_wait3A_110 = arith.constant 0 : i32
      %dma_wait3A_111 = tpu.memref_slice %arg9[%add3A_26, %dma_wait3A_110] : memref<10240x128xf32, #tpu.memory_space<vmem_shared>> -> memref<32x128xf32, #tpu.memory_space<vmem_shared>>
      tpu.wait_dma2 semaphore(%run_scoped3A : memref<!tpu.dma_semaphore, #tpu.memory_space<semaphore_mem>>) src(%arg8 : memref<32x128xf32, #tpu.memory_space<vmem>>) dst(%dma_wait3A_111 : memref<32x128xf32, #tpu.memory_space<vmem_shared>>)
      tpu.yield
    }) : () -> ()
    %mul3A_27 = arith.constant 640 : i32
    %mul3A_28 = arith.muli %arg1, %mul3A_27 : i32
    %add3A_29 = arith.constant 96 : i32
    %add3A_30 = arith.addi %mul3A_28, %add3A_29 : i32
    "tpu.region"() ({
      %run_scoped3A = tpu.sem_alloc : memref<!tpu.dma_semaphore, #tpu.memory_space<semaphore_mem>>
      %dma_start3A = arith.constant 0 : i32
      %dma_start3A_106 = tpu.memref_slice %arg9[%add3A_30, %dma_start3A] : memref<10240x128xf32, #tpu.memory_space<vmem_shared>> -> memref<32x128xf32, #tpu.memory_space<vmem_shared>>
      %dma_start3A_107 = arith.constant 0 : i32
      %dma_start3A_108 = tpu.memref_slice %arg9[%add3A_30, %dma_start3A_107] : memref<10240x128xf32, #tpu.memory_space<vmem_shared>> -> memref<32x128xf32, #tpu.memory_space<vmem_shared>>
      tpu.enqueue_dma source(%arg8 : memref<32x128xf32, #tpu.memory_space<vmem>>) target(%dma_start3A_108 : memref<32x128xf32, #tpu.memory_space<vmem_shared>>) target_semaphore(%run_scoped3A : memref<!tpu.dma_semaphore, #tpu.memory_space<semaphore_mem>>)
      %dma_wait3A = arith.constant 0 : i32
      %dma_wait3A_109 = tpu.memref_slice %arg9[%add3A_30, %dma_wait3A] : memref<10240x128xf32, #tpu.memory_space<vmem_shared>> -> memref<32x128xf32, #tpu.memory_space<vmem_shared>>
      %dma_wait3A_110 = arith.constant 0 : i32
      %dma_wait3A_111 = tpu.memref_slice %arg9[%add3A_30, %dma_wait3A_110] : memref<10240x128xf32, #tpu.memory_space<vmem_shared>> -> memref<32x128xf32, #tpu.memory_space<vmem_shared>>
      tpu.wait_dma2 semaphore(%run_scoped3A : memref<!tpu.dma_semaphore, #tpu.memory_space<semaphore_mem>>) src(%arg8 : memref<32x128xf32, #tpu.memory_space<vmem>>) dst(%dma_wait3A_111 : memref<32x128xf32, #tpu.memory_space<vmem_shared>>)
      tpu.yield
    }) : () -> ()
    %mul3A_31 = arith.constant 640 : i32
    %mul3A_32 = arith.muli %arg1, %mul3A_31 : i32
    %add3A_33 = arith.constant 128 : i32
    %add3A_34 = arith.addi %mul3A_32, %add3A_33 : i32
    "tpu.region"() ({
      %run_scoped3A = tpu.sem_alloc : memref<!tpu.dma_semaphore, #tpu.memory_space<semaphore_mem>>
      %dma_start3A = arith.constant 0 : i32
      %dma_start3A_106 = tpu.memref_slice %arg9[%add3A_34, %dma_start3A] : memref<10240x128xf32, #tpu.memory_space<vmem_shared>> -> memref<32x128xf32, #tpu.memory_space<vmem_shared>>
      %dma_start3A_107 = arith.constant 0 : i32
      %dma_start3A_108 = tpu.memref_slice %arg9[%add3A_34, %dma_start3A_107] : memref<10240x128xf32, #tpu.memory_space<vmem_shared>> -> memref<32x128xf32, #tpu.memory_space<vmem_shared>>
      tpu.enqueue_dma source(%arg8 : memref<32x128xf32, #tpu.memory_space<vmem>>) target(%dma_start3A_108 : memref<32x128xf32, #tpu.memory_space<vmem_shared>>) target_semaphore(%run_scoped3A : memref<!tpu.dma_semaphore, #tpu.memory_space<semaphore_mem>>)
      %dma_wait3A = arith.constant 0 : i32
      %dma_wait3A_109 = tpu.memref_slice %arg9[%add3A_34, %dma_wait3A] : memref<10240x128xf32, #tpu.memory_space<vmem_shared>> -> memref<32x128xf32, #tpu.memory_space<vmem_shared>>
      %dma_wait3A_110 = arith.constant 0 : i32
      %dma_wait3A_111 = tpu.memref_slice %arg9[%add3A_34, %dma_wait3A_110] : memref<10240x128xf32, #tpu.memory_space<vmem_shared>> -> memref<32x128xf32, #tpu.memory_space<vmem_shared>>
      tpu.wait_dma2 semaphore(%run_scoped3A : memref<!tpu.dma_semaphore, #tpu.memory_space<semaphore_mem>>) src(%arg8 : memref<32x128xf32, #tpu.memory_space<vmem>>) dst(%dma_wait3A_111 : memref<32x128xf32, #tpu.memory_space<vmem_shared>>)
      tpu.yield
    }) : () -> ()
    %mul3A_35 = arith.constant 640 : i32
    %mul3A_36 = arith.muli %arg1, %mul3A_35 : i32
    %add3A_37 = arith.constant 160 : i32
    %add3A_38 = arith.addi %mul3A_36, %add3A_37 : i32
    "tpu.region"() ({
      %run_scoped3A = tpu.sem_alloc : memref<!tpu.dma_semaphore, #tpu.memory_space<semaphore_mem>>
      %dma_start3A = arith.constant 0 : i32
      %dma_start3A_106 = tpu.memref_slice %arg9[%add3A_38, %dma_start3A] : memref<10240x128xf32, #tpu.memory_space<vmem_shared>> -> memref<32x128xf32, #tpu.memory_space<vmem_shared>>
      %dma_start3A_107 = arith.constant 0 : i32
      %dma_start3A_108 = tpu.memref_slice %arg9[%add3A_38, %dma_start3A_107] : memref<10240x128xf32, #tpu.memory_space<vmem_shared>> -> memref<32x128xf32, #tpu.memory_space<vmem_shared>>
      tpu.enqueue_dma source(%arg8 : memref<32x128xf32, #tpu.memory_space<vmem>>) target(%dma_start3A_108 : memref<32x128xf32, #tpu.memory_space<vmem_shared>>) target_semaphore(%run_scoped3A : memref<!tpu.dma_semaphore, #tpu.memory_space<semaphore_mem>>)
      %dma_wait3A = arith.constant 0 : i32
      %dma_wait3A_109 = tpu.memref_slice %arg9[%add3A_38, %dma_wait3A] : memref<10240x128xf32, #tpu.memory_space<vmem_shared>> -> memref<32x128xf32, #tpu.memory_space<vmem_shared>>
      %dma_wait3A_110 = arith.constant 0 : i32
      %dma_wait3A_111 = tpu.memref_slice %arg9[%add3A_38, %dma_wait3A_110] : memref<10240x128xf32, #tpu.memory_space<vmem_shared>> -> memref<32x128xf32, #tpu.memory_space<vmem_shared>>
      tpu.wait_dma2 semaphore(%run_scoped3A : memref<!tpu.dma_semaphore, #tpu.memory_space<semaphore_mem>>) src(%arg8 : memref<32x128xf32, #tpu.memory_space<vmem>>) dst(%dma_wait3A_111 : memref<32x128xf32, #tpu.memory_space<vmem_shared>>)
      tpu.yield
    }) : () -> ()
    %mul3A_39 = arith.constant 640 : i32
    %mul3A_40 = arith.muli %arg1, %mul3A_39 : i32
    %add3A_41 = arith.constant 192 : i32
    %add3A_42 = arith.addi %mul3A_40, %add3A_41 : i32
    "tpu.region"() ({
      %run_scoped3A = tpu.sem_alloc : memref<!tpu.dma_semaphore, #tpu.memory_space<semaphore_mem>>
      %dma_start3A = arith.constant 0 : i32
      %dma_start3A_106 = tpu.memref_slice %arg9[%add3A_42, %dma_start3A] : memref<10240x128xf32, #tpu.memory_space<vmem_shared>> -> memref<32x128xf32, #tpu.memory_space<vmem_shared>>
      %dma_start3A_107 = arith.constant 0 : i32
      %dma_start3A_108 = tpu.memref_slice %arg9[%add3A_42, %dma_start3A_107] : memref<10240x128xf32, #tpu.memory_space<vmem_shared>> -> memref<32x128xf32, #tpu.memory_space<vmem_shared>>
      tpu.enqueue_dma source(%arg8 : memref<32x128xf32, #tpu.memory_space<vmem>>) target(%dma_start3A_108 : memref<32x128xf32, #tpu.memory_space<vmem_shared>>) target_semaphore(%run_scoped3A : memref<!tpu.dma_semaphore, #tpu.memory_space<semaphore_mem>>)
      %dma_wait3A = arith.constant 0 : i32
      %dma_wait3A_109 = tpu.memref_slice %arg9[%add3A_42, %dma_wait3A] : memref<10240x128xf32, #tpu.memory_space<vmem_shared>> -> memref<32x128xf32, #tpu.memory_space<vmem_shared>>
      %dma_wait3A_110 = arith.constant 0 : i32
      %dma_wait3A_111 = tpu.memref_slice %arg9[%add3A_42, %dma_wait3A_110] : memref<10240x128xf32, #tpu.memory_space<vmem_shared>> -> memref<32x128xf32, #tpu.memory_space<vmem_shared>>
      tpu.wait_dma2 semaphore(%run_scoped3A : memref<!tpu.dma_semaphore, #tpu.memory_space<semaphore_mem>>) src(%arg8 : memref<32x128xf32, #tpu.memory_space<vmem>>) dst(%dma_wait3A_111 : memref<32x128xf32, #tpu.memory_space<vmem_shared>>)
      tpu.yield
    }) : () -> ()
    %mul3A_43 = arith.constant 640 : i32
    %mul3A_44 = arith.muli %arg1, %mul3A_43 : i32
    %add3A_45 = arith.constant 224 : i32
    %add3A_46 = arith.addi %mul3A_44, %add3A_45 : i32
    "tpu.region"() ({
      %run_scoped3A = tpu.sem_alloc : memref<!tpu.dma_semaphore, #tpu.memory_space<semaphore_mem>>
      %dma_start3A = arith.constant 0 : i32
      %dma_start3A_106 = tpu.memref_slice %arg9[%add3A_46, %dma_start3A] : memref<10240x128xf32, #tpu.memory_space<vmem_shared>> -> memref<32x128xf32, #tpu.memory_space<vmem_shared>>
      %dma_start3A_107 = arith.constant 0 : i32
      %dma_start3A_108 = tpu.memref_slice %arg9[%add3A_46, %dma_start3A_107] : memref<10240x128xf32, #tpu.memory_space<vmem_shared>> -> memref<32x128xf32, #tpu.memory_space<vmem_shared>>
      tpu.enqueue_dma source(%arg8 : memref<32x128xf32, #tpu.memory_space<vmem>>) target(%dma_start3A_108 : memref<32x128xf32, #tpu.memory_space<vmem_shared>>) target_semaphore(%run_scoped3A : memref<!tpu.dma_semaphore, #tpu.memory_space<semaphore_mem>>)
      %dma_wait3A = arith.constant 0 : i32
      %dma_wait3A_109 = tpu.memref_slice %arg9[%add3A_46, %dma_wait3A] : memref<10240x128xf32, #tpu.memory_space<vmem_shared>> -> memref<32x128xf32, #tpu.memory_space<vmem_shared>>
      %dma_wait3A_110 = arith.constant 0 : i32
      %dma_wait3A_111 = tpu.memref_slice %arg9[%add3A_46, %dma_wait3A_110] : memref<10240x128xf32, #tpu.memory_space<vmem_shared>> -> memref<32x128xf32, #tpu.memory_space<vmem_shared>>
      tpu.wait_dma2 semaphore(%run_scoped3A : memref<!tpu.dma_semaphore, #tpu.memory_space<semaphore_mem>>) src(%arg8 : memref<32x128xf32, #tpu.memory_space<vmem>>) dst(%dma_wait3A_111 : memref<32x128xf32, #tpu.memory_space<vmem_shared>>)
      tpu.yield
    }) : () -> ()
    %mul3A_47 = arith.constant 640 : i32
    %mul3A_48 = arith.muli %arg1, %mul3A_47 : i32
    %add3A_49 = arith.constant 256 : i32
    %add3A_50 = arith.addi %mul3A_48, %add3A_49 : i32
    "tpu.region"() ({
      %run_scoped3A = tpu.sem_alloc : memref<!tpu.dma_semaphore, #tpu.memory_space<semaphore_mem>>
      %dma_start3A = arith.constant 0 : i32
      %dma_start3A_106 = tpu.memref_slice %arg9[%add3A_50, %dma_start3A] : memref<10240x128xf32, #tpu.memory_space<vmem_shared>> -> memref<32x128xf32, #tpu.memory_space<vmem_shared>>
      %dma_start3A_107 = arith.constant 0 : i32
      %dma_start3A_108 = tpu.memref_slice %arg9[%add3A_50, %dma_start3A_107] : memref<10240x128xf32, #tpu.memory_space<vmem_shared>> -> memref<32x128xf32, #tpu.memory_space<vmem_shared>>
      tpu.enqueue_dma source(%arg8 : memref<32x128xf32, #tpu.memory_space<vmem>>) target(%dma_start3A_108 : memref<32x128xf32, #tpu.memory_space<vmem_shared>>) target_semaphore(%run_scoped3A : memref<!tpu.dma_semaphore, #tpu.memory_space<semaphore_mem>>)
      %dma_wait3A = arith.constant 0 : i32
      %dma_wait3A_109 = tpu.memref_slice %arg9[%add3A_50, %dma_wait3A] : memref<10240x128xf32, #tpu.memory_space<vmem_shared>> -> memref<32x128xf32, #tpu.memory_space<vmem_shared>>
      %dma_wait3A_110 = arith.constant 0 : i32
      %dma_wait3A_111 = tpu.memref_slice %arg9[%add3A_50, %dma_wait3A_110] : memref<10240x128xf32, #tpu.memory_space<vmem_shared>> -> memref<32x128xf32, #tpu.memory_space<vmem_shared>>
      tpu.wait_dma2 semaphore(%run_scoped3A : memref<!tpu.dma_semaphore, #tpu.memory_space<semaphore_mem>>) src(%arg8 : memref<32x128xf32, #tpu.memory_space<vmem>>) dst(%dma_wait3A_111 : memref<32x128xf32, #tpu.memory_space<vmem_shared>>)
      tpu.yield
    }) : () -> ()
    %mul3A_51 = arith.constant 640 : i32
    %mul3A_52 = arith.muli %arg1, %mul3A_51 : i32
    %add3A_53 = arith.constant 288 : i32
    %add3A_54 = arith.addi %mul3A_52, %add3A_53 : i32
    "tpu.region"() ({
      %run_scoped3A = tpu.sem_alloc : memref<!tpu.dma_semaphore, #tpu.memory_space<semaphore_mem>>
      %dma_start3A = arith.constant 0 : i32
      %dma_start3A_106 = tpu.memref_slice %arg9[%add3A_54, %dma_start3A] : memref<10240x128xf32, #tpu.memory_space<vmem_shared>> -> memref<32x128xf32, #tpu.memory_space<vmem_shared>>
      %dma_start3A_107 = arith.constant 0 : i32
      %dma_start3A_108 = tpu.memref_slice %arg9[%add3A_54, %dma_start3A_107] : memref<10240x128xf32, #tpu.memory_space<vmem_shared>> -> memref<32x128xf32, #tpu.memory_space<vmem_shared>>
      tpu.enqueue_dma source(%arg8 : memref<32x128xf32, #tpu.memory_space<vmem>>) target(%dma_start3A_108 : memref<32x128xf32, #tpu.memory_space<vmem_shared>>) target_semaphore(%run_scoped3A : memref<!tpu.dma_semaphore, #tpu.memory_space<semaphore_mem>>)
      %dma_wait3A = arith.constant 0 : i32
      %dma_wait3A_109 = tpu.memref_slice %arg9[%add3A_54, %dma_wait3A] : memref<10240x128xf32, #tpu.memory_space<vmem_shared>> -> memref<32x128xf32, #tpu.memory_space<vmem_shared>>
      %dma_wait3A_110 = arith.constant 0 : i32
      %dma_wait3A_111 = tpu.memref_slice %arg9[%add3A_54, %dma_wait3A_110] : memref<10240x128xf32, #tpu.memory_space<vmem_shared>> -> memref<32x128xf32, #tpu.memory_space<vmem_shared>>
      tpu.wait_dma2 semaphore(%run_scoped3A : memref<!tpu.dma_semaphore, #tpu.memory_space<semaphore_mem>>) src(%arg8 : memref<32x128xf32, #tpu.memory_space<vmem>>) dst(%dma_wait3A_111 : memref<32x128xf32, #tpu.memory_space<vmem_shared>>)
      tpu.yield
    }) : () -> ()
    %mul3A_55 = arith.constant 640 : i32
    %mul3A_56 = arith.muli %arg1, %mul3A_55 : i32
    %add3A_57 = arith.constant 320 : i32
    %add3A_58 = arith.addi %mul3A_56, %add3A_57 : i32
    "tpu.region"() ({
      %run_scoped3A = tpu.sem_alloc : memref<!tpu.dma_semaphore, #tpu.memory_space<semaphore_mem>>
      %dma_start3A = arith.constant 0 : i32
      %dma_start3A_106 = tpu.memref_slice %arg9[%add3A_58, %dma_start3A] : memref<10240x128xf32, #tpu.memory_space<vmem_shared>> -> memref<32x128xf32, #tpu.memory_space<vmem_shared>>
      %dma_start3A_107 = arith.constant 0 : i32
      %dma_start3A_108 = tpu.memref_slice %arg9[%add3A_58, %dma_start3A_107] : memref<10240x128xf32, #tpu.memory_space<vmem_shared>> -> memref<32x128xf32, #tpu.memory_space<vmem_shared>>
      tpu.enqueue_dma source(%arg8 : memref<32x128xf32, #tpu.memory_space<vmem>>) target(%dma_start3A_108 : memref<32x128xf32, #tpu.memory_space<vmem_shared>>) target_semaphore(%run_scoped3A : memref<!tpu.dma_semaphore, #tpu.memory_space<semaphore_mem>>)
      %dma_wait3A = arith.constant 0 : i32
      %dma_wait3A_109 = tpu.memref_slice %arg9[%add3A_58, %dma_wait3A] : memref<10240x128xf32, #tpu.memory_space<vmem_shared>> -> memref<32x128xf32, #tpu.memory_space<vmem_shared>>
      %dma_wait3A_110 = arith.constant 0 : i32
      %dma_wait3A_111 = tpu.memref_slice %arg9[%add3A_58, %dma_wait3A_110] : memref<10240x128xf32, #tpu.memory_space<vmem_shared>> -> memref<32x128xf32, #tpu.memory_space<vmem_shared>>
      tpu.wait_dma2 semaphore(%run_scoped3A : memref<!tpu.dma_semaphore, #tpu.memory_space<semaphore_mem>>) src(%arg8 : memref<32x128xf32, #tpu.memory_space<vmem>>) dst(%dma_wait3A_111 : memref<32x128xf32, #tpu.memory_space<vmem_shared>>)
      tpu.yield
    }) : () -> ()
    %mul3A_59 = arith.constant 640 : i32
    %mul3A_60 = arith.muli %arg1, %mul3A_59 : i32
    %add3A_61 = arith.constant 352 : i32
    %add3A_62 = arith.addi %mul3A_60, %add3A_61 : i32
    "tpu.region"() ({
      %run_scoped3A = tpu.sem_alloc : memref<!tpu.dma_semaphore, #tpu.memory_space<semaphore_mem>>
      %dma_start3A = arith.constant 0 : i32
      %dma_start3A_106 = tpu.memref_slice %arg9[%add3A_62, %dma_start3A] : memref<10240x128xf32, #tpu.memory_space<vmem_shared>> -> memref<32x128xf32, #tpu.memory_space<vmem_shared>>
      %dma_start3A_107 = arith.constant 0 : i32
      %dma_start3A_108 = tpu.memref_slice %arg9[%add3A_62, %dma_start3A_107] : memref<10240x128xf32, #tpu.memory_space<vmem_shared>> -> memref<32x128xf32, #tpu.memory_space<vmem_shared>>
      tpu.enqueue_dma source(%arg8 : memref<32x128xf32, #tpu.memory_space<vmem>>) target(%dma_start3A_108 : memref<32x128xf32, #tpu.memory_space<vmem_shared>>) target_semaphore(%run_scoped3A : memref<!tpu.dma_semaphore, #tpu.memory_space<semaphore_mem>>)
      %dma_wait3A = arith.constant 0 : i32
      %dma_wait3A_109 = tpu.memref_slice %arg9[%add3A_62, %dma_wait3A] : memref<10240x128xf32, #tpu.memory_space<vmem_shared>> -> memref<32x128xf32, #tpu.memory_space<vmem_shared>>
      %dma_wait3A_110 = arith.constant 0 : i32
      %dma_wait3A_111 = tpu.memref_slice %arg9[%add3A_62, %dma_wait3A_110] : memref<10240x128xf32, #tpu.memory_space<vmem_shared>> -> memref<32x128xf32, #tpu.memory_space<vmem_shared>>
      tpu.wait_dma2 semaphore(%run_scoped3A : memref<!tpu.dma_semaphore, #tpu.memory_space<semaphore_mem>>) src(%arg8 : memref<32x128xf32, #tpu.memory_space<vmem>>) dst(%dma_wait3A_111 : memref<32x128xf32, #tpu.memory_space<vmem_shared>>)
      tpu.yield
    }) : () -> ()
    %mul3A_63 = arith.constant 640 : i32
    %mul3A_64 = arith.muli %arg1, %mul3A_63 : i32
    %add3A_65 = arith.constant 384 : i32
    %add3A_66 = arith.addi %mul3A_64, %add3A_65 : i32
    "tpu.region"() ({
      %run_scoped3A = tpu.sem_alloc : memref<!tpu.dma_semaphore, #tpu.memory_space<semaphore_mem>>
      %dma_start3A = arith.constant 0 : i32
      %dma_start3A_106 = tpu.memref_slice %arg9[%add3A_66, %dma_start3A] : memref<10240x128xf32, #tpu.memory_space<vmem_shared>> -> memref<32x128xf32, #tpu.memory_space<vmem_shared>>
      %dma_start3A_107 = arith.constant 0 : i32
      %dma_start3A_108 = tpu.memref_slice %arg9[%add3A_66, %dma_start3A_107] : memref<10240x128xf32, #tpu.memory_space<vmem_shared>> -> memref<32x128xf32, #tpu.memory_space<vmem_shared>>
      tpu.enqueue_dma source(%arg8 : memref<32x128xf32, #tpu.memory_space<vmem>>) target(%dma_start3A_108 : memref<32x128xf32, #tpu.memory_space<vmem_shared>>) target_semaphore(%run_scoped3A : memref<!tpu.dma_semaphore, #tpu.memory_space<semaphore_mem>>)
      %dma_wait3A = arith.constant 0 : i32
      %dma_wait3A_109 = tpu.memref_slice %arg9[%add3A_66, %dma_wait3A] : memref<10240x128xf32, #tpu.memory_space<vmem_shared>> -> memref<32x128xf32, #tpu.memory_space<vmem_shared>>
      %dma_wait3A_110 = arith.constant 0 : i32
      %dma_wait3A_111 = tpu.memref_slice %arg9[%add3A_66, %dma_wait3A_110] : memref<10240x128xf32, #tpu.memory_space<vmem_shared>> -> memref<32x128xf32, #tpu.memory_space<vmem_shared>>
      tpu.wait_dma2 semaphore(%run_scoped3A : memref<!tpu.dma_semaphore, #tpu.memory_space<semaphore_mem>>) src(%arg8 : memref<32x128xf32, #tpu.memory_space<vmem>>) dst(%dma_wait3A_111 : memref<32x128xf32, #tpu.memory_space<vmem_shared>>)
      tpu.yield
    }) : () -> ()
    %mul3A_67 = arith.constant 640 : i32
    %mul3A_68 = arith.muli %arg1, %mul3A_67 : i32
    %add3A_69 = arith.constant 416 : i32
    %add3A_70 = arith.addi %mul3A_68, %add3A_69 : i32
    "tpu.region"() ({
      %run_scoped3A = tpu.sem_alloc : memref<!tpu.dma_semaphore, #tpu.memory_space<semaphore_mem>>
      %dma_start3A = arith.constant 0 : i32
      %dma_start3A_106 = tpu.memref_slice %arg9[%add3A_70, %dma_start3A] : memref<10240x128xf32, #tpu.memory_space<vmem_shared>> -> memref<32x128xf32, #tpu.memory_space<vmem_shared>>
      %dma_start3A_107 = arith.constant 0 : i32
      %dma_start3A_108 = tpu.memref_slice %arg9[%add3A_70, %dma_start3A_107] : memref<10240x128xf32, #tpu.memory_space<vmem_shared>> -> memref<32x128xf32, #tpu.memory_space<vmem_shared>>
      tpu.enqueue_dma source(%arg8 : memref<32x128xf32, #tpu.memory_space<vmem>>) target(%dma_start3A_108 : memref<32x128xf32, #tpu.memory_space<vmem_shared>>) target_semaphore(%run_scoped3A : memref<!tpu.dma_semaphore, #tpu.memory_space<semaphore_mem>>)
      %dma_wait3A = arith.constant 0 : i32
      %dma_wait3A_109 = tpu.memref_slice %arg9[%add3A_70, %dma_wait3A] : memref<10240x128xf32, #tpu.memory_space<vmem_shared>> -> memref<32x128xf32, #tpu.memory_space<vmem_shared>>
      %dma_wait3A_110 = arith.constant 0 : i32
      %dma_wait3A_111 = tpu.memref_slice %arg9[%add3A_70, %dma_wait3A_110] : memref<10240x128xf32, #tpu.memory_space<vmem_shared>> -> memref<32x128xf32, #tpu.memory_space<vmem_shared>>
      tpu.wait_dma2 semaphore(%run_scoped3A : memref<!tpu.dma_semaphore, #tpu.memory_space<semaphore_mem>>) src(%arg8 : memref<32x128xf32, #tpu.memory_space<vmem>>) dst(%dma_wait3A_111 : memref<32x128xf32, #tpu.memory_space<vmem_shared>>)
      tpu.yield
    }) : () -> ()
    %mul3A_71 = arith.constant 640 : i32
    %mul3A_72 = arith.muli %arg1, %mul3A_71 : i32
    %add3A_73 = arith.constant 448 : i32
    %add3A_74 = arith.addi %mul3A_72, %add3A_73 : i32
    "tpu.region"() ({
      %run_scoped3A = tpu.sem_alloc : memref<!tpu.dma_semaphore, #tpu.memory_space<semaphore_mem>>
      %dma_start3A = arith.constant 0 : i32
      %dma_start3A_106 = tpu.memref_slice %arg9[%add3A_74, %dma_start3A] : memref<10240x128xf32, #tpu.memory_space<vmem_shared>> -> memref<32x128xf32, #tpu.memory_space<vmem_shared>>
      %dma_start3A_107 = arith.constant 0 : i32
      %dma_start3A_108 = tpu.memref_slice %arg9[%add3A_74, %dma_start3A_107] : memref<10240x128xf32, #tpu.memory_space<vmem_shared>> -> memref<32x128xf32, #tpu.memory_space<vmem_shared>>
      tpu.enqueue_dma source(%arg8 : memref<32x128xf32, #tpu.memory_space<vmem>>) target(%dma_start3A_108 : memref<32x128xf32, #tpu.memory_space<vmem_shared>>) target_semaphore(%run_scoped3A : memref<!tpu.dma_semaphore, #tpu.memory_space<semaphore_mem>>)
      %dma_wait3A = arith.constant 0 : i32
      %dma_wait3A_109 = tpu.memref_slice %arg9[%add3A_74, %dma_wait3A] : memref<10240x128xf32, #tpu.memory_space<vmem_shared>> -> memref<32x128xf32, #tpu.memory_space<vmem_shared>>
      %dma_wait3A_110 = arith.constant 0 : i32
      %dma_wait3A_111 = tpu.memref_slice %arg9[%add3A_74, %dma_wait3A_110] : memref<10240x128xf32, #tpu.memory_space<vmem_shared>> -> memref<32x128xf32, #tpu.memory_space<vmem_shared>>
      tpu.wait_dma2 semaphore(%run_scoped3A : memref<!tpu.dma_semaphore, #tpu.memory_space<semaphore_mem>>) src(%arg8 : memref<32x128xf32, #tpu.memory_space<vmem>>) dst(%dma_wait3A_111 : memref<32x128xf32, #tpu.memory_space<vmem_shared>>)
      tpu.yield
    }) : () -> ()
    %mul3A_75 = arith.constant 640 : i32
    %mul3A_76 = arith.muli %arg1, %mul3A_75 : i32
    %add3A_77 = arith.constant 480 : i32
    %add3A_78 = arith.addi %mul3A_76, %add3A_77 : i32
    "tpu.region"() ({
      %run_scoped3A = tpu.sem_alloc : memref<!tpu.dma_semaphore, #tpu.memory_space<semaphore_mem>>
      %dma_start3A = arith.constant 0 : i32
      %dma_start3A_106 = tpu.memref_slice %arg9[%add3A_78, %dma_start3A] : memref<10240x128xf32, #tpu.memory_space<vmem_shared>> -> memref<32x128xf32, #tpu.memory_space<vmem_shared>>
      %dma_start3A_107 = arith.constant 0 : i32
      %dma_start3A_108 = tpu.memref_slice %arg9[%add3A_78, %dma_start3A_107] : memref<10240x128xf32, #tpu.memory_space<vmem_shared>> -> memref<32x128xf32, #tpu.memory_space<vmem_shared>>
      tpu.enqueue_dma source(%arg8 : memref<32x128xf32, #tpu.memory_space<vmem>>) target(%dma_start3A_108 : memref<32x128xf32, #tpu.memory_space<vmem_shared>>) target_semaphore(%run_scoped3A : memref<!tpu.dma_semaphore, #tpu.memory_space<semaphore_mem>>)
      %dma_wait3A = arith.constant 0 : i32
      %dma_wait3A_109 = tpu.memref_slice %arg9[%add3A_78, %dma_wait3A] : memref<10240x128xf32, #tpu.memory_space<vmem_shared>> -> memref<32x128xf32, #tpu.memory_space<vmem_shared>>
      %dma_wait3A_110 = arith.constant 0 : i32
      %dma_wait3A_111 = tpu.memref_slice %arg9[%add3A_78, %dma_wait3A_110] : memref<10240x128xf32, #tpu.memory_space<vmem_shared>> -> memref<32x128xf32, #tpu.memory_space<vmem_shared>>
      tpu.wait_dma2 semaphore(%run_scoped3A : memref<!tpu.dma_semaphore, #tpu.memory_space<semaphore_mem>>) src(%arg8 : memref<32x128xf32, #tpu.memory_space<vmem>>) dst(%dma_wait3A_111 : memref<32x128xf32, #tpu.memory_space<vmem_shared>>)
      tpu.yield
    }) : () -> ()
    %mul3A_79 = arith.constant 640 : i32
    %mul3A_80 = arith.muli %arg1, %mul3A_79 : i32
    %add3A_81 = arith.constant 512 : i32
    %add3A_82 = arith.addi %mul3A_80, %add3A_81 : i32
    "tpu.region"() ({
      %run_scoped3A = tpu.sem_alloc : memref<!tpu.dma_semaphore, #tpu.memory_space<semaphore_mem>>
      %dma_start3A = arith.constant 0 : i32
      %dma_start3A_106 = tpu.memref_slice %arg9[%add3A_82, %dma_start3A] : memref<10240x128xf32, #tpu.memory_space<vmem_shared>> -> memref<32x128xf32, #tpu.memory_space<vmem_shared>>
      %dma_start3A_107 = arith.constant 0 : i32
      %dma_start3A_108 = tpu.memref_slice %arg9[%add3A_82, %dma_start3A_107] : memref<10240x128xf32, #tpu.memory_space<vmem_shared>> -> memref<32x128xf32, #tpu.memory_space<vmem_shared>>
      tpu.enqueue_dma source(%arg8 : memref<32x128xf32, #tpu.memory_space<vmem>>) target(%dma_start3A_108 : memref<32x128xf32, #tpu.memory_space<vmem_shared>>) target_semaphore(%run_scoped3A : memref<!tpu.dma_semaphore, #tpu.memory_space<semaphore_mem>>)
      %dma_wait3A = arith.constant 0 : i32
      %dma_wait3A_109 = tpu.memref_slice %arg9[%add3A_82, %dma_wait3A] : memref<10240x128xf32, #tpu.memory_space<vmem_shared>> -> memref<32x128xf32, #tpu.memory_space<vmem_shared>>
      %dma_wait3A_110 = arith.constant 0 : i32
      %dma_wait3A_111 = tpu.memref_slice %arg9[%add3A_82, %dma_wait3A_110] : memref<10240x128xf32, #tpu.memory_space<vmem_shared>> -> memref<32x128xf32, #tpu.memory_space<vmem_shared>>
      tpu.wait_dma2 semaphore(%run_scoped3A : memref<!tpu.dma_semaphore, #tpu.memory_space<semaphore_mem>>) src(%arg8 : memref<32x128xf32, #tpu.memory_space<vmem>>) dst(%dma_wait3A_111 : memref<32x128xf32, #tpu.memory_space<vmem_shared>>)
      tpu.yield
    }) : () -> ()
    %mul3A_83 = arith.constant 640 : i32
    %mul3A_84 = arith.muli %arg1, %mul3A_83 : i32
    %add3A_85 = arith.constant 544 : i32
    %add3A_86 = arith.addi %mul3A_84, %add3A_85 : i32
    "tpu.region"() ({
      %run_scoped3A = tpu.sem_alloc : memref<!tpu.dma_semaphore, #tpu.memory_space<semaphore_mem>>
      %dma_start3A = arith.constant 0 : i32
      %dma_start3A_106 = tpu.memref_slice %arg9[%add3A_86, %dma_start3A] : memref<10240x128xf32, #tpu.memory_space<vmem_shared>> -> memref<32x128xf32, #tpu.memory_space<vmem_shared>>
      %dma_start3A_107 = arith.constant 0 : i32
      %dma_start3A_108 = tpu.memref_slice %arg9[%add3A_86, %dma_start3A_107] : memref<10240x128xf32, #tpu.memory_space<vmem_shared>> -> memref<32x128xf32, #tpu.memory_space<vmem_shared>>
      tpu.enqueue_dma source(%arg8 : memref<32x128xf32, #tpu.memory_space<vmem>>) target(%dma_start3A_108 : memref<32x128xf32, #tpu.memory_space<vmem_shared>>) target_semaphore(%run_scoped3A : memref<!tpu.dma_semaphore, #tpu.memory_space<semaphore_mem>>)
      %dma_wait3A = arith.constant 0 : i32
      %dma_wait3A_109 = tpu.memref_slice %arg9[%add3A_86, %dma_wait3A] : memref<10240x128xf32, #tpu.memory_space<vmem_shared>> -> memref<32x128xf32, #tpu.memory_space<vmem_shared>>
      %dma_wait3A_110 = arith.constant 0 : i32
      %dma_wait3A_111 = tpu.memref_slice %arg9[%add3A_86, %dma_wait3A_110] : memref<10240x128xf32, #tpu.memory_space<vmem_shared>> -> memref<32x128xf32, #tpu.memory_space<vmem_shared>>
      tpu.wait_dma2 semaphore(%run_scoped3A : memref<!tpu.dma_semaphore, #tpu.memory_space<semaphore_mem>>) src(%arg8 : memref<32x128xf32, #tpu.memory_space<vmem>>) dst(%dma_wait3A_111 : memref<32x128xf32, #tpu.memory_space<vmem_shared>>)
      tpu.yield
    }) : () -> ()
    %mul3A_87 = arith.constant 640 : i32
    %mul3A_88 = arith.muli %arg1, %mul3A_87 : i32
    %add3A_89 = arith.constant 576 : i32
    %add3A_90 = arith.addi %mul3A_88, %add3A_89 : i32
    "tpu.region"() ({
      %run_scoped3A = tpu.sem_alloc : memref<!tpu.dma_semaphore, #tpu.memory_space<semaphore_mem>>
      %dma_start3A = arith.constant 0 : i32
      %dma_start3A_106 = tpu.memref_slice %arg9[%add3A_90, %dma_start3A] : memref<10240x128xf32, #tpu.memory_space<vmem_shared>> -> memref<32x128xf32, #tpu.memory_space<vmem_shared>>
      %dma_start3A_107 = arith.constant 0 : i32
      %dma_start3A_108 = tpu.memref_slice %arg9[%add3A_90, %dma_start3A_107] : memref<10240x128xf32, #tpu.memory_space<vmem_shared>> -> memref<32x128xf32, #tpu.memory_space<vmem_shared>>
      tpu.enqueue_dma source(%arg8 : memref<32x128xf32, #tpu.memory_space<vmem>>) target(%dma_start3A_108 : memref<32x128xf32, #tpu.memory_space<vmem_shared>>) target_semaphore(%run_scoped3A : memref<!tpu.dma_semaphore, #tpu.memory_space<semaphore_mem>>)
      %dma_wait3A = arith.constant 0 : i32
      %dma_wait3A_109 = tpu.memref_slice %arg9[%add3A_90, %dma_wait3A] : memref<10240x128xf32, #tpu.memory_space<vmem_shared>> -> memref<32x128xf32, #tpu.memory_space<vmem_shared>>
      %dma_wait3A_110 = arith.constant 0 : i32
      %dma_wait3A_111 = tpu.memref_slice %arg9[%add3A_90, %dma_wait3A_110] : memref<10240x128xf32, #tpu.memory_space<vmem_shared>> -> memref<32x128xf32, #tpu.memory_space<vmem_shared>>
      tpu.wait_dma2 semaphore(%run_scoped3A : memref<!tpu.dma_semaphore, #tpu.memory_space<semaphore_mem>>) src(%arg8 : memref<32x128xf32, #tpu.memory_space<vmem>>) dst(%dma_wait3A_111 : memref<32x128xf32, #tpu.memory_space<vmem_shared>>)
      tpu.yield
    }) : () -> ()
    %mul3A_91 = arith.constant 640 : i32
    %mul3A_92 = arith.muli %arg1, %mul3A_91 : i32
    %add3A_93 = arith.constant 608 : i32
    %add3A_94 = arith.addi %mul3A_92, %add3A_93 : i32
    "tpu.region"() ({
      %run_scoped3A = tpu.sem_alloc : memref<!tpu.dma_semaphore, #tpu.memory_space<semaphore_mem>>
      %dma_start3A = arith.constant 0 : i32
      %dma_start3A_106 = tpu.memref_slice %arg9[%add3A_94, %dma_start3A] : memref<10240x128xf32, #tpu.memory_space<vmem_shared>> -> memref<32x128xf32, #tpu.memory_space<vmem_shared>>
      %dma_start3A_107 = arith.constant 0 : i32
      %dma_start3A_108 = tpu.memref_slice %arg9[%add3A_94, %dma_start3A_107] : memref<10240x128xf32, #tpu.memory_space<vmem_shared>> -> memref<32x128xf32, #tpu.memory_space<vmem_shared>>
      tpu.enqueue_dma source(%arg8 : memref<32x128xf32, #tpu.memory_space<vmem>>) target(%dma_start3A_108 : memref<32x128xf32, #tpu.memory_space<vmem_shared>>) target_semaphore(%run_scoped3A : memref<!tpu.dma_semaphore, #tpu.memory_space<semaphore_mem>>)
      %dma_wait3A = arith.constant 0 : i32
      %dma_wait3A_109 = tpu.memref_slice %arg9[%add3A_94, %dma_wait3A] : memref<10240x128xf32, #tpu.memory_space<vmem_shared>> -> memref<32x128xf32, #tpu.memory_space<vmem_shared>>
      %dma_wait3A_110 = arith.constant 0 : i32
      %dma_wait3A_111 = tpu.memref_slice %arg9[%add3A_94, %dma_wait3A_110] : memref<10240x128xf32, #tpu.memory_space<vmem_shared>> -> memref<32x128xf32, #tpu.memory_space<vmem_shared>>
      tpu.wait_dma2 semaphore(%run_scoped3A : memref<!tpu.dma_semaphore, #tpu.memory_space<semaphore_mem>>) src(%arg8 : memref<32x128xf32, #tpu.memory_space<vmem>>) dst(%dma_wait3A_111 : memref<32x128xf32, #tpu.memory_space<vmem_shared>>)
      tpu.yield
    }) : () -> ()
    %barrier3A = arith.constant 0 : index
    tpu.barrier barrier_id(%barrier3A)
    %scan3A_95 = arith.constant 0 : i32
    %scan3A_96 = arith.constant 0 : i32
    %scan3A_97 = arith.constant 79 : i32
    %scan3A_98 = arith.addi %scan3A_96, %scan3A_97 : i32
    %scan3A_99 = arith.constant 1 : i32
    scf.for %scan3A_106 = %scan3A_96 to %scan3A_98 step %scan3A_99  : i32 {
      %dma_start3A = arith.constant 0 : i32
      %dma_start3A_107 = tpu.memref_slice %arg5[%scan3A_106, %dma_start3A] : memref<79x128xi32, #tpu.memory_space<vmem>> -> memref<1x128xi32, #tpu.memory_space<vmem>>
      %dma_start3A_108 = tpu.memref_squeeze %dma_start3A_107 : memref<1x128xi32, #tpu.memory_space<vmem>> -> memref<128xi32, #tpu.memory_space<vmem>>
      %dma_start3A_109 = arith.constant 0 : i32
      %dma_start3A_110 = arith.constant 0 : i32
      %dma_start3A_111 = tpu.memref_slice %arg2[%dma_start3A_109, %dma_start3A_110] : memref<10000x128xf32, #tpu.memory_space<hbm>> -> memref<10000x128xf32, #tpu.memory_space<hbm>>
      tpu.enqueue_indirect_dma source(%dma_start3A_111 : memref<10000x128xf32, #tpu.memory_space<hbm>>) target(%arg7 : memref<128x128xf32, #tpu.memory_space<vmem>>) offsets(%dma_start3A_108 : memref<128xi32, #tpu.memory_space<vmem>>) semaphore(%arg10 : memref<!tpu.dma_semaphore, #tpu.memory_space<semaphore_mem>>)
      %dma_wait3A = arith.constant 0 : i32
      %dma_wait3A_112 = tpu.memref_slice %arg5[%scan3A_106, %dma_wait3A] : memref<79x128xi32, #tpu.memory_space<vmem>> -> memref<1x128xi32, #tpu.memory_space<vmem>>
      %dma_wait3A_113 = tpu.memref_squeeze %dma_wait3A_112 : memref<1x128xi32, #tpu.memory_space<vmem>> -> memref<128xi32, #tpu.memory_space<vmem>>
      %dma_wait3A_114 = arith.constant 0 : i32
      %dma_wait3A_115 = arith.constant 0 : i32
      %dma_wait3A_116 = tpu.memref_slice %arg2[%dma_wait3A_114, %dma_wait3A_115] : memref<10000x128xf32, #tpu.memory_space<hbm>> -> memref<10000x128xf32, #tpu.memory_space<hbm>>
      tpu.wait_indirect_dma semaphore(%arg10 : memref<!tpu.dma_semaphore, #tpu.memory_space<semaphore_mem>>) src(%dma_wait3A_116 : memref<10000x128xf32, #tpu.memory_space<hbm>>) dst(%arg7 : memref<128x128xf32, #tpu.memory_space<vmem>>)
      "tpu.region"() ({
        %run_scoped3A = tpu.sem_alloc : memref<!tpu.dma_semaphore, #tpu.memory_space<semaphore_mem>>
        %dma_start3A_117 = arith.constant 0 : i32
        %dma_start3A_118 = tpu.memref_slice %arg6[%scan3A_106, %dma_start3A_117] : memref<79x128xi32, #tpu.memory_space<vmem>> -> memref<1x128xi32, #tpu.memory_space<vmem>>
        %dma_start3A_119 = tpu.memref_squeeze %dma_start3A_118 : memref<1x128xi32, #tpu.memory_space<vmem>> -> memref<128xi32, #tpu.memory_space<vmem>>
        %dma_start3A_120 = arith.constant 0 : i32
        %dma_start3A_121 = arith.constant 0 : i32
        %dma_start3A_122 = tpu.memref_slice %arg9[%dma_start3A_120, %dma_start3A_121] : memref<10240x128xf32, #tpu.memory_space<vmem_shared>> -> memref<10240x128xf32, #tpu.memory_space<vmem_shared>>
        tpu.enqueue_indirect_dma source(%arg7 : memref<128x128xf32, #tpu.memory_space<vmem>>) target(%dma_start3A_122 : memref<10240x128xf32, #tpu.memory_space<vmem_shared>>) offsets(%dma_start3A_119 : memref<128xi32, #tpu.memory_space<vmem>>) semaphore(%run_scoped3A : memref<!tpu.dma_semaphore, #tpu.memory_space<semaphore_mem>>) {add = true}
        %dma_wait3A_123 = arith.constant 0 : i32
        %dma_wait3A_124 = tpu.memref_slice %arg6[%scan3A_106, %dma_wait3A_123] : memref<79x128xi32, #tpu.memory_space<vmem>> -> memref<1x128xi32, #tpu.memory_space<vmem>>
        %dma_wait3A_125 = tpu.memref_squeeze %dma_wait3A_124 : memref<1x128xi32, #tpu.memory_space<vmem>> -> memref<128xi32, #tpu.memory_space<vmem>>
        %dma_wait3A_126 = arith.constant 0 : i32
        %dma_wait3A_127 = arith.constant 0 : i32
        %dma_wait3A_128 = tpu.memref_slice %arg9[%dma_wait3A_126, %dma_wait3A_127] : memref<10240x128xf32, #tpu.memory_space<vmem_shared>> -> memref<10240x128xf32, #tpu.memory_space<vmem_shared>>
        tpu.wait_indirect_dma semaphore(%run_scoped3A : memref<!tpu.dma_semaphore, #tpu.memory_space<semaphore_mem>>) src(%arg7 : memref<128x128xf32, #tpu.memory_space<vmem>>) dst(%dma_wait3A_128 : memref<10240x128xf32, #tpu.memory_space<vmem_shared>>)
        tpu.yield
      }) : () -> ()
    }
    %scan3A_100 = arith.constant 79 : i32
    %barrier3A_101 = arith.constant 0 : index
    tpu.barrier barrier_id(%barrier3A_101)
    %mul3A_102 = arith.constant 640 : i32
    %mul3A_103 = arith.muli %arg1, %mul3A_102 : i32
    %mul3A_104 = arith.constant 640 : i32
    %mul3A_105 = arith.muli %arg1, %mul3A_104 : i32
    "tpu.region"() ({
      %run_scoped3A = tpu.sem_alloc : memref<!tpu.dma_semaphore, #tpu.memory_space<semaphore_mem>>
      %dma_start3A = arith.constant 0 : i32
      %dma_start3A_106 = tpu.memref_slice %arg4[%arg0, %mul3A_105, %dma_start3A] : memref<2x10240x128xf32, #tpu.memory_space<hbm>> -> memref<1x640x128xf32, #tpu.memory_space<hbm>>
      %dma_start3A_107 = tpu.memref_squeeze %dma_start3A_106 : memref<1x640x128xf32, #tpu.memory_space<hbm>> -> memref<640x128xf32, #tpu.memory_space<hbm>>
      %dma_start3A_108 = arith.constant 0 : i32
      %dma_start3A_109 = tpu.memref_slice %arg9[%mul3A_103, %dma_start3A_108] : memref<10240x128xf32, #tpu.memory_space<vmem_shared>> -> memref<640x128xf32, #tpu.memory_space<vmem_shared>>
      tpu.enqueue_dma source(%dma_start3A_109 : memref<640x128xf32, #tpu.memory_space<vmem_shared>>) target(%dma_start3A_107 : memref<640x128xf32, #tpu.memory_space<hbm>>) target_semaphore(%run_scoped3A : memref<!tpu.dma_semaphore, #tpu.memory_space<semaphore_mem>>)
      %dma_wait3A = arith.constant 0 : i32
      %dma_wait3A_110 = tpu.memref_slice %arg4[%arg0, %mul3A_105, %dma_wait3A] : memref<2x10240x128xf32, #tpu.memory_space<hbm>> -> memref<1x640x128xf32, #tpu.memory_space<hbm>>
      %dma_wait3A_111 = tpu.memref_squeeze %dma_wait3A_110 : memref<1x640x128xf32, #tpu.memory_space<hbm>> -> memref<640x128xf32, #tpu.memory_space<hbm>>
      %dma_wait3A_112 = arith.constant 0 : i32
      %dma_wait3A_113 = tpu.memref_slice %arg9[%mul3A_103, %dma_wait3A_112] : memref<10240x128xf32, #tpu.memory_space<vmem_shared>> -> memref<640x128xf32, #tpu.memory_space<vmem_shared>>
      tpu.wait_dma2 semaphore(%run_scoped3A : memref<!tpu.dma_semaphore, #tpu.memory_space<semaphore_mem>>) src(%dma_wait3A_113 : memref<640x128xf32, #tpu.memory_space<vmem_shared>>) dst(%dma_wait3A_111 : memref<640x128xf32, #tpu.memory_space<hbm>>)
      tpu.yield
    }) : () -> ()
    return
  }
}

#map = affine_map<(d0, d1) -> (0, 0)>
#map1 = affine_map<(d0, d1) -> (0, 0, 0)>
module attributes {stable_mosaic.version = 14 : i64} {
  func.func @_deg_sc(%arg0: i32, %arg1: i32, %arg2: memref<2x323584xi32, #tpu.memory_space<hbm>>, %arg3: memref<2x10240x128xf32, #tpu.memory_space<hbm>>, %arg4: memref<79x128xi32, #tpu.memory_space<vmem>>, %arg5: memref<128x128xf32, #tpu.memory_space<vmem>>, %arg6: memref<32x128xf32, #tpu.memory_space<vmem>>, %arg7: memref<10240x128xf32, #tpu.memory_space<vmem_shared>>) attributes {dimension_semantics = [#tpu.dimension_semantics<core_parallel>, #tpu.dimension_semantics<subcore_parallel>], iteration_bounds = array<i64: 2, 16>, scalar_prefetch = 0 : i64, scratch_operands = 4 : i64, tpu.core_type = #tpu.core_type<sc_vector_subcore>, window_params = [{transform_indices = #map}, {transform_indices = #map1}]} {
    %mul3A = arith.constant 2 : i32
    %mul3A_0 = arith.muli %arg1, %mul3A : i32
    %add3A = arith.addi %mul3A_0, %arg0 : i32
    %mul3A_1 = arith.constant 10112 : i32
    %mul3A_2 = arith.muli %add3A, %mul3A_1 : i32
    %scan3A = arith.constant 0 : i32
    %scan3A_3 = arith.constant 0 : i32
    %scan3A_4 = arith.constant 79 : i32
    %scan3A_5 = arith.addi %scan3A_3, %scan3A_4 : i32
    %scan3A_6 = arith.constant 1 : i32
    scf.for %scan3A_114 = %scan3A_3 to %scan3A_5 step %scan3A_6  : i32 {
      %mul3A_115 = arith.constant 128 : i32
      %mul3A_116 = arith.muli %scan3A_114, %mul3A_115 : i32
      %add3A_117 = arith.addi %mul3A_2, %mul3A_116 : i32
      %run_scoped3A = arith.constant 1 : i32
      "tpu.region"() ({
        %run_scoped3A_118 = tpu.sem_alloc : memref<!tpu.dma_semaphore, #tpu.memory_space<semaphore_mem>>
        %dma_start3A = arith.constant 0 : i32
        %dma_start3A_119 = tpu.memref_slice %arg4[%scan3A_114, %dma_start3A] : memref<79x128xi32, #tpu.memory_space<vmem>> -> memref<1x128xi32, #tpu.memory_space<vmem>>
        %dma_start3A_120 = tpu.memref_squeeze %dma_start3A_119 : memref<1x128xi32, #tpu.memory_space<vmem>> -> memref<128xi32, #tpu.memory_space<vmem>>
        %dma_start3A_121 = tpu.memref_slice %arg2[%run_scoped3A, %add3A_117] : memref<2x323584xi32, #tpu.memory_space<hbm>> -> memref<1x128xi32, #tpu.memory_space<hbm>>
        %dma_start3A_122 = tpu.memref_squeeze %dma_start3A_121 : memref<1x128xi32, #tpu.memory_space<hbm>> -> memref<128xi32, #tpu.memory_space<hbm>>
        %dma_start3A_123 = arith.constant 0 : i32
        %dma_start3A_124 = tpu.memref_slice %arg4[%scan3A_114, %dma_start3A_123] : memref<79x128xi32, #tpu.memory_space<vmem>> -> memref<1x128xi32, #tpu.memory_space<vmem>>
        %dma_start3A_125 = tpu.memref_squeeze %dma_start3A_124 : memref<1x128xi32, #tpu.memory_space<vmem>> -> memref<128xi32, #tpu.memory_space<vmem>>
        %dma_start3A_126 = tpu.memref_slice %arg2[%run_scoped3A, %add3A_117] : memref<2x323584xi32, #tpu.memory_space<hbm>> -> memref<1x128xi32, #tpu.memory_space<hbm>>
        %dma_start3A_127 = tpu.memref_squeeze %dma_start3A_126 : memref<1x128xi32, #tpu.memory_space<hbm>> -> memref<128xi32, #tpu.memory_space<hbm>>
        tpu.enqueue_dma source(%dma_start3A_127 : memref<128xi32, #tpu.memory_space<hbm>>) target(%dma_start3A_125 : memref<128xi32, #tpu.memory_space<vmem>>) target_semaphore(%run_scoped3A_118 : memref<!tpu.dma_semaphore, #tpu.memory_space<semaphore_mem>>)
        %dma_wait3A = arith.constant 0 : i32
        %dma_wait3A_128 = tpu.memref_slice %arg4[%scan3A_114, %dma_wait3A] : memref<79x128xi32, #tpu.memory_space<vmem>> -> memref<1x128xi32, #tpu.memory_space<vmem>>
        %dma_wait3A_129 = tpu.memref_squeeze %dma_wait3A_128 : memref<1x128xi32, #tpu.memory_space<vmem>> -> memref<128xi32, #tpu.memory_space<vmem>>
        %dma_wait3A_130 = tpu.memref_slice %arg2[%run_scoped3A, %add3A_117] : memref<2x323584xi32, #tpu.memory_space<hbm>> -> memref<1x128xi32, #tpu.memory_space<hbm>>
        %dma_wait3A_131 = tpu.memref_squeeze %dma_wait3A_130 : memref<1x128xi32, #tpu.memory_space<hbm>> -> memref<128xi32, #tpu.memory_space<hbm>>
        %dma_wait3A_132 = arith.constant 0 : i32
        %dma_wait3A_133 = tpu.memref_slice %arg4[%scan3A_114, %dma_wait3A_132] : memref<79x128xi32, #tpu.memory_space<vmem>> -> memref<1x128xi32, #tpu.memory_space<vmem>>
        %dma_wait3A_134 = tpu.memref_squeeze %dma_wait3A_133 : memref<1x128xi32, #tpu.memory_space<vmem>> -> memref<128xi32, #tpu.memory_space<vmem>>
        %dma_wait3A_135 = tpu.memref_slice %arg2[%run_scoped3A, %add3A_117] : memref<2x323584xi32, #tpu.memory_space<hbm>> -> memref<1x128xi32, #tpu.memory_space<hbm>>
        %dma_wait3A_136 = tpu.memref_squeeze %dma_wait3A_135 : memref<1x128xi32, #tpu.memory_space<hbm>> -> memref<128xi32, #tpu.memory_space<hbm>>
        tpu.wait_dma2 semaphore(%run_scoped3A_118 : memref<!tpu.dma_semaphore, #tpu.memory_space<semaphore_mem>>) src(%dma_wait3A_136 : memref<128xi32, #tpu.memory_space<hbm>>) dst(%dma_wait3A_134 : memref<128xi32, #tpu.memory_space<vmem>>)
        tpu.yield
      }) : () -> ()
    }
    %scan3A_7 = arith.constant 79 : i32
    %broadcast_in_dim3A = arith.constant 1.000000e+00 : f32
    %broadcast_in_dim3A_8 = vector.broadcast %broadcast_in_dim3A : f32 to vector<16xf32>
    %scan3A_9 = arith.constant 0 : i32
    %scan3A_10 = arith.constant 0 : i32
    %scan3A_11 = arith.constant 128 : i32
    %scan3A_12 = arith.addi %scan3A_10, %scan3A_11 : i32
    %scan3A_13 = arith.constant 1 : i32
    scf.for %scan3A_114 = %scan3A_10 to %scan3A_12 step %scan3A_13  : i32 {
      %swap3A = arith.index_cast %scan3A_114 : i32 to index
      %swap3A_115 = arith.constant 0 : index
      %swap3A_116 = tpu.vector_load %arg5[%swap3A, %swap3A_115] {strides = array<i32>} : memref<128x128xf32, #tpu.memory_space<vmem>>, vector<1x16xf32>,
      %swap3A_117 = vector.shape_cast %swap3A_116 : vector<1x16xf32> to vector<16xf32>
      %swap3A_118 = vector.shape_cast %broadcast_in_dim3A_8 : vector<16xf32> to vector<1x16xf32>
      tpu.vector_store %arg5[%swap3A, %swap3A_115], %swap3A_118 {strides = array<i32>} : memref<128x128xf32, #tpu.memory_space<vmem>>, vector<1x16xf32>,
      %swap3A_119 = arith.index_cast %scan3A_114 : i32 to index
      %swap3A_120 = arith.constant 16 : index
      %swap3A_121 = tpu.vector_load %arg5[%swap3A_119, %swap3A_120] {strides = array<i32>} : memref<128x128xf32, #tpu.memory_space<vmem>>, vector<1x16xf32>,
      %swap3A_122 = vector.shape_cast %swap3A_121 : vector<1x16xf32> to vector<16xf32>
      %swap3A_123 = vector.shape_cast %broadcast_in_dim3A_8 : vector<16xf32> to vector<1x16xf32>
      tpu.vector_store %arg5[%swap3A_119, %swap3A_120], %swap3A_123 {strides = array<i32>} : memref<128x128xf32, #tpu.memory_space<vmem>>, vector<1x16xf32>,
      %swap3A_124 = arith.index_cast %scan3A_114 : i32 to index
      %swap3A_125 = arith.constant 32 : index
      %swap3A_126 = tpu.vector_load %arg5[%swap3A_124, %swap3A_125] {strides = array<i32>} : memref<128x128xf32, #tpu.memory_space<vmem>>, vector<1x16xf32>,
      %swap3A_127 = vector.shape_cast %swap3A_126 : vector<1x16xf32> to vector<16xf32>
      %swap3A_128 = vector.shape_cast %broadcast_in_dim3A_8 : vector<16xf32> to vector<1x16xf32>
      tpu.vector_store %arg5[%swap3A_124, %swap3A_125], %swap3A_128 {strides = array<i32>} : memref<128x128xf32, #tpu.memory_space<vmem>>, vector<1x16xf32>,
      %swap3A_129 = arith.index_cast %scan3A_114 : i32 to index
      %swap3A_130 = arith.constant 48 : index
      %swap3A_131 = tpu.vector_load %arg5[%swap3A_129, %swap3A_130] {strides = array<i32>} : memref<128x128xf32, #tpu.memory_space<vmem>>, vector<1x16xf32>,
      %swap3A_132 = vector.shape_cast %swap3A_131 : vector<1x16xf32> to vector<16xf32>
      %swap3A_133 = vector.shape_cast %broadcast_in_dim3A_8 : vector<16xf32> to vector<1x16xf32>
      tpu.vector_store %arg5[%swap3A_129, %swap3A_130], %swap3A_133 {strides = array<i32>} : memref<128x128xf32, #tpu.memory_space<vmem>>, vector<1x16xf32>,
      %swap3A_134 = arith.index_cast %scan3A_114 : i32 to index
      %swap3A_135 = arith.constant 64 : index
      %swap3A_136 = tpu.vector_load %arg5[%swap3A_134, %swap3A_135] {strides = array<i32>} : memref<128x128xf32, #tpu.memory_space<vmem>>, vector<1x16xf32>,
      %swap3A_137 = vector.shape_cast %swap3A_136 : vector<1x16xf32> to vector<16xf32>
      %swap3A_138 = vector.shape_cast %broadcast_in_dim3A_8 : vector<16xf32> to vector<1x16xf32>
      tpu.vector_store %arg5[%swap3A_134, %swap3A_135], %swap3A_138 {strides = array<i32>} : memref<128x128xf32, #tpu.memory_space<vmem>>, vector<1x16xf32>,
      %swap3A_139 = arith.index_cast %scan3A_114 : i32 to index
      %swap3A_140 = arith.constant 80 : index
      %swap3A_141 = tpu.vector_load %arg5[%swap3A_139, %swap3A_140] {strides = array<i32>} : memref<128x128xf32, #tpu.memory_space<vmem>>, vector<1x16xf32>,
      %swap3A_142 = vector.shape_cast %swap3A_141 : vector<1x16xf32> to vector<16xf32>
      %swap3A_143 = vector.shape_cast %broadcast_in_dim3A_8 : vector<16xf32> to vector<1x16xf32>
      tpu.vector_store %arg5[%swap3A_139, %swap3A_140], %swap3A_143 {strides = array<i32>} : memref<128x128xf32, #tpu.memory_space<vmem>>, vector<1x16xf32>,
      %swap3A_144 = arith.index_cast %scan3A_114 : i32 to index
      %swap3A_145 = arith.constant 96 : index
      %swap3A_146 = tpu.vector_load %arg5[%swap3A_144, %swap3A_145] {strides = array<i32>} : memref<128x128xf32, #tpu.memory_space<vmem>>, vector<1x16xf32>,
      %swap3A_147 = vector.shape_cast %swap3A_146 : vector<1x16xf32> to vector<16xf32>
      %swap3A_148 = vector.shape_cast %broadcast_in_dim3A_8 : vector<16xf32> to vector<1x16xf32>
      tpu.vector_store %arg5[%swap3A_144, %swap3A_145], %swap3A_148 {strides = array<i32>} : memref<128x128xf32, #tpu.memory_space<vmem>>, vector<1x16xf32>,
      %swap3A_149 = arith.index_cast %scan3A_114 : i32 to index
      %swap3A_150 = arith.constant 112 : index
      %swap3A_151 = tpu.vector_load %arg5[%swap3A_149, %swap3A_150] {strides = array<i32>} : memref<128x128xf32, #tpu.memory_space<vmem>>, vector<1x16xf32>,
      %swap3A_152 = vector.shape_cast %swap3A_151 : vector<1x16xf32> to vector<16xf32>
      %swap3A_153 = vector.shape_cast %broadcast_in_dim3A_8 : vector<16xf32> to vector<1x16xf32>
      tpu.vector_store %arg5[%swap3A_149, %swap3A_150], %swap3A_153 {strides = array<i32>} : memref<128x128xf32, #tpu.memory_space<vmem>>, vector<1x16xf32>,
    }
    %scan3A_14 = arith.constant 128 : i32
    %broadcast_in_dim3A_15 = arith.constant 0.000000e+00 : f32
    %broadcast_in_dim3A_16 = vector.broadcast %broadcast_in_dim3A_15 : f32 to vector<16xf32>
    %scan3A_17 = arith.constant 0 : i32
    %scan3A_18 = arith.constant 0 : i32
    %scan3A_19 = arith.constant 32 : i32
    %scan3A_20 = arith.addi %scan3A_18, %scan3A_19 : i32
    %scan3A_21 = arith.constant 1 : i32
    scf.for %scan3A_114 = %scan3A_18 to %scan3A_20 step %scan3A_21  : i32 {
      %swap3A = arith.index_cast %scan3A_114 : i32 to index
      %swap3A_115 = arith.constant 0 : index
      %swap3A_116 = tpu.vector_load %arg6[%swap3A, %swap3A_115] {strides = array<i32>} : memref<32x128xf32, #tpu.memory_space<vmem>>, vector<1x16xf32>,
      %swap3A_117 = vector.shape_cast %swap3A_116 : vector<1x16xf32> to vector<16xf32>
      %swap3A_118 = vector.shape_cast %broadcast_in_dim3A_16 : vector<16xf32> to vector<1x16xf32>
      tpu.vector_store %arg6[%swap3A, %swap3A_115], %swap3A_118 {strides = array<i32>} : memref<32x128xf32, #tpu.memory_space<vmem>>, vector<1x16xf32>,
      %swap3A_119 = arith.index_cast %scan3A_114 : i32 to index
      %swap3A_120 = arith.constant 16 : index
      %swap3A_121 = tpu.vector_load %arg6[%swap3A_119, %swap3A_120] {strides = array<i32>} : memref<32x128xf32, #tpu.memory_space<vmem>>, vector<1x16xf32>,
      %swap3A_122 = vector.shape_cast %swap3A_121 : vector<1x16xf32> to vector<16xf32>
      %swap3A_123 = vector.shape_cast %broadcast_in_dim3A_16 : vector<16xf32> to vector<1x16xf32>
      tpu.vector_store %arg6[%swap3A_119, %swap3A_120], %swap3A_123 {strides = array<i32>} : memref<32x128xf32, #tpu.memory_space<vmem>>, vector<1x16xf32>,
      %swap3A_124 = arith.index_cast %scan3A_114 : i32 to index
      %swap3A_125 = arith.constant 32 : index
      %swap3A_126 = tpu.vector_load %arg6[%swap3A_124, %swap3A_125] {strides = array<i32>} : memref<32x128xf32, #tpu.memory_space<vmem>>, vector<1x16xf32>,
      %swap3A_127 = vector.shape_cast %swap3A_126 : vector<1x16xf32> to vector<16xf32>
      %swap3A_128 = vector.shape_cast %broadcast_in_dim3A_16 : vector<16xf32> to vector<1x16xf32>
      tpu.vector_store %arg6[%swap3A_124, %swap3A_125], %swap3A_128 {strides = array<i32>} : memref<32x128xf32, #tpu.memory_space<vmem>>, vector<1x16xf32>,
      %swap3A_129 = arith.index_cast %scan3A_114 : i32 to index
      %swap3A_130 = arith.constant 48 : index
      %swap3A_131 = tpu.vector_load %arg6[%swap3A_129, %swap3A_130] {strides = array<i32>} : memref<32x128xf32, #tpu.memory_space<vmem>>, vector<1x16xf32>,
      %swap3A_132 = vector.shape_cast %swap3A_131 : vector<1x16xf32> to vector<16xf32>
      %swap3A_133 = vector.shape_cast %broadcast_in_dim3A_16 : vector<16xf32> to vector<1x16xf32>
      tpu.vector_store %arg6[%swap3A_129, %swap3A_130], %swap3A_133 {strides = array<i32>} : memref<32x128xf32, #tpu.memory_space<vmem>>, vector<1x16xf32>,
      %swap3A_134 = arith.index_cast %scan3A_114 : i32 to index
      %swap3A_135 = arith.constant 64 : index
      %swap3A_136 = tpu.vector_load %arg6[%swap3A_134, %swap3A_135] {strides = array<i32>} : memref<32x128xf32, #tpu.memory_space<vmem>>, vector<1x16xf32>,
      %swap3A_137 = vector.shape_cast %swap3A_136 : vector<1x16xf32> to vector<16xf32>
      %swap3A_138 = vector.shape_cast %broadcast_in_dim3A_16 : vector<16xf32> to vector<1x16xf32>
      tpu.vector_store %arg6[%swap3A_134, %swap3A_135], %swap3A_138 {strides = array<i32>} : memref<32x128xf32, #tpu.memory_space<vmem>>, vector<1x16xf32>,
      %swap3A_139 = arith.index_cast %scan3A_114 : i32 to index
      %swap3A_140 = arith.constant 80 : index
      %swap3A_141 = tpu.vector_load %arg6[%swap3A_139, %swap3A_140] {strides = array<i32>} : memref<32x128xf32, #tpu.memory_space<vmem>>, vector<1x16xf32>,
      %swap3A_142 = vector.shape_cast %swap3A_141 : vector<1x16xf32> to vector<16xf32>
      %swap3A_143 = vector.shape_cast %broadcast_in_dim3A_16 : vector<16xf32> to vector<1x16xf32>
      tpu.vector_store %arg6[%swap3A_139, %swap3A_140], %swap3A_143 {strides = array<i32>} : memref<32x128xf32, #tpu.memory_space<vmem>>, vector<1x16xf32>,
      %swap3A_144 = arith.index_cast %scan3A_114 : i32 to index
      %swap3A_145 = arith.constant 96 : index
      %swap3A_146 = tpu.vector_load %arg6[%swap3A_144, %swap3A_145] {strides = array<i32>} : memref<32x128xf32, #tpu.memory_space<vmem>>, vector<1x16xf32>,
      %swap3A_147 = vector.shape_cast %swap3A_146 : vector<1x16xf32> to vector<16xf32>
      %swap3A_148 = vector.shape_cast %broadcast_in_dim3A_16 : vector<16xf32> to vector<1x16xf32>
      tpu.vector_store %arg6[%swap3A_144, %swap3A_145], %swap3A_148 {strides = array<i32>} : memref<32x128xf32, #tpu.memory_space<vmem>>, vector<1x16xf32>,
      %swap3A_149 = arith.index_cast %scan3A_114 : i32 to index
      %swap3A_150 = arith.constant 112 : index
      %swap3A_151 = tpu.vector_load %arg6[%swap3A_149, %swap3A_150] {strides = array<i32>} : memref<32x128xf32, #tpu.memory_space<vmem>>, vector<1x16xf32>,
      %swap3A_152 = vector.shape_cast %swap3A_151 : vector<1x16xf32> to vector<16xf32>
      %swap3A_153 = vector.shape_cast %broadcast_in_dim3A_16 : vector<16xf32> to vector<1x16xf32>
      tpu.vector_store %arg6[%swap3A_149, %swap3A_150], %swap3A_153 {strides = array<i32>} : memref<32x128xf32, #tpu.memory_space<vmem>>, vector<1x16xf32>,
    }
    %scan3A_22 = arith.constant 32 : i32
    %mul3A_23 = arith.constant 640 : i32
    %mul3A_24 = arith.muli %arg1, %mul3A_23 : i32
    %add3A_25 = arith.constant 0 : i32
    %add3A_26 = arith.addi %mul3A_24, %add3A_25 : i32
    "tpu.region"() ({
      %run_scoped3A = tpu.sem_alloc : memref<!tpu.dma_semaphore, #tpu.memory_space<semaphore_mem>>
      %dma_start3A = arith.constant 0 : i32
      %dma_start3A_114 = tpu.memref_slice %arg7[%add3A_26, %dma_start3A] : memref<10240x128xf32, #tpu.memory_space<vmem_shared>> -> memref<32x128xf32, #tpu.memory_space<vmem_shared>>
      %dma_start3A_115 = arith.constant 0 : i32
      %dma_start3A_116 = tpu.memref_slice %arg7[%add3A_26, %dma_start3A_115] : memref<10240x128xf32, #tpu.memory_space<vmem_shared>> -> memref<32x128xf32, #tpu.memory_space<vmem_shared>>
      tpu.enqueue_dma source(%arg6 : memref<32x128xf32, #tpu.memory_space<vmem>>) target(%dma_start3A_116 : memref<32x128xf32, #tpu.memory_space<vmem_shared>>) target_semaphore(%run_scoped3A : memref<!tpu.dma_semaphore, #tpu.memory_space<semaphore_mem>>)
      %dma_wait3A = arith.constant 0 : i32
      %dma_wait3A_117 = tpu.memref_slice %arg7[%add3A_26, %dma_wait3A] : memref<10240x128xf32, #tpu.memory_space<vmem_shared>> -> memref<32x128xf32, #tpu.memory_space<vmem_shared>>
      %dma_wait3A_118 = arith.constant 0 : i32
      %dma_wait3A_119 = tpu.memref_slice %arg7[%add3A_26, %dma_wait3A_118] : memref<10240x128xf32, #tpu.memory_space<vmem_shared>> -> memref<32x128xf32, #tpu.memory_space<vmem_shared>>
      tpu.wait_dma2 semaphore(%run_scoped3A : memref<!tpu.dma_semaphore, #tpu.memory_space<semaphore_mem>>) src(%arg6 : memref<32x128xf32, #tpu.memory_space<vmem>>) dst(%dma_wait3A_119 : memref<32x128xf32, #tpu.memory_space<vmem_shared>>)
      tpu.yield
    }) : () -> ()
    %mul3A_27 = arith.constant 640 : i32
    %mul3A_28 = arith.muli %arg1, %mul3A_27 : i32
    %add3A_29 = arith.constant 32 : i32
    %add3A_30 = arith.addi %mul3A_28, %add3A_29 : i32
    "tpu.region"() ({
      %run_scoped3A = tpu.sem_alloc : memref<!tpu.dma_semaphore, #tpu.memory_space<semaphore_mem>>
      %dma_start3A = arith.constant 0 : i32
      %dma_start3A_114 = tpu.memref_slice %arg7[%add3A_30, %dma_start3A] : memref<10240x128xf32, #tpu.memory_space<vmem_shared>> -> memref<32x128xf32, #tpu.memory_space<vmem_shared>>
      %dma_start3A_115 = arith.constant 0 : i32
      %dma_start3A_116 = tpu.memref_slice %arg7[%add3A_30, %dma_start3A_115] : memref<10240x128xf32, #tpu.memory_space<vmem_shared>> -> memref<32x128xf32, #tpu.memory_space<vmem_shared>>
      tpu.enqueue_dma source(%arg6 : memref<32x128xf32, #tpu.memory_space<vmem>>) target(%dma_start3A_116 : memref<32x128xf32, #tpu.memory_space<vmem_shared>>) target_semaphore(%run_scoped3A : memref<!tpu.dma_semaphore, #tpu.memory_space<semaphore_mem>>)
      %dma_wait3A = arith.constant 0 : i32
      %dma_wait3A_117 = tpu.memref_slice %arg7[%add3A_30, %dma_wait3A] : memref<10240x128xf32, #tpu.memory_space<vmem_shared>> -> memref<32x128xf32, #tpu.memory_space<vmem_shared>>
      %dma_wait3A_118 = arith.constant 0 : i32
      %dma_wait3A_119 = tpu.memref_slice %arg7[%add3A_30, %dma_wait3A_118] : memref<10240x128xf32, #tpu.memory_space<vmem_shared>> -> memref<32x128xf32, #tpu.memory_space<vmem_shared>>
      tpu.wait_dma2 semaphore(%run_scoped3A : memref<!tpu.dma_semaphore, #tpu.memory_space<semaphore_mem>>) src(%arg6 : memref<32x128xf32, #tpu.memory_space<vmem>>) dst(%dma_wait3A_119 : memref<32x128xf32, #tpu.memory_space<vmem_shared>>)
      tpu.yield
    }) : () -> ()
    %mul3A_31 = arith.constant 640 : i32
    %mul3A_32 = arith.muli %arg1, %mul3A_31 : i32
    %add3A_33 = arith.constant 64 : i32
    %add3A_34 = arith.addi %mul3A_32, %add3A_33 : i32
    "tpu.region"() ({
      %run_scoped3A = tpu.sem_alloc : memref<!tpu.dma_semaphore, #tpu.memory_space<semaphore_mem>>
      %dma_start3A = arith.constant 0 : i32
      %dma_start3A_114 = tpu.memref_slice %arg7[%add3A_34, %dma_start3A] : memref<10240x128xf32, #tpu.memory_space<vmem_shared>> -> memref<32x128xf32, #tpu.memory_space<vmem_shared>>
      %dma_start3A_115 = arith.constant 0 : i32
      %dma_start3A_116 = tpu.memref_slice %arg7[%add3A_34, %dma_start3A_115] : memref<10240x128xf32, #tpu.memory_space<vmem_shared>> -> memref<32x128xf32, #tpu.memory_space<vmem_shared>>
      tpu.enqueue_dma source(%arg6 : memref<32x128xf32, #tpu.memory_space<vmem>>) target(%dma_start3A_116 : memref<32x128xf32, #tpu.memory_space<vmem_shared>>) target_semaphore(%run_scoped3A : memref<!tpu.dma_semaphore, #tpu.memory_space<semaphore_mem>>)
      %dma_wait3A = arith.constant 0 : i32
      %dma_wait3A_117 = tpu.memref_slice %arg7[%add3A_34, %dma_wait3A] : memref<10240x128xf32, #tpu.memory_space<vmem_shared>> -> memref<32x128xf32, #tpu.memory_space<vmem_shared>>
      %dma_wait3A_118 = arith.constant 0 : i32
      %dma_wait3A_119 = tpu.memref_slice %arg7[%add3A_34, %dma_wait3A_118] : memref<10240x128xf32, #tpu.memory_space<vmem_shared>> -> memref<32x128xf32, #tpu.memory_space<vmem_shared>>
      tpu.wait_dma2 semaphore(%run_scoped3A : memref<!tpu.dma_semaphore, #tpu.memory_space<semaphore_mem>>) src(%arg6 : memref<32x128xf32, #tpu.memory_space<vmem>>) dst(%dma_wait3A_119 : memref<32x128xf32, #tpu.memory_space<vmem_shared>>)
      tpu.yield
    }) : () -> ()
    %mul3A_35 = arith.constant 640 : i32
    %mul3A_36 = arith.muli %arg1, %mul3A_35 : i32
    %add3A_37 = arith.constant 96 : i32
    %add3A_38 = arith.addi %mul3A_36, %add3A_37 : i32
    "tpu.region"() ({
      %run_scoped3A = tpu.sem_alloc : memref<!tpu.dma_semaphore, #tpu.memory_space<semaphore_mem>>
      %dma_start3A = arith.constant 0 : i32
      %dma_start3A_114 = tpu.memref_slice %arg7[%add3A_38, %dma_start3A] : memref<10240x128xf32, #tpu.memory_space<vmem_shared>> -> memref<32x128xf32, #tpu.memory_space<vmem_shared>>
      %dma_start3A_115 = arith.constant 0 : i32
      %dma_start3A_116 = tpu.memref_slice %arg7[%add3A_38, %dma_start3A_115] : memref<10240x128xf32, #tpu.memory_space<vmem_shared>> -> memref<32x128xf32, #tpu.memory_space<vmem_shared>>
      tpu.enqueue_dma source(%arg6 : memref<32x128xf32, #tpu.memory_space<vmem>>) target(%dma_start3A_116 : memref<32x128xf32, #tpu.memory_space<vmem_shared>>) target_semaphore(%run_scoped3A : memref<!tpu.dma_semaphore, #tpu.memory_space<semaphore_mem>>)
      %dma_wait3A = arith.constant 0 : i32
      %dma_wait3A_117 = tpu.memref_slice %arg7[%add3A_38, %dma_wait3A] : memref<10240x128xf32, #tpu.memory_space<vmem_shared>> -> memref<32x128xf32, #tpu.memory_space<vmem_shared>>
      %dma_wait3A_118 = arith.constant 0 : i32
      %dma_wait3A_119 = tpu.memref_slice %arg7[%add3A_38, %dma_wait3A_118] : memref<10240x128xf32, #tpu.memory_space<vmem_shared>> -> memref<32x128xf32, #tpu.memory_space<vmem_shared>>
      tpu.wait_dma2 semaphore(%run_scoped3A : memref<!tpu.dma_semaphore, #tpu.memory_space<semaphore_mem>>) src(%arg6 : memref<32x128xf32, #tpu.memory_space<vmem>>) dst(%dma_wait3A_119 : memref<32x128xf32, #tpu.memory_space<vmem_shared>>)
      tpu.yield
    }) : () -> ()
    %mul3A_39 = arith.constant 640 : i32
    %mul3A_40 = arith.muli %arg1, %mul3A_39 : i32
    %add3A_41 = arith.constant 128 : i32
    %add3A_42 = arith.addi %mul3A_40, %add3A_41 : i32
    "tpu.region"() ({
      %run_scoped3A = tpu.sem_alloc : memref<!tpu.dma_semaphore, #tpu.memory_space<semaphore_mem>>
      %dma_start3A = arith.constant 0 : i32
      %dma_start3A_114 = tpu.memref_slice %arg7[%add3A_42, %dma_start3A] : memref<10240x128xf32, #tpu.memory_space<vmem_shared>> -> memref<32x128xf32, #tpu.memory_space<vmem_shared>>
      %dma_start3A_115 = arith.constant 0 : i32
      %dma_start3A_116 = tpu.memref_slice %arg7[%add3A_42, %dma_start3A_115] : memref<10240x128xf32, #tpu.memory_space<vmem_shared>> -> memref<32x128xf32, #tpu.memory_space<vmem_shared>>
      tpu.enqueue_dma source(%arg6 : memref<32x128xf32, #tpu.memory_space<vmem>>) target(%dma_start3A_116 : memref<32x128xf32, #tpu.memory_space<vmem_shared>>) target_semaphore(%run_scoped3A : memref<!tpu.dma_semaphore, #tpu.memory_space<semaphore_mem>>)
      %dma_wait3A = arith.constant 0 : i32
      %dma_wait3A_117 = tpu.memref_slice %arg7[%add3A_42, %dma_wait3A] : memref<10240x128xf32, #tpu.memory_space<vmem_shared>> -> memref<32x128xf32, #tpu.memory_space<vmem_shared>>
      %dma_wait3A_118 = arith.constant 0 : i32
      %dma_wait3A_119 = tpu.memref_slice %arg7[%add3A_42, %dma_wait3A_118] : memref<10240x128xf32, #tpu.memory_space<vmem_shared>> -> memref<32x128xf32, #tpu.memory_space<vmem_shared>>
      tpu.wait_dma2 semaphore(%run_scoped3A : memref<!tpu.dma_semaphore, #tpu.memory_space<semaphore_mem>>) src(%arg6 : memref<32x128xf32, #tpu.memory_space<vmem>>) dst(%dma_wait3A_119 : memref<32x128xf32, #tpu.memory_space<vmem_shared>>)
      tpu.yield
    }) : () -> ()
    %mul3A_43 = arith.constant 640 : i32
    %mul3A_44 = arith.muli %arg1, %mul3A_43 : i32
    %add3A_45 = arith.constant 160 : i32
    %add3A_46 = arith.addi %mul3A_44, %add3A_45 : i32
    "tpu.region"() ({
      %run_scoped3A = tpu.sem_alloc : memref<!tpu.dma_semaphore, #tpu.memory_space<semaphore_mem>>
      %dma_start3A = arith.constant 0 : i32
      %dma_start3A_114 = tpu.memref_slice %arg7[%add3A_46, %dma_start3A] : memref<10240x128xf32, #tpu.memory_space<vmem_shared>> -> memref<32x128xf32, #tpu.memory_space<vmem_shared>>
      %dma_start3A_115 = arith.constant 0 : i32
      %dma_start3A_116 = tpu.memref_slice %arg7[%add3A_46, %dma_start3A_115] : memref<10240x128xf32, #tpu.memory_space<vmem_shared>> -> memref<32x128xf32, #tpu.memory_space<vmem_shared>>
      tpu.enqueue_dma source(%arg6 : memref<32x128xf32, #tpu.memory_space<vmem>>) target(%dma_start3A_116 : memref<32x128xf32, #tpu.memory_space<vmem_shared>>) target_semaphore(%run_scoped3A : memref<!tpu.dma_semaphore, #tpu.memory_space<semaphore_mem>>)
      %dma_wait3A = arith.constant 0 : i32
      %dma_wait3A_117 = tpu.memref_slice %arg7[%add3A_46, %dma_wait3A] : memref<10240x128xf32, #tpu.memory_space<vmem_shared>> -> memref<32x128xf32, #tpu.memory_space<vmem_shared>>
      %dma_wait3A_118 = arith.constant 0 : i32
      %dma_wait3A_119 = tpu.memref_slice %arg7[%add3A_46, %dma_wait3A_118] : memref<10240x128xf32, #tpu.memory_space<vmem_shared>> -> memref<32x128xf32, #tpu.memory_space<vmem_shared>>
      tpu.wait_dma2 semaphore(%run_scoped3A : memref<!tpu.dma_semaphore, #tpu.memory_space<semaphore_mem>>) src(%arg6 : memref<32x128xf32, #tpu.memory_space<vmem>>) dst(%dma_wait3A_119 : memref<32x128xf32, #tpu.memory_space<vmem_shared>>)
      tpu.yield
    }) : () -> ()
    %mul3A_47 = arith.constant 640 : i32
    %mul3A_48 = arith.muli %arg1, %mul3A_47 : i32
    %add3A_49 = arith.constant 192 : i32
    %add3A_50 = arith.addi %mul3A_48, %add3A_49 : i32
    "tpu.region"() ({
      %run_scoped3A = tpu.sem_alloc : memref<!tpu.dma_semaphore, #tpu.memory_space<semaphore_mem>>
      %dma_start3A = arith.constant 0 : i32
      %dma_start3A_114 = tpu.memref_slice %arg7[%add3A_50, %dma_start3A] : memref<10240x128xf32, #tpu.memory_space<vmem_shared>> -> memref<32x128xf32, #tpu.memory_space<vmem_shared>>
      %dma_start3A_115 = arith.constant 0 : i32
      %dma_start3A_116 = tpu.memref_slice %arg7[%add3A_50, %dma_start3A_115] : memref<10240x128xf32, #tpu.memory_space<vmem_shared>> -> memref<32x128xf32, #tpu.memory_space<vmem_shared>>
      tpu.enqueue_dma source(%arg6 : memref<32x128xf32, #tpu.memory_space<vmem>>) target(%dma_start3A_116 : memref<32x128xf32, #tpu.memory_space<vmem_shared>>) target_semaphore(%run_scoped3A : memref<!tpu.dma_semaphore, #tpu.memory_space<semaphore_mem>>)
      %dma_wait3A = arith.constant 0 : i32
      %dma_wait3A_117 = tpu.memref_slice %arg7[%add3A_50, %dma_wait3A] : memref<10240x128xf32, #tpu.memory_space<vmem_shared>> -> memref<32x128xf32, #tpu.memory_space<vmem_shared>>
      %dma_wait3A_118 = arith.constant 0 : i32
      %dma_wait3A_119 = tpu.memref_slice %arg7[%add3A_50, %dma_wait3A_118] : memref<10240x128xf32, #tpu.memory_space<vmem_shared>> -> memref<32x128xf32, #tpu.memory_space<vmem_shared>>
      tpu.wait_dma2 semaphore(%run_scoped3A : memref<!tpu.dma_semaphore, #tpu.memory_space<semaphore_mem>>) src(%arg6 : memref<32x128xf32, #tpu.memory_space<vmem>>) dst(%dma_wait3A_119 : memref<32x128xf32, #tpu.memory_space<vmem_shared>>)
      tpu.yield
    }) : () -> ()
    %mul3A_51 = arith.constant 640 : i32
    %mul3A_52 = arith.muli %arg1, %mul3A_51 : i32
    %add3A_53 = arith.constant 224 : i32
    %add3A_54 = arith.addi %mul3A_52, %add3A_53 : i32
    "tpu.region"() ({
      %run_scoped3A = tpu.sem_alloc : memref<!tpu.dma_semaphore, #tpu.memory_space<semaphore_mem>>
      %dma_start3A = arith.constant 0 : i32
      %dma_start3A_114 = tpu.memref_slice %arg7[%add3A_54, %dma_start3A] : memref<10240x128xf32, #tpu.memory_space<vmem_shared>> -> memref<32x128xf32, #tpu.memory_space<vmem_shared>>
      %dma_start3A_115 = arith.constant 0 : i32
      %dma_start3A_116 = tpu.memref_slice %arg7[%add3A_54, %dma_start3A_115] : memref<10240x128xf32, #tpu.memory_space<vmem_shared>> -> memref<32x128xf32, #tpu.memory_space<vmem_shared>>
      tpu.enqueue_dma source(%arg6 : memref<32x128xf32, #tpu.memory_space<vmem>>) target(%dma_start3A_116 : memref<32x128xf32, #tpu.memory_space<vmem_shared>>) target_semaphore(%run_scoped3A : memref<!tpu.dma_semaphore, #tpu.memory_space<semaphore_mem>>)
      %dma_wait3A = arith.constant 0 : i32
      %dma_wait3A_117 = tpu.memref_slice %arg7[%add3A_54, %dma_wait3A] : memref<10240x128xf32, #tpu.memory_space<vmem_shared>> -> memref<32x128xf32, #tpu.memory_space<vmem_shared>>
      %dma_wait3A_118 = arith.constant 0 : i32
      %dma_wait3A_119 = tpu.memref_slice %arg7[%add3A_54, %dma_wait3A_118] : memref<10240x128xf32, #tpu.memory_space<vmem_shared>> -> memref<32x128xf32, #tpu.memory_space<vmem_shared>>
      tpu.wait_dma2 semaphore(%run_scoped3A : memref<!tpu.dma_semaphore, #tpu.memory_space<semaphore_mem>>) src(%arg6 : memref<32x128xf32, #tpu.memory_space<vmem>>) dst(%dma_wait3A_119 : memref<32x128xf32, #tpu.memory_space<vmem_shared>>)
      tpu.yield
    }) : () -> ()
    %mul3A_55 = arith.constant 640 : i32
    %mul3A_56 = arith.muli %arg1, %mul3A_55 : i32
    %add3A_57 = arith.constant 256 : i32
    %add3A_58 = arith.addi %mul3A_56, %add3A_57 : i32
    "tpu.region"() ({
      %run_scoped3A = tpu.sem_alloc : memref<!tpu.dma_semaphore, #tpu.memory_space<semaphore_mem>>
      %dma_start3A = arith.constant 0 : i32
      %dma_start3A_114 = tpu.memref_slice %arg7[%add3A_58, %dma_start3A] : memref<10240x128xf32, #tpu.memory_space<vmem_shared>> -> memref<32x128xf32, #tpu.memory_space<vmem_shared>>
      %dma_start3A_115 = arith.constant 0 : i32
      %dma_start3A_116 = tpu.memref_slice %arg7[%add3A_58, %dma_start3A_115] : memref<10240x128xf32, #tpu.memory_space<vmem_shared>> -> memref<32x128xf32, #tpu.memory_space<vmem_shared>>
      tpu.enqueue_dma source(%arg6 : memref<32x128xf32, #tpu.memory_space<vmem>>) target(%dma_start3A_116 : memref<32x128xf32, #tpu.memory_space<vmem_shared>>) target_semaphore(%run_scoped3A : memref<!tpu.dma_semaphore, #tpu.memory_space<semaphore_mem>>)
      %dma_wait3A = arith.constant 0 : i32
      %dma_wait3A_117 = tpu.memref_slice %arg7[%add3A_58, %dma_wait3A] : memref<10240x128xf32, #tpu.memory_space<vmem_shared>> -> memref<32x128xf32, #tpu.memory_space<vmem_shared>>
      %dma_wait3A_118 = arith.constant 0 : i32
      %dma_wait3A_119 = tpu.memref_slice %arg7[%add3A_58, %dma_wait3A_118] : memref<10240x128xf32, #tpu.memory_space<vmem_shared>> -> memref<32x128xf32, #tpu.memory_space<vmem_shared>>
      tpu.wait_dma2 semaphore(%run_scoped3A : memref<!tpu.dma_semaphore, #tpu.memory_space<semaphore_mem>>) src(%arg6 : memref<32x128xf32, #tpu.memory_space<vmem>>) dst(%dma_wait3A_119 : memref<32x128xf32, #tpu.memory_space<vmem_shared>>)
      tpu.yield
    }) : () -> ()
    %mul3A_59 = arith.constant 640 : i32
    %mul3A_60 = arith.muli %arg1, %mul3A_59 : i32
    %add3A_61 = arith.constant 288 : i32
    %add3A_62 = arith.addi %mul3A_60, %add3A_61 : i32
    "tpu.region"() ({
      %run_scoped3A = tpu.sem_alloc : memref<!tpu.dma_semaphore, #tpu.memory_space<semaphore_mem>>
      %dma_start3A = arith.constant 0 : i32
      %dma_start3A_114 = tpu.memref_slice %arg7[%add3A_62, %dma_start3A] : memref<10240x128xf32, #tpu.memory_space<vmem_shared>> -> memref<32x128xf32, #tpu.memory_space<vmem_shared>>
      %dma_start3A_115 = arith.constant 0 : i32
      %dma_start3A_116 = tpu.memref_slice %arg7[%add3A_62, %dma_start3A_115] : memref<10240x128xf32, #tpu.memory_space<vmem_shared>> -> memref<32x128xf32, #tpu.memory_space<vmem_shared>>
      tpu.enqueue_dma source(%arg6 : memref<32x128xf32, #tpu.memory_space<vmem>>) target(%dma_start3A_116 : memref<32x128xf32, #tpu.memory_space<vmem_shared>>) target_semaphore(%run_scoped3A : memref<!tpu.dma_semaphore, #tpu.memory_space<semaphore_mem>>)
      %dma_wait3A = arith.constant 0 : i32
      %dma_wait3A_117 = tpu.memref_slice %arg7[%add3A_62, %dma_wait3A] : memref<10240x128xf32, #tpu.memory_space<vmem_shared>> -> memref<32x128xf32, #tpu.memory_space<vmem_shared>>
      %dma_wait3A_118 = arith.constant 0 : i32
      %dma_wait3A_119 = tpu.memref_slice %arg7[%add3A_62, %dma_wait3A_118] : memref<10240x128xf32, #tpu.memory_space<vmem_shared>> -> memref<32x128xf32, #tpu.memory_space<vmem_shared>>
      tpu.wait_dma2 semaphore(%run_scoped3A : memref<!tpu.dma_semaphore, #tpu.memory_space<semaphore_mem>>) src(%arg6 : memref<32x128xf32, #tpu.memory_space<vmem>>) dst(%dma_wait3A_119 : memref<32x128xf32, #tpu.memory_space<vmem_shared>>)
      tpu.yield
    }) : () -> ()
    %mul3A_63 = arith.constant 640 : i32
    %mul3A_64 = arith.muli %arg1, %mul3A_63 : i32
    %add3A_65 = arith.constant 320 : i32
    %add3A_66 = arith.addi %mul3A_64, %add3A_65 : i32
    "tpu.region"() ({
      %run_scoped3A = tpu.sem_alloc : memref<!tpu.dma_semaphore, #tpu.memory_space<semaphore_mem>>
      %dma_start3A = arith.constant 0 : i32
      %dma_start3A_114 = tpu.memref_slice %arg7[%add3A_66, %dma_start3A] : memref<10240x128xf32, #tpu.memory_space<vmem_shared>> -> memref<32x128xf32, #tpu.memory_space<vmem_shared>>
      %dma_start3A_115 = arith.constant 0 : i32
      %dma_start3A_116 = tpu.memref_slice %arg7[%add3A_66, %dma_start3A_115] : memref<10240x128xf32, #tpu.memory_space<vmem_shared>> -> memref<32x128xf32, #tpu.memory_space<vmem_shared>>
      tpu.enqueue_dma source(%arg6 : memref<32x128xf32, #tpu.memory_space<vmem>>) target(%dma_start3A_116 : memref<32x128xf32, #tpu.memory_space<vmem_shared>>) target_semaphore(%run_scoped3A : memref<!tpu.dma_semaphore, #tpu.memory_space<semaphore_mem>>)
      %dma_wait3A = arith.constant 0 : i32
      %dma_wait3A_117 = tpu.memref_slice %arg7[%add3A_66, %dma_wait3A] : memref<10240x128xf32, #tpu.memory_space<vmem_shared>> -> memref<32x128xf32, #tpu.memory_space<vmem_shared>>
      %dma_wait3A_118 = arith.constant 0 : i32
      %dma_wait3A_119 = tpu.memref_slice %arg7[%add3A_66, %dma_wait3A_118] : memref<10240x128xf32, #tpu.memory_space<vmem_shared>> -> memref<32x128xf32, #tpu.memory_space<vmem_shared>>
      tpu.wait_dma2 semaphore(%run_scoped3A : memref<!tpu.dma_semaphore, #tpu.memory_space<semaphore_mem>>) src(%arg6 : memref<32x128xf32, #tpu.memory_space<vmem>>) dst(%dma_wait3A_119 : memref<32x128xf32, #tpu.memory_space<vmem_shared>>)
      tpu.yield
    }) : () -> ()
    %mul3A_67 = arith.constant 640 : i32
    %mul3A_68 = arith.muli %arg1, %mul3A_67 : i32
    %add3A_69 = arith.constant 352 : i32
    %add3A_70 = arith.addi %mul3A_68, %add3A_69 : i32
    "tpu.region"() ({
      %run_scoped3A = tpu.sem_alloc : memref<!tpu.dma_semaphore, #tpu.memory_space<semaphore_mem>>
      %dma_start3A = arith.constant 0 : i32
      %dma_start3A_114 = tpu.memref_slice %arg7[%add3A_70, %dma_start3A] : memref<10240x128xf32, #tpu.memory_space<vmem_shared>> -> memref<32x128xf32, #tpu.memory_space<vmem_shared>>
      %dma_start3A_115 = arith.constant 0 : i32
      %dma_start3A_116 = tpu.memref_slice %arg7[%add3A_70, %dma_start3A_115] : memref<10240x128xf32, #tpu.memory_space<vmem_shared>> -> memref<32x128xf32, #tpu.memory_space<vmem_shared>>
      tpu.enqueue_dma source(%arg6 : memref<32x128xf32, #tpu.memory_space<vmem>>) target(%dma_start3A_116 : memref<32x128xf32, #tpu.memory_space<vmem_shared>>) target_semaphore(%run_scoped3A : memref<!tpu.dma_semaphore, #tpu.memory_space<semaphore_mem>>)
      %dma_wait3A = arith.constant 0 : i32
      %dma_wait3A_117 = tpu.memref_slice %arg7[%add3A_70, %dma_wait3A] : memref<10240x128xf32, #tpu.memory_space<vmem_shared>> -> memref<32x128xf32, #tpu.memory_space<vmem_shared>>
      %dma_wait3A_118 = arith.constant 0 : i32
      %dma_wait3A_119 = tpu.memref_slice %arg7[%add3A_70, %dma_wait3A_118] : memref<10240x128xf32, #tpu.memory_space<vmem_shared>> -> memref<32x128xf32, #tpu.memory_space<vmem_shared>>
      tpu.wait_dma2 semaphore(%run_scoped3A : memref<!tpu.dma_semaphore, #tpu.memory_space<semaphore_mem>>) src(%arg6 : memref<32x128xf32, #tpu.memory_space<vmem>>) dst(%dma_wait3A_119 : memref<32x128xf32, #tpu.memory_space<vmem_shared>>)
      tpu.yield
    }) : () -> ()
    %mul3A_71 = arith.constant 640 : i32
    %mul3A_72 = arith.muli %arg1, %mul3A_71 : i32
    %add3A_73 = arith.constant 384 : i32
    %add3A_74 = arith.addi %mul3A_72, %add3A_73 : i32
    "tpu.region"() ({
      %run_scoped3A = tpu.sem_alloc : memref<!tpu.dma_semaphore, #tpu.memory_space<semaphore_mem>>
      %dma_start3A = arith.constant 0 : i32
      %dma_start3A_114 = tpu.memref_slice %arg7[%add3A_74, %dma_start3A] : memref<10240x128xf32, #tpu.memory_space<vmem_shared>> -> memref<32x128xf32, #tpu.memory_space<vmem_shared>>
      %dma_start3A_115 = arith.constant 0 : i32
      %dma_start3A_116 = tpu.memref_slice %arg7[%add3A_74, %dma_start3A_115] : memref<10240x128xf32, #tpu.memory_space<vmem_shared>> -> memref<32x128xf32, #tpu.memory_space<vmem_shared>>
      tpu.enqueue_dma source(%arg6 : memref<32x128xf32, #tpu.memory_space<vmem>>) target(%dma_start3A_116 : memref<32x128xf32, #tpu.memory_space<vmem_shared>>) target_semaphore(%run_scoped3A : memref<!tpu.dma_semaphore, #tpu.memory_space<semaphore_mem>>)
      %dma_wait3A = arith.constant 0 : i32
      %dma_wait3A_117 = tpu.memref_slice %arg7[%add3A_74, %dma_wait3A] : memref<10240x128xf32, #tpu.memory_space<vmem_shared>> -> memref<32x128xf32, #tpu.memory_space<vmem_shared>>
      %dma_wait3A_118 = arith.constant 0 : i32
      %dma_wait3A_119 = tpu.memref_slice %arg7[%add3A_74, %dma_wait3A_118] : memref<10240x128xf32, #tpu.memory_space<vmem_shared>> -> memref<32x128xf32, #tpu.memory_space<vmem_shared>>
      tpu.wait_dma2 semaphore(%run_scoped3A : memref<!tpu.dma_semaphore, #tpu.memory_space<semaphore_mem>>) src(%arg6 : memref<32x128xf32, #tpu.memory_space<vmem>>) dst(%dma_wait3A_119 : memref<32x128xf32, #tpu.memory_space<vmem_shared>>)
      tpu.yield
    }) : () -> ()
    %mul3A_75 = arith.constant 640 : i32
    %mul3A_76 = arith.muli %arg1, %mul3A_75 : i32
    %add3A_77 = arith.constant 416 : i32
    %add3A_78 = arith.addi %mul3A_76, %add3A_77 : i32
    "tpu.region"() ({
      %run_scoped3A = tpu.sem_alloc : memref<!tpu.dma_semaphore, #tpu.memory_space<semaphore_mem>>
      %dma_start3A = arith.constant 0 : i32
      %dma_start3A_114 = tpu.memref_slice %arg7[%add3A_78, %dma_start3A] : memref<10240x128xf32, #tpu.memory_space<vmem_shared>> -> memref<32x128xf32, #tpu.memory_space<vmem_shared>>
      %dma_start3A_115 = arith.constant 0 : i32
      %dma_start3A_116 = tpu.memref_slice %arg7[%add3A_78, %dma_start3A_115] : memref<10240x128xf32, #tpu.memory_space<vmem_shared>> -> memref<32x128xf32, #tpu.memory_space<vmem_shared>>
      tpu.enqueue_dma source(%arg6 : memref<32x128xf32, #tpu.memory_space<vmem>>) target(%dma_start3A_116 : memref<32x128xf32, #tpu.memory_space<vmem_shared>>) target_semaphore(%run_scoped3A : memref<!tpu.dma_semaphore, #tpu.memory_space<semaphore_mem>>)
      %dma_wait3A = arith.constant 0 : i32
      %dma_wait3A_117 = tpu.memref_slice %arg7[%add3A_78, %dma_wait3A] : memref<10240x128xf32, #tpu.memory_space<vmem_shared>> -> memref<32x128xf32, #tpu.memory_space<vmem_shared>>
      %dma_wait3A_118 = arith.constant 0 : i32
      %dma_wait3A_119 = tpu.memref_slice %arg7[%add3A_78, %dma_wait3A_118] : memref<10240x128xf32, #tpu.memory_space<vmem_shared>> -> memref<32x128xf32, #tpu.memory_space<vmem_shared>>
      tpu.wait_dma2 semaphore(%run_scoped3A : memref<!tpu.dma_semaphore, #tpu.memory_space<semaphore_mem>>) src(%arg6 : memref<32x128xf32, #tpu.memory_space<vmem>>) dst(%dma_wait3A_119 : memref<32x128xf32, #tpu.memory_space<vmem_shared>>)
      tpu.yield
    }) : () -> ()
    %mul3A_79 = arith.constant 640 : i32
    %mul3A_80 = arith.muli %arg1, %mul3A_79 : i32
    %add3A_81 = arith.constant 448 : i32
    %add3A_82 = arith.addi %mul3A_80, %add3A_81 : i32
    "tpu.region"() ({
      %run_scoped3A = tpu.sem_alloc : memref<!tpu.dma_semaphore, #tpu.memory_space<semaphore_mem>>
      %dma_start3A = arith.constant 0 : i32
      %dma_start3A_114 = tpu.memref_slice %arg7[%add3A_82, %dma_start3A] : memref<10240x128xf32, #tpu.memory_space<vmem_shared>> -> memref<32x128xf32, #tpu.memory_space<vmem_shared>>
      %dma_start3A_115 = arith.constant 0 : i32
      %dma_start3A_116 = tpu.memref_slice %arg7[%add3A_82, %dma_start3A_115] : memref<10240x128xf32, #tpu.memory_space<vmem_shared>> -> memref<32x128xf32, #tpu.memory_space<vmem_shared>>
      tpu.enqueue_dma source(%arg6 : memref<32x128xf32, #tpu.memory_space<vmem>>) target(%dma_start3A_116 : memref<32x128xf32, #tpu.memory_space<vmem_shared>>) target_semaphore(%run_scoped3A : memref<!tpu.dma_semaphore, #tpu.memory_space<semaphore_mem>>)
      %dma_wait3A = arith.constant 0 : i32
      %dma_wait3A_117 = tpu.memref_slice %arg7[%add3A_82, %dma_wait3A] : memref<10240x128xf32, #tpu.memory_space<vmem_shared>> -> memref<32x128xf32, #tpu.memory_space<vmem_shared>>
      %dma_wait3A_118 = arith.constant 0 : i32
      %dma_wait3A_119 = tpu.memref_slice %arg7[%add3A_82, %dma_wait3A_118] : memref<10240x128xf32, #tpu.memory_space<vmem_shared>> -> memref<32x128xf32, #tpu.memory_space<vmem_shared>>
      tpu.wait_dma2 semaphore(%run_scoped3A : memref<!tpu.dma_semaphore, #tpu.memory_space<semaphore_mem>>) src(%arg6 : memref<32x128xf32, #tpu.memory_space<vmem>>) dst(%dma_wait3A_119 : memref<32x128xf32, #tpu.memory_space<vmem_shared>>)
      tpu.yield
    }) : () -> ()
    %mul3A_83 = arith.constant 640 : i32
    %mul3A_84 = arith.muli %arg1, %mul3A_83 : i32
    %add3A_85 = arith.constant 480 : i32
    %add3A_86 = arith.addi %mul3A_84, %add3A_85 : i32
    "tpu.region"() ({
      %run_scoped3A = tpu.sem_alloc : memref<!tpu.dma_semaphore, #tpu.memory_space<semaphore_mem>>
      %dma_start3A = arith.constant 0 : i32
      %dma_start3A_114 = tpu.memref_slice %arg7[%add3A_86, %dma_start3A] : memref<10240x128xf32, #tpu.memory_space<vmem_shared>> -> memref<32x128xf32, #tpu.memory_space<vmem_shared>>
      %dma_start3A_115 = arith.constant 0 : i32
      %dma_start3A_116 = tpu.memref_slice %arg7[%add3A_86, %dma_start3A_115] : memref<10240x128xf32, #tpu.memory_space<vmem_shared>> -> memref<32x128xf32, #tpu.memory_space<vmem_shared>>
      tpu.enqueue_dma source(%arg6 : memref<32x128xf32, #tpu.memory_space<vmem>>) target(%dma_start3A_116 : memref<32x128xf32, #tpu.memory_space<vmem_shared>>) target_semaphore(%run_scoped3A : memref<!tpu.dma_semaphore, #tpu.memory_space<semaphore_mem>>)
      %dma_wait3A = arith.constant 0 : i32
      %dma_wait3A_117 = tpu.memref_slice %arg7[%add3A_86, %dma_wait3A] : memref<10240x128xf32, #tpu.memory_space<vmem_shared>> -> memref<32x128xf32, #tpu.memory_space<vmem_shared>>
      %dma_wait3A_118 = arith.constant 0 : i32
      %dma_wait3A_119 = tpu.memref_slice %arg7[%add3A_86, %dma_wait3A_118] : memref<10240x128xf32, #tpu.memory_space<vmem_shared>> -> memref<32x128xf32, #tpu.memory_space<vmem_shared>>
      tpu.wait_dma2 semaphore(%run_scoped3A : memref<!tpu.dma_semaphore, #tpu.memory_space<semaphore_mem>>) src(%arg6 : memref<32x128xf32, #tpu.memory_space<vmem>>) dst(%dma_wait3A_119 : memref<32x128xf32, #tpu.memory_space<vmem_shared>>)
      tpu.yield
    }) : () -> ()
    %mul3A_87 = arith.constant 640 : i32
    %mul3A_88 = arith.muli %arg1, %mul3A_87 : i32
    %add3A_89 = arith.constant 512 : i32
    %add3A_90 = arith.addi %mul3A_88, %add3A_89 : i32
    "tpu.region"() ({
      %run_scoped3A = tpu.sem_alloc : memref<!tpu.dma_semaphore, #tpu.memory_space<semaphore_mem>>
      %dma_start3A = arith.constant 0 : i32
      %dma_start3A_114 = tpu.memref_slice %arg7[%add3A_90, %dma_start3A] : memref<10240x128xf32, #tpu.memory_space<vmem_shared>> -> memref<32x128xf32, #tpu.memory_space<vmem_shared>>
      %dma_start3A_115 = arith.constant 0 : i32
      %dma_start3A_116 = tpu.memref_slice %arg7[%add3A_90, %dma_start3A_115] : memref<10240x128xf32, #tpu.memory_space<vmem_shared>> -> memref<32x128xf32, #tpu.memory_space<vmem_shared>>
      tpu.enqueue_dma source(%arg6 : memref<32x128xf32, #tpu.memory_space<vmem>>) target(%dma_start3A_116 : memref<32x128xf32, #tpu.memory_space<vmem_shared>>) target_semaphore(%run_scoped3A : memref<!tpu.dma_semaphore, #tpu.memory_space<semaphore_mem>>)
      %dma_wait3A = arith.constant 0 : i32
      %dma_wait3A_117 = tpu.memref_slice %arg7[%add3A_90, %dma_wait3A] : memref<10240x128xf32, #tpu.memory_space<vmem_shared>> -> memref<32x128xf32, #tpu.memory_space<vmem_shared>>
      %dma_wait3A_118 = arith.constant 0 : i32
      %dma_wait3A_119 = tpu.memref_slice %arg7[%add3A_90, %dma_wait3A_118] : memref<10240x128xf32, #tpu.memory_space<vmem_shared>> -> memref<32x128xf32, #tpu.memory_space<vmem_shared>>
      tpu.wait_dma2 semaphore(%run_scoped3A : memref<!tpu.dma_semaphore, #tpu.memory_space<semaphore_mem>>) src(%arg6 : memref<32x128xf32, #tpu.memory_space<vmem>>) dst(%dma_wait3A_119 : memref<32x128xf32, #tpu.memory_space<vmem_shared>>)
      tpu.yield
    }) : () -> ()
    %mul3A_91 = arith.constant 640 : i32
    %mul3A_92 = arith.muli %arg1, %mul3A_91 : i32
    %add3A_93 = arith.constant 544 : i32
    %add3A_94 = arith.addi %mul3A_92, %add3A_93 : i32
    "tpu.region"() ({
      %run_scoped3A = tpu.sem_alloc : memref<!tpu.dma_semaphore, #tpu.memory_space<semaphore_mem>>
      %dma_start3A = arith.constant 0 : i32
      %dma_start3A_114 = tpu.memref_slice %arg7[%add3A_94, %dma_start3A] : memref<10240x128xf32, #tpu.memory_space<vmem_shared>> -> memref<32x128xf32, #tpu.memory_space<vmem_shared>>
      %dma_start3A_115 = arith.constant 0 : i32
      %dma_start3A_116 = tpu.memref_slice %arg7[%add3A_94, %dma_start3A_115] : memref<10240x128xf32, #tpu.memory_space<vmem_shared>> -> memref<32x128xf32, #tpu.memory_space<vmem_shared>>
      tpu.enqueue_dma source(%arg6 : memref<32x128xf32, #tpu.memory_space<vmem>>) target(%dma_start3A_116 : memref<32x128xf32, #tpu.memory_space<vmem_shared>>) target_semaphore(%run_scoped3A : memref<!tpu.dma_semaphore, #tpu.memory_space<semaphore_mem>>)
      %dma_wait3A = arith.constant 0 : i32
      %dma_wait3A_117 = tpu.memref_slice %arg7[%add3A_94, %dma_wait3A] : memref<10240x128xf32, #tpu.memory_space<vmem_shared>> -> memref<32x128xf32, #tpu.memory_space<vmem_shared>>
      %dma_wait3A_118 = arith.constant 0 : i32
      %dma_wait3A_119 = tpu.memref_slice %arg7[%add3A_94, %dma_wait3A_118] : memref<10240x128xf32, #tpu.memory_space<vmem_shared>> -> memref<32x128xf32, #tpu.memory_space<vmem_shared>>
      tpu.wait_dma2 semaphore(%run_scoped3A : memref<!tpu.dma_semaphore, #tpu.memory_space<semaphore_mem>>) src(%arg6 : memref<32x128xf32, #tpu.memory_space<vmem>>) dst(%dma_wait3A_119 : memref<32x128xf32, #tpu.memory_space<vmem_shared>>)
      tpu.yield
    }) : () -> ()
    %mul3A_95 = arith.constant 640 : i32
    %mul3A_96 = arith.muli %arg1, %mul3A_95 : i32
    %add3A_97 = arith.constant 576 : i32
    %add3A_98 = arith.addi %mul3A_96, %add3A_97 : i32
    "tpu.region"() ({
      %run_scoped3A = tpu.sem_alloc : memref<!tpu.dma_semaphore, #tpu.memory_space<semaphore_mem>>
      %dma_start3A = arith.constant 0 : i32
      %dma_start3A_114 = tpu.memref_slice %arg7[%add3A_98, %dma_start3A] : memref<10240x128xf32, #tpu.memory_space<vmem_shared>> -> memref<32x128xf32, #tpu.memory_space<vmem_shared>>
      %dma_start3A_115 = arith.constant 0 : i32
      %dma_start3A_116 = tpu.memref_slice %arg7[%add3A_98, %dma_start3A_115] : memref<10240x128xf32, #tpu.memory_space<vmem_shared>> -> memref<32x128xf32, #tpu.memory_space<vmem_shared>>
      tpu.enqueue_dma source(%arg6 : memref<32x128xf32, #tpu.memory_space<vmem>>) target(%dma_start3A_116 : memref<32x128xf32, #tpu.memory_space<vmem_shared>>) target_semaphore(%run_scoped3A : memref<!tpu.dma_semaphore, #tpu.memory_space<semaphore_mem>>)
      %dma_wait3A = arith.constant 0 : i32
      %dma_wait3A_117 = tpu.memref_slice %arg7[%add3A_98, %dma_wait3A] : memref<10240x128xf32, #tpu.memory_space<vmem_shared>> -> memref<32x128xf32, #tpu.memory_space<vmem_shared>>
      %dma_wait3A_118 = arith.constant 0 : i32
      %dma_wait3A_119 = tpu.memref_slice %arg7[%add3A_98, %dma_wait3A_118] : memref<10240x128xf32, #tpu.memory_space<vmem_shared>> -> memref<32x128xf32, #tpu.memory_space<vmem_shared>>
      tpu.wait_dma2 semaphore(%run_scoped3A : memref<!tpu.dma_semaphore, #tpu.memory_space<semaphore_mem>>) src(%arg6 : memref<32x128xf32, #tpu.memory_space<vmem>>) dst(%dma_wait3A_119 : memref<32x128xf32, #tpu.memory_space<vmem_shared>>)
      tpu.yield
    }) : () -> ()
    %mul3A_99 = arith.constant 640 : i32
    %mul3A_100 = arith.muli %arg1, %mul3A_99 : i32
    %add3A_101 = arith.constant 608 : i32
    %add3A_102 = arith.addi %mul3A_100, %add3A_101 : i32
    "tpu.region"() ({
      %run_scoped3A = tpu.sem_alloc : memref<!tpu.dma_semaphore, #tpu.memory_space<semaphore_mem>>
      %dma_start3A = arith.constant 0 : i32
      %dma_start3A_114 = tpu.memref_slice %arg7[%add3A_102, %dma_start3A] : memref<10240x128xf32, #tpu.memory_space<vmem_shared>> -> memref<32x128xf32, #tpu.memory_space<vmem_shared>>
      %dma_start3A_115 = arith.constant 0 : i32
      %dma_start3A_116 = tpu.memref_slice %arg7[%add3A_102, %dma_start3A_115] : memref<10240x128xf32, #tpu.memory_space<vmem_shared>> -> memref<32x128xf32, #tpu.memory_space<vmem_shared>>
      tpu.enqueue_dma source(%arg6 : memref<32x128xf32, #tpu.memory_space<vmem>>) target(%dma_start3A_116 : memref<32x128xf32, #tpu.memory_space<vmem_shared>>) target_semaphore(%run_scoped3A : memref<!tpu.dma_semaphore, #tpu.memory_space<semaphore_mem>>)
      %dma_wait3A = arith.constant 0 : i32
      %dma_wait3A_117 = tpu.memref_slice %arg7[%add3A_102, %dma_wait3A] : memref<10240x128xf32, #tpu.memory_space<vmem_shared>> -> memref<32x128xf32, #tpu.memory_space<vmem_shared>>
      %dma_wait3A_118 = arith.constant 0 : i32
      %dma_wait3A_119 = tpu.memref_slice %arg7[%add3A_102, %dma_wait3A_118] : memref<10240x128xf32, #tpu.memory_space<vmem_shared>> -> memref<32x128xf32, #tpu.memory_space<vmem_shared>>
      tpu.wait_dma2 semaphore(%run_scoped3A : memref<!tpu.dma_semaphore, #tpu.memory_space<semaphore_mem>>) src(%arg6 : memref<32x128xf32, #tpu.memory_space<vmem>>) dst(%dma_wait3A_119 : memref<32x128xf32, #tpu.memory_space<vmem_shared>>)
      tpu.yield
    }) : () -> ()
    %barrier3A = arith.constant 0 : index
    tpu.barrier barrier_id(%barrier3A)
    %scan3A_103 = arith.constant 0 : i32
    %scan3A_104 = arith.constant 0 : i32
    %scan3A_105 = arith.constant 79 : i32
    %scan3A_106 = arith.addi %scan3A_104, %scan3A_105 : i32
    %scan3A_107 = arith.constant 1 : i32
    scf.for %scan3A_114 = %scan3A_104 to %scan3A_106 step %scan3A_107  : i32 {
      "tpu.region"() ({
        %run_scoped3A = tpu.sem_alloc : memref<!tpu.dma_semaphore, #tpu.memory_space<semaphore_mem>>
        %dma_start3A = arith.constant 0 : i32
        %dma_start3A_115 = tpu.memref_slice %arg4[%scan3A_114, %dma_start3A] : memref<79x128xi32, #tpu.memory_space<vmem>> -> memref<1x128xi32, #tpu.memory_space<vmem>>
        %dma_start3A_116 = tpu.memref_squeeze %dma_start3A_115 : memref<1x128xi32, #tpu.memory_space<vmem>> -> memref<128xi32, #tpu.memory_space<vmem>>
        %dma_start3A_117 = arith.constant 0 : i32
        %dma_start3A_118 = arith.constant 0 : i32
        %dma_start3A_119 = tpu.memref_slice %arg7[%dma_start3A_117, %dma_start3A_118] : memref<10240x128xf32, #tpu.memory_space<vmem_shared>> -> memref<10240x128xf32, #tpu.memory_space<vmem_shared>>
        tpu.enqueue_indirect_dma source(%arg5 : memref<128x128xf32, #tpu.memory_space<vmem>>) target(%dma_start3A_119 : memref<10240x128xf32, #tpu.memory_space<vmem_shared>>) offsets(%dma_start3A_116 : memref<128xi32, #tpu.memory_space<vmem>>) semaphore(%run_scoped3A : memref<!tpu.dma_semaphore, #tpu.memory_space<semaphore_mem>>) {add = true}
        %dma_wait3A = arith.constant 0 : i32
        %dma_wait3A_120 = tpu.memref_slice %arg4[%scan3A_114, %dma_wait3A] : memref<79x128xi32, #tpu.memory_space<vmem>> -> memref<1x128xi32, #tpu.memory_space<vmem>>
        %dma_wait3A_121 = tpu.memref_squeeze %dma_wait3A_120 : memref<1x128xi32, #tpu.memory_space<vmem>> -> memref<128xi32, #tpu.memory_space<vmem>>
        %dma_wait3A_122 = arith.constant 0 : i32
        %dma_wait3A_123 = arith.constant 0 : i32
        %dma_wait3A_124 = tpu.memref_slice %arg7[%dma_wait3A_122, %dma_wait3A_123] : memref<10240x128xf32, #tpu.memory_space<vmem_shared>> -> memref<10240x128xf32, #tpu.memory_space<vmem_shared>>
        tpu.wait_indirect_dma semaphore(%run_scoped3A : memref<!tpu.dma_semaphore, #tpu.memory_space<semaphore_mem>>) src(%arg5 : memref<128x128xf32, #tpu.memory_space<vmem>>) dst(%dma_wait3A_124 : memref<10240x128xf32, #tpu.memory_space<vmem_shared>>)
        tpu.yield
      }) : () -> ()
    }
    %scan3A_108 = arith.constant 79 : i32
    %barrier3A_109 = arith.constant 0 : index
    tpu.barrier barrier_id(%barrier3A_109)
    %mul3A_110 = arith.constant 640 : i32
    %mul3A_111 = arith.muli %arg1, %mul3A_110 : i32
    %mul3A_112 = arith.constant 640 : i32
    %mul3A_113 = arith.muli %arg1, %mul3A_112 : i32
    "tpu.region"() ({
      %run_scoped3A = tpu.sem_alloc : memref<!tpu.dma_semaphore, #tpu.memory_space<semaphore_mem>>
      %dma_start3A = arith.constant 0 : i32
      %dma_start3A_114 = tpu.memref_slice %arg3[%arg0, %mul3A_113, %dma_start3A] : memref<2x10240x128xf32, #tpu.memory_space<hbm>> -> memref<1x640x128xf32, #tpu.memory_space<hbm>>
      %dma_start3A_115 = tpu.memref_squeeze %dma_start3A_114 : memref<1x640x128xf32, #tpu.memory_space<hbm>> -> memref<640x128xf32, #tpu.memory_space<hbm>>
      %dma_start3A_116 = arith.constant 0 : i32
      %dma_start3A_117 = tpu.memref_slice %arg7[%mul3A_111, %dma_start3A_116] : memref<10240x128xf32, #tpu.memory_space<vmem_shared>> -> memref<640x128xf32, #tpu.memory_space<vmem_shared>>
      tpu.enqueue_dma source(%dma_start3A_117 : memref<640x128xf32, #tpu.memory_space<vmem_shared>>) target(%dma_start3A_115 : memref<640x128xf32, #tpu.memory_space<hbm>>) target_semaphore(%run_scoped3A : memref<!tpu.dma_semaphore, #tpu.memory_space<semaphore_mem>>)
      %dma_wait3A = arith.constant 0 : i32
      %dma_wait3A_118 = tpu.memref_slice %arg3[%arg0, %mul3A_113, %dma_wait3A] : memref<2x10240x128xf32, #tpu.memory_space<hbm>> -> memref<1x640x128xf32, #tpu.memory_space<hbm>>
      %dma_wait3A_119 = tpu.memref_squeeze %dma_wait3A_118 : memref<1x640x128xf32, #tpu.memory_space<hbm>> -> memref<640x128xf32, #tpu.memory_space<hbm>>
      %dma_wait3A_120 = arith.constant 0 : i32
      %dma_wait3A_121 = tpu.memref_slice %arg7[%mul3A_111, %dma_wait3A_120] : memref<10240x128xf32, #tpu.memory_space<vmem_shared>> -> memref<640x128xf32, #tpu.memory_space<vmem_shared>>
      tpu.wait_dma2 semaphore(%run_scoped3A : memref<!tpu.dma_semaphore, #tpu.memory_space<semaphore_mem>>) src(%dma_wait3A_121 : memref<640x128xf32, #tpu.memory_space<vmem_shared>>) dst(%dma_wait3A_119 : memref<640x128xf32, #tpu.memory_space<hbm>>)
      tpu.yield
    }) : () -> ()
    return
  }
}

#map = affine_map<(d0, d1) -> (0, 0)>
#map1 = affine_map<(d0, d1) -> (0, 0, 0)>
module attributes {stable_mosaic.version = 14 : i64} {
  func.func @_prop_sc(%arg0: i32, %arg1: i32, %arg2: memref<10000x128xf32, #tpu.memory_space<hbm>>, %arg3: memref<2x323584xi32, #tpu.memory_space<hbm>>, %arg4: memref<2x10240x128xf32, #tpu.memory_space<hbm>>, %arg5: memref<79x128xi32, #tpu.memory_space<vmem>>, %arg6: memref<79x128xi32, #tpu.memory_space<vmem>>, %arg7: memref<128x128xf32, #tpu.memory_space<vmem>>, %arg8: memref<32x128xf32, #tpu.memory_space<vmem>>, %arg9: memref<10240x128xf32, #tpu.memory_space<vmem_shared>>, %arg10: memref<!tpu.dma_semaphore, #tpu.memory_space<semaphore_mem>>) attributes {dimension_semantics = [#tpu.dimension_semantics<core_parallel>, #tpu.dimension_semantics<subcore_parallel>], iteration_bounds = array<i64: 2, 16>, scalar_prefetch = 0 : i64, scratch_operands = 6 : i64, tpu.core_type = #tpu.core_type<sc_vector_subcore>, window_params = [{transform_indices = #map}, {transform_indices = #map}, {transform_indices = #map1}]} {
    %mul3A = arith.constant 2 : i32
    %mul3A_0 = arith.muli %arg1, %mul3A : i32
    %add3A = arith.addi %mul3A_0, %arg0 : i32
    %mul3A_1 = arith.constant 10112 : i32
    %mul3A_2 = arith.muli %add3A, %mul3A_1 : i32
    %scan3A = arith.constant 0 : i32
    %scan3A_3 = arith.constant 0 : i32
    %scan3A_4 = arith.constant 79 : i32
    %scan3A_5 = arith.addi %scan3A_3, %scan3A_4 : i32
    %scan3A_6 = arith.constant 1 : i32
    scf.for %scan3A_106 = %scan3A_3 to %scan3A_5 step %scan3A_6  : i32 {
      %mul3A_107 = arith.constant 128 : i32
      %mul3A_108 = arith.muli %scan3A_106, %mul3A_107 : i32
      %add3A_109 = arith.addi %mul3A_2, %mul3A_108 : i32
      %run_scoped3A = arith.constant 0 : i32
      "tpu.region"() ({
        %run_scoped3A_114 = tpu.sem_alloc : memref<!tpu.dma_semaphore, #tpu.memory_space<semaphore_mem>>
        %dma_start3A = arith.constant 0 : i32
        %dma_start3A_115 = tpu.memref_slice %arg5[%scan3A_106, %dma_start3A] : memref<79x128xi32, #tpu.memory_space<vmem>> -> memref<1x128xi32, #tpu.memory_space<vmem>>
        %dma_start3A_116 = tpu.memref_squeeze %dma_start3A_115 : memref<1x128xi32, #tpu.memory_space<vmem>> -> memref<128xi32, #tpu.memory_space<vmem>>
        %dma_start3A_117 = tpu.memref_slice %arg3[%run_scoped3A, %add3A_109] : memref<2x323584xi32, #tpu.memory_space<hbm>> -> memref<1x128xi32, #tpu.memory_space<hbm>>
        %dma_start3A_118 = tpu.memref_squeeze %dma_start3A_117 : memref<1x128xi32, #tpu.memory_space<hbm>> -> memref<128xi32, #tpu.memory_space<hbm>>
        %dma_start3A_119 = arith.constant 0 : i32
        %dma_start3A_120 = tpu.memref_slice %arg5[%scan3A_106, %dma_start3A_119] : memref<79x128xi32, #tpu.memory_space<vmem>> -> memref<1x128xi32, #tpu.memory_space<vmem>>
        %dma_start3A_121 = tpu.memref_squeeze %dma_start3A_120 : memref<1x128xi32, #tpu.memory_space<vmem>> -> memref<128xi32, #tpu.memory_space<vmem>>
        %dma_start3A_122 = tpu.memref_slice %arg3[%run_scoped3A, %add3A_109] : memref<2x323584xi32, #tpu.memory_space<hbm>> -> memref<1x128xi32, #tpu.memory_space<hbm>>
        %dma_start3A_123 = tpu.memref_squeeze %dma_start3A_122 : memref<1x128xi32, #tpu.memory_space<hbm>> -> memref<128xi32, #tpu.memory_space<hbm>>
        tpu.enqueue_dma source(%dma_start3A_123 : memref<128xi32, #tpu.memory_space<hbm>>) target(%dma_start3A_121 : memref<128xi32, #tpu.memory_space<vmem>>) target_semaphore(%run_scoped3A_114 : memref<!tpu.dma_semaphore, #tpu.memory_space<semaphore_mem>>)
        %dma_wait3A = arith.constant 0 : i32
        %dma_wait3A_124 = tpu.memref_slice %arg5[%scan3A_106, %dma_wait3A] : memref<79x128xi32, #tpu.memory_space<vmem>> -> memref<1x128xi32, #tpu.memory_space<vmem>>
        %dma_wait3A_125 = tpu.memref_squeeze %dma_wait3A_124 : memref<1x128xi32, #tpu.memory_space<vmem>> -> memref<128xi32, #tpu.memory_space<vmem>>
        %dma_wait3A_126 = tpu.memref_slice %arg3[%run_scoped3A, %add3A_109] : memref<2x323584xi32, #tpu.memory_space<hbm>> -> memref<1x128xi32, #tpu.memory_space<hbm>>
        %dma_wait3A_127 = tpu.memref_squeeze %dma_wait3A_126 : memref<1x128xi32, #tpu.memory_space<hbm>> -> memref<128xi32, #tpu.memory_space<hbm>>
        %dma_wait3A_128 = arith.constant 0 : i32
        %dma_wait3A_129 = tpu.memref_slice %arg5[%scan3A_106, %dma_wait3A_128] : memref<79x128xi32, #tpu.memory_space<vmem>> -> memref<1x128xi32, #tpu.memory_space<vmem>>
        %dma_wait3A_130 = tpu.memref_squeeze %dma_wait3A_129 : memref<1x128xi32, #tpu.memory_space<vmem>> -> memref<128xi32, #tpu.memory_space<vmem>>
        %dma_wait3A_131 = tpu.memref_slice %arg3[%run_scoped3A, %add3A_109] : memref<2x323584xi32, #tpu.memory_space<hbm>> -> memref<1x128xi32, #tpu.memory_space<hbm>>
        %dma_wait3A_132 = tpu.memref_squeeze %dma_wait3A_131 : memref<1x128xi32, #tpu.memory_space<hbm>> -> memref<128xi32, #tpu.memory_space<hbm>>
        tpu.wait_dma2 semaphore(%run_scoped3A_114 : memref<!tpu.dma_semaphore, #tpu.memory_space<semaphore_mem>>) src(%dma_wait3A_132 : memref<128xi32, #tpu.memory_space<hbm>>) dst(%dma_wait3A_130 : memref<128xi32, #tpu.memory_space<vmem>>)
        tpu.yield
      }) : () -> ()
      %mul3A_110 = arith.constant 128 : i32
      %mul3A_111 = arith.muli %scan3A_106, %mul3A_110 : i32
      %add3A_112 = arith.addi %mul3A_2, %mul3A_111 : i32
      %run_scoped3A_113 = arith.constant 1 : i32
      "tpu.region"() ({
        %run_scoped3A_114 = tpu.sem_alloc : memref<!tpu.dma_semaphore, #tpu.memory_space<semaphore_mem>>
        %dma_start3A = arith.constant 0 : i32
        %dma_start3A_115 = tpu.memref_slice %arg6[%scan3A_106, %dma_start3A] : memref<79x128xi32, #tpu.memory_space<vmem>> -> memref<1x128xi32, #tpu.memory_space<vmem>>
        %dma_start3A_116 = tpu.memref_squeeze %dma_start3A_115 : memref<1x128xi32, #tpu.memory_space<vmem>> -> memref<128xi32, #tpu.memory_space<vmem>>
        %dma_start3A_117 = tpu.memref_slice %arg3[%run_scoped3A_113, %add3A_112] : memref<2x323584xi32, #tpu.memory_space<hbm>> -> memref<1x128xi32, #tpu.memory_space<hbm>>
        %dma_start3A_118 = tpu.memref_squeeze %dma_start3A_117 : memref<1x128xi32, #tpu.memory_space<hbm>> -> memref<128xi32, #tpu.memory_space<hbm>>
        %dma_start3A_119 = arith.constant 0 : i32
        %dma_start3A_120 = tpu.memref_slice %arg6[%scan3A_106, %dma_start3A_119] : memref<79x128xi32, #tpu.memory_space<vmem>> -> memref<1x128xi32, #tpu.memory_space<vmem>>
        %dma_start3A_121 = tpu.memref_squeeze %dma_start3A_120 : memref<1x128xi32, #tpu.memory_space<vmem>> -> memref<128xi32, #tpu.memory_space<vmem>>
        %dma_start3A_122 = tpu.memref_slice %arg3[%run_scoped3A_113, %add3A_112] : memref<2x323584xi32, #tpu.memory_space<hbm>> -> memref<1x128xi32, #tpu.memory_space<hbm>>
        %dma_start3A_123 = tpu.memref_squeeze %dma_start3A_122 : memref<1x128xi32, #tpu.memory_space<hbm>> -> memref<128xi32, #tpu.memory_space<hbm>>
        tpu.enqueue_dma source(%dma_start3A_123 : memref<128xi32, #tpu.memory_space<hbm>>) target(%dma_start3A_121 : memref<128xi32, #tpu.memory_space<vmem>>) target_semaphore(%run_scoped3A_114 : memref<!tpu.dma_semaphore, #tpu.memory_space<semaphore_mem>>)
        %dma_wait3A = arith.constant 0 : i32
        %dma_wait3A_124 = tpu.memref_slice %arg6[%scan3A_106, %dma_wait3A] : memref<79x128xi32, #tpu.memory_space<vmem>> -> memref<1x128xi32, #tpu.memory_space<vmem>>
        %dma_wait3A_125 = tpu.memref_squeeze %dma_wait3A_124 : memref<1x128xi32, #tpu.memory_space<vmem>> -> memref<128xi32, #tpu.memory_space<vmem>>
        %dma_wait3A_126 = tpu.memref_slice %arg3[%run_scoped3A_113, %add3A_112] : memref<2x323584xi32, #tpu.memory_space<hbm>> -> memref<1x128xi32, #tpu.memory_space<hbm>>
        %dma_wait3A_127 = tpu.memref_squeeze %dma_wait3A_126 : memref<1x128xi32, #tpu.memory_space<hbm>> -> memref<128xi32, #tpu.memory_space<hbm>>
        %dma_wait3A_128 = arith.constant 0 : i32
        %dma_wait3A_129 = tpu.memref_slice %arg6[%scan3A_106, %dma_wait3A_128] : memref<79x128xi32, #tpu.memory_space<vmem>> -> memref<1x128xi32, #tpu.memory_space<vmem>>
        %dma_wait3A_130 = tpu.memref_squeeze %dma_wait3A_129 : memref<1x128xi32, #tpu.memory_space<vmem>> -> memref<128xi32, #tpu.memory_space<vmem>>
        %dma_wait3A_131 = tpu.memref_slice %arg3[%run_scoped3A_113, %add3A_112] : memref<2x323584xi32, #tpu.memory_space<hbm>> -> memref<1x128xi32, #tpu.memory_space<hbm>>
        %dma_wait3A_132 = tpu.memref_squeeze %dma_wait3A_131 : memref<1x128xi32, #tpu.memory_space<hbm>> -> memref<128xi32, #tpu.memory_space<hbm>>
        tpu.wait_dma2 semaphore(%run_scoped3A_114 : memref<!tpu.dma_semaphore, #tpu.memory_space<semaphore_mem>>) src(%dma_wait3A_132 : memref<128xi32, #tpu.memory_space<hbm>>) dst(%dma_wait3A_130 : memref<128xi32, #tpu.memory_space<vmem>>)
        tpu.yield
      }) : () -> ()
    }
    %scan3A_7 = arith.constant 79 : i32
    %broadcast_in_dim3A = arith.constant 0.000000e+00 : f32
    %broadcast_in_dim3A_8 = vector.broadcast %broadcast_in_dim3A : f32 to vector<16xf32>
    %scan3A_9 = arith.constant 0 : i32
    %scan3A_10 = arith.constant 0 : i32
    %scan3A_11 = arith.constant 32 : i32
    %scan3A_12 = arith.addi %scan3A_10, %scan3A_11 : i32
    %scan3A_13 = arith.constant 1 : i32
    scf.for %scan3A_106 = %scan3A_10 to %scan3A_12 step %scan3A_13  : i32 {
      %swap3A = arith.index_cast %scan3A_106 : i32 to index
      %swap3A_107 = arith.constant 0 : index
      %swap3A_108 = tpu.vector_load %arg8[%swap3A, %swap3A_107] {strides = array<i32>} : memref<32x128xf32, #tpu.memory_space<vmem>>, vector<1x16xf32>,
      %swap3A_109 = vector.shape_cast %swap3A_108 : vector<1x16xf32> to vector<16xf32>
      %swap3A_110 = vector.shape_cast %broadcast_in_dim3A_8 : vector<16xf32> to vector<1x16xf32>
      tpu.vector_store %arg8[%swap3A, %swap3A_107], %swap3A_110 {strides = array<i32>} : memref<32x128xf32, #tpu.memory_space<vmem>>, vector<1x16xf32>,
      %swap3A_111 = arith.index_cast %scan3A_106 : i32 to index
      %swap3A_112 = arith.constant 16 : index
      %swap3A_113 = tpu.vector_load %arg8[%swap3A_111, %swap3A_112] {strides = array<i32>} : memref<32x128xf32, #tpu.memory_space<vmem>>, vector<1x16xf32>,
      %swap3A_114 = vector.shape_cast %swap3A_113 : vector<1x16xf32> to vector<16xf32>
      %swap3A_115 = vector.shape_cast %broadcast_in_dim3A_8 : vector<16xf32> to vector<1x16xf32>
      tpu.vector_store %arg8[%swap3A_111, %swap3A_112], %swap3A_115 {strides = array<i32>} : memref<32x128xf32, #tpu.memory_space<vmem>>, vector<1x16xf32>,
      %swap3A_116 = arith.index_cast %scan3A_106 : i32 to index
      %swap3A_117 = arith.constant 32 : index
      %swap3A_118 = tpu.vector_load %arg8[%swap3A_116, %swap3A_117] {strides = array<i32>} : memref<32x128xf32, #tpu.memory_space<vmem>>, vector<1x16xf32>,
      %swap3A_119 = vector.shape_cast %swap3A_118 : vector<1x16xf32> to vector<16xf32>
      %swap3A_120 = vector.shape_cast %broadcast_in_dim3A_8 : vector<16xf32> to vector<1x16xf32>
      tpu.vector_store %arg8[%swap3A_116, %swap3A_117], %swap3A_120 {strides = array<i32>} : memref<32x128xf32, #tpu.memory_space<vmem>>, vector<1x16xf32>,
      %swap3A_121 = arith.index_cast %scan3A_106 : i32 to index
      %swap3A_122 = arith.constant 48 : index
      %swap3A_123 = tpu.vector_load %arg8[%swap3A_121, %swap3A_122] {strides = array<i32>} : memref<32x128xf32, #tpu.memory_space<vmem>>, vector<1x16xf32>,
      %swap3A_124 = vector.shape_cast %swap3A_123 : vector<1x16xf32> to vector<16xf32>
      %swap3A_125 = vector.shape_cast %broadcast_in_dim3A_8 : vector<16xf32> to vector<1x16xf32>
      tpu.vector_store %arg8[%swap3A_121, %swap3A_122], %swap3A_125 {strides = array<i32>} : memref<32x128xf32, #tpu.memory_space<vmem>>, vector<1x16xf32>,
      %swap3A_126 = arith.index_cast %scan3A_106 : i32 to index
      %swap3A_127 = arith.constant 64 : index
      %swap3A_128 = tpu.vector_load %arg8[%swap3A_126, %swap3A_127] {strides = array<i32>} : memref<32x128xf32, #tpu.memory_space<vmem>>, vector<1x16xf32>,
      %swap3A_129 = vector.shape_cast %swap3A_128 : vector<1x16xf32> to vector<16xf32>
      %swap3A_130 = vector.shape_cast %broadcast_in_dim3A_8 : vector<16xf32> to vector<1x16xf32>
      tpu.vector_store %arg8[%swap3A_126, %swap3A_127], %swap3A_130 {strides = array<i32>} : memref<32x128xf32, #tpu.memory_space<vmem>>, vector<1x16xf32>,
      %swap3A_131 = arith.index_cast %scan3A_106 : i32 to index
      %swap3A_132 = arith.constant 80 : index
      %swap3A_133 = tpu.vector_load %arg8[%swap3A_131, %swap3A_132] {strides = array<i32>} : memref<32x128xf32, #tpu.memory_space<vmem>>, vector<1x16xf32>,
      %swap3A_134 = vector.shape_cast %swap3A_133 : vector<1x16xf32> to vector<16xf32>
      %swap3A_135 = vector.shape_cast %broadcast_in_dim3A_8 : vector<16xf32> to vector<1x16xf32>
      tpu.vector_store %arg8[%swap3A_131, %swap3A_132], %swap3A_135 {strides = array<i32>} : memref<32x128xf32, #tpu.memory_space<vmem>>, vector<1x16xf32>,
      %swap3A_136 = arith.index_cast %scan3A_106 : i32 to index
      %swap3A_137 = arith.constant 96 : index
      %swap3A_138 = tpu.vector_load %arg8[%swap3A_136, %swap3A_137] {strides = array<i32>} : memref<32x128xf32, #tpu.memory_space<vmem>>, vector<1x16xf32>,
      %swap3A_139 = vector.shape_cast %swap3A_138 : vector<1x16xf32> to vector<16xf32>
      %swap3A_140 = vector.shape_cast %broadcast_in_dim3A_8 : vector<16xf32> to vector<1x16xf32>
      tpu.vector_store %arg8[%swap3A_136, %swap3A_137], %swap3A_140 {strides = array<i32>} : memref<32x128xf32, #tpu.memory_space<vmem>>, vector<1x16xf32>,
      %swap3A_141 = arith.index_cast %scan3A_106 : i32 to index
      %swap3A_142 = arith.constant 112 : index
      %swap3A_143 = tpu.vector_load %arg8[%swap3A_141, %swap3A_142] {strides = array<i32>} : memref<32x128xf32, #tpu.memory_space<vmem>>, vector<1x16xf32>,
      %swap3A_144 = vector.shape_cast %swap3A_143 : vector<1x16xf32> to vector<16xf32>
      %swap3A_145 = vector.shape_cast %broadcast_in_dim3A_8 : vector<16xf32> to vector<1x16xf32>
      tpu.vector_store %arg8[%swap3A_141, %swap3A_142], %swap3A_145 {strides = array<i32>} : memref<32x128xf32, #tpu.memory_space<vmem>>, vector<1x16xf32>,
    }
    %scan3A_14 = arith.constant 32 : i32
    %mul3A_15 = arith.constant 640 : i32
    %mul3A_16 = arith.muli %arg1, %mul3A_15 : i32
    %add3A_17 = arith.constant 0 : i32
    %add3A_18 = arith.addi %mul3A_16, %add3A_17 : i32
    "tpu.region"() ({
      %run_scoped3A = tpu.sem_alloc : memref<!tpu.dma_semaphore, #tpu.memory_space<semaphore_mem>>
      %dma_start3A = arith.constant 0 : i32
      %dma_start3A_106 = tpu.memref_slice %arg9[%add3A_18, %dma_start3A] : memref<10240x128xf32, #tpu.memory_space<vmem_shared>> -> memref<32x128xf32, #tpu.memory_space<vmem_shared>>
      %dma_start3A_107 = arith.constant 0 : i32
      %dma_start3A_108 = tpu.memref_slice %arg9[%add3A_18, %dma_start3A_107] : memref<10240x128xf32, #tpu.memory_space<vmem_shared>> -> memref<32x128xf32, #tpu.memory_space<vmem_shared>>
      tpu.enqueue_dma source(%arg8 : memref<32x128xf32, #tpu.memory_space<vmem>>) target(%dma_start3A_108 : memref<32x128xf32, #tpu.memory_space<vmem_shared>>) target_semaphore(%run_scoped3A : memref<!tpu.dma_semaphore, #tpu.memory_space<semaphore_mem>>)
      %dma_wait3A = arith.constant 0 : i32
      %dma_wait3A_109 = tpu.memref_slice %arg9[%add3A_18, %dma_wait3A] : memref<10240x128xf32, #tpu.memory_space<vmem_shared>> -> memref<32x128xf32, #tpu.memory_space<vmem_shared>>
      %dma_wait3A_110 = arith.constant 0 : i32
      %dma_wait3A_111 = tpu.memref_slice %arg9[%add3A_18, %dma_wait3A_110] : memref<10240x128xf32, #tpu.memory_space<vmem_shared>> -> memref<32x128xf32, #tpu.memory_space<vmem_shared>>
      tpu.wait_dma2 semaphore(%run_scoped3A : memref<!tpu.dma_semaphore, #tpu.memory_space<semaphore_mem>>) src(%arg8 : memref<32x128xf32, #tpu.memory_space<vmem>>) dst(%dma_wait3A_111 : memref<32x128xf32, #tpu.memory_space<vmem_shared>>)
      tpu.yield
    }) : () -> ()
    %mul3A_19 = arith.constant 640 : i32
    %mul3A_20 = arith.muli %arg1, %mul3A_19 : i32
    %add3A_21 = arith.constant 32 : i32
    %add3A_22 = arith.addi %mul3A_20, %add3A_21 : i32
    "tpu.region"() ({
      %run_scoped3A = tpu.sem_alloc : memref<!tpu.dma_semaphore, #tpu.memory_space<semaphore_mem>>
      %dma_start3A = arith.constant 0 : i32
      %dma_start3A_106 = tpu.memref_slice %arg9[%add3A_22, %dma_start3A] : memref<10240x128xf32, #tpu.memory_space<vmem_shared>> -> memref<32x128xf32, #tpu.memory_space<vmem_shared>>
      %dma_start3A_107 = arith.constant 0 : i32
      %dma_start3A_108 = tpu.memref_slice %arg9[%add3A_22, %dma_start3A_107] : memref<10240x128xf32, #tpu.memory_space<vmem_shared>> -> memref<32x128xf32, #tpu.memory_space<vmem_shared>>
      tpu.enqueue_dma source(%arg8 : memref<32x128xf32, #tpu.memory_space<vmem>>) target(%dma_start3A_108 : memref<32x128xf32, #tpu.memory_space<vmem_shared>>) target_semaphore(%run_scoped3A : memref<!tpu.dma_semaphore, #tpu.memory_space<semaphore_mem>>)
      %dma_wait3A = arith.constant 0 : i32
      %dma_wait3A_109 = tpu.memref_slice %arg9[%add3A_22, %dma_wait3A] : memref<10240x128xf32, #tpu.memory_space<vmem_shared>> -> memref<32x128xf32, #tpu.memory_space<vmem_shared>>
      %dma_wait3A_110 = arith.constant 0 : i32
      %dma_wait3A_111 = tpu.memref_slice %arg9[%add3A_22, %dma_wait3A_110] : memref<10240x128xf32, #tpu.memory_space<vmem_shared>> -> memref<32x128xf32, #tpu.memory_space<vmem_shared>>
      tpu.wait_dma2 semaphore(%run_scoped3A : memref<!tpu.dma_semaphore, #tpu.memory_space<semaphore_mem>>) src(%arg8 : memref<32x128xf32, #tpu.memory_space<vmem>>) dst(%dma_wait3A_111 : memref<32x128xf32, #tpu.memory_space<vmem_shared>>)
      tpu.yield
    }) : () -> ()
    %mul3A_23 = arith.constant 640 : i32
    %mul3A_24 = arith.muli %arg1, %mul3A_23 : i32
    %add3A_25 = arith.constant 64 : i32
    %add3A_26 = arith.addi %mul3A_24, %add3A_25 : i32
    "tpu.region"() ({
      %run_scoped3A = tpu.sem_alloc : memref<!tpu.dma_semaphore, #tpu.memory_space<semaphore_mem>>
      %dma_start3A = arith.constant 0 : i32
      %dma_start3A_106 = tpu.memref_slice %arg9[%add3A_26, %dma_start3A] : memref<10240x128xf32, #tpu.memory_space<vmem_shared>> -> memref<32x128xf32, #tpu.memory_space<vmem_shared>>
      %dma_start3A_107 = arith.constant 0 : i32
      %dma_start3A_108 = tpu.memref_slice %arg9[%add3A_26, %dma_start3A_107] : memref<10240x128xf32, #tpu.memory_space<vmem_shared>> -> memref<32x128xf32, #tpu.memory_space<vmem_shared>>
      tpu.enqueue_dma source(%arg8 : memref<32x128xf32, #tpu.memory_space<vmem>>) target(%dma_start3A_108 : memref<32x128xf32, #tpu.memory_space<vmem_shared>>) target_semaphore(%run_scoped3A : memref<!tpu.dma_semaphore, #tpu.memory_space<semaphore_mem>>)
      %dma_wait3A = arith.constant 0 : i32
      %dma_wait3A_109 = tpu.memref_slice %arg9[%add3A_26, %dma_wait3A] : memref<10240x128xf32, #tpu.memory_space<vmem_shared>> -> memref<32x128xf32, #tpu.memory_space<vmem_shared>>
      %dma_wait3A_110 = arith.constant 0 : i32
      %dma_wait3A_111 = tpu.memref_slice %arg9[%add3A_26, %dma_wait3A_110] : memref<10240x128xf32, #tpu.memory_space<vmem_shared>> -> memref<32x128xf32, #tpu.memory_space<vmem_shared>>
      tpu.wait_dma2 semaphore(%run_scoped3A : memref<!tpu.dma_semaphore, #tpu.memory_space<semaphore_mem>>) src(%arg8 : memref<32x128xf32, #tpu.memory_space<vmem>>) dst(%dma_wait3A_111 : memref<32x128xf32, #tpu.memory_space<vmem_shared>>)
      tpu.yield
    }) : () -> ()
    %mul3A_27 = arith.constant 640 : i32
    %mul3A_28 = arith.muli %arg1, %mul3A_27 : i32
    %add3A_29 = arith.constant 96 : i32
    %add3A_30 = arith.addi %mul3A_28, %add3A_29 : i32
    "tpu.region"() ({
      %run_scoped3A = tpu.sem_alloc : memref<!tpu.dma_semaphore, #tpu.memory_space<semaphore_mem>>
      %dma_start3A = arith.constant 0 : i32
      %dma_start3A_106 = tpu.memref_slice %arg9[%add3A_30, %dma_start3A] : memref<10240x128xf32, #tpu.memory_space<vmem_shared>> -> memref<32x128xf32, #tpu.memory_space<vmem_shared>>
      %dma_start3A_107 = arith.constant 0 : i32
      %dma_start3A_108 = tpu.memref_slice %arg9[%add3A_30, %dma_start3A_107] : memref<10240x128xf32, #tpu.memory_space<vmem_shared>> -> memref<32x128xf32, #tpu.memory_space<vmem_shared>>
      tpu.enqueue_dma source(%arg8 : memref<32x128xf32, #tpu.memory_space<vmem>>) target(%dma_start3A_108 : memref<32x128xf32, #tpu.memory_space<vmem_shared>>) target_semaphore(%run_scoped3A : memref<!tpu.dma_semaphore, #tpu.memory_space<semaphore_mem>>)
      %dma_wait3A = arith.constant 0 : i32
      %dma_wait3A_109 = tpu.memref_slice %arg9[%add3A_30, %dma_wait3A] : memref<10240x128xf32, #tpu.memory_space<vmem_shared>> -> memref<32x128xf32, #tpu.memory_space<vmem_shared>>
      %dma_wait3A_110 = arith.constant 0 : i32
      %dma_wait3A_111 = tpu.memref_slice %arg9[%add3A_30, %dma_wait3A_110] : memref<10240x128xf32, #tpu.memory_space<vmem_shared>> -> memref<32x128xf32, #tpu.memory_space<vmem_shared>>
      tpu.wait_dma2 semaphore(%run_scoped3A : memref<!tpu.dma_semaphore, #tpu.memory_space<semaphore_mem>>) src(%arg8 : memref<32x128xf32, #tpu.memory_space<vmem>>) dst(%dma_wait3A_111 : memref<32x128xf32, #tpu.memory_space<vmem_shared>>)
      tpu.yield
    }) : () -> ()
    %mul3A_31 = arith.constant 640 : i32
    %mul3A_32 = arith.muli %arg1, %mul3A_31 : i32
    %add3A_33 = arith.constant 128 : i32
    %add3A_34 = arith.addi %mul3A_32, %add3A_33 : i32
    "tpu.region"() ({
      %run_scoped3A = tpu.sem_alloc : memref<!tpu.dma_semaphore, #tpu.memory_space<semaphore_mem>>
      %dma_start3A = arith.constant 0 : i32
      %dma_start3A_106 = tpu.memref_slice %arg9[%add3A_34, %dma_start3A] : memref<10240x128xf32, #tpu.memory_space<vmem_shared>> -> memref<32x128xf32, #tpu.memory_space<vmem_shared>>
      %dma_start3A_107 = arith.constant 0 : i32
      %dma_start3A_108 = tpu.memref_slice %arg9[%add3A_34, %dma_start3A_107] : memref<10240x128xf32, #tpu.memory_space<vmem_shared>> -> memref<32x128xf32, #tpu.memory_space<vmem_shared>>
      tpu.enqueue_dma source(%arg8 : memref<32x128xf32, #tpu.memory_space<vmem>>) target(%dma_start3A_108 : memref<32x128xf32, #tpu.memory_space<vmem_shared>>) target_semaphore(%run_scoped3A : memref<!tpu.dma_semaphore, #tpu.memory_space<semaphore_mem>>)
      %dma_wait3A = arith.constant 0 : i32
      %dma_wait3A_109 = tpu.memref_slice %arg9[%add3A_34, %dma_wait3A] : memref<10240x128xf32, #tpu.memory_space<vmem_shared>> -> memref<32x128xf32, #tpu.memory_space<vmem_shared>>
      %dma_wait3A_110 = arith.constant 0 : i32
      %dma_wait3A_111 = tpu.memref_slice %arg9[%add3A_34, %dma_wait3A_110] : memref<10240x128xf32, #tpu.memory_space<vmem_shared>> -> memref<32x128xf32, #tpu.memory_space<vmem_shared>>
      tpu.wait_dma2 semaphore(%run_scoped3A : memref<!tpu.dma_semaphore, #tpu.memory_space<semaphore_mem>>) src(%arg8 : memref<32x128xf32, #tpu.memory_space<vmem>>) dst(%dma_wait3A_111 : memref<32x128xf32, #tpu.memory_space<vmem_shared>>)
      tpu.yield
    }) : () -> ()
    %mul3A_35 = arith.constant 640 : i32
    %mul3A_36 = arith.muli %arg1, %mul3A_35 : i32
    %add3A_37 = arith.constant 160 : i32
    %add3A_38 = arith.addi %mul3A_36, %add3A_37 : i32
    "tpu.region"() ({
      %run_scoped3A = tpu.sem_alloc : memref<!tpu.dma_semaphore, #tpu.memory_space<semaphore_mem>>
      %dma_start3A = arith.constant 0 : i32
      %dma_start3A_106 = tpu.memref_slice %arg9[%add3A_38, %dma_start3A] : memref<10240x128xf32, #tpu.memory_space<vmem_shared>> -> memref<32x128xf32, #tpu.memory_space<vmem_shared>>
      %dma_start3A_107 = arith.constant 0 : i32
      %dma_start3A_108 = tpu.memref_slice %arg9[%add3A_38, %dma_start3A_107] : memref<10240x128xf32, #tpu.memory_space<vmem_shared>> -> memref<32x128xf32, #tpu.memory_space<vmem_shared>>
      tpu.enqueue_dma source(%arg8 : memref<32x128xf32, #tpu.memory_space<vmem>>) target(%dma_start3A_108 : memref<32x128xf32, #tpu.memory_space<vmem_shared>>) target_semaphore(%run_scoped3A : memref<!tpu.dma_semaphore, #tpu.memory_space<semaphore_mem>>)
      %dma_wait3A = arith.constant 0 : i32
      %dma_wait3A_109 = tpu.memref_slice %arg9[%add3A_38, %dma_wait3A] : memref<10240x128xf32, #tpu.memory_space<vmem_shared>> -> memref<32x128xf32, #tpu.memory_space<vmem_shared>>
      %dma_wait3A_110 = arith.constant 0 : i32
      %dma_wait3A_111 = tpu.memref_slice %arg9[%add3A_38, %dma_wait3A_110] : memref<10240x128xf32, #tpu.memory_space<vmem_shared>> -> memref<32x128xf32, #tpu.memory_space<vmem_shared>>
      tpu.wait_dma2 semaphore(%run_scoped3A : memref<!tpu.dma_semaphore, #tpu.memory_space<semaphore_mem>>) src(%arg8 : memref<32x128xf32, #tpu.memory_space<vmem>>) dst(%dma_wait3A_111 : memref<32x128xf32, #tpu.memory_space<vmem_shared>>)
      tpu.yield
    }) : () -> ()
    %mul3A_39 = arith.constant 640 : i32
    %mul3A_40 = arith.muli %arg1, %mul3A_39 : i32
    %add3A_41 = arith.constant 192 : i32
    %add3A_42 = arith.addi %mul3A_40, %add3A_41 : i32
    "tpu.region"() ({
      %run_scoped3A = tpu.sem_alloc : memref<!tpu.dma_semaphore, #tpu.memory_space<semaphore_mem>>
      %dma_start3A = arith.constant 0 : i32
      %dma_start3A_106 = tpu.memref_slice %arg9[%add3A_42, %dma_start3A] : memref<10240x128xf32, #tpu.memory_space<vmem_shared>> -> memref<32x128xf32, #tpu.memory_space<vmem_shared>>
      %dma_start3A_107 = arith.constant 0 : i32
      %dma_start3A_108 = tpu.memref_slice %arg9[%add3A_42, %dma_start3A_107] : memref<10240x128xf32, #tpu.memory_space<vmem_shared>> -> memref<32x128xf32, #tpu.memory_space<vmem_shared>>
      tpu.enqueue_dma source(%arg8 : memref<32x128xf32, #tpu.memory_space<vmem>>) target(%dma_start3A_108 : memref<32x128xf32, #tpu.memory_space<vmem_shared>>) target_semaphore(%run_scoped3A : memref<!tpu.dma_semaphore, #tpu.memory_space<semaphore_mem>>)
      %dma_wait3A = arith.constant 0 : i32
      %dma_wait3A_109 = tpu.memref_slice %arg9[%add3A_42, %dma_wait3A] : memref<10240x128xf32, #tpu.memory_space<vmem_shared>> -> memref<32x128xf32, #tpu.memory_space<vmem_shared>>
      %dma_wait3A_110 = arith.constant 0 : i32
      %dma_wait3A_111 = tpu.memref_slice %arg9[%add3A_42, %dma_wait3A_110] : memref<10240x128xf32, #tpu.memory_space<vmem_shared>> -> memref<32x128xf32, #tpu.memory_space<vmem_shared>>
      tpu.wait_dma2 semaphore(%run_scoped3A : memref<!tpu.dma_semaphore, #tpu.memory_space<semaphore_mem>>) src(%arg8 : memref<32x128xf32, #tpu.memory_space<vmem>>) dst(%dma_wait3A_111 : memref<32x128xf32, #tpu.memory_space<vmem_shared>>)
      tpu.yield
    }) : () -> ()
    %mul3A_43 = arith.constant 640 : i32
    %mul3A_44 = arith.muli %arg1, %mul3A_43 : i32
    %add3A_45 = arith.constant 224 : i32
    %add3A_46 = arith.addi %mul3A_44, %add3A_45 : i32
    "tpu.region"() ({
      %run_scoped3A = tpu.sem_alloc : memref<!tpu.dma_semaphore, #tpu.memory_space<semaphore_mem>>
      %dma_start3A = arith.constant 0 : i32
      %dma_start3A_106 = tpu.memref_slice %arg9[%add3A_46, %dma_start3A] : memref<10240x128xf32, #tpu.memory_space<vmem_shared>> -> memref<32x128xf32, #tpu.memory_space<vmem_shared>>
      %dma_start3A_107 = arith.constant 0 : i32
      %dma_start3A_108 = tpu.memref_slice %arg9[%add3A_46, %dma_start3A_107] : memref<10240x128xf32, #tpu.memory_space<vmem_shared>> -> memref<32x128xf32, #tpu.memory_space<vmem_shared>>
      tpu.enqueue_dma source(%arg8 : memref<32x128xf32, #tpu.memory_space<vmem>>) target(%dma_start3A_108 : memref<32x128xf32, #tpu.memory_space<vmem_shared>>) target_semaphore(%run_scoped3A : memref<!tpu.dma_semaphore, #tpu.memory_space<semaphore_mem>>)
      %dma_wait3A = arith.constant 0 : i32
      %dma_wait3A_109 = tpu.memref_slice %arg9[%add3A_46, %dma_wait3A] : memref<10240x128xf32, #tpu.memory_space<vmem_shared>> -> memref<32x128xf32, #tpu.memory_space<vmem_shared>>
      %dma_wait3A_110 = arith.constant 0 : i32
      %dma_wait3A_111 = tpu.memref_slice %arg9[%add3A_46, %dma_wait3A_110] : memref<10240x128xf32, #tpu.memory_space<vmem_shared>> -> memref<32x128xf32, #tpu.memory_space<vmem_shared>>
      tpu.wait_dma2 semaphore(%run_scoped3A : memref<!tpu.dma_semaphore, #tpu.memory_space<semaphore_mem>>) src(%arg8 : memref<32x128xf32, #tpu.memory_space<vmem>>) dst(%dma_wait3A_111 : memref<32x128xf32, #tpu.memory_space<vmem_shared>>)
      tpu.yield
    }) : () -> ()
    %mul3A_47 = arith.constant 640 : i32
    %mul3A_48 = arith.muli %arg1, %mul3A_47 : i32
    %add3A_49 = arith.constant 256 : i32
    %add3A_50 = arith.addi %mul3A_48, %add3A_49 : i32
    "tpu.region"() ({
      %run_scoped3A = tpu.sem_alloc : memref<!tpu.dma_semaphore, #tpu.memory_space<semaphore_mem>>
      %dma_start3A = arith.constant 0 : i32
      %dma_start3A_106 = tpu.memref_slice %arg9[%add3A_50, %dma_start3A] : memref<10240x128xf32, #tpu.memory_space<vmem_shared>> -> memref<32x128xf32, #tpu.memory_space<vmem_shared>>
      %dma_start3A_107 = arith.constant 0 : i32
      %dma_start3A_108 = tpu.memref_slice %arg9[%add3A_50, %dma_start3A_107] : memref<10240x128xf32, #tpu.memory_space<vmem_shared>> -> memref<32x128xf32, #tpu.memory_space<vmem_shared>>
      tpu.enqueue_dma source(%arg8 : memref<32x128xf32, #tpu.memory_space<vmem>>) target(%dma_start3A_108 : memref<32x128xf32, #tpu.memory_space<vmem_shared>>) target_semaphore(%run_scoped3A : memref<!tpu.dma_semaphore, #tpu.memory_space<semaphore_mem>>)
      %dma_wait3A = arith.constant 0 : i32
      %dma_wait3A_109 = tpu.memref_slice %arg9[%add3A_50, %dma_wait3A] : memref<10240x128xf32, #tpu.memory_space<vmem_shared>> -> memref<32x128xf32, #tpu.memory_space<vmem_shared>>
      %dma_wait3A_110 = arith.constant 0 : i32
      %dma_wait3A_111 = tpu.memref_slice %arg9[%add3A_50, %dma_wait3A_110] : memref<10240x128xf32, #tpu.memory_space<vmem_shared>> -> memref<32x128xf32, #tpu.memory_space<vmem_shared>>
      tpu.wait_dma2 semaphore(%run_scoped3A : memref<!tpu.dma_semaphore, #tpu.memory_space<semaphore_mem>>) src(%arg8 : memref<32x128xf32, #tpu.memory_space<vmem>>) dst(%dma_wait3A_111 : memref<32x128xf32, #tpu.memory_space<vmem_shared>>)
      tpu.yield
    }) : () -> ()
    %mul3A_51 = arith.constant 640 : i32
    %mul3A_52 = arith.muli %arg1, %mul3A_51 : i32
    %add3A_53 = arith.constant 288 : i32
    %add3A_54 = arith.addi %mul3A_52, %add3A_53 : i32
    "tpu.region"() ({
      %run_scoped3A = tpu.sem_alloc : memref<!tpu.dma_semaphore, #tpu.memory_space<semaphore_mem>>
      %dma_start3A = arith.constant 0 : i32
      %dma_start3A_106 = tpu.memref_slice %arg9[%add3A_54, %dma_start3A] : memref<10240x128xf32, #tpu.memory_space<vmem_shared>> -> memref<32x128xf32, #tpu.memory_space<vmem_shared>>
      %dma_start3A_107 = arith.constant 0 : i32
      %dma_start3A_108 = tpu.memref_slice %arg9[%add3A_54, %dma_start3A_107] : memref<10240x128xf32, #tpu.memory_space<vmem_shared>> -> memref<32x128xf32, #tpu.memory_space<vmem_shared>>
      tpu.enqueue_dma source(%arg8 : memref<32x128xf32, #tpu.memory_space<vmem>>) target(%dma_start3A_108 : memref<32x128xf32, #tpu.memory_space<vmem_shared>>) target_semaphore(%run_scoped3A : memref<!tpu.dma_semaphore, #tpu.memory_space<semaphore_mem>>)
      %dma_wait3A = arith.constant 0 : i32
      %dma_wait3A_109 = tpu.memref_slice %arg9[%add3A_54, %dma_wait3A] : memref<10240x128xf32, #tpu.memory_space<vmem_shared>> -> memref<32x128xf32, #tpu.memory_space<vmem_shared>>
      %dma_wait3A_110 = arith.constant 0 : i32
      %dma_wait3A_111 = tpu.memref_slice %arg9[%add3A_54, %dma_wait3A_110] : memref<10240x128xf32, #tpu.memory_space<vmem_shared>> -> memref<32x128xf32, #tpu.memory_space<vmem_shared>>
      tpu.wait_dma2 semaphore(%run_scoped3A : memref<!tpu.dma_semaphore, #tpu.memory_space<semaphore_mem>>) src(%arg8 : memref<32x128xf32, #tpu.memory_space<vmem>>) dst(%dma_wait3A_111 : memref<32x128xf32, #tpu.memory_space<vmem_shared>>)
      tpu.yield
    }) : () -> ()
    %mul3A_55 = arith.constant 640 : i32
    %mul3A_56 = arith.muli %arg1, %mul3A_55 : i32
    %add3A_57 = arith.constant 320 : i32
    %add3A_58 = arith.addi %mul3A_56, %add3A_57 : i32
    "tpu.region"() ({
      %run_scoped3A = tpu.sem_alloc : memref<!tpu.dma_semaphore, #tpu.memory_space<semaphore_mem>>
      %dma_start3A = arith.constant 0 : i32
      %dma_start3A_106 = tpu.memref_slice %arg9[%add3A_58, %dma_start3A] : memref<10240x128xf32, #tpu.memory_space<vmem_shared>> -> memref<32x128xf32, #tpu.memory_space<vmem_shared>>
      %dma_start3A_107 = arith.constant 0 : i32
      %dma_start3A_108 = tpu.memref_slice %arg9[%add3A_58, %dma_start3A_107] : memref<10240x128xf32, #tpu.memory_space<vmem_shared>> -> memref<32x128xf32, #tpu.memory_space<vmem_shared>>
      tpu.enqueue_dma source(%arg8 : memref<32x128xf32, #tpu.memory_space<vmem>>) target(%dma_start3A_108 : memref<32x128xf32, #tpu.memory_space<vmem_shared>>) target_semaphore(%run_scoped3A : memref<!tpu.dma_semaphore, #tpu.memory_space<semaphore_mem>>)
      %dma_wait3A = arith.constant 0 : i32
      %dma_wait3A_109 = tpu.memref_slice %arg9[%add3A_58, %dma_wait3A] : memref<10240x128xf32, #tpu.memory_space<vmem_shared>> -> memref<32x128xf32, #tpu.memory_space<vmem_shared>>
      %dma_wait3A_110 = arith.constant 0 : i32
      %dma_wait3A_111 = tpu.memref_slice %arg9[%add3A_58, %dma_wait3A_110] : memref<10240x128xf32, #tpu.memory_space<vmem_shared>> -> memref<32x128xf32, #tpu.memory_space<vmem_shared>>
      tpu.wait_dma2 semaphore(%run_scoped3A : memref<!tpu.dma_semaphore, #tpu.memory_space<semaphore_mem>>) src(%arg8 : memref<32x128xf32, #tpu.memory_space<vmem>>) dst(%dma_wait3A_111 : memref<32x128xf32, #tpu.memory_space<vmem_shared>>)
      tpu.yield
    }) : () -> ()
    %mul3A_59 = arith.constant 640 : i32
    %mul3A_60 = arith.muli %arg1, %mul3A_59 : i32
    %add3A_61 = arith.constant 352 : i32
    %add3A_62 = arith.addi %mul3A_60, %add3A_61 : i32
    "tpu.region"() ({
      %run_scoped3A = tpu.sem_alloc : memref<!tpu.dma_semaphore, #tpu.memory_space<semaphore_mem>>
      %dma_start3A = arith.constant 0 : i32
      %dma_start3A_106 = tpu.memref_slice %arg9[%add3A_62, %dma_start3A] : memref<10240x128xf32, #tpu.memory_space<vmem_shared>> -> memref<32x128xf32, #tpu.memory_space<vmem_shared>>
      %dma_start3A_107 = arith.constant 0 : i32
      %dma_start3A_108 = tpu.memref_slice %arg9[%add3A_62, %dma_start3A_107] : memref<10240x128xf32, #tpu.memory_space<vmem_shared>> -> memref<32x128xf32, #tpu.memory_space<vmem_shared>>
      tpu.enqueue_dma source(%arg8 : memref<32x128xf32, #tpu.memory_space<vmem>>) target(%dma_start3A_108 : memref<32x128xf32, #tpu.memory_space<vmem_shared>>) target_semaphore(%run_scoped3A : memref<!tpu.dma_semaphore, #tpu.memory_space<semaphore_mem>>)
      %dma_wait3A = arith.constant 0 : i32
      %dma_wait3A_109 = tpu.memref_slice %arg9[%add3A_62, %dma_wait3A] : memref<10240x128xf32, #tpu.memory_space<vmem_shared>> -> memref<32x128xf32, #tpu.memory_space<vmem_shared>>
      %dma_wait3A_110 = arith.constant 0 : i32
      %dma_wait3A_111 = tpu.memref_slice %arg9[%add3A_62, %dma_wait3A_110] : memref<10240x128xf32, #tpu.memory_space<vmem_shared>> -> memref<32x128xf32, #tpu.memory_space<vmem_shared>>
      tpu.wait_dma2 semaphore(%run_scoped3A : memref<!tpu.dma_semaphore, #tpu.memory_space<semaphore_mem>>) src(%arg8 : memref<32x128xf32, #tpu.memory_space<vmem>>) dst(%dma_wait3A_111 : memref<32x128xf32, #tpu.memory_space<vmem_shared>>)
      tpu.yield
    }) : () -> ()
    %mul3A_63 = arith.constant 640 : i32
    %mul3A_64 = arith.muli %arg1, %mul3A_63 : i32
    %add3A_65 = arith.constant 384 : i32
    %add3A_66 = arith.addi %mul3A_64, %add3A_65 : i32
    "tpu.region"() ({
      %run_scoped3A = tpu.sem_alloc : memref<!tpu.dma_semaphore, #tpu.memory_space<semaphore_mem>>
      %dma_start3A = arith.constant 0 : i32
      %dma_start3A_106 = tpu.memref_slice %arg9[%add3A_66, %dma_start3A] : memref<10240x128xf32, #tpu.memory_space<vmem_shared>> -> memref<32x128xf32, #tpu.memory_space<vmem_shared>>
      %dma_start3A_107 = arith.constant 0 : i32
      %dma_start3A_108 = tpu.memref_slice %arg9[%add3A_66, %dma_start3A_107] : memref<10240x128xf32, #tpu.memory_space<vmem_shared>> -> memref<32x128xf32, #tpu.memory_space<vmem_shared>>
      tpu.enqueue_dma source(%arg8 : memref<32x128xf32, #tpu.memory_space<vmem>>) target(%dma_start3A_108 : memref<32x128xf32, #tpu.memory_space<vmem_shared>>) target_semaphore(%run_scoped3A : memref<!tpu.dma_semaphore, #tpu.memory_space<semaphore_mem>>)
      %dma_wait3A = arith.constant 0 : i32
      %dma_wait3A_109 = tpu.memref_slice %arg9[%add3A_66, %dma_wait3A] : memref<10240x128xf32, #tpu.memory_space<vmem_shared>> -> memref<32x128xf32, #tpu.memory_space<vmem_shared>>
      %dma_wait3A_110 = arith.constant 0 : i32
      %dma_wait3A_111 = tpu.memref_slice %arg9[%add3A_66, %dma_wait3A_110] : memref<10240x128xf32, #tpu.memory_space<vmem_shared>> -> memref<32x128xf32, #tpu.memory_space<vmem_shared>>
      tpu.wait_dma2 semaphore(%run_scoped3A : memref<!tpu.dma_semaphore, #tpu.memory_space<semaphore_mem>>) src(%arg8 : memref<32x128xf32, #tpu.memory_space<vmem>>) dst(%dma_wait3A_111 : memref<32x128xf32, #tpu.memory_space<vmem_shared>>)
      tpu.yield
    }) : () -> ()
    %mul3A_67 = arith.constant 640 : i32
    %mul3A_68 = arith.muli %arg1, %mul3A_67 : i32
    %add3A_69 = arith.constant 416 : i32
    %add3A_70 = arith.addi %mul3A_68, %add3A_69 : i32
    "tpu.region"() ({
      %run_scoped3A = tpu.sem_alloc : memref<!tpu.dma_semaphore, #tpu.memory_space<semaphore_mem>>
      %dma_start3A = arith.constant 0 : i32
      %dma_start3A_106 = tpu.memref_slice %arg9[%add3A_70, %dma_start3A] : memref<10240x128xf32, #tpu.memory_space<vmem_shared>> -> memref<32x128xf32, #tpu.memory_space<vmem_shared>>
      %dma_start3A_107 = arith.constant 0 : i32
      %dma_start3A_108 = tpu.memref_slice %arg9[%add3A_70, %dma_start3A_107] : memref<10240x128xf32, #tpu.memory_space<vmem_shared>> -> memref<32x128xf32, #tpu.memory_space<vmem_shared>>
      tpu.enqueue_dma source(%arg8 : memref<32x128xf32, #tpu.memory_space<vmem>>) target(%dma_start3A_108 : memref<32x128xf32, #tpu.memory_space<vmem_shared>>) target_semaphore(%run_scoped3A : memref<!tpu.dma_semaphore, #tpu.memory_space<semaphore_mem>>)
      %dma_wait3A = arith.constant 0 : i32
      %dma_wait3A_109 = tpu.memref_slice %arg9[%add3A_70, %dma_wait3A] : memref<10240x128xf32, #tpu.memory_space<vmem_shared>> -> memref<32x128xf32, #tpu.memory_space<vmem_shared>>
      %dma_wait3A_110 = arith.constant 0 : i32
      %dma_wait3A_111 = tpu.memref_slice %arg9[%add3A_70, %dma_wait3A_110] : memref<10240x128xf32, #tpu.memory_space<vmem_shared>> -> memref<32x128xf32, #tpu.memory_space<vmem_shared>>
      tpu.wait_dma2 semaphore(%run_scoped3A : memref<!tpu.dma_semaphore, #tpu.memory_space<semaphore_mem>>) src(%arg8 : memref<32x128xf32, #tpu.memory_space<vmem>>) dst(%dma_wait3A_111 : memref<32x128xf32, #tpu.memory_space<vmem_shared>>)
      tpu.yield
    }) : () -> ()
    %mul3A_71 = arith.constant 640 : i32
    %mul3A_72 = arith.muli %arg1, %mul3A_71 : i32
    %add3A_73 = arith.constant 448 : i32
    %add3A_74 = arith.addi %mul3A_72, %add3A_73 : i32
    "tpu.region"() ({
      %run_scoped3A = tpu.sem_alloc : memref<!tpu.dma_semaphore, #tpu.memory_space<semaphore_mem>>
      %dma_start3A = arith.constant 0 : i32
      %dma_start3A_106 = tpu.memref_slice %arg9[%add3A_74, %dma_start3A] : memref<10240x128xf32, #tpu.memory_space<vmem_shared>> -> memref<32x128xf32, #tpu.memory_space<vmem_shared>>
      %dma_start3A_107 = arith.constant 0 : i32
      %dma_start3A_108 = tpu.memref_slice %arg9[%add3A_74, %dma_start3A_107] : memref<10240x128xf32, #tpu.memory_space<vmem_shared>> -> memref<32x128xf32, #tpu.memory_space<vmem_shared>>
      tpu.enqueue_dma source(%arg8 : memref<32x128xf32, #tpu.memory_space<vmem>>) target(%dma_start3A_108 : memref<32x128xf32, #tpu.memory_space<vmem_shared>>) target_semaphore(%run_scoped3A : memref<!tpu.dma_semaphore, #tpu.memory_space<semaphore_mem>>)
      %dma_wait3A = arith.constant 0 : i32
      %dma_wait3A_109 = tpu.memref_slice %arg9[%add3A_74, %dma_wait3A] : memref<10240x128xf32, #tpu.memory_space<vmem_shared>> -> memref<32x128xf32, #tpu.memory_space<vmem_shared>>
      %dma_wait3A_110 = arith.constant 0 : i32
      %dma_wait3A_111 = tpu.memref_slice %arg9[%add3A_74, %dma_wait3A_110] : memref<10240x128xf32, #tpu.memory_space<vmem_shared>> -> memref<32x128xf32, #tpu.memory_space<vmem_shared>>
      tpu.wait_dma2 semaphore(%run_scoped3A : memref<!tpu.dma_semaphore, #tpu.memory_space<semaphore_mem>>) src(%arg8 : memref<32x128xf32, #tpu.memory_space<vmem>>) dst(%dma_wait3A_111 : memref<32x128xf32, #tpu.memory_space<vmem_shared>>)
      tpu.yield
    }) : () -> ()
    %mul3A_75 = arith.constant 640 : i32
    %mul3A_76 = arith.muli %arg1, %mul3A_75 : i32
    %add3A_77 = arith.constant 480 : i32
    %add3A_78 = arith.addi %mul3A_76, %add3A_77 : i32
    "tpu.region"() ({
      %run_scoped3A = tpu.sem_alloc : memref<!tpu.dma_semaphore, #tpu.memory_space<semaphore_mem>>
      %dma_start3A = arith.constant 0 : i32
      %dma_start3A_106 = tpu.memref_slice %arg9[%add3A_78, %dma_start3A] : memref<10240x128xf32, #tpu.memory_space<vmem_shared>> -> memref<32x128xf32, #tpu.memory_space<vmem_shared>>
      %dma_start3A_107 = arith.constant 0 : i32
      %dma_start3A_108 = tpu.memref_slice %arg9[%add3A_78, %dma_start3A_107] : memref<10240x128xf32, #tpu.memory_space<vmem_shared>> -> memref<32x128xf32, #tpu.memory_space<vmem_shared>>
      tpu.enqueue_dma source(%arg8 : memref<32x128xf32, #tpu.memory_space<vmem>>) target(%dma_start3A_108 : memref<32x128xf32, #tpu.memory_space<vmem_shared>>) target_semaphore(%run_scoped3A : memref<!tpu.dma_semaphore, #tpu.memory_space<semaphore_mem>>)
      %dma_wait3A = arith.constant 0 : i32
      %dma_wait3A_109 = tpu.memref_slice %arg9[%add3A_78, %dma_wait3A] : memref<10240x128xf32, #tpu.memory_space<vmem_shared>> -> memref<32x128xf32, #tpu.memory_space<vmem_shared>>
      %dma_wait3A_110 = arith.constant 0 : i32
      %dma_wait3A_111 = tpu.memref_slice %arg9[%add3A_78, %dma_wait3A_110] : memref<10240x128xf32, #tpu.memory_space<vmem_shared>> -> memref<32x128xf32, #tpu.memory_space<vmem_shared>>
      tpu.wait_dma2 semaphore(%run_scoped3A : memref<!tpu.dma_semaphore, #tpu.memory_space<semaphore_mem>>) src(%arg8 : memref<32x128xf32, #tpu.memory_space<vmem>>) dst(%dma_wait3A_111 : memref<32x128xf32, #tpu.memory_space<vmem_shared>>)
      tpu.yield
    }) : () -> ()
    %mul3A_79 = arith.constant 640 : i32
    %mul3A_80 = arith.muli %arg1, %mul3A_79 : i32
    %add3A_81 = arith.constant 512 : i32
    %add3A_82 = arith.addi %mul3A_80, %add3A_81 : i32
    "tpu.region"() ({
      %run_scoped3A = tpu.sem_alloc : memref<!tpu.dma_semaphore, #tpu.memory_space<semaphore_mem>>
      %dma_start3A = arith.constant 0 : i32
      %dma_start3A_106 = tpu.memref_slice %arg9[%add3A_82, %dma_start3A] : memref<10240x128xf32, #tpu.memory_space<vmem_shared>> -> memref<32x128xf32, #tpu.memory_space<vmem_shared>>
      %dma_start3A_107 = arith.constant 0 : i32
      %dma_start3A_108 = tpu.memref_slice %arg9[%add3A_82, %dma_start3A_107] : memref<10240x128xf32, #tpu.memory_space<vmem_shared>> -> memref<32x128xf32, #tpu.memory_space<vmem_shared>>
      tpu.enqueue_dma source(%arg8 : memref<32x128xf32, #tpu.memory_space<vmem>>) target(%dma_start3A_108 : memref<32x128xf32, #tpu.memory_space<vmem_shared>>) target_semaphore(%run_scoped3A : memref<!tpu.dma_semaphore, #tpu.memory_space<semaphore_mem>>)
      %dma_wait3A = arith.constant 0 : i32
      %dma_wait3A_109 = tpu.memref_slice %arg9[%add3A_82, %dma_wait3A] : memref<10240x128xf32, #tpu.memory_space<vmem_shared>> -> memref<32x128xf32, #tpu.memory_space<vmem_shared>>
      %dma_wait3A_110 = arith.constant 0 : i32
      %dma_wait3A_111 = tpu.memref_slice %arg9[%add3A_82, %dma_wait3A_110] : memref<10240x128xf32, #tpu.memory_space<vmem_shared>> -> memref<32x128xf32, #tpu.memory_space<vmem_shared>>
      tpu.wait_dma2 semaphore(%run_scoped3A : memref<!tpu.dma_semaphore, #tpu.memory_space<semaphore_mem>>) src(%arg8 : memref<32x128xf32, #tpu.memory_space<vmem>>) dst(%dma_wait3A_111 : memref<32x128xf32, #tpu.memory_space<vmem_shared>>)
      tpu.yield
    }) : () -> ()
    %mul3A_83 = arith.constant 640 : i32
    %mul3A_84 = arith.muli %arg1, %mul3A_83 : i32
    %add3A_85 = arith.constant 544 : i32
    %add3A_86 = arith.addi %mul3A_84, %add3A_85 : i32
    "tpu.region"() ({
      %run_scoped3A = tpu.sem_alloc : memref<!tpu.dma_semaphore, #tpu.memory_space<semaphore_mem>>
      %dma_start3A = arith.constant 0 : i32
      %dma_start3A_106 = tpu.memref_slice %arg9[%add3A_86, %dma_start3A] : memref<10240x128xf32, #tpu.memory_space<vmem_shared>> -> memref<32x128xf32, #tpu.memory_space<vmem_shared>>
      %dma_start3A_107 = arith.constant 0 : i32
      %dma_start3A_108 = tpu.memref_slice %arg9[%add3A_86, %dma_start3A_107] : memref<10240x128xf32, #tpu.memory_space<vmem_shared>> -> memref<32x128xf32, #tpu.memory_space<vmem_shared>>
      tpu.enqueue_dma source(%arg8 : memref<32x128xf32, #tpu.memory_space<vmem>>) target(%dma_start3A_108 : memref<32x128xf32, #tpu.memory_space<vmem_shared>>) target_semaphore(%run_scoped3A : memref<!tpu.dma_semaphore, #tpu.memory_space<semaphore_mem>>)
      %dma_wait3A = arith.constant 0 : i32
      %dma_wait3A_109 = tpu.memref_slice %arg9[%add3A_86, %dma_wait3A] : memref<10240x128xf32, #tpu.memory_space<vmem_shared>> -> memref<32x128xf32, #tpu.memory_space<vmem_shared>>
      %dma_wait3A_110 = arith.constant 0 : i32
      %dma_wait3A_111 = tpu.memref_slice %arg9[%add3A_86, %dma_wait3A_110] : memref<10240x128xf32, #tpu.memory_space<vmem_shared>> -> memref<32x128xf32, #tpu.memory_space<vmem_shared>>
      tpu.wait_dma2 semaphore(%run_scoped3A : memref<!tpu.dma_semaphore, #tpu.memory_space<semaphore_mem>>) src(%arg8 : memref<32x128xf32, #tpu.memory_space<vmem>>) dst(%dma_wait3A_111 : memref<32x128xf32, #tpu.memory_space<vmem_shared>>)
      tpu.yield
    }) : () -> ()
    %mul3A_87 = arith.constant 640 : i32
    %mul3A_88 = arith.muli %arg1, %mul3A_87 : i32
    %add3A_89 = arith.constant 576 : i32
    %add3A_90 = arith.addi %mul3A_88, %add3A_89 : i32
    "tpu.region"() ({
      %run_scoped3A = tpu.sem_alloc : memref<!tpu.dma_semaphore, #tpu.memory_space<semaphore_mem>>
      %dma_start3A = arith.constant 0 : i32
      %dma_start3A_106 = tpu.memref_slice %arg9[%add3A_90, %dma_start3A] : memref<10240x128xf32, #tpu.memory_space<vmem_shared>> -> memref<32x128xf32, #tpu.memory_space<vmem_shared>>
      %dma_start3A_107 = arith.constant 0 : i32
      %dma_start3A_108 = tpu.memref_slice %arg9[%add3A_90, %dma_start3A_107] : memref<10240x128xf32, #tpu.memory_space<vmem_shared>> -> memref<32x128xf32, #tpu.memory_space<vmem_shared>>
      tpu.enqueue_dma source(%arg8 : memref<32x128xf32, #tpu.memory_space<vmem>>) target(%dma_start3A_108 : memref<32x128xf32, #tpu.memory_space<vmem_shared>>) target_semaphore(%run_scoped3A : memref<!tpu.dma_semaphore, #tpu.memory_space<semaphore_mem>>)
      %dma_wait3A = arith.constant 0 : i32
      %dma_wait3A_109 = tpu.memref_slice %arg9[%add3A_90, %dma_wait3A] : memref<10240x128xf32, #tpu.memory_space<vmem_shared>> -> memref<32x128xf32, #tpu.memory_space<vmem_shared>>
      %dma_wait3A_110 = arith.constant 0 : i32
      %dma_wait3A_111 = tpu.memref_slice %arg9[%add3A_90, %dma_wait3A_110] : memref<10240x128xf32, #tpu.memory_space<vmem_shared>> -> memref<32x128xf32, #tpu.memory_space<vmem_shared>>
      tpu.wait_dma2 semaphore(%run_scoped3A : memref<!tpu.dma_semaphore, #tpu.memory_space<semaphore_mem>>) src(%arg8 : memref<32x128xf32, #tpu.memory_space<vmem>>) dst(%dma_wait3A_111 : memref<32x128xf32, #tpu.memory_space<vmem_shared>>)
      tpu.yield
    }) : () -> ()
    %mul3A_91 = arith.constant 640 : i32
    %mul3A_92 = arith.muli %arg1, %mul3A_91 : i32
    %add3A_93 = arith.constant 608 : i32
    %add3A_94 = arith.addi %mul3A_92, %add3A_93 : i32
    "tpu.region"() ({
      %run_scoped3A = tpu.sem_alloc : memref<!tpu.dma_semaphore, #tpu.memory_space<semaphore_mem>>
      %dma_start3A = arith.constant 0 : i32
      %dma_start3A_106 = tpu.memref_slice %arg9[%add3A_94, %dma_start3A] : memref<10240x128xf32, #tpu.memory_space<vmem_shared>> -> memref<32x128xf32, #tpu.memory_space<vmem_shared>>
      %dma_start3A_107 = arith.constant 0 : i32
      %dma_start3A_108 = tpu.memref_slice %arg9[%add3A_94, %dma_start3A_107] : memref<10240x128xf32, #tpu.memory_space<vmem_shared>> -> memref<32x128xf32, #tpu.memory_space<vmem_shared>>
      tpu.enqueue_dma source(%arg8 : memref<32x128xf32, #tpu.memory_space<vmem>>) target(%dma_start3A_108 : memref<32x128xf32, #tpu.memory_space<vmem_shared>>) target_semaphore(%run_scoped3A : memref<!tpu.dma_semaphore, #tpu.memory_space<semaphore_mem>>)
      %dma_wait3A = arith.constant 0 : i32
      %dma_wait3A_109 = tpu.memref_slice %arg9[%add3A_94, %dma_wait3A] : memref<10240x128xf32, #tpu.memory_space<vmem_shared>> -> memref<32x128xf32, #tpu.memory_space<vmem_shared>>
      %dma_wait3A_110 = arith.constant 0 : i32
      %dma_wait3A_111 = tpu.memref_slice %arg9[%add3A_94, %dma_wait3A_110] : memref<10240x128xf32, #tpu.memory_space<vmem_shared>> -> memref<32x128xf32, #tpu.memory_space<vmem_shared>>
      tpu.wait_dma2 semaphore(%run_scoped3A : memref<!tpu.dma_semaphore, #tpu.memory_space<semaphore_mem>>) src(%arg8 : memref<32x128xf32, #tpu.memory_space<vmem>>) dst(%dma_wait3A_111 : memref<32x128xf32, #tpu.memory_space<vmem_shared>>)
      tpu.yield
    }) : () -> ()
    %barrier3A = arith.constant 0 : index
    tpu.barrier barrier_id(%barrier3A)
    %scan3A_95 = arith.constant 0 : i32
    %scan3A_96 = arith.constant 0 : i32
    %scan3A_97 = arith.constant 79 : i32
    %scan3A_98 = arith.addi %scan3A_96, %scan3A_97 : i32
    %scan3A_99 = arith.constant 1 : i32
    scf.for %scan3A_106 = %scan3A_96 to %scan3A_98 step %scan3A_99  : i32 {
      %dma_start3A = arith.constant 0 : i32
      %dma_start3A_107 = tpu.memref_slice %arg5[%scan3A_106, %dma_start3A] : memref<79x128xi32, #tpu.memory_space<vmem>> -> memref<1x128xi32, #tpu.memory_space<vmem>>
      %dma_start3A_108 = tpu.memref_squeeze %dma_start3A_107 : memref<1x128xi32, #tpu.memory_space<vmem>> -> memref<128xi32, #tpu.memory_space<vmem>>
      %dma_start3A_109 = arith.constant 0 : i32
      %dma_start3A_110 = arith.constant 0 : i32
      %dma_start3A_111 = tpu.memref_slice %arg2[%dma_start3A_109, %dma_start3A_110] : memref<10000x128xf32, #tpu.memory_space<hbm>> -> memref<10000x128xf32, #tpu.memory_space<hbm>>
      tpu.enqueue_indirect_dma source(%dma_start3A_111 : memref<10000x128xf32, #tpu.memory_space<hbm>>) target(%arg7 : memref<128x128xf32, #tpu.memory_space<vmem>>) offsets(%dma_start3A_108 : memref<128xi32, #tpu.memory_space<vmem>>) semaphore(%arg10 : memref<!tpu.dma_semaphore, #tpu.memory_space<semaphore_mem>>)
      %dma_wait3A = arith.constant 0 : i32
      %dma_wait3A_112 = tpu.memref_slice %arg5[%scan3A_106, %dma_wait3A] : memref<79x128xi32, #tpu.memory_space<vmem>> -> memref<1x128xi32, #tpu.memory_space<vmem>>
      %dma_wait3A_113 = tpu.memref_squeeze %dma_wait3A_112 : memref<1x128xi32, #tpu.memory_space<vmem>> -> memref<128xi32, #tpu.memory_space<vmem>>
      %dma_wait3A_114 = arith.constant 0 : i32
      %dma_wait3A_115 = arith.constant 0 : i32
      %dma_wait3A_116 = tpu.memref_slice %arg2[%dma_wait3A_114, %dma_wait3A_115] : memref<10000x128xf32, #tpu.memory_space<hbm>> -> memref<10000x128xf32, #tpu.memory_space<hbm>>
      tpu.wait_indirect_dma semaphore(%arg10 : memref<!tpu.dma_semaphore, #tpu.memory_space<semaphore_mem>>) src(%dma_wait3A_116 : memref<10000x128xf32, #tpu.memory_space<hbm>>) dst(%arg7 : memref<128x128xf32, #tpu.memory_space<vmem>>)
      "tpu.region"() ({
        %run_scoped3A = tpu.sem_alloc : memref<!tpu.dma_semaphore, #tpu.memory_space<semaphore_mem>>
        %dma_start3A_117 = arith.constant 0 : i32
        %dma_start3A_118 = tpu.memref_slice %arg6[%scan3A_106, %dma_start3A_117] : memref<79x128xi32, #tpu.memory_space<vmem>> -> memref<1x128xi32, #tpu.memory_space<vmem>>
        %dma_start3A_119 = tpu.memref_squeeze %dma_start3A_118 : memref<1x128xi32, #tpu.memory_space<vmem>> -> memref<128xi32, #tpu.memory_space<vmem>>
        %dma_start3A_120 = arith.constant 0 : i32
        %dma_start3A_121 = arith.constant 0 : i32
        %dma_start3A_122 = tpu.memref_slice %arg9[%dma_start3A_120, %dma_start3A_121] : memref<10240x128xf32, #tpu.memory_space<vmem_shared>> -> memref<10240x128xf32, #tpu.memory_space<vmem_shared>>
        tpu.enqueue_indirect_dma source(%arg7 : memref<128x128xf32, #tpu.memory_space<vmem>>) target(%dma_start3A_122 : memref<10240x128xf32, #tpu.memory_space<vmem_shared>>) offsets(%dma_start3A_119 : memref<128xi32, #tpu.memory_space<vmem>>) semaphore(%run_scoped3A : memref<!tpu.dma_semaphore, #tpu.memory_space<semaphore_mem>>) {add = true}
        %dma_wait3A_123 = arith.constant 0 : i32
        %dma_wait3A_124 = tpu.memref_slice %arg6[%scan3A_106, %dma_wait3A_123] : memref<79x128xi32, #tpu.memory_space<vmem>> -> memref<1x128xi32, #tpu.memory_space<vmem>>
        %dma_wait3A_125 = tpu.memref_squeeze %dma_wait3A_124 : memref<1x128xi32, #tpu.memory_space<vmem>> -> memref<128xi32, #tpu.memory_space<vmem>>
        %dma_wait3A_126 = arith.constant 0 : i32
        %dma_wait3A_127 = arith.constant 0 : i32
        %dma_wait3A_128 = tpu.memref_slice %arg9[%dma_wait3A_126, %dma_wait3A_127] : memref<10240x128xf32, #tpu.memory_space<vmem_shared>> -> memref<10240x128xf32, #tpu.memory_space<vmem_shared>>
        tpu.wait_indirect_dma semaphore(%run_scoped3A : memref<!tpu.dma_semaphore, #tpu.memory_space<semaphore_mem>>) src(%arg7 : memref<128x128xf32, #tpu.memory_space<vmem>>) dst(%dma_wait3A_128 : memref<10240x128xf32, #tpu.memory_space<vmem_shared>>)
        tpu.yield
      }) : () -> ()
    }
    %scan3A_100 = arith.constant 79 : i32
    %barrier3A_101 = arith.constant 0 : index
    tpu.barrier barrier_id(%barrier3A_101)
    %mul3A_102 = arith.constant 640 : i32
    %mul3A_103 = arith.muli %arg1, %mul3A_102 : i32
    %mul3A_104 = arith.constant 640 : i32
    %mul3A_105 = arith.muli %arg1, %mul3A_104 : i32
    "tpu.region"() ({
      %run_scoped3A = tpu.sem_alloc : memref<!tpu.dma_semaphore, #tpu.memory_space<semaphore_mem>>
      %dma_start3A = arith.constant 0 : i32
      %dma_start3A_106 = tpu.memref_slice %arg4[%arg0, %mul3A_105, %dma_start3A] : memref<2x10240x128xf32, #tpu.memory_space<hbm>> -> memref<1x640x128xf32, #tpu.memory_space<hbm>>
      %dma_start3A_107 = tpu.memref_squeeze %dma_start3A_106 : memref<1x640x128xf32, #tpu.memory_space<hbm>> -> memref<640x128xf32, #tpu.memory_space<hbm>>
      %dma_start3A_108 = arith.constant 0 : i32
      %dma_start3A_109 = tpu.memref_slice %arg9[%mul3A_103, %dma_start3A_108] : memref<10240x128xf32, #tpu.memory_space<vmem_shared>> -> memref<640x128xf32, #tpu.memory_space<vmem_shared>>
      tpu.enqueue_dma source(%dma_start3A_109 : memref<640x128xf32, #tpu.memory_space<vmem_shared>>) target(%dma_start3A_107 : memref<640x128xf32, #tpu.memory_space<hbm>>) target_semaphore(%run_scoped3A : memref<!tpu.dma_semaphore, #tpu.memory_space<semaphore_mem>>)
      %dma_wait3A = arith.constant 0 : i32
      %dma_wait3A_110 = tpu.memref_slice %arg4[%arg0, %mul3A_105, %dma_wait3A] : memref<2x10240x128xf32, #tpu.memory_space<hbm>> -> memref<1x640x128xf32, #tpu.memory_space<hbm>>
      %dma_wait3A_111 = tpu.memref_squeeze %dma_wait3A_110 : memref<1x640x128xf32, #tpu.memory_space<hbm>> -> memref<640x128xf32, #tpu.memory_space<hbm>>
      %dma_wait3A_112 = arith.constant 0 : i32
      %dma_wait3A_113 = tpu.memref_slice %arg9[%mul3A_103, %dma_wait3A_112] : memref<10240x128xf32, #tpu.memory_space<vmem_shared>> -> memref<640x128xf32, #tpu.memory_space<vmem_shared>>
      tpu.wait_dma2 semaphore(%run_scoped3A : memref<!tpu.dma_semaphore, #tpu.memory_space<semaphore_mem>>) src(%dma_wait3A_113 : memref<640x128xf32, #tpu.memory_space<vmem_shared>>) dst(%dma_wait3A_111 : memref<640x128xf32, #tpu.memory_space<hbm>>)
      tpu.yield
    }) : () -> ()
    return
  }
}

module attributes {stable_mosaic.version = 14 : i64} {
  func.func @body(%arg0: i32, %arg1: memref<2x1000x128xf32, #tpu.memory_space<vmem>>, %arg2: memref<1000x128xf32, #tpu.memory_space<vmem>>, %arg3: memref<1000x1xf32, #tpu.memory_space<vmem>>, %arg4: memref<1000x128xf32, #tpu.memory_space<vmem>>) attributes {dimension_semantics = [#tpu.dimension_semantics<arbitrary>], iteration_bounds = array<i64: 10>, scalar_prefetch = 0 : i64, scratch_operands = 0 : i64, tpu.core_type = #tpu.core_type<tc>, window_params = [{transform_indices = @transform_0, window_bounds = array<i64: 2, 1000, 128>}, {transform_indices = @transform_1, window_bounds = array<i64: 1000, 128>}, {transform_indices = @transform_2, window_bounds = array<i64: 1000, 1>}, {transform_indices = @transform_3, window_bounds = array<i64: 1000, 128>}]} {
    %get3A = arith.constant 0 : index
    %get3A_0 = arith.constant 0 : index
    %get3A_1 = arith.constant 0 : index
    %get3A_2 = vector.load %arg1[%get3A, %get3A_0, %get3A_1] : memref<2x1000x128xf32, #tpu.memory_space<vmem>>, vector<1x1000x128xf32>
    %get3A_3 = vector.shape_cast %get3A_2 : vector<1x1000x128xf32> to vector<1000x128xf32>
    %get3A_4 = arith.constant 1 : index
    %get3A_5 = arith.constant 0 : index
    %get3A_6 = arith.constant 0 : index
    %get3A_7 = vector.load %arg1[%get3A_4, %get3A_5, %get3A_6] : memref<2x1000x128xf32, #tpu.memory_space<vmem>>, vector<1x1000x128xf32>
    %get3A_8 = vector.shape_cast %get3A_7 : vector<1x1000x128xf32> to vector<1000x128xf32>
    %add3A = arith.addf %get3A_3, %get3A_8 : vector<1000x128xf32>
    %slice3A = vector.extract_strided_slice %add3A {offsets = [0, 0], sizes = [1000, 1], strides = [1, 1]} : vector<1000x128xf32> to vector<1000x1xf32>
    %max3A = arith.constant 1.000000e+00 : f32
    %max3A_9 = vector.broadcast %max3A : f32 to vector<1000x1xf32>
    %max3A_10 = arith.maximumf %slice3A, %max3A_9 : vector<1000x1xf32>
    %rsqrt3A = math.rsqrt %max3A_10 : vector<1000x1xf32>
    %swap3A = arith.constant 0 : index
    %swap3A_11 = arith.constant 0 : index
    %swap3A_12 = vector.load %arg3[%swap3A, %swap3A_11] : memref<1000x1xf32, #tpu.memory_space<vmem>>, vector<1000x1xf32>
    tpu.vector_store %arg3[%swap3A, %swap3A_11], %rsqrt3A {strides = array<i32>} : memref<1000x1xf32, #tpu.memory_space<vmem>>, vector<1000x1xf32>,
    %get3A_13 = arith.constant 0 : index
    %get3A_14 = arith.constant 0 : index
    %get3A_15 = vector.load %arg2[%get3A_13, %get3A_14] : memref<1000x128xf32, #tpu.memory_space<vmem>>, vector<1000x128xf32>
    %mul3A = vector.broadcast %rsqrt3A : vector<1000x1xf32> to vector<1000x128xf32>
    %mul3A_16 = arith.mulf %get3A_15, %mul3A : vector<1000x128xf32>
    %swap3A_17 = arith.constant 0 : index
    %swap3A_18 = arith.constant 0 : index
    %swap3A_19 = vector.load %arg4[%swap3A_17, %swap3A_18] : memref<1000x128xf32, #tpu.memory_space<vmem>>, vector<1000x128xf32>
    tpu.vector_store %arg4[%swap3A_17, %swap3A_18], %mul3A_16 {strides = array<i32>} : memref<1000x128xf32, #tpu.memory_space<vmem>>, vector<1000x128xf32>,
    return
  }
  func.func @transform_0(%arg0: i32) -> (i32, i32, i32) {
    %c0_i32 = arith.constant 0 : i32
    %c0_i32_0 = arith.constant 0 : i32
    %c0_i32_1 = arith.constant 0 : i32
    return %c0_i32, %arg0, %c0_i32_0 : i32, i32, i32
  }
  func.func @transform_1(%arg0: i32) -> (i32, i32) {
    %c0_i32 = arith.constant 0 : i32
    %c0_i32_0 = arith.constant 0 : i32
    return %arg0, %c0_i32 : i32, i32
  }
  func.func @transform_2(%arg0: i32) -> (i32, i32) {
    %c0_i32 = arith.constant 0 : i32
    %c0_i32_0 = arith.constant 0 : i32
    return %arg0, %c0_i32 : i32, i32
  }
  func.func @transform_3(%arg0: i32) -> (i32, i32) {
    %c0_i32 = arith.constant 0 : i32
    %c0_i32_0 = arith.constant 0 : i32
    return %arg0, %c0_i32 : i32, i32
  }
}

module attributes {stable_mosaic.version = 14 : i64} {
  func.func @body(%arg0: i32, %arg1: memref<1000x128xf32, #tpu.memory_space<vmem>>, %arg2: memref<2x1000x128xf32, #tpu.memory_space<vmem>>, %arg3: memref<1000x1xf32, #tpu.memory_space<vmem>>, %arg4: memref<1000x128xf32, #tpu.memory_space<vmem>>, %arg5: memref<1000x128xf32, #tpu.memory_space<vmem>>) attributes {dimension_semantics = [#tpu.dimension_semantics<arbitrary>], iteration_bounds = array<i64: 10>, scalar_prefetch = 0 : i64, scratch_operands = 0 : i64, tpu.core_type = #tpu.core_type<tc>, window_params = [{transform_indices = @transform_0, window_bounds = array<i64: 1000, 128>}, {transform_indices = @transform_1, window_bounds = array<i64: 2, 1000, 128>}, {transform_indices = @transform_2, window_bounds = array<i64: 1000, 1>}, {transform_indices = @transform_3, window_bounds = array<i64: 1000, 128>}, {transform_indices = @transform_4, window_bounds = array<i64: 1000, 128>}]} {
    %get3A = arith.constant 0 : index
    %get3A_0 = arith.constant 0 : index
    %get3A_1 = arith.constant 0 : index
    %get3A_2 = vector.load %arg2[%get3A, %get3A_0, %get3A_1] : memref<2x1000x128xf32, #tpu.memory_space<vmem>>, vector<1x1000x128xf32>
    %get3A_3 = vector.shape_cast %get3A_2 : vector<1x1000x128xf32> to vector<1000x128xf32>
    %get3A_4 = arith.constant 1 : index
    %get3A_5 = arith.constant 0 : index
    %get3A_6 = arith.constant 0 : index
    %get3A_7 = vector.load %arg2[%get3A_4, %get3A_5, %get3A_6] : memref<2x1000x128xf32, #tpu.memory_space<vmem>>, vector<1x1000x128xf32>
    %get3A_8 = vector.shape_cast %get3A_7 : vector<1x1000x128xf32> to vector<1000x128xf32>
    %add3A = arith.addf %get3A_3, %get3A_8 : vector<1000x128xf32>
    %get3A_9 = arith.constant 0 : index
    %get3A_10 = arith.constant 0 : index
    %get3A_11 = vector.load %arg3[%get3A_9, %get3A_10] : memref<1000x1xf32, #tpu.memory_space<vmem>>, vector<1000x1xf32>
    %get3A_12 = arith.constant 0 : index
    %get3A_13 = arith.constant 0 : index
    %get3A_14 = vector.load %arg1[%get3A_12, %get3A_13] : memref<1000x128xf32, #tpu.memory_space<vmem>>, vector<1000x128xf32>
    %mul3A = vector.broadcast %get3A_11 : vector<1000x1xf32> to vector<1000x128xf32>
    %mul3A_15 = arith.mulf %add3A, %mul3A : vector<1000x128xf32>
    %add3A_16 = arith.addf %get3A_14, %mul3A_15 : vector<1000x128xf32>
    %swap3A = arith.constant 0 : index
    %swap3A_17 = arith.constant 0 : index
    %swap3A_18 = vector.load %arg4[%swap3A, %swap3A_17] : memref<1000x128xf32, #tpu.memory_space<vmem>>, vector<1000x128xf32>
    tpu.vector_store %arg4[%swap3A, %swap3A_17], %add3A_16 {strides = array<i32>} : memref<1000x128xf32, #tpu.memory_space<vmem>>, vector<1000x128xf32>,
    %mul3A_19 = vector.broadcast %get3A_11 : vector<1000x1xf32> to vector<1000x128xf32>
    %mul3A_20 = arith.mulf %add3A_16, %mul3A_19 : vector<1000x128xf32>
    %swap3A_21 = arith.constant 0 : index
    %swap3A_22 = arith.constant 0 : index
    %swap3A_23 = vector.load %arg5[%swap3A_21, %swap3A_22] : memref<1000x128xf32, #tpu.memory_space<vmem>>, vector<1000x128xf32>
    tpu.vector_store %arg5[%swap3A_21, %swap3A_22], %mul3A_20 {strides = array<i32>} : memref<1000x128xf32, #tpu.memory_space<vmem>>, vector<1000x128xf32>,
    return
  }
  func.func @transform_0(%arg0: i32) -> (i32, i32) {
    %c0_i32 = arith.constant 0 : i32
    %c0_i32_0 = arith.constant 0 : i32
    return %arg0, %c0_i32 : i32, i32
  }
  func.func @transform_1(%arg0: i32) -> (i32, i32, i32) {
    %c0_i32 = arith.constant 0 : i32
    %c0_i32_0 = arith.constant 0 : i32
    %c0_i32_1 = arith.constant 0 : i32
    return %c0_i32, %arg0, %c0_i32_0 : i32, i32, i32
  }
  func.func @transform_2(%arg0: i32) -> (i32, i32) {
    %c0_i32 = arith.constant 0 : i32
    %c0_i32_0 = arith.constant 0 : i32
    return %arg0, %c0_i32 : i32, i32
  }
  func.func @transform_3(%arg0: i32) -> (i32, i32) {
    %c0_i32 = arith.constant 0 : i32
    %c0_i32_0 = arith.constant 0 : i32
    return %arg0, %c0_i32 : i32, i32
  }
  func.func @transform_4(%arg0: i32) -> (i32, i32) {
    %c0_i32 = arith.constant 0 : i32
    %c0_i32_0 = arith.constant 0 : i32
    return %arg0, %c0_i32 : i32, i32
  }
}

module attributes {stable_mosaic.version = 14 : i64} {
  func.func @body(%arg0: i32, %arg1: memref<1000x128xf32, #tpu.memory_space<vmem>>, %arg2: memref<2x1000x128xf32, #tpu.memory_space<vmem>>, %arg3: memref<1000x1xf32, #tpu.memory_space<vmem>>, %arg4: memref<8x4xf32, #tpu.memory_space<vmem>>, %arg5: memref<1000x128xf32, #tpu.memory_space<vmem>>) attributes {dimension_semantics = [#tpu.dimension_semantics<arbitrary>], iteration_bounds = array<i64: 10>, scalar_prefetch = 0 : i64, scratch_operands = 0 : i64, tpu.core_type = #tpu.core_type<tc>, window_params = [{transform_indices = @transform_0, window_bounds = array<i64: 1000, 128>}, {transform_indices = @transform_1, window_bounds = array<i64: 2, 1000, 128>}, {transform_indices = @transform_2, window_bounds = array<i64: 1000, 1>}, {pipeline_mode = #tpu.pipeline_mode<synchronous>, transform_indices = @transform_3, window_bounds = array<i64: 8, 4>}, {transform_indices = @transform_4, window_bounds = array<i64: 1000, 128>}]} {
    %get3A = arith.constant 0 : index
    %get3A_0 = arith.constant 0 : index
    %get3A_1 = arith.constant 0 : index
    %get3A_2 = vector.load %arg2[%get3A, %get3A_0, %get3A_1] : memref<2x1000x128xf32, #tpu.memory_space<vmem>>, vector<1x1000x128xf32>
    %get3A_3 = vector.shape_cast %get3A_2 : vector<1x1000x128xf32> to vector<1000x128xf32>
    %get3A_4 = arith.constant 1 : index
    %get3A_5 = arith.constant 0 : index
    %get3A_6 = arith.constant 0 : index
    %get3A_7 = vector.load %arg2[%get3A_4, %get3A_5, %get3A_6] : memref<2x1000x128xf32, #tpu.memory_space<vmem>>, vector<1x1000x128xf32>
    %get3A_8 = vector.shape_cast %get3A_7 : vector<1x1000x128xf32> to vector<1000x128xf32>
    %add3A = arith.addf %get3A_3, %get3A_8 : vector<1000x128xf32>
    %get3A_9 = arith.constant 0 : index
    %get3A_10 = arith.constant 0 : index
    %get3A_11 = vector.load %arg1[%get3A_9, %get3A_10] : memref<1000x128xf32, #tpu.memory_space<vmem>>, vector<1000x128xf32>
    %get3A_12 = arith.constant 0 : index
    %get3A_13 = arith.constant 0 : index
    %get3A_14 = vector.load %arg3[%get3A_12, %get3A_13] : memref<1000x1xf32, #tpu.memory_space<vmem>>, vector<1000x1xf32>
    %mul3A = vector.broadcast %get3A_14 : vector<1000x1xf32> to vector<1000x128xf32>
    %mul3A_15 = arith.mulf %add3A, %mul3A : vector<1000x128xf32>
    %sub3A = arith.subf %get3A_11, %mul3A_15 : vector<1000x128xf32>
    %get3A_16 = arith.constant 0 : index
    %get3A_17 = arith.constant 0 : index
    %get3A_18 = vector.load %arg4[%get3A_16, %get3A_17] : memref<8x4xf32, #tpu.memory_space<vmem>>, vector<1x1xf32>
    %max3A = arith.constant 0.000000e+00 : f32
    %max3A_19 = vector.broadcast %max3A : f32 to vector<1x1xf32>
    %max3A_20 = arith.maximumf %get3A_18, %max3A_19 : vector<1x1xf32>
    %mul3A_21 = arith.constant 2.500000e-01 : f32
    %mul3A_22 = vector.broadcast %mul3A_21 : f32 to vector<1x1xf32>
    %mul3A_23 = arith.mulf %max3A_20, %mul3A_22 : vector<1x1xf32>
    %get3A_24 = arith.constant 0 : index
    %get3A_25 = arith.constant 1 : index
    %get3A_26 = vector.load %arg4[%get3A_24, %get3A_25] : memref<8x4xf32, #tpu.memory_space<vmem>>, vector<1x1xf32>
    %max3A_27 = arith.constant 0.000000e+00 : f32
    %max3A_28 = vector.broadcast %max3A_27 : f32 to vector<1x1xf32>
    %max3A_29 = arith.maximumf %get3A_26, %max3A_28 : vector<1x1xf32>
    %mul3A_30 = arith.constant 5.000000e-01 : f32
    %mul3A_31 = vector.broadcast %mul3A_30 : f32 to vector<1x1xf32>
    %mul3A_32 = arith.mulf %max3A_29, %mul3A_31 : vector<1x1xf32>
    %get3A_33 = arith.constant 0 : index
    %get3A_34 = arith.constant 2 : index
    %get3A_35 = vector.load %arg4[%get3A_33, %get3A_34] : memref<8x4xf32, #tpu.memory_space<vmem>>, vector<1x1xf32>
    %max3A_36 = arith.constant 0.000000e+00 : f32
    %max3A_37 = vector.broadcast %max3A_36 : f32 to vector<1x1xf32>
    %max3A_38 = arith.maximumf %get3A_35, %max3A_37 : vector<1x1xf32>
    %mul3A_39 = arith.constant 2.500000e-01 : f32
    %mul3A_40 = vector.broadcast %mul3A_39 : f32 to vector<1x1xf32>
    %mul3A_41 = arith.mulf %max3A_38, %mul3A_40 : vector<1x1xf32>
    %add3A_42 = arith.addf %mul3A_32, %mul3A_41 : vector<1x1xf32>
    %mul3A_43 = vector.broadcast %mul3A_23 : vector<1x1xf32> to vector<1000x128xf32>
    %mul3A_44 = arith.mulf %mul3A_43, %get3A_11 : vector<1000x128xf32>
    %mul3A_45 = vector.broadcast %add3A_42 : vector<1x1xf32> to vector<1000x128xf32>
    %mul3A_46 = arith.mulf %mul3A_45, %sub3A : vector<1000x128xf32>
    %add3A_47 = arith.addf %mul3A_44, %mul3A_46 : vector<1000x128xf32>
    %swap3A = arith.constant 0 : index
    %swap3A_48 = arith.constant 0 : index
    %swap3A_49 = vector.load %arg5[%swap3A, %swap3A_48] : memref<1000x128xf32, #tpu.memory_space<vmem>>, vector<1000x128xf32>
    tpu.vector_store %arg5[%swap3A, %swap3A_48], %add3A_47 {strides = array<i32>} : memref<1000x128xf32, #tpu.memory_space<vmem>>, vector<1000x128xf32>,
    return
  }
  func.func @transform_0(%arg0: i32) -> (i32, i32) {
    %c0_i32 = arith.constant 0 : i32
    %c0_i32_0 = arith.constant 0 : i32
    return %arg0, %c0_i32 : i32, i32
  }
  func.func @transform_1(%arg0: i32) -> (i32, i32, i32) {
    %c0_i32 = arith.constant 0 : i32
    %c0_i32_0 = arith.constant 0 : i32
    %c0_i32_1 = arith.constant 0 : i32
    return %c0_i32, %arg0, %c0_i32_0 : i32, i32, i32
  }
  func.func @transform_2(%arg0: i32) -> (i32, i32) {
    %c0_i32 = arith.constant 0 : i32
    %c0_i32_0 = arith.constant 0 : i32
    return %arg0, %c0_i32 : i32, i32
  }
  func.func @transform_3(%arg0: i32) -> (i32, i32) {
    %c0_i32 = arith.constant 0 : i32
    %c0_i32_0 = arith.constant 0 : i32
    %c0_i32_1 = arith.constant 0 : i32
    return %c0_i32, %c0_i32_0 : i32, i32
  }
  func.func @transform_4(%arg0: i32) -> (i32, i32) {
    %c0_i32 = arith.constant 0 : i32
    %c0_i32_0 = arith.constant 0 : i32
    return %arg0, %c0_i32 : i32, i32
  }
}

</mosaic_0001>

<sc_bundles>
// kernel: kernel.10.cloned.1.call-start
scs
__scs_entry_jumppad:
0x0: {  	(pc) =	sbr.rel $0x88, $3  }
0x1: {  	(tag) =	ssettag $0x0;
	lr =	simm.s32 $0x1  }
0x2: {  	[smem:$0x3F9E] =	sst lr;
	_ =	strace $0xD0000000  }
0x3: {  	_ = 	snop  }
0x4: {  	_ = 	snop  }
0x5: {  	_ = 	snop  }
0x6: {  	_ = 	snop  }
0x7: {  	_ = 	snop  }
__scs_overlays_trampoline_lowered:
0x8: {  	[smem:$0x3FAD] =	sst s0  }
0x9: {  	[smem:$0x3FAE] =	sst s1  }
0xa: {  	[smem:$0x3FAF] =	sst s2  }
0xb: {  	[smem:$0x3FB0] =	sst s3  }
0xc: {  	[smem:$0x3FB1] =	sst s4  }
0xd: {  	[smem:$0x3FB2] =	sst s5  }
0xe: {  	[smem:$0x3FB3] =	sst s6  }
0xf: {  	[smem:$0x3FB4] =	sst s7  }
0x10: {  	[smem:$0x3FB5] =	sst s8  }
0x11: {  	[smem:$0x3FB6] =	sst s9;
	s0 =	simm.s32 @!p0 $0x0  }
0x12: {  	s1 =	sld [smem:$0x3F9C];
	s0 =	simm.s32 @p0 $0x1  }
0x13: {  	[smem:$0x3FB7] =	sst s0;
	s0 =	simm.s32 @!p1 $0x0  }
0x14: {  	s2 =	sld [smem:$0x3F9B];
	s0 =	simm.s32 @p1 $0x1  }
0x15: {  	[smem:$0x3FB8] =	sst s0;
	s0 =	simm.s32 @!p2 $0x0  }
0x16: {  	s3 =	sld [smem:$0x3FDB];
	s0 =	simm.s32 @p2 $0x1  }
0x17: {  	s4 =	simm.s32 $0x1BF5;
	[smem:$0x3FBA] =	sst s0  }
0x18: {  	s0 =	sld [smem:$0x3F9D];
	_ =	swait.ge [sflag:s4], $0x0  }
0x19: {  	s7 =	sld [smem:$0x3F9E]  }
0x1a: {  	s8 =	sadd.s32 $0xFFFFE003, lr  }
0x1b: {  	s9 =	sadd.s32 $0xFFFFFEF7, lr;
	s5 =	simm.s32 $0xFFFFFFFF;
	p2 =	slt.u32 s8, $0xFFFFF086  }
0x1c: {  	p1 =	slt.u32 s9, $0xF7A;
	s5 =	simm.s32 @!p2 $0x0  }
0x1d: {  	s5 =	simm.s32 @p1 $0x1;
	p0 =	seq.s32 s7, s2  }
0x1e: {  	s7 =	smul.u32 @!p0 $0xF7A, s2;
	p2 =	seq.s32 @!p0 s5, $0x0  }
0x1f: {  	s9 =	smul.u32 $0xF7A, s1;
	s8 =	simm.s32 @!p0 $0x1BF5;
	p2 =	por !p2, p0  }
0x20: {  	[sflag:s8] =	ssyncset.s32 @!p0 $0xFFFFF086;
	s6 =	sadd.s32 @!p0 s3, s7;
	s7 =	simm.s32 @!p0 $0x108  }
0x21: {  	s3 =	sadd.s32 s3, s9;
	s6 =	sadd.s32 @!p0 $0x88, s6;
	s7 =	simm.s32 @p2 $0x1082  }
0x22: {  	[simem:s7], [sflag:s8] =	dma.local @!p0 [hbm:s6], $0xF7A  }
0x23: {  	s9 =	sor.u32 $0xD0000000, s2;
	s6 =	simm.s32 $0x108;
	_ =	swait.ge @!p0 [sflag:s8], $0x0  }
0x24: {  	s3 =	sadd.s32 $0x88, s3;
	s6 =	simm.s32 @!p1 $0x1082;
	[sflag:s4] =	ssyncset.s32 $0xFFFFF086  }
0x25: {  	[simem:s6], [sflag:s4] =	dma.local [hbm:s3], $0xF7A  }
0x26: {  	[smem:$0x3F9E] =	sst s1;
	(tag) =	ssettag s2;
	_ =	strace s9  }
0x27: {  	s1 =	sld [smem:$0x3FAE]  }
0x28: {  	s2 =	sld [smem:$0x3FAF]  }
0x29: {  	s4 =	sld [smem:$0x3FB1]  }
0x2a: {  	p0 =	seq.s32 s5, $0x0;
	s5 =	sld [smem:$0x3FB2]  }
0x2b: {  	s6 =	sld [smem:$0x3FB3]  }
0x2c: {  	s7 =	sld [smem:$0x3FB4]  }
0x2d: {  	s3 =	simm.s32 $0x108;
	s8 =	sld [smem:$0x3FB5]  }
0x2e: {  	s3 =	simm.s32 @!p0 $0x1082;
	s9 =	sld [smem:$0x3FB6]  }
0x2f: {  	lr =	sadd.s32 s0, s3;
	s0 =	sld [smem:$0x3FAD]  }
0x30: {  	s3 =	sld [smem:$0x3FB0]  }
0x31: {  	[smem:$0x3FB9] =	sst s10  }
0x32: {  	s10 =	sld [smem:$0x3FB7];
	_ =	sdelay $0x3  }
0x33: {  	p0 =	seq.s32 s10, $0x1;
	s10 =	sld [smem:$0x3FB9];
	_ =	sdelay $0x3  }
0x34: {  	[smem:$0x3FB9] =	sst s10  }
0x35: {  	s10 =	sld [smem:$0x3FB8];
	_ =	sdelay $0x3  }
0x36: {  	p1 =	seq.s32 s10, $0x1;
	s10 =	sld [smem:$0x3FB9];
	_ =	sdelay $0x3  }
0x37: {  	[smem:$0x3FB9] =	sst s10  }
0x38: {  	s10 =	sld [smem:$0x3FBA]  }
0x39: {  	_ = 	snop;
	(pc) =	sbr.ind lr, $3  }
0x3a: {  	_ = 	snop  }
0x3b: {  	_ = 	snop  }
0x3c: {  	p2 =	seq.s32 s10, $0x1;
	s10 =	sld [smem:$0x3FB9]  }
0x3d: {  	_ =	shalt  }
0x3e: {  	_ =	shalt  }
0x3f: {  	_ =	shalt  }
0x40: {  	_ =	shalt  }
0x41: {  	_ =	shalt  }
0x42: {  	_ =	shalt  }
0x43: {  	_ =	shalt  }
0x44: {  	_ =	shalt  }
0x45: {  	_ =	shalt  }
0x46: {  	_ =	shalt  }
0x47: {  	_ =	shalt  }
0x48: {  	_ =	shalt  }
0x49: {  	_ =	shalt  }
0x4a: {  	_ =	shalt  }
0x4b: {  	_ =	shalt  }
0x4c: {  	_ =	shalt  }
0x4d: {  	_ =	shalt  }
0x4e: {  	_ =	shalt  }
0x4f: {  	_ =	shalt  }
0x50: {  	_ =	shalt  }
0x51: {  	_ =	shalt  }
0x52: {  	_ =	shalt  }
0x53: {  	_ =	shalt  }
0x54: {  	_ =	shalt  }
0x55: {  	_ =	shalt  }
0x56: {  	_ =	shalt  }
0x57: {  	_ =	shalt  }
0x58: {  	_ =	shalt  }
0x59: {  	_ =	shalt  }
0x5a: {  	_ =	shalt  }
0x5b: {  	_ =	shalt  }
0x5c: {  	_ =	shalt  }
0x5d: {  	_ =	shalt  }
0x5e: {  	_ =	shalt  }
0x5f: {  	_ =	shalt  }
0x60: {  	_ =	shalt  }
0x61: {  	_ =	shalt  }
0x62: {  	_ =	shalt  }
0x63: {  	_ =	shalt  }
0x64: {  	_ =	shalt  }
0x65: {  	_ =	shalt  }
0x66: {  	_ =	shalt  }
0x67: {  	_ =	shalt  }
0x68: {  	_ =	shalt  }
0x69: {  	_ =	shalt  }
0x6a: {  	_ =	shalt  }
0x6b: {  	_ =	shalt  }
0x6c: {  	_ =	shalt  }
0x6d: {  	_ =	shalt  }
0x6e: {  	_ =	shalt  }
0x6f: {  	_ =	shalt  }
0x70: {  	_ =	shalt  }
0x71: {  	_ =	shalt  }
0x72: {  	_ =	shalt  }
0x73: {  	_ =	shalt  }
0x74: {  	_ =	shalt  }
0x75: {  	_ =	shalt  }
0x76: {  	_ =	shalt  }
0x77: {  	_ =	shalt  }
0x78: {  	_ =	shalt  }
0x79: {  	_ =	shalt  }
0x7a: {  	_ =	shalt  }
0x7b: {  	_ =	shalt  }
0x7c: {  	_ =	shalt  }
0x7d: {  	_ =	shalt  }
0x7e: {  	_ =	shalt  }
0x7f: {  	_ =	shalt  }
0x80: {  	_ =	shalt  }
0x81: {  	_ =	shalt  }
0x82: {  	_ =	shalt  }
0x83: {  	_ =	shalt  }
0x84: {  	_ =	shalt  }
0x85: {  	_ =	shalt  }
0x86: {  	_ =	shalt  }
0x87: {  	_ =	shalt  }
.Lfunc_end0:
.L_simem_size_0:
called_computation_lowered:
.L_overlay_start_0:
0x88: {  	s2 =	sld [smem:$0x3FD9]  }
0x89: {  	s3 =	sld [smem:$0x3FFE];
	_ =	sdelay $0x1  }
0x8a: {  	s1 =	srdreg.scid  }
0x8b: {  	s0 =	sand.u32 $0x1, s1  }
0x8c: {  	s16 =	sshll.u32 s0, $0xA;
	s2 =	sadd.s32 s3, s2  }
0x8d: {  	s2 =	sadd.s32 s2, s16  }
0x8e: {  	[smem:$0x3FC5] =	sst s2  }
0x8f: {  	_ = 	snop  }
0x90: {  	(tm) =	ssettm $0x1  }
0x91: {  	s17 =	sld [smem:$0x3FFB];
	_ =	sdelay $0x3  }
0x92: {  	_ =	strace s17  }
0x93: {  	s2 =	sld [smem:$0x3FFC];
	_ =	sdelay $0x3  }
0x94: {  	_ =	strace s2  }
0x95: {  	s2 =	sld [smem:$0x3FFD];
	_ =	sdelay $0x3  }
0x96: {  	_ =	strace s2  }
0x97: {  	_ =	strace $0x8FFFFFFF  }
0x98: {  	s18 =	sld [smem:$0x3FDB];
	_ =	sdelay $0x1  }
0x99: {  	s19 =	simm.s32 $_scs_section_size  }
0x9a: {  	s4 =	simm.s32 $_size__tile_overlayer_lowered;
	s5 =	simm.s32 $_tile_overlayer_lowered  }
0x9b: {  	s22 =	simm.s32 $0x1BFF;
	s21 =	sshll.u32 s5, $0x1;
	s2 =	sadd.s32 s19, s18  }
0x9c: {  	s6 =	simm.s32 $0x0;
	s20 =	sshll.u32 s4, $0x1;
	s4 =	sadd.s32 s21, s2  }
0x9d: {  	[timem:s6], [sflag:s22] =	dma.local [hbm:s4], s20  }
0x9e: {  	_ =	swait.ge [sflag:s22], s20  }
0x9f: {  	s3 =	ssub.s32 $0x0, s20;
	[sflag:s22] =	ssyncset.done $0x0  }
0xa0: {  	[sflag:s22] =	ssyncadd.s32 s3;
	_ =	sdelay $0x1  }
0xa1: {  	s23 =	simm.s32 $0x1B8B  }
0xa2: {  	_ =	swait.ge [sflag:s23], $0x1  }
0xa3: {  	[sflag:s23] =	ssyncset.done $0x0  }
0xa4: {  	s25 =	simm.s32 $0x1B8E;
	s24 =	sld [smem:$0x3FFE];
	[sflag:s23] =	ssyncadd.s32 $0xFFFFFFFF  }
0xa5: {  	s26 =	simm.s32 $execute0_lowered;
	[smem:$0x3FD2] =	sst s25  }
0xa6: {  	s4 =	sshll.u32 s26, $0x1;
	_ =	strace $0x80000046;
	[dreg:$0x1] =	wrdreg $0xFFFFFFFF  }
0xa7: {  	s28 =	simm.s32 $_size_execute0_lowered;
	s2 =	sadd.s32 s2, s4;
	[dreg:$0x0] =	wrdreg $0x0  }
0xa8: {  	s4 =	sshll.u32 s28, $0x1;
	[dreg:$0x2] =	wrdreg s2  }
0xa9: {  	[dreg:$0x3] =	wrdreg s4  }
0xaa: {  	[dreg:$0x4] =	wrdreg $0xC0  }
0xab: {  	_ =	task [dreg:s6], $0x5FFFF  }
0xac: {  	[dreg:$0x1] =	wrdreg $0xFFFFFFFF  }
0xad: {  	[dreg:$0x0] =	wrdreg $0x60  }
0xae: {  	[dreg:$0x2] =	wrdreg s24  }
0xaf: {  	[dreg:$0x3] =	wrdreg $0x78000  }
0xb0: {  	[dreg:$0x4] =	wrdreg $0x9  }
0xb1: {  	_ =	task.clear_ibuf [dreg:s6], $0x5FFFF;
	_ =	strace $0x90000046  }
0xb2: {  	s29 =	simm.s32 $0x9;
	_ =	strace $0x80000048  }
0xb3: {  	_ =	swait.ge [sflag:s29], $0x1  }
0xb4: {  	[sflag:s29] =	ssyncadd.s32 $0xFFFFFFFF  }
0xb5: {  	_ =	strace $0x90000048  }
0xb6: {  	_ =	sfence  }
0xb7: {  	s30 =	sld [smem:$0x0];
	_ =	sdelay $0x2  }
0xb8: {  	s31 =	sshll.u32 s1, $0xD;
	s1 =	sshrl.u32 s1, $0x2  }
0xb9: {  	s3 =	sand.u32 $0x4000, s31;
	s1 =	sadd.s32 s1, s30  }
0xba: {  	s0 =	sor.u32 s3, s0;
	s1 =	sshll.u32 s1, $0x11  }
0xbb: {  	s0 =	sor.u32 s1, s0  }
0xbc: {  	s0 =	sadd.s32 $0x8F2B, s0  }
0xbd: {  	[sflag:s0] =	ssyncadd.remote.s32 $0x1  }
0xbe: {  	_ =	sfence.sel $0xFFFF  }
0xbf: {  	[dreg:$0x0] =	wrdreg $0xFFFFFFFF;
	(pc) =	sbr.abs _section_cstart, $3  }
0xc0: {  	[dreg:$0x1] =	wrdreg $0xFFFFFFFF  }
0xc1: {  	_ =	task.clear_ibuf [dreg:s6], $0x2FFFF;
	_ =	strace $0x9FFFFFFF  }
0xc2: {  	(tm) =	ssettm $0x7FFFFFFF  }
0xc3: {  	_ =	shalt  }
tec
execute0_lowered:
.L_overlay_start_1:
0x0: {  	(tag) =	ssettag $0x1  }
0x1: {  	s0 =	srdreg.scid  }
0x2: {  	s6 =	stileid.u32;
	s1 =	rddreg [dreg:$0x0]  }
0x3: {  	s2 =	rddreg [dreg:$0x1];
	s7 =	simm.s32 $0x0;
	s3 =	smul.u32 $0x4F00, s6  }
0x4: {  	s28 =	simm.s32 $0x1;
	s29 =	simm.s32 $0x6800;
	s23 =	smul.u32 $0x14000, s6  }
0x5: {  	s30 =	simm.s32 $0x80;
	s0 =	sand.u32 $0x1, s0;
	s6 =	smul.u32 $0x50000, s6  }
0x6: {  	s31 =	simm.s32 $0x2800;
	[smem:$0x7FF] =	sst s7;
	s4 =	smul.u32 $0x2780, s0  }
0x7: {  	s5 =	smul.u32 $0x140000, s0;
	_ =	strace $0x80000047;
	s0 =	ssub.s32 $0x2, s0  }
0x8: {  	s24 =	sshrl.u32 s0, $0x1;
	s6 =	sshrl.u32 s6, $0x2;
	s3 =	sadd.s32 s4, s3  }
0x9: {  	s4 =	sadd.s32 s23, s5;
	s0 =	ssub.s32 s0, s24;
	s3 =	sshrl.u32 s3, $0x2  }
0xa: {  	s4 =	sshrl.u32 s4, $0x3;
	s24 =	smax.u32 s0, $0x1;
	s3 =	sadd.s32 s3, s1  }
0xb: {  	s1 =	sadd.s32 s4, s1;
	s4 =	sadd.s32 s6, s2;
	s6 =	simm.s32 $0x0  }
0xc: {  	s25 =	sadd.s32 $0x1000, s4;
	s26 =	sadd.s32 $0x2000, s4;
	s7 =	sadd.s32 $0x3000, s4  }
0xd: {  	s8 =	sadd.s32 $0x4000, s4;
	s9 =	sadd.s32 $0x5000, s4;
	s10 =	sadd.s32 $0x6000, s4  }
0xe: {  	s11 =	sadd.s32 $0x7000, s4;
	s12 =	sadd.s32 $0x8000, s4;
	s13 =	sadd.s32 $0x9000, s4  }
0xf: {  	s14 =	sadd.s32 $0xA000, s4;
	s15 =	sadd.s32 $0xB000, s4;
	s16 =	sadd.s32 $0xC000, s4  }
0x10: {  	s17 =	sadd.s32 $0xD000, s4;
	s18 =	sadd.s32 $0xE000, s4;
	s19 =	sadd.s32 $0xF000, s4  }
0x11: {  	s20 =	sadd.s32 $0x10000, s4;
	s21 =	sadd.s32 $0x11000, s4;
	s22 =	sadd.s32 $0x12000, s4  }
0x12: {  	s23 =	sadd.s32 $0x15C00, s1;
	s1 =	simm.s32 $0x0;
	[dreg:$0x3] =	wrdreg s25  }
0x13: {  	v0 =	vimm.f32 $1.000000000e+00;
	v1 =	vimm.f32 $0.0e+00;
	[dreg:$0x4] =	wrdreg s26;
	s25 =	sadd.s32 $0x2000, s3;
	s26 =	sadd.s32 $0x13000, s4  }
.LBB2_1:
0x14: {  	s0 =	sadd.s32 $0x10, s25;
	s3 =	simm.s32 $0x0  }
0x15: {  	[tilespmem:s3], [sflag:$0x1] =	stream.linear.gather [hbm4b:s0+s3], $0x80, $0x38;
	[tilespmem:$0x1B800] =	vst v63  }
0x16: {  	_ =	swait.ge [sflag:s28], $0x80  }
0x17: {  	s0 =	simm.s32 $0x30;
	s3 =	simm.s32 $0x80;
	[sflag:s28] =	ssyncset.done $0x0  }
.LBB2_2:
0x18: {  	s5 =	sadd.s32 s0, s25;
	[sflag:s28] =	ssyncadd.s32 $0xFFFFFF80;
	p0 =	sne.s32 s0, $0x9D0  }
0x19: {  	[tilespmem:s3], [sflag:$0x1] =	stream.linear.gather [hbm4b:s5+s6], $0x80, $0x38;
	[tilespmem:$0x1B800] =	vst v63  }
.Ltmp0:
0x1a: {  	_ = 	snop;
	(pc) =	sbr.rel @p0 .LBB2_2-.Ltmp0, $4  }
0x1b: {  	_ = 	snop  }
0x1c: {  	s0 =	sadd.s32 $0x20, s0  }
0x1d: {  	_ =	swait.ge [sflag:s28], $0x80  }
0x1e: {  	s3 =	sadd.s32 $0x80, s3;
	[sflag:s28] =	ssyncset.done $0x0  }
0x1f: {  	[sflag:s28] =	ssyncadd.s32 $0xFFFFFF80;
	s3 =	simm.s32 $0x0;
	s0 =	simm.s32 $0x200  }
.LBB2_4:
0x20: {  	p0 =	sne.s32 s0, $0xFE00;
	[tilespmem:s3+$0x2870] =	vst v0  }
0x21: {  	[tilespmem:s3+$0x2800] =	vst v0  }
0x22: {  	[tilespmem:s3+$0x2810] =	vst v0  }
.Ltmp1:
0x23: {  	[tilespmem:s3+$0x2820] =	vst v0;
	(pc) =	sbr.rel @p0 .LBB2_4-.Ltmp1, $4  }
0x24: {  	[tilespmem:s3+$0x2830] =	vst v0  }
0x25: {  	[tilespmem:s3+$0x2840] =	vst v0  }
0x26: {  	[tilespmem:s3+$0x2850] =	vst v0  }
0x27: {  	[tilespmem:s3+$0x2860] =	vst v0;
	s3 =	sshra.s32 s0, $0x2;
	s0 =	sadd.s32 $0x200, s0  }
0x28: {  	[tilespmem:s3+$0x2870] =	vst v0  }
0x29: {  	[tilespmem:s3+$0x2800] =	vst v0  }
0x2a: {  	[tilespmem:s3+$0x2810] =	vst v0  }
0x2b: {  	[tilespmem:s3+$0x2820] =	vst v0  }
0x2c: {  	[tilespmem:s3+$0x2830] =	vst v0  }
0x2d: {  	[tilespmem:s3+$0x2840] =	vst v0  }
0x2e: {  	[tilespmem:s3+$0x2850] =	vst v0  }
0x2f: {  	[tilespmem:s3+$0x2860] =	vst v0;
	s3 =	simm.s32 $0x0;
	s0 =	simm.s32 $0x200  }
.LBB2_6:
0x30: {  	p0 =	sne.s32 s0, $0x3E00;
	[tilespmem:s3+$0x6870] =	vst v1  }
0x31: {  	[tilespmem:s3+$0x6800] =	vst v1  }
0x32: {  	[tilespmem:s3+$0x6810] =	vst v1  }
.Ltmp2:
0x33: {  	[tilespmem:s3+$0x6820] =	vst v1;
	(pc) =	sbr.rel @p0 .LBB2_6-.Ltmp2, $4  }
0x34: {  	[tilespmem:s3+$0x6830] =	vst v1  }
0x35: {  	[tilespmem:s3+$0x6840] =	vst v1  }
0x36: {  	[tilespmem:s3+$0x6850] =	vst v1  }
0x37: {  	[tilespmem:s3+$0x6860] =	vst v1;
	s3 =	sshra.s32 s0, $0x2;
	s0 =	sadd.s32 $0x200, s0  }
0x38: {  	[tilespmem:s3+$0x6870] =	vst v1  }
0x39: {  	[tilespmem:s3+$0x6800] =	vst v1  }
0x3a: {  	[tilespmem:s3+$0x6810] =	vst v1  }
0x3b: {  	[tilespmem:s3+$0x6820] =	vst v1  }
0x3c: {  	[tilespmem:s3+$0x6830] =	vst v1  }
0x3d: {  	[tilespmem:s3+$0x6840] =	vst v1  }
0x3e: {  	[tilespmem:s3+$0x6850] =	vst v1  }
0x3f: {  	[tilespmem:s3+$0x6860] =	vst v1  }
0x40: {  	[spmem:s4] =	stream.linear.scatter [tilespmem:s29], [sflag:$0x1], $0x1000, $0x38;
	[tilespmem:$0x1B800] =	vst v63  }
0x41: {  	_ =	swait.ge [sflag:s28], $0x1000  }
0x42: {  	[sflag:s28] =	ssyncset.done $0x0  }
0x43: {  	s0 =	rddreg [dreg:$0x3];
	[sflag:s28] =	ssyncadd.s32 $0xFFFFF000  }
0x44: {  	[spmem:s0] =	stream.linear.scatter [tilespmem:s29], [sflag:$0x1], $0x1000, $0x38;
	[tilespmem:$0x1B800] =	vst v63  }
0x45: {  	_ =	swait.ge [sflag:s28], $0x1000  }
0x46: {  	[sflag:s28] =	ssyncset.done $0x0  }
0x47: {  	s3 =	rddreg [dreg:$0x4];
	[sflag:s28] =	ssyncadd.s32 $0xFFFFF000  }
0x48: {  	[spmem:s3] =	stream.linear.scatter [tilespmem:s29], [sflag:$0x1], $0x1000, $0x38;
	[tilespmem:$0x1B800] =	vst v63  }
0x49: {  	_ =	swait.ge [sflag:s28], $0x1000  }
0x4a: {  	[sflag:s28] =	ssyncset.done $0x0  }
0x4b: {  	[sflag:s28] =	ssyncadd.s32 $0xFFFFF000  }
0x4c: {  	[spmem:s7] =	stream.linear.scatter [tilespmem:s29], [sflag:$0x1], $0x1000, $0x38;
	[tilespmem:$0x1B800] =	vst v63  }
0x4d: {  	_ =	swait.ge [sflag:s28], $0x1000  }
0x4e: {  	[sflag:s28] =	ssyncset.done $0x0  }
0x4f: {  	[sflag:s28] =	ssyncadd.s32 $0xFFFFF000  }
0x50: {  	[spmem:s8] =	stream.linear.scatter [tilespmem:s29], [sflag:$0x1], $0x1000, $0x38;
	[tilespmem:$0x1B800] =	vst v63  }
0x51: {  	_ =	swait.ge [sflag:s28], $0x1000  }
0x52: {  	[sflag:s28] =	ssyncset.done $0x0  }
0x53: {  	[sflag:s28] =	ssyncadd.s32 $0xFFFFF000  }
0x54: {  	[spmem:s9] =	stream.linear.scatter [tilespmem:s29], [sflag:$0x1], $0x1000, $0x38;
	[tilespmem:$0x1B800] =	vst v63  }
0x55: {  	_ =	swait.ge [sflag:s28], $0x1000  }
0x56: {  	[sflag:s28] =	ssyncset.done $0x0  }
0x57: {  	[sflag:s28] =	ssyncadd.s32 $0xFFFFF000  }
0x58: {  	[spmem:s10] =	stream.linear.scatter [tilespmem:s29], [sflag:$0x1], $0x1000, $0x38;
	[tilespmem:$0x1B800] =	vst v63  }
0x59: {  	_ =	swait.ge [sflag:s28], $0x1000  }
0x5a: {  	[sflag:s28] =	ssyncset.done $0x0  }
0x5b: {  	[sflag:s28] =	ssyncadd.s32 $0xFFFFF000  }
0x5c: {  	[spmem:s11] =	stream.linear.scatter [tilespmem:s29], [sflag:$0x1], $0x1000, $0x38;
	[tilespmem:$0x1B800] =	vst v63  }
0x5d: {  	_ =	swait.ge [sflag:s28], $0x1000  }
0x5e: {  	[sflag:s28] =	ssyncset.done $0x0  }
0x5f: {  	[sflag:s28] =	ssyncadd.s32 $0xFFFFF000  }
0x60: {  	[spmem:s12] =	stream.linear.scatter [tilespmem:s29], [sflag:$0x1], $0x1000, $0x38;
	[tilespmem:$0x1B800] =	vst v63  }
0x61: {  	_ =	swait.ge [sflag:s28], $0x1000  }
0x62: {  	[sflag:s28] =	ssyncset.done $0x0  }
0x63: {  	[sflag:s28] =	ssyncadd.s32 $0xFFFFF000  }
0x64: {  	[spmem:s13] =	stream.linear.scatter [tilespmem:s29], [sflag:$0x1], $0x1000, $0x38;
	[tilespmem:$0x1B800] =	vst v63  }
0x65: {  	_ =	swait.ge [sflag:s28], $0x1000  }
0x66: {  	[sflag:s28] =	ssyncset.done $0x0  }
0x67: {  	[sflag:s28] =	ssyncadd.s32 $0xFFFFF000  }
0x68: {  	[spmem:s14] =	stream.linear.scatter [tilespmem:s29], [sflag:$0x1], $0x1000, $0x38;
	[tilespmem:$0x1B800] =	vst v63  }
0x69: {  	_ =	swait.ge [sflag:s28], $0x1000  }
0x6a: {  	[sflag:s28] =	ssyncset.done $0x0  }
0x6b: {  	[sflag:s28] =	ssyncadd.s32 $0xFFFFF000  }
0x6c: {  	[spmem:s15] =	stream.linear.scatter [tilespmem:s29], [sflag:$0x1], $0x1000, $0x38;
	[tilespmem:$0x1B800] =	vst v63  }
0x6d: {  	_ =	swait.ge [sflag:s28], $0x1000  }
0x6e: {  	[sflag:s28] =	ssyncset.done $0x0  }
0x6f: {  	[sflag:s28] =	ssyncadd.s32 $0xFFFFF000  }
0x70: {  	[spmem:s16] =	stream.linear.scatter [tilespmem:s29], [sflag:$0x1], $0x1000, $0x38;
	[tilespmem:$0x1B800] =	vst v63  }
0x71: {  	_ =	swait.ge [sflag:s28], $0x1000  }
0x72: {  	[sflag:s28] =	ssyncset.done $0x0  }
0x73: {  	[sflag:s28] =	ssyncadd.s32 $0xFFFFF000  }
0x74: {  	[spmem:s17] =	stream.linear.scatter [tilespmem:s29], [sflag:$0x1], $0x1000, $0x38;
	[tilespmem:$0x1B800] =	vst v63  }
0x75: {  	_ =	swait.ge [sflag:s28], $0x1000  }
0x76: {  	[sflag:s28] =	ssyncset.done $0x0  }
0x77: {  	[sflag:s28] =	ssyncadd.s32 $0xFFFFF000  }
0x78: {  	[spmem:s18] =	stream.linear.scatter [tilespmem:s29], [sflag:$0x1], $0x1000, $0x38;
	[tilespmem:$0x1B800] =	vst v63  }
0x79: {  	_ =	swait.ge [sflag:s28], $0x1000  }
0x7a: {  	[sflag:s28] =	ssyncset.done $0x0  }
0x7b: {  	[sflag:s28] =	ssyncadd.s32 $0xFFFFF000  }
0x7c: {  	[spmem:s19] =	stream.linear.scatter [tilespmem:s29], [sflag:$0x1], $0x1000, $0x38;
	[tilespmem:$0x1B800] =	vst v63  }
0x7d: {  	_ =	swait.ge [sflag:s28], $0x1000  }
0x7e: {  	[sflag:s28] =	ssyncset.done $0x0  }
0x7f: {  	[sflag:s28] =	ssyncadd.s32 $0xFFFFF000  }
0x80: {  	[spmem:s20] =	stream.linear.scatter [tilespmem:s29], [sflag:$0x1], $0x1000, $0x38;
	[tilespmem:$0x1B800] =	vst v63  }
0x81: {  	_ =	swait.ge [sflag:s28], $0x1000  }
0x82: {  	[sflag:s28] =	ssyncset.done $0x0  }
0x83: {  	[sflag:s28] =	ssyncadd.s32 $0xFFFFF000  }
0x84: {  	[spmem:s21] =	stream.linear.scatter [tilespmem:s29], [sflag:$0x1], $0x1000, $0x38;
	[tilespmem:$0x1B800] =	vst v63  }
0x85: {  	_ =	swait.ge [sflag:s28], $0x1000  }
0x86: {  	[sflag:s28] =	ssyncset.done $0x0  }
0x87: {  	[sflag:s28] =	ssyncadd.s32 $0xFFFFF000  }
0x88: {  	[spmem:s22] =	stream.linear.scatter [tilespmem:s29], [sflag:$0x1], $0x1000, $0x38;
	[tilespmem:$0x1B800] =	vst v63  }
0x89: {  	_ =	swait.ge [sflag:s28], $0x1000  }
0x8a: {  	[sflag:s28] =	ssyncset.done $0x0  }
0x8b: {  	[sflag:s28] =	ssyncadd.s32 $0xFFFFF000  }
0x8c: {  	[spmem:s26] =	stream.linear.scatter [tilespmem:s29], [sflag:$0x1], $0x1000, $0x38;
	[tilespmem:$0x1B800] =	vst v63  }
0x8d: {  	_ =	swait.ge [sflag:s28], $0x1000  }
0x8e: {  	[sflag:s28] =	ssyncset.done $0x0  }
0x8f: {  	[sflag:s28] =	ssyncadd.s32 $0xFFFFF000  }
0x90: {  	s5 =	simm.s32 $0x0;
	[bflag:$0x0] =	sbarrier.arrive $0xFFFF  }
0x91: {  	[spmem:s2] =	stream.indirect.scatter.add.f32 [tilespmem:s31], [sflag:$0x1], $0x80, s5, s30, $0xb8;
	[tilespmem:$0x1B800] =	vst v63  }
0x92: {  	_ =	swait.ge [sflag:s28], $0x4000  }
0x93: {  	s0 =	simm.s32 $0x200;
	[sflag:s28] =	ssyncset.done $0x0  }
.LBB2_8:
0x94: {  	s3 =	sshra.s32 s0, $0x2;
	[sflag:s28] =	ssyncadd.s32 $0xFFFFC000;
	p0 =	sne.s32 s0, $0x9C00  }
0x95: {  	[spmem:s2] =	stream.indirect.scatter.add.f32 [tilespmem:s31], [sflag:$0x1], $0x80, s3, s30, $0xb8;
	[tilespmem:$0x1B800] =	vst v63  }
.Ltmp3:
0x96: {  	_ = 	snop;
	(pc) =	sbr.rel @p0 .LBB2_8-.Ltmp3, $4  }
0x97: {  	_ = 	snop  }
0x98: {  	s0 =	sadd.s32 $0x200, s0  }
0x99: {  	_ =	swait.ge [sflag:s28], $0x4000  }
0x9a: {  	[sflag:s28] =	ssyncset.done $0x0  }
0x9b: {  	[sflag:s28] =	ssyncadd.s32 $0xFFFFC000;
	s0 =	stileid.u32;
	s1 =	sadd.s32 $0x1, s1  }
0x9c: {  	s3 =	sshrl.u32 s4, $0x3;
	s0 =	sshll.u32 s0, $0x6;
	p0 =	sne.s32 s1, s24  }
.Ltmp4:
0x9d: {  	[bflag:$0x0] =	sbarrier.arrive $0xFFFF;
	s0 =	sor.u32 $0x1C01, s0;
	(pc) =	sbr.rel @p0 .LBB2_1-.Ltmp4, $4  }
0x9e: {  	[hbm:s23], [sflag:s0] =	dma.local [spmem:s3], $0x2800  }
0x9f: {  	_ =	swait.ge [sflag:s28], $0x2800  }
0xa0: {  	[sflag:s28] =	ssyncset.done $0x0  }
0xa1: {  	[sflag:s28] =	ssyncadd.s32 $0xFFFFD800  }
0xa2: {  	_ =	sfence.sel $0x180000  }
0xa3: {  	[bflag:$0x0] =	sbarrier.arrive $0xFFFF  }
0xa4: {  	_ =	strace $0x90000047  }
0xa5: {  	s0 =	stileid.u32;
	[bflag:$0x2] =	sbarrier.arrive $0xFFFF  }
0xa6: {  	p0 =	sne.s32 s0, $0x0;
	s0 =	rddreg [dreg:$0x2]  }
0xa7: {  	s0 =	sadd.s32 @!p0 $0x100000, s0  }
0xa8: {  	[sflag:s0] =	ssyncadd.tile.s32 @!p0 $0x1;
	_ =	shalt  }
.Lfunc_end2:
_tile_overlayer_lowered:
.L_overlay_start_2:
0xa9: {  	(tag) =	ssettag $0x2  }
0xaa: {  	s0 =	rddreg [dreg:$0x0];
	s2 =	stileid.u32  }
0xab: {  	s1 =	rddreg [dreg:$0x1];
	p0 =	sne.s32 s2, $0x0  }
0xac: {  	s3 =	rddreg [dreg:$0x2];
	[bflag:$0x3] =	sbarrier.arrive $0xFFFF;
	s2 =	simm.s32 @!p0 $0x1C01  }
0xad: {  	[timem:s3], [sflag:s2] =	dma.local @!p0 [hbm:s0], s1  }
0xae: {  	s0 =	simm.s32 @!p0 $0x1  }
0xaf: {  	_ =	swait.ge @!p0 [sflag:s0], s1  }
0xb0: {  	s1 =	ssub.s32 @!p0 $0x0, s1;
	[sflag:s0] =	ssyncset.done @!p0 $0x0  }
0xb1: {  	[sflag:s0] =	ssyncadd.s32 @!p0 s1  }
0xb2: {  	[bflag:$0x3] =	sbarrier.arrive $0xFFFF  }
0xb3: {  	_ =	shalt  }

// kernel: kernel.13.cloned.1.call-start
scs
__scs_entry_jumppad:
0x0: {  	(pc) =	sbr.rel $0x88, $3  }
0x1: {  	(tag) =	ssettag $0x0;
	lr =	simm.s32 $0x1  }
0x2: {  	[smem:$0x3F9E] =	sst lr;
	_ =	strace $0xD0000000  }
0x3: {  	_ = 	snop  }
0x4: {  	_ = 	snop  }
0x5: {  	_ = 	snop  }
0x6: {  	_ = 	snop  }
0x7: {  	_ = 	snop  }
__scs_overlays_trampoline_lowered:
0x8: {  	[smem:$0x3FAD] =	sst s0  }
0x9: {  	[smem:$0x3FAE] =	sst s1  }
0xa: {  	[smem:$0x3FAF] =	sst s2  }
0xb: {  	[smem:$0x3FB0] =	sst s3  }
0xc: {  	[smem:$0x3FB1] =	sst s4  }
0xd: {  	[smem:$0x3FB2] =	sst s5  }
0xe: {  	[smem:$0x3FB3] =	sst s6  }
0xf: {  	[smem:$0x3FB4] =	sst s7  }
0x10: {  	[smem:$0x3FB5] =	sst s8  }
0x11: {  	[smem:$0x3FB6] =	sst s9;
	s0 =	simm.s32 @!p0 $0x0  }
0x12: {  	s1 =	sld [smem:$0x3F9C];
	s0 =	simm.s32 @p0 $0x1  }
0x13: {  	[smem:$0x3FB7] =	sst s0;
	s0 =	simm.s32 @!p1 $0x0  }
0x14: {  	s2 =	sld [smem:$0x3F9B];
	s0 =	simm.s32 @p1 $0x1  }
0x15: {  	[smem:$0x3FB8] =	sst s0;
	s0 =	simm.s32 @!p2 $0x0  }
0x16: {  	s3 =	sld [smem:$0x3FDB];
	s0 =	simm.s32 @p2 $0x1  }
0x17: {  	s4 =	simm.s32 $0x1BF5;
	[smem:$0x3FBA] =	sst s0  }
0x18: {  	s0 =	sld [smem:$0x3F9D];
	_ =	swait.ge [sflag:s4], $0x0  }
0x19: {  	s7 =	sld [smem:$0x3F9E]  }
0x1a: {  	s8 =	sadd.s32 $0xFFFFE003, lr  }
0x1b: {  	s9 =	sadd.s32 $0xFFFFFEF7, lr;
	s5 =	simm.s32 $0xFFFFFFFF;
	p2 =	slt.u32 s8, $0xFFFFF086  }
0x1c: {  	p1 =	slt.u32 s9, $0xF7A;
	s5 =	simm.s32 @!p2 $0x0  }
0x1d: {  	s5 =	simm.s32 @p1 $0x1;
	p0 =	seq.s32 s7, s2  }
0x1e: {  	s7 =	smul.u32 @!p0 $0xF7A, s2;
	p2 =	seq.s32 @!p0 s5, $0x0  }
0x1f: {  	s9 =	smul.u32 $0xF7A, s1;
	s8 =	simm.s32 @!p0 $0x1BF5;
	p2 =	por !p2, p0  }
0x20: {  	[sflag:s8] =	ssyncset.s32 @!p0 $0xFFFFF086;
	s6 =	sadd.s32 @!p0 s3, s7;
	s7 =	simm.s32 @!p0 $0x108  }
0x21: {  	s3 =	sadd.s32 s3, s9;
	s6 =	sadd.s32 @!p0 $0x88, s6;
	s7 =	simm.s32 @p2 $0x1082  }
0x22: {  	[simem:s7], [sflag:s8] =	dma.local @!p0 [hbm:s6], $0xF7A  }
0x23: {  	s9 =	sor.u32 $0xD0000000, s2;
	s6 =	simm.s32 $0x108;
	_ =	swait.ge @!p0 [sflag:s8], $0x0  }
0x24: {  	s3 =	sadd.s32 $0x88, s3;
	s6 =	simm.s32 @!p1 $0x1082;
	[sflag:s4] =	ssyncset.s32 $0xFFFFF086  }
0x25: {  	[simem:s6], [sflag:s4] =	dma.local [hbm:s3], $0xF7A  }
0x26: {  	[smem:$0x3F9E] =	sst s1;
	(tag) =	ssettag s2;
	_ =	strace s9  }
0x27: {  	s1 =	sld [smem:$0x3FAE]  }
0x28: {  	s2 =	sld [smem:$0x3FAF]  }
0x29: {  	s4 =	sld [smem:$0x3FB1]  }
0x2a: {  	p0 =	seq.s32 s5, $0x0;
	s5 =	sld [smem:$0x3FB2]  }
0x2b: {  	s6 =	sld [smem:$0x3FB3]  }
0x2c: {  	s7 =	sld [smem:$0x3FB4]  }
0x2d: {  	s3 =	simm.s32 $0x108;
	s8 =	sld [smem:$0x3FB5]  }
0x2e: {  	s3 =	simm.s32 @!p0 $0x1082;
	s9 =	sld [smem:$0x3FB6]  }
0x2f: {  	lr =	sadd.s32 s0, s3;
	s0 =	sld [smem:$0x3FAD]  }
0x30: {  	s3 =	sld [smem:$0x3FB0]  }
0x31: {  	[smem:$0x3FB9] =	sst s10  }
0x32: {  	s10 =	sld [smem:$0x3FB7];
	_ =	sdelay $0x3  }
0x33: {  	p0 =	seq.s32 s10, $0x1;
	s10 =	sld [smem:$0x3FB9];
	_ =	sdelay $0x3  }
0x34: {  	[smem:$0x3FB9] =	sst s10  }
0x35: {  	s10 =	sld [smem:$0x3FB8];
	_ =	sdelay $0x3  }
0x36: {  	p1 =	seq.s32 s10, $0x1;
	s10 =	sld [smem:$0x3FB9];
	_ =	sdelay $0x3  }
0x37: {  	[smem:$0x3FB9] =	sst s10  }
0x38: {  	s10 =	sld [smem:$0x3FBA]  }
0x39: {  	_ = 	snop;
	(pc) =	sbr.ind lr, $3  }
0x3a: {  	_ = 	snop  }
0x3b: {  	_ = 	snop  }
0x3c: {  	p2 =	seq.s32 s10, $0x1;
	s10 =	sld [smem:$0x3FB9]  }
0x3d: {  	_ =	shalt  }
0x3e: {  	_ =	shalt  }
0x3f: {  	_ =	shalt  }
0x40: {  	_ =	shalt  }
0x41: {  	_ =	shalt  }
0x42: {  	_ =	shalt  }
0x43: {  	_ =	shalt  }
0x44: {  	_ =	shalt  }
0x45: {  	_ =	shalt  }
0x46: {  	_ =	shalt  }
0x47: {  	_ =	shalt  }
0x48: {  	_ =	shalt  }
0x49: {  	_ =	shalt  }
0x4a: {  	_ =	shalt  }
0x4b: {  	_ =	shalt  }
0x4c: {  	_ =	shalt  }
0x4d: {  	_ =	shalt  }
0x4e: {  	_ =	shalt  }
0x4f: {  	_ =	shalt  }
0x50: {  	_ =	shalt  }
0x51: {  	_ =	shalt  }
0x52: {  	_ =	shalt  }
0x53: {  	_ =	shalt  }
0x54: {  	_ =	shalt  }
0x55: {  	_ =	shalt  }
0x56: {  	_ =	shalt  }
0x57: {  	_ =	shalt  }
0x58: {  	_ =	shalt  }
0x59: {  	_ =	shalt  }
0x5a: {  	_ =	shalt  }
0x5b: {  	_ =	shalt  }
0x5c: {  	_ =	shalt  }
0x5d: {  	_ =	shalt  }
0x5e: {  	_ =	shalt  }
0x5f: {  	_ =	shalt  }
0x60: {  	_ =	shalt  }
0x61: {  	_ =	shalt  }
0x62: {  	_ =	shalt  }
0x63: {  	_ =	shalt  }
0x64: {  	_ =	shalt  }
0x65: {  	_ =	shalt  }
0x66: {  	_ =	shalt  }
0x67: {  	_ =	shalt  }
0x68: {  	_ =	shalt  }
0x69: {  	_ =	shalt  }
0x6a: {  	_ =	shalt  }
0x6b: {  	_ =	shalt  }
0x6c: {  	_ =	shalt  }
0x6d: {  	_ =	shalt  }
0x6e: {  	_ =	shalt  }
0x6f: {  	_ =	shalt  }
0x70: {  	_ =	shalt  }
0x71: {  	_ =	shalt  }
0x72: {  	_ =	shalt  }
0x73: {  	_ =	shalt  }
0x74: {  	_ =	shalt  }
0x75: {  	_ =	shalt  }
0x76: {  	_ =	shalt  }
0x77: {  	_ =	shalt  }
0x78: {  	_ =	shalt  }
0x79: {  	_ =	shalt  }
0x7a: {  	_ =	shalt  }
0x7b: {  	_ =	shalt  }
0x7c: {  	_ =	shalt  }
0x7d: {  	_ =	shalt  }
0x7e: {  	_ =	shalt  }
0x7f: {  	_ =	shalt  }
0x80: {  	_ =	shalt  }
0x81: {  	_ =	shalt  }
0x82: {  	_ =	shalt  }
0x83: {  	_ =	shalt  }
0x84: {  	_ =	shalt  }
0x85: {  	_ =	shalt  }
0x86: {  	_ =	shalt  }
0x87: {  	_ =	shalt  }
.Lfunc_end0:
.L_simem_size_0:
called_computation.1_lowered:
.L_overlay_start_0:
0x88: {  	s2 =	sld [smem:$0x3FD9]  }
0x89: {  	s3 =	sld [smem:$0x3FFE];
	_ =	sdelay $0x1  }
0x8a: {  	s1 =	srdreg.scid  }
0x8b: {  	s0 =	sand.u32 $0x1, s1  }
0x8c: {  	s17 =	sshll.u32 s0, $0xA;
	s2 =	sadd.s32 s3, s2  }
0x8d: {  	s2 =	sadd.s32 s2, s17  }
0x8e: {  	[smem:$0x3FC5] =	sst s2  }
0x8f: {  	_ = 	snop  }
0x90: {  	s2 =	sld [smem:$0x3FD0];
	(tm) =	ssettm $0x1  }
0x91: {  	s18 =	sld [smem:$0x3FFB];
	_ =	sdelay $0x3  }
0x92: {  	_ =	strace s18  }
0x93: {  	s3 =	sld [smem:$0x3FFC];
	_ =	sdelay $0x3  }
0x94: {  	_ =	strace s3  }
0x95: {  	s3 =	sld [smem:$0x3FFD];
	_ =	sdelay $0x3  }
0x96: {  	_ =	strace s3  }
0x97: {  	_ =	strace $0x8FFFFFFF  }
0x98: {  	s19 =	sld [smem:$0x3FDB];
	_ =	sdelay $0x1  }
0x99: {  	s4 =	simm.s32 $_scs_section_size  }
0x9a: {  	s5 =	simm.s32 $_size__tile_overlayer_lowered;
	s6 =	simm.s32 $_tile_overlayer_lowered  }
0x9b: {  	s22 =	simm.s32 $0x1BFF;
	s21 =	sshll.u32 s6, $0x1;
	s3 =	sadd.s32 s4, s19  }
0x9c: {  	s7 =	simm.s32 $0x0;
	s20 =	sshll.u32 s5, $0x1;
	s5 =	sadd.s32 s21, s3  }
0x9d: {  	[timem:s7], [sflag:s22] =	dma.local [hbm:s5], s20  }
0x9e: {  	_ =	swait.ge [sflag:s22], s20  }
0x9f: {  	s4 =	ssub.s32 $0x0, s20;
	[sflag:s22] =	ssyncset.done $0x0  }
0xa0: {  	[sflag:s22] =	ssyncadd.s32 s4;
	_ =	sdelay $0x1  }
0xa1: {  	s23 =	simm.s32 $0x1B8B  }
0xa2: {  	_ =	swait.ge [sflag:s23], $0x1  }
0xa3: {  	[sflag:s23] =	ssyncset.done $0x0  }
0xa4: {  	s25 =	simm.s32 $0x1B8E;
	s24 =	sld [smem:$0x3FFE];
	[sflag:s23] =	ssyncadd.s32 $0xFFFFFFFF  }
0xa5: {  	s26 =	simm.s32 $execute0_lowered;
	[smem:$0x3FD2] =	sst s25  }
0xa6: {  	s5 =	sshll.u32 s26, $0x1;
	_ =	strace $0x80000049;
	[dreg:$0x1] =	wrdreg $0xFFFFFFFF  }
0xa7: {  	s28 =	simm.s32 $_size_execute0_lowered;
	s3 =	sadd.s32 s3, s5;
	[dreg:$0x0] =	wrdreg $0x0  }
0xa8: {  	s5 =	sshll.u32 s28, $0x1;
	[dreg:$0x2] =	wrdreg s3  }
0xa9: {  	[dreg:$0x3] =	wrdreg s5  }
0xaa: {  	[dreg:$0x4] =	wrdreg $0xC0  }
0xab: {  	_ =	task [dreg:s7], $0x5FFFF  }
0xac: {  	[dreg:$0x1] =	wrdreg $0xFFFFFFFF  }
0xad: {  	[dreg:$0x0] =	wrdreg $0x60  }
0xae: {  	[dreg:$0x2] =	wrdreg s2  }
0xaf: {  	[dreg:$0x3] =	wrdreg s24  }
0xb0: {  	[dreg:$0x4] =	wrdreg $0xA0000  }
0xb1: {  	[dreg:$0x5] =	wrdreg $0x9  }
0xb2: {  	_ =	task.clear_ibuf [dreg:s7], $0x6FFFF;
	_ =	strace $0x90000049  }
0xb3: {  	s29 =	simm.s32 $0x9;
	_ =	strace $0x8000004B  }
0xb4: {  	_ =	swait.ge [sflag:s29], $0x1  }
0xb5: {  	[sflag:s29] =	ssyncadd.s32 $0xFFFFFFFF  }
0xb6: {  	_ =	strace $0x9000004B  }
0xb7: {  	_ =	sfence  }
0xb8: {  	s30 =	sld [smem:$0x0];
	_ =	sdelay $0x2  }
0xb9: {  	s31 =	sshll.u32 s1, $0xD;
	s1 =	sshrl.u32 s1, $0x2  }
0xba: {  	s3 =	sand.u32 $0x4000, s31;
	s1 =	sadd.s32 s1, s30  }
0xbb: {  	s0 =	sor.u32 s3, s0;
	s1 =	sshll.u32 s1, $0x11  }
0xbc: {  	s0 =	sor.u32 s1, s0  }
0xbd: {  	s0 =	sadd.s32 $0x8F2B, s0  }
0xbe: {  	[sflag:s0] =	ssyncadd.remote.s32 $0x1  }
0xbf: {  	_ =	sfence.sel $0xFFFF  }
0xc0: {  	[dreg:$0x0] =	wrdreg $0xFFFFFFFF;
	(pc) =	sbr.abs _section_cstart, $3  }
0xc1: {  	[dreg:$0x1] =	wrdreg $0xFFFFFFFF  }
0xc2: {  	_ =	task.clear_ibuf [dreg:s7], $0x2FFFF;
	_ =	strace $0x9FFFFFFF  }
0xc3: {  	(tm) =	ssettm $0x7FFFFFFF  }
tec
execute0_lowered:
.L_overlay_start_1:
0x0: {  	(tag) =	ssettag $0x1  }
0x1: {  	s1 =	rddreg [dreg:$0x0]  }
0x2: {  	s0 =	srdreg.scid;
	s7 =	stileid.u32  }
0x3: {  	s2 =	rddreg [dreg:$0x1];
	s4 =	smul.u32 $0x4F00, s7  }
0x4: {  	s3 =	rddreg [dreg:$0x2];
	s8 =	simm.s32 $0x0;
	s18 =	smul.u32 $0x14000, s7  }
0x5: {  	s29 =	simm.s32 $0x2;
	s0 =	sand.u32 $0x1, s0;
	s7 =	smul.u32 $0x50000, s7  }
0x6: {  	s30 =	simm.s32 $0x9000;
	s31 =	simm.s32 $0x80;
	s5 =	smul.u32 $0x2780, s0  }
0x7: {  	[smem:$0x7FF] =	sst s8;
	s6 =	smul.u32 $0x140000, s0;
	s0 =	ssub.s32 $0x2, s0  }
0x8: {  	_ =	strace $0x8000004A;
	s19 =	sshrl.u32 s7, $0x2;
	s21 =	sshrl.u32 s0, $0x1  }
0x9: {  	s4 =	sadd.s32 s5, s4;
	s5 =	sadd.s32 s18, s6;
	s0 =	ssub.s32 s0, s21  }
0xa: {  	s4 =	sshrl.u32 s4, $0x2;
	s20 =	sshrl.u32 s5, $0x3;
	s5 =	sadd.s32 s19, s3  }
0xb: {  	s4 =	sadd.s32 s4, s2;
	s2 =	sadd.s32 s20, s2;
	s6 =	sadd.s32 $0x1000, s5  }
0xc: {  	s22 =	sadd.s32 $0x2000, s5;
	s23 =	sadd.s32 $0x3000, s5;
	s24 =	sadd.s32 $0x4000, s5  }
0xd: {  	s25 =	sadd.s32 $0x5000, s5;
	s26 =	sadd.s32 $0x6000, s5;
	s12 =	sadd.s32 $0x7000, s5  }
0xe: {  	s13 =	sadd.s32 $0x8000, s5;
	s14 =	sadd.s32 $0x9000, s5;
	[dreg:$0x4] =	wrdreg s6  }
0xf: {  	s15 =	sadd.s32 $0xA000, s5;
	s16 =	sadd.s32 $0xB000, s5;
	[dreg:$0x5] =	wrdreg s22  }
0x10: {  	s17 =	sadd.s32 $0xC000, s5;
	s18 =	sadd.s32 $0xD000, s5;
	[dreg:$0x6] =	wrdreg s23  }
0x11: {  	s19 =	sadd.s32 $0xE000, s5;
	s20 =	sadd.s32 $0xF000, s5;
	[dreg:$0x7] =	wrdreg s24  }
0x12: {  	s21 =	sadd.s32 $0x10000, s5;
	s28 =	sadd.s32 $0x13000, s5;
	[dreg:$0x8] =	wrdreg s25  }
0x13: {  	[dreg:$0x9] =	wrdreg s26;
	s22 =	sadd.s32 $0x11000, s5;
	s23 =	sadd.s32 $0x15C00, s2  }
0x14: {  	s24 =	smax.u32 s0, $0x1;
	s25 =	sadd.s32 $0x2010, s4;
	s26 =	sadd.s32 $0x12000, s5  }
0x15: {  	v0 =	vimm.f32 $0.0e+00;
	s2 =	simm.s32 $0x5000;
	s0 =	simm.s32 $0x1;
	s4 =	simm.s32 $0x0  }
.LBB2_1:
0x16: {  	s6 =	simm.s32 $0x0;
	s7 =	sadd.s32 $0xFFFFFFF0, s25;
	s8 =	simm.s32 $0x0  }
0x17: {  	[tilespmem:s6], [sflag:$0x2] =	stream.linear.gather [hbm4b:s7+s8], $0x80, $0x38;
	[tilespmem:$0x1E000] =	vst v63  }
0x18: {  	_ =	swait.ge [sflag:s29], $0x80  }
0x19: {  	[sflag:s29] =	ssyncset.done $0x0  }
0x1a: {  	s11 =	simm.s32 $0x2800;
	[sflag:s29] =	ssyncadd.s32 $0xFFFFFF80  }
0x1b: {  	[tilespmem:s11], [sflag:$0x2] =	stream.linear.gather [hbm4b:s25+s8], $0x80, $0x38;
	[tilespmem:$0x1E000] =	vst v63  }
0x1c: {  	s9 =	simm.s32 $0x80;
	_ =	swait.ge [sflag:s29], $0x80  }
0x1d: {  	s6 =	sadd.s32 $0x20, s25;
	s8 =	simm.s32 $0x400;
	[sflag:s29] =	ssyncset.done $0x0  }
.LBB2_2:
0x1e: {  	s10 =	sadd.s32 $0xFFFFFFF0, s6  }
0x1f: {  	s7 =	simm.s32 $0x0;
	[sflag:s29] =	ssyncadd.s32 $0xFFFFFF80;
	s11 =	smov.u32 s8  }
0x20: {  	[tilespmem:s9], [sflag:$0x2] =	stream.linear.gather [hbm4b:s10+s7], $0x80, $0x38;
	[tilespmem:$0x1E000] =	vst v63  }
0x21: {  	p0 =	sne.s32 s8, $0x9C00;
	s8 =	sadd.s32 $0x200, s8;
	_ =	swait.ge [sflag:s29], $0x80  }
.Ltmp0:
0x22: {  	[sflag:s29] =	ssyncset.done $0x0;
	(pc) =	sbr.rel @p0 .LBB2_2-.Ltmp0, $4  }
0x23: {  	s9 =	sadd.s32 $0x2800, s9;
	[sflag:s29] =	ssyncadd.s32 $0xFFFFFF80  }
0x24: {  	[tilespmem:s9], [sflag:$0x2] =	stream.linear.gather [hbm4b:s6+s7], $0x80, $0x38;
	[tilespmem:$0x1E000] =	vst v63  }
0x25: {  	_ =	swait.ge [sflag:s29], $0x80  }
0x26: {  	s9 =	sshra.s32 s11, $0x2;
	s6 =	sadd.s32 $0x20, s6;
	[sflag:s29] =	ssyncset.done $0x0  }
0x27: {  	s8 =	sadd.s32 $0xFFFFFFF0, s6;
	[sflag:s29] =	ssyncadd.s32 $0xFFFFFF80  }
0x28: {  	[tilespmem:s9], [sflag:$0x2] =	stream.linear.gather [hbm4b:s8+s7], $0x80, $0x38;
	[tilespmem:$0x1E000] =	vst v63  }
0x29: {  	_ =	swait.ge [sflag:s29], $0x80  }
0x2a: {  	p0 =	por $0x1, $0x1;
	[sflag:s29] =	ssyncset.done $0x0  }
.Ltmp1:
0x2b: {  	s11 =	sadd.s32 $0x2800, s9;
	[sflag:s29] =	ssyncadd.s32 $0xFFFFFF80;
	(pc) =	sbr.rel @!p0 .LBB2_5-.Ltmp1, $4  }
0x2c: {  	[tilespmem:s11], [sflag:$0x2] =	stream.linear.gather [hbm4b:s6+s7], $0x80, $0x38;
	[tilespmem:$0x1E000] =	vst v63  }
0x2d: {  	_ =	swait.ge [sflag:s29], $0x80  }
0x2e: {  	[sflag:s29] =	ssyncset.done $0x0  }
0x2f: {  	s6 =	simm.s32 $0x0;
	s7 =	simm.s32 $0x200;
	[sflag:s29] =	ssyncadd.s32 $0xFFFFFF80  }
.LBB2_4:
0x30: {  	p0 =	sne.s32 s7, $0x3E00;
	[tilespmem:s6+$0x9070] =	vst v0  }
0x31: {  	[tilespmem:s6+$0x9000] =	vst v0  }
0x32: {  	[tilespmem:s6+$0x9010] =	vst v0  }
.Ltmp2:
0x33: {  	[tilespmem:s6+$0x9020] =	vst v0;
	(pc) =	sbr.rel @p0 .LBB2_4-.Ltmp2, $4  }
0x34: {  	[tilespmem:s6+$0x9030] =	vst v0  }
0x35: {  	[tilespmem:s6+$0x9040] =	vst v0  }
0x36: {  	[tilespmem:s6+$0x9050] =	vst v0  }
0x37: {  	[tilespmem:s6+$0x9060] =	vst v0;
	s6 =	sshra.s32 s7, $0x2;
	s7 =	sadd.s32 $0x200, s7  }
.LBB2_5:
0x38: {  	[tilespmem:s6+$0x9070] =	vst v0  }
0x39: {  	[tilespmem:s6+$0x9000] =	vst v0  }
0x3a: {  	[tilespmem:s6+$0x9010] =	vst v0  }
0x3b: {  	[tilespmem:s6+$0x9020] =	vst v0  }
0x3c: {  	[tilespmem:s6+$0x9030] =	vst v0  }
0x3d: {  	[tilespmem:s6+$0x9040] =	vst v0  }
0x3e: {  	[tilespmem:s6+$0x9050] =	vst v0  }
0x3f: {  	[tilespmem:s6+$0x9060] =	vst v0  }
0x40: {  	[spmem:s5] =	stream.linear.scatter [tilespmem:s30], [sflag:$0x2], $0x1000, $0x38;
	[tilespmem:$0x1E000] =	vst v63  }
0x41: {  	_ =	swait.ge [sflag:s29], $0x1000  }
0x42: {  	[sflag:s29] =	ssyncset.done $0x0  }
0x43: {  	s9 =	rddreg [dreg:$0x4];
	[sflag:s29] =	ssyncadd.s32 $0xFFFFF000  }
0x44: {  	[spmem:s9] =	stream.linear.scatter [tilespmem:s30], [sflag:$0x2], $0x1000, $0x38;
	[tilespmem:$0x1E000] =	vst v63  }
0x45: {  	_ =	swait.ge [sflag:s29], $0x1000  }
0x46: {  	[sflag:s29] =	ssyncset.done $0x0  }
0x47: {  	s10 =	rddreg [dreg:$0x5];
	[sflag:s29] =	ssyncadd.s32 $0xFFFFF000  }
0x48: {  	[spmem:s10] =	stream.linear.scatter [tilespmem:s30], [sflag:$0x2], $0x1000, $0x38;
	[tilespmem:$0x1E000] =	vst v63  }
0x49: {  	_ =	swait.ge [sflag:s29], $0x1000  }
0x4a: {  	[sflag:s29] =	ssyncset.done $0x0  }
0x4b: {  	s11 =	rddreg [dreg:$0x6];
	[sflag:s29] =	ssyncadd.s32 $0xFFFFF000  }
0x4c: {  	[spmem:s11] =	stream.linear.scatter [tilespmem:s30], [sflag:$0x2], $0x1000, $0x38;
	[tilespmem:$0x1E000] =	vst v63  }
0x4d: {  	_ =	swait.ge [sflag:s29], $0x1000  }
0x4e: {  	[sflag:s29] =	ssyncset.done $0x0  }
0x4f: {  	s7 =	rddreg [dreg:$0x7];
	[sflag:s29] =	ssyncadd.s32 $0xFFFFF000  }
0x50: {  	[spmem:s7] =	stream.linear.scatter [tilespmem:s30], [sflag:$0x2], $0x1000, $0x38;
	[tilespmem:$0x1E000] =	vst v63  }
0x51: {  	_ =	swait.ge [sflag:s29], $0x1000  }
0x52: {  	[sflag:s29] =	ssyncset.done $0x0  }
0x53: {  	s8 =	rddreg [dreg:$0x8];
	[sflag:s29] =	ssyncadd.s32 $0xFFFFF000  }
0x54: {  	[spmem:s8] =	stream.linear.scatter [tilespmem:s30], [sflag:$0x2], $0x1000, $0x38;
	[tilespmem:$0x1E000] =	vst v63  }
0x55: {  	_ =	swait.ge [sflag:s29], $0x1000  }
0x56: {  	[sflag:s29] =	ssyncset.done $0x0  }
0x57: {  	s9 =	rddreg [dreg:$0x9];
	[sflag:s29] =	ssyncadd.s32 $0xFFFFF000  }
0x58: {  	[spmem:s9] =	stream.linear.scatter [tilespmem:s30], [sflag:$0x2], $0x1000, $0x38;
	[tilespmem:$0x1E000] =	vst v63  }
0x59: {  	_ =	swait.ge [sflag:s29], $0x1000  }
0x5a: {  	[sflag:s29] =	ssyncset.done $0x0  }
0x5b: {  	[sflag:s29] =	ssyncadd.s32 $0xFFFFF000  }
0x5c: {  	[spmem:s12] =	stream.linear.scatter [tilespmem:s30], [sflag:$0x2], $0x1000, $0x38;
	[tilespmem:$0x1E000] =	vst v63  }
0x5d: {  	_ =	swait.ge [sflag:s29], $0x1000  }
0x5e: {  	[sflag:s29] =	ssyncset.done $0x0  }
0x5f: {  	[sflag:s29] =	ssyncadd.s32 $0xFFFFF000  }
0x60: {  	[spmem:s13] =	stream.linear.scatter [tilespmem:s30], [sflag:$0x2], $0x1000, $0x38;
	[tilespmem:$0x1E000] =	vst v63  }
0x61: {  	_ =	swait.ge [sflag:s29], $0x1000  }
0x62: {  	[sflag:s29] =	ssyncset.done $0x0  }
0x63: {  	[sflag:s29] =	ssyncadd.s32 $0xFFFFF000  }
0x64: {  	[spmem:s14] =	stream.linear.scatter [tilespmem:s30], [sflag:$0x2], $0x1000, $0x38;
	[tilespmem:$0x1E000] =	vst v63  }
0x65: {  	_ =	swait.ge [sflag:s29], $0x1000  }
0x66: {  	[sflag:s29] =	ssyncset.done $0x0  }
0x67: {  	[sflag:s29] =	ssyncadd.s32 $0xFFFFF000  }
0x68: {  	[spmem:s15] =	stream.linear.scatter [tilespmem:s30], [sflag:$0x2], $0x1000, $0x38;
	[tilespmem:$0x1E000] =	vst v63  }
0x69: {  	_ =	swait.ge [sflag:s29], $0x1000  }
0x6a: {  	[sflag:s29] =	ssyncset.done $0x0  }
0x6b: {  	[sflag:s29] =	ssyncadd.s32 $0xFFFFF000  }
0x6c: {  	[spmem:s16] =	stream.linear.scatter [tilespmem:s30], [sflag:$0x2], $0x1000, $0x38;
	[tilespmem:$0x1E000] =	vst v63  }
0x6d: {  	_ =	swait.ge [sflag:s29], $0x1000  }
0x6e: {  	[sflag:s29] =	ssyncset.done $0x0  }
0x6f: {  	[sflag:s29] =	ssyncadd.s32 $0xFFFFF000  }
0x70: {  	[spmem:s17] =	stream.linear.scatter [tilespmem:s30], [sflag:$0x2], $0x1000, $0x38;
	[tilespmem:$0x1E000] =	vst v63  }
0x71: {  	_ =	swait.ge [sflag:s29], $0x1000  }
0x72: {  	[sflag:s29] =	ssyncset.done $0x0  }
0x73: {  	[sflag:s29] =	ssyncadd.s32 $0xFFFFF000  }
0x74: {  	[spmem:s18] =	stream.linear.scatter [tilespmem:s30], [sflag:$0x2], $0x1000, $0x38;
	[tilespmem:$0x1E000] =	vst v63  }
0x75: {  	_ =	swait.ge [sflag:s29], $0x1000  }
0x76: {  	[sflag:s29] =	ssyncset.done $0x0  }
0x77: {  	[sflag:s29] =	ssyncadd.s32 $0xFFFFF000  }
0x78: {  	[spmem:s19] =	stream.linear.scatter [tilespmem:s30], [sflag:$0x2], $0x1000, $0x38;
	[tilespmem:$0x1E000] =	vst v63  }
0x79: {  	_ =	swait.ge [sflag:s29], $0x1000  }
0x7a: {  	[sflag:s29] =	ssyncset.done $0x0  }
0x7b: {  	[sflag:s29] =	ssyncadd.s32 $0xFFFFF000  }
0x7c: {  	[spmem:s20] =	stream.linear.scatter [tilespmem:s30], [sflag:$0x2], $0x1000, $0x38;
	[tilespmem:$0x1E000] =	vst v63  }
0x7d: {  	_ =	swait.ge [sflag:s29], $0x1000  }
0x7e: {  	[sflag:s29] =	ssyncset.done $0x0  }
0x7f: {  	[sflag:s29] =	ssyncadd.s32 $0xFFFFF000  }
0x80: {  	[spmem:s21] =	stream.linear.scatter [tilespmem:s30], [sflag:$0x2], $0x1000, $0x38;
	[tilespmem:$0x1E000] =	vst v63  }
0x81: {  	_ =	swait.ge [sflag:s29], $0x1000  }
0x82: {  	[sflag:s29] =	ssyncset.done $0x0  }
0x83: {  	[sflag:s29] =	ssyncadd.s32 $0xFFFFF000  }
0x84: {  	[spmem:s22] =	stream.linear.scatter [tilespmem:s30], [sflag:$0x2], $0x1000, $0x38;
	[tilespmem:$0x1E000] =	vst v63  }
0x85: {  	_ =	swait.ge [sflag:s29], $0x1000  }
0x86: {  	[sflag:s29] =	ssyncset.done $0x0  }
0x87: {  	[sflag:s29] =	ssyncadd.s32 $0xFFFFF000  }
0x88: {  	[spmem:s26] =	stream.linear.scatter [tilespmem:s30], [sflag:$0x2], $0x1000, $0x38;
	[tilespmem:$0x1E000] =	vst v63  }
0x89: {  	_ =	swait.ge [sflag:s29], $0x1000  }
0x8a: {  	[sflag:s29] =	ssyncset.done $0x0  }
0x8b: {  	[sflag:s29] =	ssyncadd.s32 $0xFFFFF000  }
0x8c: {  	[spmem:s28] =	stream.linear.scatter [tilespmem:s30], [sflag:$0x2], $0x1000, $0x38;
	[tilespmem:$0x1E000] =	vst v63  }
0x8d: {  	_ =	swait.ge [sflag:s29], $0x1000  }
0x8e: {  	[sflag:s29] =	ssyncset.done $0x0  }
0x8f: {  	[sflag:s29] =	ssyncadd.s32 $0xFFFFF000  }
0x90: {  	s10 =	simm.s32 $0x0;
	[bflag:$0x0] =	sbarrier.arrive $0xFFFF  }
0x91: {  	[tilespmem:s2], [sflag:$0x1] =	stream.indirect.gather [hbm4b:s1+s31], $0x80, s10, s31, $0xb8;
	[tilespmem:$0x1E000] =	vst v63  }
0x92: {  	_ =	swait.ge [sflag:s0], $0x4000  }
0x93: {  	[sflag:s0] =	ssyncset.done $0x0  }
0x94: {  	s11 =	simm.s32 $0x2800;
	[sflag:s0] =	ssyncadd.s32 $0xFFFFC000  }
0x95: {  	[spmem:s3] =	stream.indirect.scatter.add.f32 [tilespmem:s2], [sflag:$0x2], $0x80, s11, s31, $0xb8;
	[tilespmem:$0x1E000] =	vst v63  }
0x96: {  	_ =	swait.ge [sflag:s29], $0x4000  }
0x97: {  	s6 =	simm.s32 $0x200;
	s7 =	simm.s32 $0x400;
	[sflag:s29] =	ssyncset.done $0x0  }
.LBB2_6:
0x98: {  	s8 =	sshra.s32 s6, $0x2  }
0x99: {  	[sflag:s29] =	ssyncadd.s32 $0xFFFFC000;
	s6 =	smov.u32 s7;
	s9 =	sadd.s32 $0x200, s7  }
0x9a: {  	[tilespmem:s2], [sflag:$0x1] =	stream.indirect.gather [hbm4b:s1+s31], $0x80, s8, s31, $0xb8;
	[tilespmem:$0x1E000] =	vst v63  }
0x9b: {  	p0 =	sne.s32 s7, $0x9C00;
	_ =	swait.ge [sflag:s0], $0x4000  }
.Ltmp3:
0x9c: {  	[sflag:s0] =	ssyncset.done $0x0;
	(pc) =	sbr.rel @p0 .LBB2_6-.Ltmp3, $4  }
0x9d: {  	s7 =	sadd.s32 $0x2800, s8;
	[sflag:s0] =	ssyncadd.s32 $0xFFFFC000  }
0x9e: {  	[spmem:s3] =	stream.indirect.scatter.add.f32 [tilespmem:s2], [sflag:$0x2], $0x80, s7, s31, $0xb8;
	[tilespmem:$0x1E000] =	vst v63  }
0x9f: {  	_ =	swait.ge [sflag:s29], $0x4000  }
0xa0: {  	s7 =	smov.u32 s9;
	[sflag:s29] =	ssyncset.done $0x0  }
0xa1: {  	s6 =	sshra.s32 s6, $0x2;
	[sflag:s29] =	ssyncadd.s32 $0xFFFFC000  }
0xa2: {  	[tilespmem:s2], [sflag:$0x1] =	stream.indirect.gather [hbm4b:s1+s31], $0x80, s6, s31, $0xb8;
	[tilespmem:$0x1E000] =	vst v63  }
0xa3: {  	_ =	swait.ge [sflag:s0], $0x4000  }
0xa4: {  	[sflag:s0] =	ssyncset.done $0x0  }
0xa5: {  	s6 =	sadd.s32 $0x2800, s6;
	[sflag:s0] =	ssyncadd.s32 $0xFFFFC000  }
0xa6: {  	[spmem:s3] =	stream.indirect.scatter.add.f32 [tilespmem:s2], [sflag:$0x2], $0x80, s6, s31, $0xb8;
	[tilespmem:$0x1E000] =	vst v63  }
0xa7: {  	s11 =	stileid.u32;
	_ =	swait.ge [sflag:s29], $0x4000  }
0xa8: {  	s7 =	sshrl.u32 s5, $0x3;
	s4 =	sadd.s32 $0x1, s4;
	[sflag:s29] =	ssyncset.done $0x0  }
0xa9: {  	p0 =	sne.s32 s4, s24;
	s6 =	sshll.u32 s11, $0x6;
	[sflag:s29] =	ssyncadd.s32 $0xFFFFC000  }
.Ltmp4:
0xaa: {  	s6 =	sor.u32 $0x1C02, s6;
	[bflag:$0x0] =	sbarrier.arrive $0xFFFF;
	(pc) =	sbr.rel @p0 .LBB2_1-.Ltmp4, $4  }
0xab: {  	[hbm:s23], [sflag:s6] =	dma.local [spmem:s7], $0x2800  }
0xac: {  	_ =	swait.ge [sflag:s29], $0x2800  }
0xad: {  	[sflag:s29] =	ssyncset.done $0x0  }
0xae: {  	[sflag:s29] =	ssyncadd.s32 $0xFFFFD800  }
0xaf: {  	_ =	sfence.sel $0x180000  }
0xb0: {  	[bflag:$0x0] =	sbarrier.arrive $0xFFFF  }
0xb1: {  	_ =	strace $0x9000004A  }
0xb2: {  	s0 =	stileid.u32;
	[bflag:$0x2] =	sbarrier.arrive $0xFFFF  }
0xb3: {  	p0 =	sne.s32 s0, $0x0;
	s0 =	rddreg [dreg:$0x3]  }
0xb4: {  	s0 =	sadd.s32 @!p0 $0x100000, s0  }
0xb5: {  	[sflag:s0] =	ssyncadd.tile.s32 @!p0 $0x1;
	_ =	shalt  }
.Lfunc_end2:
_tile_overlayer_lowered:
.L_overlay_start_2:
0xb6: {  	(tag) =	ssettag $0x2  }
0xb7: {  	s0 =	rddreg [dreg:$0x0];
	s2 =	stileid.u32  }
0xb8: {  	s1 =	rddreg [dreg:$0x1];
	p0 =	sne.s32 s2, $0x0  }
0xb9: {  	s3 =	rddreg [dreg:$0x2];
	[bflag:$0x3] =	sbarrier.arrive $0xFFFF;
	s2 =	simm.s32 @!p0 $0x1C02  }
0xba: {  	[timem:s3], [sflag:s2] =	dma.local @!p0 [hbm:s0], s1  }
0xbb: {  	s0 =	simm.s32 @!p0 $0x2  }
0xbc: {  	_ =	swait.ge @!p0 [sflag:s0], s1  }
0xbd: {  	s1 =	ssub.s32 @!p0 $0x0, s1;
	[sflag:s0] =	ssyncset.done @!p0 $0x0  }
0xbe: {  	[sflag:s0] =	ssyncadd.s32 @!p0 s1  }
0xbf: {  	[bflag:$0x3] =	sbarrier.arrive $0xFFFF  }
0xc0: {  	_ =	shalt  }

// kernel: kernel.16.cloned.1.call-start
scs
__scs_entry_jumppad:
0x0: {  	(pc) =	sbr.rel $0x88, $3  }
0x1: {  	(tag) =	ssettag $0x0;
	lr =	simm.s32 $0x1  }
0x2: {  	[smem:$0x3F9E] =	sst lr;
	_ =	strace $0xD0000000  }
0x3: {  	_ = 	snop  }
0x4: {  	_ = 	snop  }
0x5: {  	_ = 	snop  }
0x6: {  	_ = 	snop  }
0x7: {  	_ = 	snop  }
__scs_overlays_trampoline_lowered:
0x8: {  	[smem:$0x3FAD] =	sst s0  }
0x9: {  	[smem:$0x3FAE] =	sst s1  }
0xa: {  	[smem:$0x3FAF] =	sst s2  }
0xb: {  	[smem:$0x3FB0] =	sst s3  }
0xc: {  	[smem:$0x3FB1] =	sst s4  }
0xd: {  	[smem:$0x3FB2] =	sst s5  }
0xe: {  	[smem:$0x3FB3] =	sst s6  }
0xf: {  	[smem:$0x3FB4] =	sst s7  }
0x10: {  	[smem:$0x3FB5] =	sst s8  }
0x11: {  	[smem:$0x3FB6] =	sst s9;
	s0 =	simm.s32 @!p0 $0x0  }
0x12: {  	s1 =	sld [smem:$0x3F9C];
	s0 =	simm.s32 @p0 $0x1  }
0x13: {  	[smem:$0x3FB7] =	sst s0;
	s0 =	simm.s32 @!p1 $0x0  }
0x14: {  	s2 =	sld [smem:$0x3F9B];
	s0 =	simm.s32 @p1 $0x1  }
0x15: {  	[smem:$0x3FB8] =	sst s0;
	s0 =	simm.s32 @!p2 $0x0  }
0x16: {  	s3 =	sld [smem:$0x3FDB];
	s0 =	simm.s32 @p2 $0x1  }
0x17: {  	s4 =	simm.s32 $0x1BF5;
	[smem:$0x3FBA] =	sst s0  }
0x18: {  	s0 =	sld [smem:$0x3F9D];
	_ =	swait.ge [sflag:s4], $0x0  }
0x19: {  	s7 =	sld [smem:$0x3F9E]  }
0x1a: {  	s8 =	sadd.s32 $0xFFFFE003, lr  }
0x1b: {  	s9 =	sadd.s32 $0xFFFFFEF7, lr;
	s5 =	simm.s32 $0xFFFFFFFF;
	p2 =	slt.u32 s8, $0xFFFFF086  }
0x1c: {  	p1 =	slt.u32 s9, $0xF7A;
	s5 =	simm.s32 @!p2 $0x0  }
0x1d: {  	s5 =	simm.s32 @p1 $0x1;
	p0 =	seq.s32 s7, s2  }
0x1e: {  	s7 =	smul.u32 @!p0 $0xF7A, s2;
	p2 =	seq.s32 @!p0 s5, $0x0  }
0x1f: {  	s9 =	smul.u32 $0xF7A, s1;
	s8 =	simm.s32 @!p0 $0x1BF5;
	p2 =	por !p2, p0  }
0x20: {  	[sflag:s8] =	ssyncset.s32 @!p0 $0xFFFFF086;
	s6 =	sadd.s32 @!p0 s3, s7;
	s7 =	simm.s32 @!p0 $0x108  }
0x21: {  	s3 =	sadd.s32 s3, s9;
	s6 =	sadd.s32 @!p0 $0x88, s6;
	s7 =	simm.s32 @p2 $0x1082  }
0x22: {  	[simem:s7], [sflag:s8] =	dma.local @!p0 [hbm:s6], $0xF7A  }
0x23: {  	s9 =	sor.u32 $0xD0000000, s2;
	s6 =	simm.s32 $0x108;
	_ =	swait.ge @!p0 [sflag:s8], $0x0  }
0x24: {  	s3 =	sadd.s32 $0x88, s3;
	s6 =	simm.s32 @!p1 $0x1082;
	[sflag:s4] =	ssyncset.s32 $0xFFFFF086  }
0x25: {  	[simem:s6], [sflag:s4] =	dma.local [hbm:s3], $0xF7A  }
0x26: {  	[smem:$0x3F9E] =	sst s1;
	(tag) =	ssettag s2;
	_ =	strace s9  }
0x27: {  	s1 =	sld [smem:$0x3FAE]  }
0x28: {  	s2 =	sld [smem:$0x3FAF]  }
0x29: {  	s4 =	sld [smem:$0x3FB1]  }
0x2a: {  	p0 =	seq.s32 s5, $0x0;
	s5 =	sld [smem:$0x3FB2]  }
0x2b: {  	s6 =	sld [smem:$0x3FB3]  }
0x2c: {  	s7 =	sld [smem:$0x3FB4]  }
0x2d: {  	s3 =	simm.s32 $0x108;
	s8 =	sld [smem:$0x3FB5]  }
0x2e: {  	s3 =	simm.s32 @!p0 $0x1082;
	s9 =	sld [smem:$0x3FB6]  }
0x2f: {  	lr =	sadd.s32 s0, s3;
	s0 =	sld [smem:$0x3FAD]  }
0x30: {  	s3 =	sld [smem:$0x3FB0]  }
0x31: {  	[smem:$0x3FB9] =	sst s10  }
0x32: {  	s10 =	sld [smem:$0x3FB7];
	_ =	sdelay $0x3  }
0x33: {  	p0 =	seq.s32 s10, $0x1;
	s10 =	sld [smem:$0x3FB9];
	_ =	sdelay $0x3  }
0x34: {  	[smem:$0x3FB9] =	sst s10  }
0x35: {  	s10 =	sld [smem:$0x3FB8];
	_ =	sdelay $0x3  }
0x36: {  	p1 =	seq.s32 s10, $0x1;
	s10 =	sld [smem:$0x3FB9];
	_ =	sdelay $0x3  }
0x37: {  	[smem:$0x3FB9] =	sst s10  }
0x38: {  	s10 =	sld [smem:$0x3FBA]  }
0x39: {  	_ = 	snop;
	(pc) =	sbr.ind lr, $3  }
0x3a: {  	_ = 	snop  }
0x3b: {  	_ = 	snop  }
0x3c: {  	p2 =	seq.s32 s10, $0x1;
	s10 =	sld [smem:$0x3FB9]  }
0x3d: {  	_ =	shalt  }
0x3e: {  	_ =	shalt  }
0x3f: {  	_ =	shalt  }
0x40: {  	_ =	shalt  }
0x41: {  	_ =	shalt  }
0x42: {  	_ =	shalt  }
0x43: {  	_ =	shalt  }
0x44: {  	_ =	shalt  }
0x45: {  	_ =	shalt  }
0x46: {  	_ =	shalt  }
0x47: {  	_ =	shalt  }
0x48: {  	_ =	shalt  }
0x49: {  	_ =	shalt  }
0x4a: {  	_ =	shalt  }
0x4b: {  	_ =	shalt  }
0x4c: {  	_ =	shalt  }
0x4d: {  	_ =	shalt  }
0x4e: {  	_ =	shalt  }
0x4f: {  	_ =	shalt  }
0x50: {  	_ =	shalt  }
0x51: {  	_ =	shalt  }
0x52: {  	_ =	shalt  }
0x53: {  	_ =	shalt  }
0x54: {  	_ =	shalt  }
0x55: {  	_ =	shalt  }
0x56: {  	_ =	shalt  }
0x57: {  	_ =	shalt  }
0x58: {  	_ =	shalt  }
0x59: {  	_ =	shalt  }
0x5a: {  	_ =	shalt  }
0x5b: {  	_ =	shalt  }
0x5c: {  	_ =	shalt  }
0x5d: {  	_ =	shalt  }
0x5e: {  	_ =	shalt  }
0x5f: {  	_ =	shalt  }
0x60: {  	_ =	shalt  }
0x61: {  	_ =	shalt  }
0x62: {  	_ =	shalt  }
0x63: {  	_ =	shalt  }
0x64: {  	_ =	shalt  }
0x65: {  	_ =	shalt  }
0x66: {  	_ =	shalt  }
0x67: {  	_ =	shalt  }
0x68: {  	_ =	shalt  }
0x69: {  	_ =	shalt  }
0x6a: {  	_ =	shalt  }
0x6b: {  	_ =	shalt  }
0x6c: {  	_ =	shalt  }
0x6d: {  	_ =	shalt  }
0x6e: {  	_ =	shalt  }
0x6f: {  	_ =	shalt  }
0x70: {  	_ =	shalt  }
0x71: {  	_ =	shalt  }
0x72: {  	_ =	shalt  }
0x73: {  	_ =	shalt  }
0x74: {  	_ =	shalt  }
0x75: {  	_ =	shalt  }
0x76: {  	_ =	shalt  }
0x77: {  	_ =	shalt  }
0x78: {  	_ =	shalt  }
0x79: {  	_ =	shalt  }
0x7a: {  	_ =	shalt  }
0x7b: {  	_ =	shalt  }
0x7c: {  	_ =	shalt  }
0x7d: {  	_ =	shalt  }
0x7e: {  	_ =	shalt  }
0x7f: {  	_ =	shalt  }
0x80: {  	_ =	shalt  }
0x81: {  	_ =	shalt  }
0x82: {  	_ =	shalt  }
0x83: {  	_ =	shalt  }
0x84: {  	_ =	shalt  }
0x85: {  	_ =	shalt  }
0x86: {  	_ =	shalt  }
0x87: {  	_ =	shalt  }
.Lfunc_end0:
.L_simem_size_0:
called_computation.2_lowered:
.L_overlay_start_0:
0x88: {  	s2 =	sld [smem:$0x3FD9]  }
0x89: {  	s3 =	sld [smem:$0x3FFE];
	_ =	sdelay $0x1  }
0x8a: {  	s1 =	srdreg.scid  }
0x8b: {  	s0 =	sand.u32 $0x1, s1  }
0x8c: {  	s17 =	sshll.u32 s0, $0xA;
	s2 =	sadd.s32 s3, s2  }
0x8d: {  	s2 =	sadd.s32 s2, s17  }
0x8e: {  	[smem:$0x3FC5] =	sst s2  }
0x8f: {  	_ = 	snop  }
0x90: {  	s2 =	sld [smem:$0x3FD0];
	(tm) =	ssettm $0x1  }
0x91: {  	s18 =	sld [smem:$0x3FFB];
	_ =	sdelay $0x3  }
0x92: {  	_ =	strace s18  }
0x93: {  	s3 =	sld [smem:$0x3FFC];
	_ =	sdelay $0x3  }
0x94: {  	_ =	strace s3  }
0x95: {  	s3 =	sld [smem:$0x3FFD];
	_ =	sdelay $0x3  }
0x96: {  	_ =	strace s3  }
0x97: {  	_ =	strace $0x8FFFFFFF  }
0x98: {  	s19 =	sld [smem:$0x3FDB];
	_ =	sdelay $0x1  }
0x99: {  	s4 =	simm.s32 $_scs_section_size  }
0x9a: {  	s5 =	simm.s32 $_size__tile_overlayer_lowered;
	s6 =	simm.s32 $_tile_overlayer_lowered  }
0x9b: {  	s22 =	simm.s32 $0x1BFF;
	s21 =	sshll.u32 s6, $0x1;
	s3 =	sadd.s32 s4, s19  }
0x9c: {  	s7 =	simm.s32 $0x0;
	s20 =	sshll.u32 s5, $0x1;
	s5 =	sadd.s32 s21, s3  }
0x9d: {  	[timem:s7], [sflag:s22] =	dma.local [hbm:s5], s20  }
0x9e: {  	_ =	swait.ge [sflag:s22], s20  }
0x9f: {  	s4 =	ssub.s32 $0x0, s20;
	[sflag:s22] =	ssyncset.done $0x0  }
0xa0: {  	[sflag:s22] =	ssyncadd.s32 s4;
	_ =	sdelay $0x1  }
0xa1: {  	s23 =	simm.s32 $0x1B8B  }
0xa2: {  	_ =	swait.ge [sflag:s23], $0x1  }
0xa3: {  	[sflag:s23] =	ssyncset.done $0x0  }
0xa4: {  	s25 =	simm.s32 $0x1B8E;
	s24 =	sld [smem:$0x3FFE];
	[sflag:s23] =	ssyncadd.s32 $0xFFFFFFFF  }
0xa5: {  	s26 =	simm.s32 $execute0_lowered;
	[smem:$0x3FD2] =	sst s25  }
0xa6: {  	s5 =	sshll.u32 s26, $0x1;
	_ =	strace $0x8000004C;
	[dreg:$0x1] =	wrdreg $0xFFFFFFFF  }
0xa7: {  	s28 =	simm.s32 $_size_execute0_lowered;
	s3 =	sadd.s32 s3, s5;
	[dreg:$0x0] =	wrdreg $0x0  }
0xa8: {  	s5 =	sshll.u32 s28, $0x1;
	[dreg:$0x2] =	wrdreg s3  }
0xa9: {  	[dreg:$0x3] =	wrdreg s5  }
0xaa: {  	[dreg:$0x4] =	wrdreg $0xC0  }
0xab: {  	_ =	task [dreg:s7], $0x5FFFF  }
0xac: {  	[dreg:$0x1] =	wrdreg $0xFFFFFFFF  }
0xad: {  	[dreg:$0x0] =	wrdreg $0x60  }
0xae: {  	[dreg:$0x2] =	wrdreg s2  }
0xaf: {  	[dreg:$0x3] =	wrdreg s24  }
0xb0: {  	[dreg:$0x4] =	wrdreg $0xA0000  }
0xb1: {  	[dreg:$0x5] =	wrdreg $0x9  }
0xb2: {  	_ =	task.clear_ibuf [dreg:s7], $0x6FFFF;
	_ =	strace $0x9000004C  }
0xb3: {  	s29 =	simm.s32 $0x9;
	_ =	strace $0x8000004E  }
0xb4: {  	_ =	swait.ge [sflag:s29], $0x1  }
0xb5: {  	[sflag:s29] =	ssyncadd.s32 $0xFFFFFFFF  }
0xb6: {  	_ =	strace $0x9000004E  }
0xb7: {  	_ =	sfence  }
0xb8: {  	s30 =	sld [smem:$0x0];
	_ =	sdelay $0x2  }
0xb9: {  	s31 =	sshll.u32 s1, $0xD;
	s1 =	sshrl.u32 s1, $0x2  }
0xba: {  	s3 =	sand.u32 $0x4000, s31;
	s1 =	sadd.s32 s1, s30  }
0xbb: {  	s0 =	sor.u32 s3, s0;
	s1 =	sshll.u32 s1, $0x11  }
0xbc: {  	s0 =	sor.u32 s1, s0  }
0xbd: {  	s0 =	sadd.s32 $0x8F2B, s0  }
0xbe: {  	[sflag:s0] =	ssyncadd.remote.s32 $0x1  }
0xbf: {  	_ =	sfence.sel $0xFFFF  }
0xc0: {  	[dreg:$0x0] =	wrdreg $0xFFFFFFFF;
	(pc) =	sbr.abs _section_cstart, $3  }
0xc1: {  	[dreg:$0x1] =	wrdreg $0xFFFFFFFF  }
0xc2: {  	_ =	task.clear_ibuf [dreg:s7], $0x2FFFF;
	_ =	strace $0x9FFFFFFF  }
0xc3: {  	(tm) =	ssettm $0x7FFFFFFF  }
tec
execute0_lowered:
.L_overlay_start_1:
0x0: {  	(tag) =	ssettag $0x1  }
0x1: {  	s1 =	rddreg [dreg:$0x0]  }
0x2: {  	s0 =	srdreg.scid;
	s7 =	stileid.u32  }
0x3: {  	s2 =	rddreg [dreg:$0x1];
	s4 =	smul.u32 $0x4F00, s7  }
0x4: {  	s3 =	rddreg [dreg:$0x2];
	s8 =	simm.s32 $0x0;
	s18 =	smul.u32 $0x14000, s7  }
0x5: {  	s29 =	simm.s32 $0x2;
	s0 =	sand.u32 $0x1, s0;
	s7 =	smul.u32 $0x50000, s7  }
0x6: {  	s30 =	simm.s32 $0x9000;
	s31 =	simm.s32 $0x80;
	s5 =	smul.u32 $0x2780, s0  }
0x7: {  	[smem:$0x7FF] =	sst s8;
	s6 =	smul.u32 $0x140000, s0;
	s0 =	ssub.s32 $0x2, s0  }
0x8: {  	_ =	strace $0x8000004D;
	s19 =	sshrl.u32 s7, $0x2;
	s21 =	sshrl.u32 s0, $0x1  }
0x9: {  	s4 =	sadd.s32 s5, s4;
	s5 =	sadd.s32 s18, s6;
	s0 =	ssub.s32 s0, s21  }
0xa: {  	s4 =	sshrl.u32 s4, $0x2;
	s20 =	sshrl.u32 s5, $0x3;
	s5 =	sadd.s32 s19, s3  }
0xb: {  	s4 =	sadd.s32 s4, s2;
	s2 =	sadd.s32 s20, s2;
	s6 =	sadd.s32 $0x1000, s5  }
0xc: {  	s22 =	sadd.s32 $0x2000, s5;
	s23 =	sadd.s32 $0x3000, s5;
	s24 =	sadd.s32 $0x4000, s5  }
0xd: {  	s25 =	sadd.s32 $0x5000, s5;
	s26 =	sadd.s32 $0x6000, s5;
	s12 =	sadd.s32 $0x7000, s5  }
0xe: {  	s13 =	sadd.s32 $0x8000, s5;
	s14 =	sadd.s32 $0x9000, s5;
	[dreg:$0x4] =	wrdreg s6  }
0xf: {  	s15 =	sadd.s32 $0xA000, s5;
	s16 =	sadd.s32 $0xB000, s5;
	[dreg:$0x5] =	wrdreg s22  }
0x10: {  	s17 =	sadd.s32 $0xC000, s5;
	s18 =	sadd.s32 $0xD000, s5;
	[dreg:$0x6] =	wrdreg s23  }
0x11: {  	s19 =	sadd.s32 $0xE000, s5;
	s20 =	sadd.s32 $0xF000, s5;
	[dreg:$0x7] =	wrdreg s24  }
0x12: {  	s21 =	sadd.s32 $0x10000, s5;
	s28 =	sadd.s32 $0x13000, s5;
	[dreg:$0x8] =	wrdreg s25  }
0x13: {  	[dreg:$0x9] =	wrdreg s26;
	s22 =	sadd.s32 $0x11000, s5;
	s23 =	sadd.s32 $0x15C00, s2  }
0x14: {  	s24 =	smax.u32 s0, $0x1;
	s25 =	sadd.s32 $0x2010, s4;
	s26 =	sadd.s32 $0x12000, s5  }
0x15: {  	v0 =	vimm.f32 $0.0e+00;
	s2 =	simm.s32 $0x5000;
	s0 =	simm.s32 $0x1;
	s4 =	simm.s32 $0x0  }
.LBB2_1:
0x16: {  	s6 =	simm.s32 $0x0;
	s7 =	sadd.s32 $0xFFFFFFF0, s25;
	s8 =	simm.s32 $0x0  }
0x17: {  	[tilespmem:s6], [sflag:$0x2] =	stream.linear.gather [hbm4b:s7+s8], $0x80, $0x38;
	[tilespmem:$0x1E000] =	vst v63  }
0x18: {  	_ =	swait.ge [sflag:s29], $0x80  }
0x19: {  	[sflag:s29] =	ssyncset.done $0x0  }
0x1a: {  	s11 =	simm.s32 $0x2800;
	[sflag:s29] =	ssyncadd.s32 $0xFFFFFF80  }
0x1b: {  	[tilespmem:s11], [sflag:$0x2] =	stream.linear.gather [hbm4b:s25+s8], $0x80, $0x38;
	[tilespmem:$0x1E000] =	vst v63  }
0x1c: {  	s9 =	simm.s32 $0x80;
	_ =	swait.ge [sflag:s29], $0x80  }
0x1d: {  	s6 =	sadd.s32 $0x20, s25;
	s8 =	simm.s32 $0x400;
	[sflag:s29] =	ssyncset.done $0x0  }
.LBB2_2:
0x1e: {  	s10 =	sadd.s32 $0xFFFFFFF0, s6  }
0x1f: {  	s7 =	simm.s32 $0x0;
	[sflag:s29] =	ssyncadd.s32 $0xFFFFFF80;
	s11 =	smov.u32 s8  }
0x20: {  	[tilespmem:s9], [sflag:$0x2] =	stream.linear.gather [hbm4b:s10+s7], $0x80, $0x38;
	[tilespmem:$0x1E000] =	vst v63  }
0x21: {  	p0 =	sne.s32 s8, $0x9C00;
	s8 =	sadd.s32 $0x200, s8;
	_ =	swait.ge [sflag:s29], $0x80  }
.Ltmp0:
0x22: {  	[sflag:s29] =	ssyncset.done $0x0;
	(pc) =	sbr.rel @p0 .LBB2_2-.Ltmp0, $4  }
0x23: {  	s9 =	sadd.s32 $0x2800, s9;
	[sflag:s29] =	ssyncadd.s32 $0xFFFFFF80  }
0x24: {  	[tilespmem:s9], [sflag:$0x2] =	stream.linear.gather [hbm4b:s6+s7], $0x80, $0x38;
	[tilespmem:$0x1E000] =	vst v63  }
0x25: {  	_ =	swait.ge [sflag:s29], $0x80  }
0x26: {  	s9 =	sshra.s32 s11, $0x2;
	s6 =	sadd.s32 $0x20, s6;
	[sflag:s29] =	ssyncset.done $0x0  }
0x27: {  	s8 =	sadd.s32 $0xFFFFFFF0, s6;
	[sflag:s29] =	ssyncadd.s32 $0xFFFFFF80  }
0x28: {  	[tilespmem:s9], [sflag:$0x2] =	stream.linear.gather [hbm4b:s8+s7], $0x80, $0x38;
	[tilespmem:$0x1E000] =	vst v63  }
0x29: {  	_ =	swait.ge [sflag:s29], $0x80  }
0x2a: {  	p0 =	por $0x1, $0x1;
	[sflag:s29] =	ssyncset.done $0x0  }
.Ltmp1:
0x2b: {  	s11 =	sadd.s32 $0x2800, s9;
	[sflag:s29] =	ssyncadd.s32 $0xFFFFFF80;
	(pc) =	sbr.rel @!p0 .LBB2_5-.Ltmp1, $4  }
0x2c: {  	[tilespmem:s11], [sflag:$0x2] =	stream.linear.gather [hbm4b:s6+s7], $0x80, $0x38;
	[tilespmem:$0x1E000] =	vst v63  }
0x2d: {  	_ =	swait.ge [sflag:s29], $0x80  }
0x2e: {  	[sflag:s29] =	ssyncset.done $0x0  }
0x2f: {  	s6 =	simm.s32 $0x0;
	s7 =	simm.s32 $0x200;
	[sflag:s29] =	ssyncadd.s32 $0xFFFFFF80  }
.LBB2_4:
0x30: {  	p0 =	sne.s32 s7, $0x3E00;
	[tilespmem:s6+$0x9070] =	vst v0  }
0x31: {  	[tilespmem:s6+$0x9000] =	vst v0  }
0x32: {  	[tilespmem:s6+$0x9010] =	vst v0  }
.Ltmp2:
0x33: {  	[tilespmem:s6+$0x9020] =	vst v0;
	(pc) =	sbr.rel @p0 .LBB2_4-.Ltmp2, $4  }
0x34: {  	[tilespmem:s6+$0x9030] =	vst v0  }
0x35: {  	[tilespmem:s6+$0x9040] =	vst v0  }
0x36: {  	[tilespmem:s6+$0x9050] =	vst v0  }
0x37: {  	[tilespmem:s6+$0x9060] =	vst v0;
	s6 =	sshra.s32 s7, $0x2;
	s7 =	sadd.s32 $0x200, s7  }
.LBB2_5:
0x38: {  	[tilespmem:s6+$0x9070] =	vst v0  }
0x39: {  	[tilespmem:s6+$0x9000] =	vst v0  }
0x3a: {  	[tilespmem:s6+$0x9010] =	vst v0  }
0x3b: {  	[tilespmem:s6+$0x9020] =	vst v0  }
0x3c: {  	[tilespmem:s6+$0x9030] =	vst v0  }
0x3d: {  	[tilespmem:s6+$0x9040] =	vst v0  }
0x3e: {  	[tilespmem:s6+$0x9050] =	vst v0  }
0x3f: {  	[tilespmem:s6+$0x9060] =	vst v0  }
0x40: {  	[spmem:s5] =	stream.linear.scatter [tilespmem:s30], [sflag:$0x2], $0x1000, $0x38;
	[tilespmem:$0x1E000] =	vst v63  }
0x41: {  	_ =	swait.ge [sflag:s29], $0x1000  }
0x42: {  	[sflag:s29] =	ssyncset.done $0x0  }
0x43: {  	s9 =	rddreg [dreg:$0x4];
	[sflag:s29] =	ssyncadd.s32 $0xFFFFF000  }
0x44: {  	[spmem:s9] =	stream.linear.scatter [tilespmem:s30], [sflag:$0x2], $0x1000, $0x38;
	[tilespmem:$0x1E000] =	vst v63  }
0x45: {  	_ =	swait.ge [sflag:s29], $0x1000  }
0x46: {  	[sflag:s29] =	ssyncset.done $0x0  }
0x47: {  	s10 =	rddreg [dreg:$0x5];
	[sflag:s29] =	ssyncadd.s32 $0xFFFFF000  }
0x48: {  	[spmem:s10] =	stream.linear.scatter [tilespmem:s30], [sflag:$0x2], $0x1000, $0x38;
	[tilespmem:$0x1E000] =	vst v63  }
0x49: {  	_ =	swait.ge [sflag:s29], $0x1000  }
0x4a: {  	[sflag:s29] =	ssyncset.done $0x0  }
0x4b: {  	s11 =	rddreg [dreg:$0x6];
	[sflag:s29] =	ssyncadd.s32 $0xFFFFF000  }
0x4c: {  	[spmem:s11] =	stream.linear.scatter [tilespmem:s30], [sflag:$0x2], $0x1000, $0x38;
	[tilespmem:$0x1E000] =	vst v63  }
0x4d: {  	_ =	swait.ge [sflag:s29], $0x1000  }
0x4e: {  	[sflag:s29] =	ssyncset.done $0x0  }
0x4f: {  	s7 =	rddreg [dreg:$0x7];
	[sflag:s29] =	ssyncadd.s32 $0xFFFFF000  }
0x50: {  	[spmem:s7] =	stream.linear.scatter [tilespmem:s30], [sflag:$0x2], $0x1000, $0x38;
	[tilespmem:$0x1E000] =	vst v63  }
0x51: {  	_ =	swait.ge [sflag:s29], $0x1000  }
0x52: {  	[sflag:s29] =	ssyncset.done $0x0  }
0x53: {  	s8 =	rddreg [dreg:$0x8];
	[sflag:s29] =	ssyncadd.s32 $0xFFFFF000  }
0x54: {  	[spmem:s8] =	stream.linear.scatter [tilespmem:s30], [sflag:$0x2], $0x1000, $0x38;
	[tilespmem:$0x1E000] =	vst v63  }
0x55: {  	_ =	swait.ge [sflag:s29], $0x1000  }
0x56: {  	[sflag:s29] =	ssyncset.done $0x0  }
0x57: {  	s9 =	rddreg [dreg:$0x9];
	[sflag:s29] =	ssyncadd.s32 $0xFFFFF000  }
0x58: {  	[spmem:s9] =	stream.linear.scatter [tilespmem:s30], [sflag:$0x2], $0x1000, $0x38;
	[tilespmem:$0x1E000] =	vst v63  }
0x59: {  	_ =	swait.ge [sflag:s29], $0x1000  }
0x5a: {  	[sflag:s29] =	ssyncset.done $0x0  }
0x5b: {  	[sflag:s29] =	ssyncadd.s32 $0xFFFFF000  }
0x5c: {  	[spmem:s12] =	stream.linear.scatter [tilespmem:s30], [sflag:$0x2], $0x1000, $0x38;
	[tilespmem:$0x1E000] =	vst v63  }
0x5d: {  	_ =	swait.ge [sflag:s29], $0x1000  }
0x5e: {  	[sflag:s29] =	ssyncset.done $0x0  }
0x5f: {  	[sflag:s29] =	ssyncadd.s32 $0xFFFFF000  }
0x60: {  	[spmem:s13] =	stream.linear.scatter [tilespmem:s30], [sflag:$0x2], $0x1000, $0x38;
	[tilespmem:$0x1E000] =	vst v63  }
0x61: {  	_ =	swait.ge [sflag:s29], $0x1000  }
0x62: {  	[sflag:s29] =	ssyncset.done $0x0  }
0x63: {  	[sflag:s29] =	ssyncadd.s32 $0xFFFFF000  }
0x64: {  	[spmem:s14] =	stream.linear.scatter [tilespmem:s30], [sflag:$0x2], $0x1000, $0x38;
	[tilespmem:$0x1E000] =	vst v63  }
0x65: {  	_ =	swait.ge [sflag:s29], $0x1000  }
0x66: {  	[sflag:s29] =	ssyncset.done $0x0  }
0x67: {  	[sflag:s29] =	ssyncadd.s32 $0xFFFFF000  }
0x68: {  	[spmem:s15] =	stream.linear.scatter [tilespmem:s30], [sflag:$0x2], $0x1000, $0x38;
	[tilespmem:$0x1E000] =	vst v63  }
0x69: {  	_ =	swait.ge [sflag:s29], $0x1000  }
0x6a: {  	[sflag:s29] =	ssyncset.done $0x0  }
0x6b: {  	[sflag:s29] =	ssyncadd.s32 $0xFFFFF000  }
0x6c: {  	[spmem:s16] =	stream.linear.scatter [tilespmem:s30], [sflag:$0x2], $0x1000, $0x38;
	[tilespmem:$0x1E000] =	vst v63  }
0x6d: {  	_ =	swait.ge [sflag:s29], $0x1000  }
0x6e: {  	[sflag:s29] =	ssyncset.done $0x0  }
0x6f: {  	[sflag:s29] =	ssyncadd.s32 $0xFFFFF000  }
0x70: {  	[spmem:s17] =	stream.linear.scatter [tilespmem:s30], [sflag:$0x2], $0x1000, $0x38;
	[tilespmem:$0x1E000] =	vst v63  }
0x71: {  	_ =	swait.ge [sflag:s29], $0x1000  }
0x72: {  	[sflag:s29] =	ssyncset.done $0x0  }
0x73: {  	[sflag:s29] =	ssyncadd.s32 $0xFFFFF000  }
0x74: {  	[spmem:s18] =	stream.linear.scatter [tilespmem:s30], [sflag:$0x2], $0x1000, $0x38;
	[tilespmem:$0x1E000] =	vst v63  }
0x75: {  	_ =	swait.ge [sflag:s29], $0x1000  }
0x76: {  	[sflag:s29] =	ssyncset.done $0x0  }
0x77: {  	[sflag:s29] =	ssyncadd.s32 $0xFFFFF000  }
0x78: {  	[spmem:s19] =	stream.linear.scatter [tilespmem:s30], [sflag:$0x2], $0x1000, $0x38;
	[tilespmem:$0x1E000] =	vst v63  }
0x79: {  	_ =	swait.ge [sflag:s29], $0x1000  }
0x7a: {  	[sflag:s29] =	ssyncset.done $0x0  }
0x7b: {  	[sflag:s29] =	ssyncadd.s32 $0xFFFFF000  }
0x7c: {  	[spmem:s20] =	stream.linear.scatter [tilespmem:s30], [sflag:$0x2], $0x1000, $0x38;
	[tilespmem:$0x1E000] =	vst v63  }
0x7d: {  	_ =	swait.ge [sflag:s29], $0x1000  }
0x7e: {  	[sflag:s29] =	ssyncset.done $0x0  }
0x7f: {  	[sflag:s29] =	ssyncadd.s32 $0xFFFFF000  }
0x80: {  	[spmem:s21] =	stream.linear.scatter [tilespmem:s30], [sflag:$0x2], $0x1000, $0x38;
	[tilespmem:$0x1E000] =	vst v63  }
0x81: {  	_ =	swait.ge [sflag:s29], $0x1000  }
0x82: {  	[sflag:s29] =	ssyncset.done $0x0  }
0x83: {  	[sflag:s29] =	ssyncadd.s32 $0xFFFFF000  }
0x84: {  	[spmem:s22] =	stream.linear.scatter [tilespmem:s30], [sflag:$0x2], $0x1000, $0x38;
	[tilespmem:$0x1E000] =	vst v63  }
0x85: {  	_ =	swait.ge [sflag:s29], $0x1000  }
0x86: {  	[sflag:s29] =	ssyncset.done $0x0  }
0x87: {  	[sflag:s29] =	ssyncadd.s32 $0xFFFFF000  }
0x88: {  	[spmem:s26] =	stream.linear.scatter [tilespmem:s30], [sflag:$0x2], $0x1000, $0x38;
	[tilespmem:$0x1E000] =	vst v63  }
0x89: {  	_ =	swait.ge [sflag:s29], $0x1000  }
0x8a: {  	[sflag:s29] =	ssyncset.done $0x0  }
0x8b: {  	[sflag:s29] =	ssyncadd.s32 $0xFFFFF000  }
0x8c: {  	[spmem:s28] =	stream.linear.scatter [tilespmem:s30], [sflag:$0x2], $0x1000, $0x38;
	[tilespmem:$0x1E000] =	vst v63  }
0x8d: {  	_ =	swait.ge [sflag:s29], $0x1000  }
0x8e: {  	[sflag:s29] =	ssyncset.done $0x0  }
0x8f: {  	[sflag:s29] =	ssyncadd.s32 $0xFFFFF000  }
0x90: {  	s10 =	simm.s32 $0x0;
	[bflag:$0x0] =	sbarrier.arrive $0xFFFF  }
0x91: {  	[tilespmem:s2], [sflag:$0x1] =	stream.indirect.gather [hbm4b:s1+s31], $0x80, s10, s31, $0xb8;
	[tilespmem:$0x1E000] =	vst v63  }
0x92: {  	_ =	swait.ge [sflag:s0], $0x4000  }
0x93: {  	[sflag:s0] =	ssyncset.done $0x0  }
0x94: {  	s11 =	simm.s32 $0x2800;
	[sflag:s0] =	ssyncadd.s32 $0xFFFFC000  }
0x95: {  	[spmem:s3] =	stream.indirect.scatter.add.f32 [tilespmem:s2], [sflag:$0x2], $0x80, s11, s31, $0xb8;
	[tilespmem:$0x1E000] =	vst v63  }
0x96: {  	_ =	swait.ge [sflag:s29], $0x4000  }
0x97: {  	s6 =	simm.s32 $0x200;
	s7 =	simm.s32 $0x400;
	[sflag:s29] =	ssyncset.done $0x0  }
.LBB2_6:
0x98: {  	s8 =	sshra.s32 s6, $0x2  }
0x99: {  	[sflag:s29] =	ssyncadd.s32 $0xFFFFC000;
	s6 =	smov.u32 s7;
	s9 =	sadd.s32 $0x200, s7  }
0x9a: {  	[tilespmem:s2], [sflag:$0x1] =	stream.indirect.gather [hbm4b:s1+s31], $0x80, s8, s31, $0xb8;
	[tilespmem:$0x1E000] =	vst v63  }
0x9b: {  	p0 =	sne.s32 s7, $0x9C00;
	_ =	swait.ge [sflag:s0], $0x4000  }
.Ltmp3:
0x9c: {  	[sflag:s0] =	ssyncset.done $0x0;
	(pc) =	sbr.rel @p0 .LBB2_6-.Ltmp3, $4  }
0x9d: {  	s7 =	sadd.s32 $0x2800, s8;
	[sflag:s0] =	ssyncadd.s32 $0xFFFFC000  }
0x9e: {  	[spmem:s3] =	stream.indirect.scatter.add.f32 [tilespmem:s2], [sflag:$0x2], $0x80, s7, s31, $0xb8;
	[tilespmem:$0x1E000] =	vst v63  }
0x9f: {  	_ =	swait.ge [sflag:s29], $0x4000  }
0xa0: {  	s7 =	smov.u32 s9;
	[sflag:s29] =	ssyncset.done $0x0  }
0xa1: {  	s6 =	sshra.s32 s6, $0x2;
	[sflag:s29] =	ssyncadd.s32 $0xFFFFC000  }
0xa2: {  	[tilespmem:s2], [sflag:$0x1] =	stream.indirect.gather [hbm4b:s1+s31], $0x80, s6, s31, $0xb8;
	[tilespmem:$0x1E000] =	vst v63  }
0xa3: {  	_ =	swait.ge [sflag:s0], $0x4000  }
0xa4: {  	[sflag:s0] =	ssyncset.done $0x0  }
0xa5: {  	s6 =	sadd.s32 $0x2800, s6;
	[sflag:s0] =	ssyncadd.s32 $0xFFFFC000  }
0xa6: {  	[spmem:s3] =	stream.indirect.scatter.add.f32 [tilespmem:s2], [sflag:$0x2], $0x80, s6, s31, $0xb8;
	[tilespmem:$0x1E000] =	vst v63  }
0xa7: {  	s11 =	stileid.u32;
	_ =	swait.ge [sflag:s29], $0x4000  }
0xa8: {  	s7 =	sshrl.u32 s5, $0x3;
	s4 =	sadd.s32 $0x1, s4;
	[sflag:s29] =	ssyncset.done $0x0  }
0xa9: {  	p0 =	sne.s32 s4, s24;
	s6 =	sshll.u32 s11, $0x6;
	[sflag:s29] =	ssyncadd.s32 $0xFFFFC000  }
.Ltmp4:
0xaa: {  	s6 =	sor.u32 $0x1C02, s6;
	[bflag:$0x0] =	sbarrier.arrive $0xFFFF;
	(pc) =	sbr.rel @p0 .LBB2_1-.Ltmp4, $4  }
0xab: {  	[hbm:s23], [sflag:s6] =	dma.local [spmem:s7], $0x2800  }
0xac: {  	_ =	swait.ge [sflag:s29], $0x2800  }
0xad: {  	[sflag:s29] =	ssyncset.done $0x0  }
0xae: {  	[sflag:s29] =	ssyncadd.s32 $0xFFFFD800  }
0xaf: {  	_ =	sfence.sel $0x180000  }
0xb0: {  	[bflag:$0x0] =	sbarrier.arrive $0xFFFF  }
0xb1: {  	_ =	strace $0x9000004D  }
0xb2: {  	s0 =	stileid.u32;
	[bflag:$0x2] =	sbarrier.arrive $0xFFFF  }
0xb3: {  	p0 =	sne.s32 s0, $0x0;
	s0 =	rddreg [dreg:$0x3]  }
0xb4: {  	s0 =	sadd.s32 @!p0 $0x100000, s0  }
0xb5: {  	[sflag:s0] =	ssyncadd.tile.s32 @!p0 $0x1;
	_ =	shalt  }
.Lfunc_end2:
_tile_overlayer_lowered:
.L_overlay_start_2:
0xb6: {  	(tag) =	ssettag $0x2  }
0xb7: {  	s0 =	rddreg [dreg:$0x0];
	s2 =	stileid.u32  }
0xb8: {  	s1 =	rddreg [dreg:$0x1];
	p0 =	sne.s32 s2, $0x0  }
0xb9: {  	s3 =	rddreg [dreg:$0x2];
	[bflag:$0x3] =	sbarrier.arrive $0xFFFF;
	s2 =	simm.s32 @!p0 $0x1C02  }
0xba: {  	[timem:s3], [sflag:s2] =	dma.local @!p0 [hbm:s0], s1  }
0xbb: {  	s0 =	simm.s32 @!p0 $0x2  }
0xbc: {  	_ =	swait.ge @!p0 [sflag:s0], s1  }
0xbd: {  	s1 =	ssub.s32 @!p0 $0x0, s1;
	[sflag:s0] =	ssyncset.done @!p0 $0x0  }
0xbe: {  	[sflag:s0] =	ssyncadd.s32 @!p0 s1  }
0xbf: {  	[bflag:$0x3] =	sbarrier.arrive $0xFFFF  }
0xc0: {  	_ =	shalt  }

// kernel: kernel.19.cloned.1.call-start
scs
__scs_entry_jumppad:
0x0: {  	(pc) =	sbr.rel $0x88, $3  }
0x1: {  	(tag) =	ssettag $0x0;
	lr =	simm.s32 $0x1  }
0x2: {  	[smem:$0x3F9E] =	sst lr;
	_ =	strace $0xD0000000  }
0x3: {  	_ = 	snop  }
0x4: {  	_ = 	snop  }
0x5: {  	_ = 	snop  }
0x6: {  	_ = 	snop  }
0x7: {  	_ = 	snop  }
__scs_overlays_trampoline_lowered:
0x8: {  	[smem:$0x3FAD] =	sst s0  }
0x9: {  	[smem:$0x3FAE] =	sst s1  }
0xa: {  	[smem:$0x3FAF] =	sst s2  }
0xb: {  	[smem:$0x3FB0] =	sst s3  }
0xc: {  	[smem:$0x3FB1] =	sst s4  }
0xd: {  	[smem:$0x3FB2] =	sst s5  }
0xe: {  	[smem:$0x3FB3] =	sst s6  }
0xf: {  	[smem:$0x3FB4] =	sst s7  }
0x10: {  	[smem:$0x3FB5] =	sst s8  }
0x11: {  	[smem:$0x3FB6] =	sst s9;
	s0 =	simm.s32 @!p0 $0x0  }
0x12: {  	s1 =	sld [smem:$0x3F9C];
	s0 =	simm.s32 @p0 $0x1  }
0x13: {  	[smem:$0x3FB7] =	sst s0;
	s0 =	simm.s32 @!p1 $0x0  }
0x14: {  	s2 =	sld [smem:$0x3F9B];
	s0 =	simm.s32 @p1 $0x1  }
0x15: {  	[smem:$0x3FB8] =	sst s0;
	s0 =	simm.s32 @!p2 $0x0  }
0x16: {  	s3 =	sld [smem:$0x3FDB];
	s0 =	simm.s32 @p2 $0x1  }
0x17: {  	s4 =	simm.s32 $0x1BF5;
	[smem:$0x3FBA] =	sst s0  }
0x18: {  	s0 =	sld [smem:$0x3F9D];
	_ =	swait.ge [sflag:s4], $0x0  }
0x19: {  	s7 =	sld [smem:$0x3F9E]  }
0x1a: {  	s8 =	sadd.s32 $0xFFFFE003, lr  }
0x1b: {  	s9 =	sadd.s32 $0xFFFFFEF7, lr;
	s5 =	simm.s32 $0xFFFFFFFF;
	p2 =	slt.u32 s8, $0xFFFFF086  }
0x1c: {  	p1 =	slt.u32 s9, $0xF7A;
	s5 =	simm.s32 @!p2 $0x0  }
0x1d: {  	s5 =	simm.s32 @p1 $0x1;
	p0 =	seq.s32 s7, s2  }
0x1e: {  	s7 =	smul.u32 @!p0 $0xF7A, s2;
	p2 =	seq.s32 @!p0 s5, $0x0  }
0x1f: {  	s9 =	smul.u32 $0xF7A, s1;
	s8 =	simm.s32 @!p0 $0x1BF5;
	p2 =	por !p2, p0  }
0x20: {  	[sflag:s8] =	ssyncset.s32 @!p0 $0xFFFFF086;
	s6 =	sadd.s32 @!p0 s3, s7;
	s7 =	simm.s32 @!p0 $0x108  }
0x21: {  	s3 =	sadd.s32 s3, s9;
	s6 =	sadd.s32 @!p0 $0x88, s6;
	s7 =	simm.s32 @p2 $0x1082  }
0x22: {  	[simem:s7], [sflag:s8] =	dma.local @!p0 [hbm:s6], $0xF7A  }
0x23: {  	s9 =	sor.u32 $0xD0000000, s2;
	s6 =	simm.s32 $0x108;
	_ =	swait.ge @!p0 [sflag:s8], $0x0  }
0x24: {  	s3 =	sadd.s32 $0x88, s3;
	s6 =	simm.s32 @!p1 $0x1082;
	[sflag:s4] =	ssyncset.s32 $0xFFFFF086  }
0x25: {  	[simem:s6], [sflag:s4] =	dma.local [hbm:s3], $0xF7A  }
0x26: {  	[smem:$0x3F9E] =	sst s1;
	(tag) =	ssettag s2;
	_ =	strace s9  }
0x27: {  	s1 =	sld [smem:$0x3FAE]  }
0x28: {  	s2 =	sld [smem:$0x3FAF]  }
0x29: {  	s4 =	sld [smem:$0x3FB1]  }
0x2a: {  	p0 =	seq.s32 s5, $0x0;
	s5 =	sld [smem:$0x3FB2]  }
0x2b: {  	s6 =	sld [smem:$0x3FB3]  }
0x2c: {  	s7 =	sld [smem:$0x3FB4]  }
0x2d: {  	s3 =	simm.s32 $0x108;
	s8 =	sld [smem:$0x3FB5]  }
0x2e: {  	s3 =	simm.s32 @!p0 $0x1082;
	s9 =	sld [smem:$0x3FB6]  }
0x2f: {  	lr =	sadd.s32 s0, s3;
	s0 =	sld [smem:$0x3FAD]  }
0x30: {  	s3 =	sld [smem:$0x3FB0]  }
0x31: {  	[smem:$0x3FB9] =	sst s10  }
0x32: {  	s10 =	sld [smem:$0x3FB7];
	_ =	sdelay $0x3  }
0x33: {  	p0 =	seq.s32 s10, $0x1;
	s10 =	sld [smem:$0x3FB9];
	_ =	sdelay $0x3  }
0x34: {  	[smem:$0x3FB9] =	sst s10  }
0x35: {  	s10 =	sld [smem:$0x3FB8];
	_ =	sdelay $0x3  }
0x36: {  	p1 =	seq.s32 s10, $0x1;
	s10 =	sld [smem:$0x3FB9];
	_ =	sdelay $0x3  }
0x37: {  	[smem:$0x3FB9] =	sst s10  }
0x38: {  	s10 =	sld [smem:$0x3FBA]  }
0x39: {  	_ = 	snop;
	(pc) =	sbr.ind lr, $3  }
0x3a: {  	_ = 	snop  }
0x3b: {  	_ = 	snop  }
0x3c: {  	p2 =	seq.s32 s10, $0x1;
	s10 =	sld [smem:$0x3FB9]  }
0x3d: {  	_ =	shalt  }
0x3e: {  	_ =	shalt  }
0x3f: {  	_ =	shalt  }
0x40: {  	_ =	shalt  }
0x41: {  	_ =	shalt  }
0x42: {  	_ =	shalt  }
0x43: {  	_ =	shalt  }
0x44: {  	_ =	shalt  }
0x45: {  	_ =	shalt  }
0x46: {  	_ =	shalt  }
0x47: {  	_ =	shalt  }
0x48: {  	_ =	shalt  }
0x49: {  	_ =	shalt  }
0x4a: {  	_ =	shalt  }
0x4b: {  	_ =	shalt  }
0x4c: {  	_ =	shalt  }
0x4d: {  	_ =	shalt  }
0x4e: {  	_ =	shalt  }
0x4f: {  	_ =	shalt  }
0x50: {  	_ =	shalt  }
0x51: {  	_ =	shalt  }
0x52: {  	_ =	shalt  }
0x53: {  	_ =	shalt  }
0x54: {  	_ =	shalt  }
0x55: {  	_ =	shalt  }
0x56: {  	_ =	shalt  }
0x57: {  	_ =	shalt  }
0x58: {  	_ =	shalt  }
0x59: {  	_ =	shalt  }
0x5a: {  	_ =	shalt  }
0x5b: {  	_ =	shalt  }
0x5c: {  	_ =	shalt  }
0x5d: {  	_ =	shalt  }
0x5e: {  	_ =	shalt  }
0x5f: {  	_ =	shalt  }
0x60: {  	_ =	shalt  }
0x61: {  	_ =	shalt  }
0x62: {  	_ =	shalt  }
0x63: {  	_ =	shalt  }
0x64: {  	_ =	shalt  }
0x65: {  	_ =	shalt  }
0x66: {  	_ =	shalt  }
0x67: {  	_ =	shalt  }
0x68: {  	_ =	shalt  }
0x69: {  	_ =	shalt  }
0x6a: {  	_ =	shalt  }
0x6b: {  	_ =	shalt  }
0x6c: {  	_ =	shalt  }
0x6d: {  	_ =	shalt  }
0x6e: {  	_ =	shalt  }
0x6f: {  	_ =	shalt  }
0x70: {  	_ =	shalt  }
0x71: {  	_ =	shalt  }
0x72: {  	_ =	shalt  }
0x73: {  	_ =	shalt  }
0x74: {  	_ =	shalt  }
0x75: {  	_ =	shalt  }
0x76: {  	_ =	shalt  }
0x77: {  	_ =	shalt  }
0x78: {  	_ =	shalt  }
0x79: {  	_ =	shalt  }
0x7a: {  	_ =	shalt  }
0x7b: {  	_ =	shalt  }
0x7c: {  	_ =	shalt  }
0x7d: {  	_ =	shalt  }
0x7e: {  	_ =	shalt  }
0x7f: {  	_ =	shalt  }
0x80: {  	_ =	shalt  }
0x81: {  	_ =	shalt  }
0x82: {  	_ =	shalt  }
0x83: {  	_ =	shalt  }
0x84: {  	_ =	shalt  }
0x85: {  	_ =	shalt  }
0x86: {  	_ =	shalt  }
0x87: {  	_ =	shalt  }
.Lfunc_end0:
.L_simem_size_0:
called_computation.3_lowered:
.L_overlay_start_0:
0x88: {  	s2 =	sld [smem:$0x3FD9]  }
0x89: {  	s3 =	sld [smem:$0x3FFE];
	_ =	sdelay $0x1  }
0x8a: {  	s1 =	srdreg.scid  }
0x8b: {  	s0 =	sand.u32 $0x1, s1  }
0x8c: {  	s17 =	sshll.u32 s0, $0xA;
	s2 =	sadd.s32 s3, s2  }
0x8d: {  	s2 =	sadd.s32 s2, s17  }
0x8e: {  	[smem:$0x3FC5] =	sst s2  }
0x8f: {  	_ = 	snop  }
0x90: {  	s2 =	sld [smem:$0x3FD0];
	(tm) =	ssettm $0x1  }
0x91: {  	s18 =	sld [smem:$0x3FFB];
	_ =	sdelay $0x3  }
0x92: {  	_ =	strace s18  }
0x93: {  	s3 =	sld [smem:$0x3FFC];
	_ =	sdelay $0x3  }
0x94: {  	_ =	strace s3  }
0x95: {  	s3 =	sld [smem:$0x3FFD];
	_ =	sdelay $0x3  }
0x96: {  	_ =	strace s3  }
0x97: {  	_ =	strace $0x8FFFFFFF  }
0x98: {  	s19 =	sld [smem:$0x3FDB];
	_ =	sdelay $0x1  }
0x99: {  	s4 =	simm.s32 $_scs_section_size  }
0x9a: {  	s5 =	simm.s32 $_size__tile_overlayer_lowered;
	s6 =	simm.s32 $_tile_overlayer_lowered  }
0x9b: {  	s22 =	simm.s32 $0x1BFF;
	s21 =	sshll.u32 s6, $0x1;
	s3 =	sadd.s32 s4, s19  }
0x9c: {  	s7 =	simm.s32 $0x0;
	s20 =	sshll.u32 s5, $0x1;
	s5 =	sadd.s32 s21, s3  }
0x9d: {  	[timem:s7], [sflag:s22] =	dma.local [hbm:s5], s20  }
0x9e: {  	_ =	swait.ge [sflag:s22], s20  }
0x9f: {  	s4 =	ssub.s32 $0x0, s20;
	[sflag:s22] =	ssyncset.done $0x0  }
0xa0: {  	[sflag:s22] =	ssyncadd.s32 s4;
	_ =	sdelay $0x1  }
0xa1: {  	s23 =	simm.s32 $0x1B8B  }
0xa2: {  	_ =	swait.ge [sflag:s23], $0x1  }
0xa3: {  	[sflag:s23] =	ssyncset.done $0x0  }
0xa4: {  	s25 =	simm.s32 $0x1B8E;
	s24 =	sld [smem:$0x3FFE];
	[sflag:s23] =	ssyncadd.s32 $0xFFFFFFFF  }
0xa5: {  	s26 =	simm.s32 $execute0_lowered;
	[smem:$0x3FD2] =	sst s25  }
0xa6: {  	s5 =	sshll.u32 s26, $0x1;
	_ =	strace $0x8000004F;
	[dreg:$0x1] =	wrdreg $0xFFFFFFFF  }
0xa7: {  	s28 =	simm.s32 $_size_execute0_lowered;
	s3 =	sadd.s32 s3, s5;
	[dreg:$0x0] =	wrdreg $0x0  }
0xa8: {  	s5 =	sshll.u32 s28, $0x1;
	[dreg:$0x2] =	wrdreg s3  }
0xa9: {  	[dreg:$0x3] =	wrdreg s5  }
0xaa: {  	[dreg:$0x4] =	wrdreg $0xC0  }
0xab: {  	_ =	task [dreg:s7], $0x5FFFF  }
0xac: {  	[dreg:$0x1] =	wrdreg $0xFFFFFFFF  }
0xad: {  	[dreg:$0x0] =	wrdreg $0x60  }
0xae: {  	[dreg:$0x2] =	wrdreg s2  }
0xaf: {  	[dreg:$0x3] =	wrdreg s24  }
0xb0: {  	[dreg:$0x4] =	wrdreg $0xA0000  }
0xb1: {  	[dreg:$0x5] =	wrdreg $0x9  }
0xb2: {  	_ =	task.clear_ibuf [dreg:s7], $0x6FFFF;
	_ =	strace $0x9000004F  }
0xb3: {  	s29 =	simm.s32 $0x9;
	_ =	strace $0x80000051  }
0xb4: {  	_ =	swait.ge [sflag:s29], $0x1  }
0xb5: {  	[sflag:s29] =	ssyncadd.s32 $0xFFFFFFFF  }
0xb6: {  	_ =	strace $0x90000051  }
0xb7: {  	_ =	sfence  }
0xb8: {  	s30 =	sld [smem:$0x0];
	_ =	sdelay $0x2  }
0xb9: {  	s31 =	sshll.u32 s1, $0xD;
	s1 =	sshrl.u32 s1, $0x2  }
0xba: {  	s3 =	sand.u32 $0x4000, s31;
	s1 =	sadd.s32 s1, s30  }
0xbb: {  	s0 =	sor.u32 s3, s0;
	s1 =	sshll.u32 s1, $0x11  }
0xbc: {  	s0 =	sor.u32 s1, s0  }
0xbd: {  	s0 =	sadd.s32 $0x8F2B, s0  }
0xbe: {  	[sflag:s0] =	ssyncadd.remote.s32 $0x1  }
0xbf: {  	_ =	sfence.sel $0xFFFF  }
0xc0: {  	[dreg:$0x0] =	wrdreg $0xFFFFFFFF;
	(pc) =	sbr.abs _section_cstart, $3  }
0xc1: {  	[dreg:$0x1] =	wrdreg $0xFFFFFFFF  }
0xc2: {  	_ =	task.clear_ibuf [dreg:s7], $0x2FFFF;
	_ =	strace $0x9FFFFFFF  }
0xc3: {  	(tm) =	ssettm $0x7FFFFFFF  }
tec
execute0_lowered:
.L_overlay_start_1:
0x0: {  	(tag) =	ssettag $0x1  }
0x1: {  	s1 =	rddreg [dreg:$0x0]  }
0x2: {  	s0 =	srdreg.scid;
	s7 =	stileid.u32  }
0x3: {  	s2 =	rddreg [dreg:$0x1];
	s4 =	smul.u32 $0x4F00, s7  }
0x4: {  	s3 =	rddreg [dreg:$0x2];
	s8 =	simm.s32 $0x0;
	s18 =	smul.u32 $0x14000, s7  }
0x5: {  	s29 =	simm.s32 $0x2;
	s0 =	sand.u32 $0x1, s0;
	s7 =	smul.u32 $0x50000, s7  }
0x6: {  	s30 =	simm.s32 $0x9000;
	s31 =	simm.s32 $0x80;
	s5 =	smul.u32 $0x2780, s0  }
0x7: {  	[smem:$0x7FF] =	sst s8;
	s6 =	smul.u32 $0x140000, s0;
	s0 =	ssub.s32 $0x2, s0  }
0x8: {  	_ =	strace $0x80000050;
	s19 =	sshrl.u32 s7, $0x2;
	s21 =	sshrl.u32 s0, $0x1  }
0x9: {  	s4 =	sadd.s32 s5, s4;
	s5 =	sadd.s32 s18, s6;
	s0 =	ssub.s32 s0, s21  }
0xa: {  	s4 =	sshrl.u32 s4, $0x2;
	s20 =	sshrl.u32 s5, $0x3;
	s5 =	sadd.s32 s19, s3  }
0xb: {  	s4 =	sadd.s32 s4, s2;
	s2 =	sadd.s32 s20, s2;
	s6 =	sadd.s32 $0x1000, s5  }
0xc: {  	s22 =	sadd.s32 $0x2000, s5;
	s23 =	sadd.s32 $0x3000, s5;
	s24 =	sadd.s32 $0x4000, s5  }
0xd: {  	s25 =	sadd.s32 $0x5000, s5;
	s26 =	sadd.s32 $0x6000, s5;
	s12 =	sadd.s32 $0x7000, s5  }
0xe: {  	s13 =	sadd.s32 $0x8000, s5;
	s14 =	sadd.s32 $0x9000, s5;
	[dreg:$0x4] =	wrdreg s6  }
0xf: {  	s15 =	sadd.s32 $0xA000, s5;
	s16 =	sadd.s32 $0xB000, s5;
	[dreg:$0x5] =	wrdreg s22  }
0x10: {  	s17 =	sadd.s32 $0xC000, s5;
	s18 =	sadd.s32 $0xD000, s5;
	[dreg:$0x6] =	wrdreg s23  }
0x11: {  	s19 =	sadd.s32 $0xE000, s5;
	s20 =	sadd.s32 $0xF000, s5;
	[dreg:$0x7] =	wrdreg s24  }
0x12: {  	s21 =	sadd.s32 $0x10000, s5;
	s28 =	sadd.s32 $0x13000, s5;
	[dreg:$0x8] =	wrdreg s25  }
0x13: {  	[dreg:$0x9] =	wrdreg s26;
	s22 =	sadd.s32 $0x11000, s5;
	s23 =	sadd.s32 $0x15C00, s2  }
0x14: {  	s24 =	smax.u32 s0, $0x1;
	s25 =	sadd.s32 $0x2010, s4;
	s26 =	sadd.s32 $0x12000, s5  }
0x15: {  	v0 =	vimm.f32 $0.0e+00;
	s2 =	simm.s32 $0x5000;
	s0 =	simm.s32 $0x1;
	s4 =	simm.s32 $0x0  }
.LBB2_1:
0x16: {  	s6 =	simm.s32 $0x0;
	s7 =	sadd.s32 $0xFFFFFFF0, s25;
	s8 =	simm.s32 $0x0  }
0x17: {  	[tilespmem:s6], [sflag:$0x2] =	stream.linear.gather [hbm4b:s7+s8], $0x80, $0x38;
	[tilespmem:$0x1E000] =	vst v63  }
0x18: {  	_ =	swait.ge [sflag:s29], $0x80  }
0x19: {  	[sflag:s29] =	ssyncset.done $0x0  }
0x1a: {  	s11 =	simm.s32 $0x2800;
	[sflag:s29] =	ssyncadd.s32 $0xFFFFFF80  }
0x1b: {  	[tilespmem:s11], [sflag:$0x2] =	stream.linear.gather [hbm4b:s25+s8], $0x80, $0x38;
	[tilespmem:$0x1E000] =	vst v63  }
0x1c: {  	s9 =	simm.s32 $0x80;
	_ =	swait.ge [sflag:s29], $0x80  }
0x1d: {  	s6 =	sadd.s32 $0x20, s25;
	s8 =	simm.s32 $0x400;
	[sflag:s29] =	ssyncset.done $0x0  }
.LBB2_2:
0x1e: {  	s10 =	sadd.s32 $0xFFFFFFF0, s6  }
0x1f: {  	s7 =	simm.s32 $0x0;
	[sflag:s29] =	ssyncadd.s32 $0xFFFFFF80;
	s11 =	smov.u32 s8  }
0x20: {  	[tilespmem:s9], [sflag:$0x2] =	stream.linear.gather [hbm4b:s10+s7], $0x80, $0x38;
	[tilespmem:$0x1E000] =	vst v63  }
0x21: {  	p0 =	sne.s32 s8, $0x9C00;
	s8 =	sadd.s32 $0x200, s8;
	_ =	swait.ge [sflag:s29], $0x80  }
.Ltmp0:
0x22: {  	[sflag:s29] =	ssyncset.done $0x0;
	(pc) =	sbr.rel @p0 .LBB2_2-.Ltmp0, $4  }
0x23: {  	s9 =	sadd.s32 $0x2800, s9;
	[sflag:s29] =	ssyncadd.s32 $0xFFFFFF80  }
0x24: {  	[tilespmem:s9], [sflag:$0x2] =	stream.linear.gather [hbm4b:s6+s7], $0x80, $0x38;
	[tilespmem:$0x1E000] =	vst v63  }
0x25: {  	_ =	swait.ge [sflag:s29], $0x80  }
0x26: {  	s9 =	sshra.s32 s11, $0x2;
	s6 =	sadd.s32 $0x20, s6;
	[sflag:s29] =	ssyncset.done $0x0  }
0x27: {  	s8 =	sadd.s32 $0xFFFFFFF0, s6;
	[sflag:s29] =	ssyncadd.s32 $0xFFFFFF80  }
0x28: {  	[tilespmem:s9], [sflag:$0x2] =	stream.linear.gather [hbm4b:s8+s7], $0x80, $0x38;
	[tilespmem:$0x1E000] =	vst v63  }
0x29: {  	_ =	swait.ge [sflag:s29], $0x80  }
0x2a: {  	p0 =	por $0x1, $0x1;
	[sflag:s29] =	ssyncset.done $0x0  }
.Ltmp1:
0x2b: {  	s11 =	sadd.s32 $0x2800, s9;
	[sflag:s29] =	ssyncadd.s32 $0xFFFFFF80;
	(pc) =	sbr.rel @!p0 .LBB2_5-.Ltmp1, $4  }
0x2c: {  	[tilespmem:s11], [sflag:$0x2] =	stream.linear.gather [hbm4b:s6+s7], $0x80, $0x38;
	[tilespmem:$0x1E000] =	vst v63  }
0x2d: {  	_ =	swait.ge [sflag:s29], $0x80  }
0x2e: {  	[sflag:s29] =	ssyncset.done $0x0  }
0x2f: {  	s6 =	simm.s32 $0x0;
	s7 =	simm.s32 $0x200;
	[sflag:s29] =	ssyncadd.s32 $0xFFFFFF80  }
.LBB2_4:
0x30: {  	p0 =	sne.s32 s7, $0x3E00;
	[tilespmem:s6+$0x9070] =	vst v0  }
0x31: {  	[tilespmem:s6+$0x9000] =	vst v0  }
0x32: {  	[tilespmem:s6+$0x9010] =	vst v0  }
.Ltmp2:
0x33: {  	[tilespmem:s6+$0x9020] =	vst v0;
	(pc) =	sbr.rel @p0 .LBB2_4-.Ltmp2, $4  }
0x34: {  	[tilespmem:s6+$0x9030] =	vst v0  }
0x35: {  	[tilespmem:s6+$0x9040] =	vst v0  }
0x36: {  	[tilespmem:s6+$0x9050] =	vst v0  }
0x37: {  	[tilespmem:s6+$0x9060] =	vst v0;
	s6 =	sshra.s32 s7, $0x2;
	s7 =	sadd.s32 $0x200, s7  }
.LBB2_5:
0x38: {  	[tilespmem:s6+$0x9070] =	vst v0  }
0x39: {  	[tilespmem:s6+$0x9000] =	vst v0  }
0x3a: {  	[tilespmem:s6+$0x9010] =	vst v0  }
0x3b: {  	[tilespmem:s6+$0x9020] =	vst v0  }
0x3c: {  	[tilespmem:s6+$0x9030] =	vst v0  }
0x3d: {  	[tilespmem:s6+$0x9040] =	vst v0  }
0x3e: {  	[tilespmem:s6+$0x9050] =	vst v0  }
0x3f: {  	[tilespmem:s6+$0x9060] =	vst v0  }
0x40: {  	[spmem:s5] =	stream.linear.scatter [tilespmem:s30], [sflag:$0x2], $0x1000, $0x38;
	[tilespmem:$0x1E000] =	vst v63  }
0x41: {  	_ =	swait.ge [sflag:s29], $0x1000  }
0x42: {  	[sflag:s29] =	ssyncset.done $0x0  }
0x43: {  	s9 =	rddreg [dreg:$0x4];
	[sflag:s29] =	ssyncadd.s32 $0xFFFFF000  }
0x44: {  	[spmem:s9] =	stream.linear.scatter [tilespmem:s30], [sflag:$0x2], $0x1000, $0x38;
	[tilespmem:$0x1E000] =	vst v63  }
0x45: {  	_ =	swait.ge [sflag:s29], $0x1000  }
0x46: {  	[sflag:s29] =	ssyncset.done $0x0  }
0x47: {  	s10 =	rddreg [dreg:$0x5];
	[sflag:s29] =	ssyncadd.s32 $0xFFFFF000  }
0x48: {  	[spmem:s10] =	stream.linear.scatter [tilespmem:s30], [sflag:$0x2], $0x1000, $0x38;
	[tilespmem:$0x1E000] =	vst v63  }
0x49: {  	_ =	swait.ge [sflag:s29], $0x1000  }
0x4a: {  	[sflag:s29] =	ssyncset.done $0x0  }
0x4b: {  	s11 =	rddreg [dreg:$0x6];
	[sflag:s29] =	ssyncadd.s32 $0xFFFFF000  }
0x4c: {  	[spmem:s11] =	stream.linear.scatter [tilespmem:s30], [sflag:$0x2], $0x1000, $0x38;
	[tilespmem:$0x1E000] =	vst v63  }
0x4d: {  	_ =	swait.ge [sflag:s29], $0x1000  }
0x4e: {  	[sflag:s29] =	ssyncset.done $0x0  }
0x4f: {  	s7 =	rddreg [dreg:$0x7];
	[sflag:s29] =	ssyncadd.s32 $0xFFFFF000  }
0x50: {  	[spmem:s7] =	stream.linear.scatter [tilespmem:s30], [sflag:$0x2], $0x1000, $0x38;
	[tilespmem:$0x1E000] =	vst v63  }
0x51: {  	_ =	swait.ge [sflag:s29], $0x1000  }
0x52: {  	[sflag:s29] =	ssyncset.done $0x0  }
0x53: {  	s8 =	rddreg [dreg:$0x8];
	[sflag:s29] =	ssyncadd.s32 $0xFFFFF000  }
0x54: {  	[spmem:s8] =	stream.linear.scatter [tilespmem:s30], [sflag:$0x2], $0x1000, $0x38;
	[tilespmem:$0x1E000] =	vst v63  }
0x55: {  	_ =	swait.ge [sflag:s29], $0x1000  }
0x56: {  	[sflag:s29] =	ssyncset.done $0x0  }
0x57: {  	s9 =	rddreg [dreg:$0x9];
	[sflag:s29] =	ssyncadd.s32 $0xFFFFF000  }
0x58: {  	[spmem:s9] =	stream.linear.scatter [tilespmem:s30], [sflag:$0x2], $0x1000, $0x38;
	[tilespmem:$0x1E000] =	vst v63  }
0x59: {  	_ =	swait.ge [sflag:s29], $0x1000  }
0x5a: {  	[sflag:s29] =	ssyncset.done $0x0  }
0x5b: {  	[sflag:s29] =	ssyncadd.s32 $0xFFFFF000  }
0x5c: {  	[spmem:s12] =	stream.linear.scatter [tilespmem:s30], [sflag:$0x2], $0x1000, $0x38;
	[tilespmem:$0x1E000] =	vst v63  }
0x5d: {  	_ =	swait.ge [sflag:s29], $0x1000  }
0x5e: {  	[sflag:s29] =	ssyncset.done $0x0  }
0x5f: {  	[sflag:s29] =	ssyncadd.s32 $0xFFFFF000  }
0x60: {  	[spmem:s13] =	stream.linear.scatter [tilespmem:s30], [sflag:$0x2], $0x1000, $0x38;
	[tilespmem:$0x1E000] =	vst v63  }
0x61: {  	_ =	swait.ge [sflag:s29], $0x1000  }
0x62: {  	[sflag:s29] =	ssyncset.done $0x0  }
0x63: {  	[sflag:s29] =	ssyncadd.s32 $0xFFFFF000  }
0x64: {  	[spmem:s14] =	stream.linear.scatter [tilespmem:s30], [sflag:$0x2], $0x1000, $0x38;
	[tilespmem:$0x1E000] =	vst v63  }
0x65: {  	_ =	swait.ge [sflag:s29], $0x1000  }
0x66: {  	[sflag:s29] =	ssyncset.done $0x0  }
0x67: {  	[sflag:s29] =	ssyncadd.s32 $0xFFFFF000  }
0x68: {  	[spmem:s15] =	stream.linear.scatter [tilespmem:s30], [sflag:$0x2], $0x1000, $0x38;
	[tilespmem:$0x1E000] =	vst v63  }
0x69: {  	_ =	swait.ge [sflag:s29], $0x1000  }
0x6a: {  	[sflag:s29] =	ssyncset.done $0x0  }
0x6b: {  	[sflag:s29] =	ssyncadd.s32 $0xFFFFF000  }
0x6c: {  	[spmem:s16] =	stream.linear.scatter [tilespmem:s30], [sflag:$0x2], $0x1000, $0x38;
	[tilespmem:$0x1E000] =	vst v63  }
0x6d: {  	_ =	swait.ge [sflag:s29], $0x1000  }
0x6e: {  	[sflag:s29] =	ssyncset.done $0x0  }
0x6f: {  	[sflag:s29] =	ssyncadd.s32 $0xFFFFF000  }
0x70: {  	[spmem:s17] =	stream.linear.scatter [tilespmem:s30], [sflag:$0x2], $0x1000, $0x38;
	[tilespmem:$0x1E000] =	vst v63  }
0x71: {  	_ =	swait.ge [sflag:s29], $0x1000  }
0x72: {  	[sflag:s29] =	ssyncset.done $0x0  }
0x73: {  	[sflag:s29] =	ssyncadd.s32 $0xFFFFF000  }
0x74: {  	[spmem:s18] =	stream.linear.scatter [tilespmem:s30], [sflag:$0x2], $0x1000, $0x38;
	[tilespmem:$0x1E000] =	vst v63  }
0x75: {  	_ =	swait.ge [sflag:s29], $0x1000  }
0x76: {  	[sflag:s29] =	ssyncset.done $0x0  }
0x77: {  	[sflag:s29] =	ssyncadd.s32 $0xFFFFF000  }
0x78: {  	[spmem:s19] =	stream.linear.scatter [tilespmem:s30], [sflag:$0x2], $0x1000, $0x38;
	[tilespmem:$0x1E000] =	vst v63  }
0x79: {  	_ =	swait.ge [sflag:s29], $0x1000  }
0x7a: {  	[sflag:s29] =	ssyncset.done $0x0  }
0x7b: {  	[sflag:s29] =	ssyncadd.s32 $0xFFFFF000  }
0x7c: {  	[spmem:s20] =	stream.linear.scatter [tilespmem:s30], [sflag:$0x2], $0x1000, $0x38;
	[tilespmem:$0x1E000] =	vst v63  }
0x7d: {  	_ =	swait.ge [sflag:s29], $0x1000  }
0x7e: {  	[sflag:s29] =	ssyncset.done $0x0  }
0x7f: {  	[sflag:s29] =	ssyncadd.s32 $0xFFFFF000  }
0x80: {  	[spmem:s21] =	stream.linear.scatter [tilespmem:s30], [sflag:$0x2], $0x1000, $0x38;
	[tilespmem:$0x1E000] =	vst v63  }
0x81: {  	_ =	swait.ge [sflag:s29], $0x1000  }
0x82: {  	[sflag:s29] =	ssyncset.done $0x0  }
0x83: {  	[sflag:s29] =	ssyncadd.s32 $0xFFFFF000  }
0x84: {  	[spmem:s22] =	stream.linear.scatter [tilespmem:s30], [sflag:$0x2], $0x1000, $0x38;
	[tilespmem:$0x1E000] =	vst v63  }
0x85: {  	_ =	swait.ge [sflag:s29], $0x1000  }
0x86: {  	[sflag:s29] =	ssyncset.done $0x0  }
0x87: {  	[sflag:s29] =	ssyncadd.s32 $0xFFFFF000  }
0x88: {  	[spmem:s26] =	stream.linear.scatter [tilespmem:s30], [sflag:$0x2], $0x1000, $0x38;
	[tilespmem:$0x1E000] =	vst v63  }
0x89: {  	_ =	swait.ge [sflag:s29], $0x1000  }
0x8a: {  	[sflag:s29] =	ssyncset.done $0x0  }
0x8b: {  	[sflag:s29] =	ssyncadd.s32 $0xFFFFF000  }
0x8c: {  	[spmem:s28] =	stream.linear.scatter [tilespmem:s30], [sflag:$0x2], $0x1000, $0x38;
	[tilespmem:$0x1E000] =	vst v63  }
0x8d: {  	_ =	swait.ge [sflag:s29], $0x1000  }
0x8e: {  	[sflag:s29] =	ssyncset.done $0x0  }
0x8f: {  	[sflag:s29] =	ssyncadd.s32 $0xFFFFF000  }
0x90: {  	s10 =	simm.s32 $0x0;
	[bflag:$0x0] =	sbarrier.arrive $0xFFFF  }
0x91: {  	[tilespmem:s2], [sflag:$0x1] =	stream.indirect.gather [hbm4b:s1+s31], $0x80, s10, s31, $0xb8;
	[tilespmem:$0x1E000] =	vst v63  }
0x92: {  	_ =	swait.ge [sflag:s0], $0x4000  }
0x93: {  	[sflag:s0] =	ssyncset.done $0x0  }
0x94: {  	s11 =	simm.s32 $0x2800;
	[sflag:s0] =	ssyncadd.s32 $0xFFFFC000  }
0x95: {  	[spmem:s3] =	stream.indirect.scatter.add.f32 [tilespmem:s2], [sflag:$0x2], $0x80, s11, s31, $0xb8;
	[tilespmem:$0x1E000] =	vst v63  }
0x96: {  	_ =	swait.ge [sflag:s29], $0x4000  }
0x97: {  	s6 =	simm.s32 $0x200;
	s7 =	simm.s32 $0x400;
	[sflag:s29] =	ssyncset.done $0x0  }
.LBB2_6:
0x98: {  	s8 =	sshra.s32 s6, $0x2  }
0x99: {  	[sflag:s29] =	ssyncadd.s32 $0xFFFFC000;
	s6 =	smov.u32 s7;
	s9 =	sadd.s32 $0x200, s7  }
0x9a: {  	[tilespmem:s2], [sflag:$0x1] =	stream.indirect.gather [hbm4b:s1+s31], $0x80, s8, s31, $0xb8;
	[tilespmem:$0x1E000] =	vst v63  }
0x9b: {  	p0 =	sne.s32 s7, $0x9C00;
	_ =	swait.ge [sflag:s0], $0x4000  }
.Ltmp3:
0x9c: {  	[sflag:s0] =	ssyncset.done $0x0;
	(pc) =	sbr.rel @p0 .LBB2_6-.Ltmp3, $4  }
0x9d: {  	s7 =	sadd.s32 $0x2800, s8;
	[sflag:s0] =	ssyncadd.s32 $0xFFFFC000  }
0x9e: {  	[spmem:s3] =	stream.indirect.scatter.add.f32 [tilespmem:s2], [sflag:$0x2], $0x80, s7, s31, $0xb8;
	[tilespmem:$0x1E000] =	vst v63  }
0x9f: {  	_ =	swait.ge [sflag:s29], $0x4000  }
0xa0: {  	s7 =	smov.u32 s9;
	[sflag:s29] =	ssyncset.done $0x0  }
0xa1: {  	s6 =	sshra.s32 s6, $0x2;
	[sflag:s29] =	ssyncadd.s32 $0xFFFFC000  }
0xa2: {  	[tilespmem:s2], [sflag:$0x1] =	stream.indirect.gather [hbm4b:s1+s31], $0x80, s6, s31, $0xb8;
	[tilespmem:$0x1E000] =	vst v63  }
0xa3: {  	_ =	swait.ge [sflag:s0], $0x4000  }
0xa4: {  	[sflag:s0] =	ssyncset.done $0x0  }
0xa5: {  	s6 =	sadd.s32 $0x2800, s6;
	[sflag:s0] =	ssyncadd.s32 $0xFFFFC000  }
0xa6: {  	[spmem:s3] =	stream.indirect.scatter.add.f32 [tilespmem:s2], [sflag:$0x2], $0x80, s6, s31, $0xb8;
	[tilespmem:$0x1E000] =	vst v63  }
0xa7: {  	s11 =	stileid.u32;
	_ =	swait.ge [sflag:s29], $0x4000  }
0xa8: {  	s7 =	sshrl.u32 s5, $0x3;
	s4 =	sadd.s32 $0x1, s4;
	[sflag:s29] =	ssyncset.done $0x0  }
0xa9: {  	p0 =	sne.s32 s4, s24;
	s6 =	sshll.u32 s11, $0x6;
	[sflag:s29] =	ssyncadd.s32 $0xFFFFC000  }
.Ltmp4:
0xaa: {  	s6 =	sor.u32 $0x1C02, s6;
	[bflag:$0x0] =	sbarrier.arrive $0xFFFF;
	(pc) =	sbr.rel @p0 .LBB2_1-.Ltmp4, $4  }
0xab: {  	[hbm:s23], [sflag:s6] =	dma.local [spmem:s7], $0x2800  }
0xac: {  	_ =	swait.ge [sflag:s29], $0x2800  }
0xad: {  	[sflag:s29] =	ssyncset.done $0x0  }
0xae: {  	[sflag:s29] =	ssyncadd.s32 $0xFFFFD800  }
0xaf: {  	_ =	sfence.sel $0x180000  }
0xb0: {  	[bflag:$0x0] =	sbarrier.arrive $0xFFFF  }
0xb1: {  	_ =	strace $0x90000050  }
0xb2: {  	s0 =	stileid.u32;
	[bflag:$0x2] =	sbarrier.arrive $0xFFFF  }
0xb3: {  	p0 =	sne.s32 s0, $0x0;
	s0 =	rddreg [dreg:$0x3]  }
0xb4: {  	s0 =	sadd.s32 @!p0 $0x100000, s0  }
0xb5: {  	[sflag:s0] =	ssyncadd.tile.s32 @!p0 $0x1;
	_ =	shalt  }
.Lfunc_end2:
_tile_overlayer_lowered:
.L_overlay_start_2:
0xb6: {  	(tag) =	ssettag $0x2  }
0xb7: {  	s0 =	rddreg [dreg:$0x0];
	s2 =	stileid.u32  }
0xb8: {  	s1 =	rddreg [dreg:$0x1];
	p0 =	sne.s32 s2, $0x0  }
0xb9: {  	s3 =	rddreg [dreg:$0x2];
	[bflag:$0x3] =	sbarrier.arrive $0xFFFF;
	s2 =	simm.s32 @!p0 $0x1C02  }
0xba: {  	[timem:s3], [sflag:s2] =	dma.local @!p0 [hbm:s0], s1  }
0xbb: {  	s0 =	simm.s32 @!p0 $0x2  }
0xbc: {  	_ =	swait.ge @!p0 [sflag:s0], s1  }
0xbd: {  	s1 =	ssub.s32 @!p0 $0x0, s1;
	[sflag:s0] =	ssyncset.done @!p0 $0x0  }
0xbe: {  	[sflag:s0] =	ssyncadd.s32 @!p0 s1  }
0xbf: {  	[bflag:$0x3] =	sbarrier.arrive $0xFFFF  }
0xc0: {  	_ =	shalt  }

</sc_bundles>
